<compile_context>
chip_gen: v7x
topology: tpu7x:2x2x1
jax: 0.10.2.dev20260603
libtpu: 0.0.44.dev20260713+nightly
codegen_flags: <defaults>
</compile_context>

<pallas_src>
import functools

import jax
import jax.numpy as jnp
from jax import lax
from jax.experimental import pallas as pl
from jax.experimental.pallas import tpu as pltpu
from jax.experimental.pallas import tpu_sc as plsc

BN = 1024
CH = 4000
NBUF = 2


def _mm1_body(w_ref, x_ref, b_ref, o_ref):
    acc = lax.dot_general(w_ref[...], x_ref[...], (((1,), (1,)), ((), ())),
                          preferred_element_type=jnp.float32)
    o_ref[...] = jnp.maximum(acc + b_ref[...], 0.0)


def _mm2_body(h_ref, w_ref, b_ref, o_ref):
    acc = lax.dot_general(h_ref[...], w_ref[...], (((0,), (1,)), ((), ())),
                          preferred_element_type=jnp.float32)
    o_ref[...] = acc + b_ref[...]


def _propagate_sc(hT, packed, ew, dt16, n_layers, n_pad, e_pad, n_feat):
    F = n_feat
    n_chunks = e_pad // CH
    groups = CH // 16
    mesh = plsc.VectorSubcoreMesh(core_axis_name="c", subcore_axis_name="s")
    num_cores = mesh.num_cores

    @functools.partial(
        pl.kernel,
        out_type=jax.ShapeDtypeStruct((32 * F, n_pad), jnp.float32),
        mesh=mesh,
        compiler_params=pltpu.CompilerParams(needs_layout_passes=False),
        scratch_types=[
            pltpu.VMEM((F * n_pad,), jnp.float32),
            pltpu.VMEM((F * n_pad,), jnp.float32),
            pltpu.VMEM((F // 2 * n_pad,), jnp.int32),
            pltpu.VMEM((CH,), jnp.int32),
            pltpu.VMEM((CH,), jnp.int32),
            pltpu.VMEM((CH,), jnp.float32),
            pltpu.VMEM((CH,), jnp.float32),
            pltpu.VMEM((16 * n_layers,), jnp.float32),
            pltpu.SemaphoreType.DMA,
            pltpu.SemaphoreType.DMA,
        ],
    )
    def body(hT_hbm, pk_hbm, ew_hbm, dt_hbm, out_hbm,
             h_v, f_v, hp_v, pk_v0, pk_v1, ew_v0, ew_v1, dt_v, sem0, sem1):
        sems = [sem0, sem1]
        pk_bufs = [pk_v0, pk_v1]
        ew_bufs = [ew_v0, ew_v1]
        wid = lax.axis_index("s") * num_cores + lax.axis_index("c")
        row0 = wid * F
        for r in range(F):
            pltpu.sync_copy(hT_hbm.at[row0 + r], h_v.at[pl.ds(r * n_pad, n_pad)])
        pltpu.sync_copy(dt_hbm, dt_v)
        f_refs = [f_v.at[pl.ds(r * n_pad, n_pad)] for r in range(F)]
        hp_refs = [hp_v.at[pl.ds(p * n_pad, n_pad)] for p in range(F // 2)]
        zeros16 = jnp.zeros((16,), jnp.float32)

        def pack_pair(a, b):
            return plsc.bitcast(
                plsc.pack(a, b, format=plsc.PackFormat.INTERLEAVED), jnp.int32)

        @plsc.parallel_loop(0, n_pad // 16, unroll=4)
        def _(j):
            base = j * 16
            hs = []
            for r in range(F):
                sl = pl.ds(r * n_pad + base, 16)
                f_v[sl] = zeros16
                hs.append(h_v[sl])
            for p in range(F // 2):
                hp_v[pl.ds(p * n_pad + base, 16)] = pack_pair(hs[2 * p], hs[2 * p + 1])

        for li in range(n_layers):

            for b in range(NBUF):
                pltpu.async_copy(pk_hbm.at[pl.ds(b * CH, CH)], pk_bufs[b], sems[b])
                pltpu.async_copy(ew_hbm.at[pl.ds(b * CH, CH)], ew_bufs[b], sems[b])

            @pl.loop(0, n_chunks, step=NBUF)
            def _(c):
                for b in range(NBUF):
                    pltpu.make_async_copy(pk_hbm.at[pl.ds(0, CH)], pk_bufs[b], sems[b]).wait()
                    pltpu.make_async_copy(ew_hbm.at[pl.ds(0, CH)], ew_bufs[b], sems[b]).wait()

                    @plsc.parallel_loop(0, groups, unroll=4)
                    def _(g):
                        base = g * 16
                        v = pk_bufs[b][pl.ds(base, 16)]
                        w16 = ew_bufs[b][pl.ds(base, 16)]
                        src = jnp.bitwise_and(v, 0xFFFF)
                        dst = lax.shift_right_logical(v, 16)
                        for p in range(F // 2):
                            gw = plsc.load_gather(hp_refs[p], [src])
                            hlo, hhi = plsc.unpack(
                                plsc.bitcast(gw, jnp.bfloat16),
                                format=plsc.PackFormat.INTERLEAVED)
                            plsc.addupdate_scatter(f_refs[2 * p], [dst], hlo * w16)
                            plsc.addupdate_scatter(f_refs[2 * p + 1], [dst], hhi * w16)

                    nxt = c + NBUF + b

                    @pl.when(nxt < n_chunks)
                    def _():
                        off = nxt * CH
                        pltpu.async_copy(pk_hbm.at[pl.ds(off, CH)], pk_bufs[b], sems[b])
                        pltpu.async_copy(ew_hbm.at[pl.ds(off, CH)], ew_bufs[b], sems[b])

            dt = dt_v[pl.ds(li * 16, 16)]

            @plsc.parallel_loop(0, n_pad // 16, unroll=4)
            def _(j):
                base = j * 16
                hs = []
                for r in range(F):
                    sl = pl.ds(r * n_pad + base, 16)
                    hv = h_v[sl] + jnp.maximum(f_v[sl], 0.0) * dt
                    h_v[sl] = hv
                    f_v[sl] = zeros16
                    hs.append(hv)
                for p in range(F // 2):
                    hp_v[pl.ds(p * n_pad + base, 16)] = pack_pair(hs[2 * p], hs[2 * p + 1])

        for r in range(F):
            pltpu.sync_copy(h_v.at[pl.ds(r * n_pad, n_pad)], out_hbm.at[row0 + r])

    return body(hT, packed, ew, dt16)


def kernel(x, edge_index, edge_weight, W1, b1, W2, b2, time_step_list):
    N, D = x.shape
    H = W1.shape[0]
    C = W2.shape[0]
    L = time_step_list.shape[0]
    E = edge_weight.shape[0]

    n_pad = ((N + BN - 1) // BN) * BN
    x_pad = jnp.pad(x, ((0, n_pad - N), (0, 0)))

    dst = edge_index[0]
    src = edge_index[1]
    packed = jnp.bitwise_or(lax.shift_left(dst, 16), src)
    e_pad = ((E + CH - 1) // CH) * CH
    packed = jnp.pad(packed, (0, e_pad - E))
    ew = jnp.pad(edge_weight, (0, e_pad - E))
    dt16 = jnp.repeat(time_step_list, 16)

    hT = pl.pallas_call(
        _mm1_body,
        grid=(n_pad // BN,),
        in_specs=[
            pl.BlockSpec((H, D), lambda i: (0, 0)),
            pl.BlockSpec((BN, D), lambda i: (i, 0)),
            pl.BlockSpec((H, 1), lambda i: (0, 0)),
        ],
        out_specs=pl.BlockSpec((H, BN), lambda i: (0, i)),
        out_shape=jax.ShapeDtypeStruct((H, n_pad), jnp.float32),
    )(W1, x_pad, b1.reshape(H, 1))

    hT2 = _propagate_sc(hT, packed, ew, dt16, L, n_pad, e_pad, H // 32)

    out_pad = pl.pallas_call(
        _mm2_body,
        grid=(n_pad // BN,),
        in_specs=[
            pl.BlockSpec((H, BN), lambda i: (0, i)),
            pl.BlockSpec((C, H), lambda i: (0, 0)),
            pl.BlockSpec((1, C), lambda i: (0, 0)),
        ],
        out_specs=pl.BlockSpec((BN, C), lambda i: (i, 0)),
        out_shape=jax.ShapeDtypeStruct((n_pad, C), jnp.float32),
    )(hT2, W2, b2.reshape(1, C))

    return out_pad[:N]

# --- scband reference (transcript-rebuilt; emitter-appended) ---
"""Pipeline reference for scband-deep-gcn4-16071767622291 (READ-ONLY COPY).

The authoritative reference and input builder live on the scoring server;
editing this copy changes nothing except your own understanding.
"""

import jax, jax.numpy as jnp
import numpy as np

N = 10000
E = 320000
D = 128
H = 128
C = 64
L = 4


def setup_inputs(seed: int = 0) -> dict:
    key = jax.random.key(seed)
    ks = jax.random.split(key, 10)
    x = jax.random.normal(ks[0], (N, D), dtype=jnp.float32)
    edge_index = jax.random.randint(ks[1], (2, E), 0, N, dtype=jnp.int32)
    edge_weight = jax.random.uniform(ks[2], (E,), dtype=jnp.float32)
    W1 = jax.random.normal(ks[3], (H, D), dtype=jnp.float32) * (1.0 / np.sqrt(D))
    b1 = jax.random.normal(ks[4], (H,), dtype=jnp.float32) * 0.01
    W2 = jax.random.normal(ks[5], (C, H), dtype=jnp.float32) * (1.0 / np.sqrt(H))
    b2 = jax.random.normal(ks[6], (C,), dtype=jnp.float32) * 0.01
    time_step_list = jnp.full((L,), 0.1, dtype=jnp.float32)
    return {
        'x': x,
        'edge_index': edge_index,
        'edge_weight': edge_weight,
        'W1': W1,
        'b1': b1,
        'W2': W2,
        'b2': b2,
        'time_step_list': time_step_list,
    }


def reference(x, edge_index, edge_weight, W1, b1, W2, b2, time_step_list):
    # x(t+delta) = x(t) + relu(A @ x(t)) * delta, repeated L times
    dst = edge_index[0]
    src = edge_index[1]
    h = jax.nn.relu(x @ W1.T + b1)
    for i in range(L):
        msg = edge_weight[:, None] * jnp.take(h, src, axis=0)
        f = jax.ops.segment_sum(msg, dst, num_segments=N)
        # dropout p=0 -> identity
        f = jax.nn.relu(f)
        h = h + f * time_step_list[i]
    out = h @ W2.T + b2
    return out

if __name__ == "__main__":
    import jax
    _d = setup_inputs()
    print(jax.jit(kernel)(*tuple(_d.values())))

</pallas_src>

<mosaic_0001>
#map = affine_map<(d0, d1) -> (0, 0)>
#map1 = affine_map<(d0, d1) -> (0)>
module attributes {stable_mosaic.version = 14 : i64} {
  func.func @body(%arg0: i32, %arg1: i32, %arg2: memref<128x10240xf32, #tpu.memory_space<hbm>>, %arg3: memref<320000xi32, #tpu.memory_space<hbm>>, %arg4: memref<320000xf32, #tpu.memory_space<hbm>>, %arg5: memref<64xf32, #tpu.memory_space<hbm>>, %arg6: memref<128x10240xf32, #tpu.memory_space<hbm>>, %arg7: memref<40960xf32, #tpu.memory_space<vmem>>, %arg8: memref<40960xf32, #tpu.memory_space<vmem>>, %arg9: memref<20480xi32, #tpu.memory_space<vmem>>, %arg10: memref<4000xi32, #tpu.memory_space<vmem>>, %arg11: memref<4000xi32, #tpu.memory_space<vmem>>, %arg12: memref<4000xf32, #tpu.memory_space<vmem>>, %arg13: memref<4000xf32, #tpu.memory_space<vmem>>, %arg14: memref<64xf32, #tpu.memory_space<vmem>>, %arg15: memref<!tpu.dma_semaphore, #tpu.memory_space<semaphore_mem>>, %arg16: memref<!tpu.dma_semaphore, #tpu.memory_space<semaphore_mem>>) attributes {dimension_semantics = [#tpu.dimension_semantics<core_parallel>, #tpu.dimension_semantics<subcore_parallel>], iteration_bounds = array<i64: 2, 16>, scalar_prefetch = 0 : i64, scratch_operands = 10 : i64, tpu.core_type = #tpu.core_type<sc_vector_subcore>, window_params = [{transform_indices = #map}, {transform_indices = #map1}, {transform_indices = #map1}, {transform_indices = #map1}, {transform_indices = #map}]} {
    %mul3A = arith.constant 2 : i32
    %mul3A_0 = arith.muli %arg1, %mul3A : i32
    %add3A = arith.addi %mul3A_0, %arg0 : i32
    %mul3A_1 = arith.constant 4 : i32
    %mul3A_2 = arith.muli %add3A, %mul3A_1 : i32
    %add3A_3 = arith.constant 0 : i32
    %add3A_4 = arith.addi %mul3A_2, %add3A_3 : i32
    "tpu.region"() ({
      %run_scoped3A = tpu.sem_alloc : memref<!tpu.dma_semaphore, #tpu.memory_space<semaphore_mem>>
      %dma_start3A_123 = arith.constant 0 : i32
      %dma_start3A_124 = tpu.memref_slice %arg7[%dma_start3A_123] : memref<40960xf32, #tpu.memory_space<vmem>> -> memref<10240xf32, #tpu.memory_space<vmem>>
      %dma_start3A_125 = arith.constant 0 : i32
      %dma_start3A_126 = tpu.memref_slice %arg2[%add3A_4, %dma_start3A_125] : memref<128x10240xf32, #tpu.memory_space<hbm>> -> memref<1x10240xf32, #tpu.memory_space<hbm>>
      %dma_start3A_127 = tpu.memref_squeeze %dma_start3A_126 : memref<1x10240xf32, #tpu.memory_space<hbm>> -> memref<10240xf32, #tpu.memory_space<hbm>>
      %dma_start3A_128 = arith.constant 0 : i32
      %dma_start3A_129 = tpu.memref_slice %arg7[%dma_start3A_128] : memref<40960xf32, #tpu.memory_space<vmem>> -> memref<10240xf32, #tpu.memory_space<vmem>>
      %dma_start3A_130 = arith.constant 0 : i32
      %dma_start3A_131 = tpu.memref_slice %arg2[%add3A_4, %dma_start3A_130] : memref<128x10240xf32, #tpu.memory_space<hbm>> -> memref<1x10240xf32, #tpu.memory_space<hbm>>
      %dma_start3A_132 = tpu.memref_squeeze %dma_start3A_131 : memref<1x10240xf32, #tpu.memory_space<hbm>> -> memref<10240xf32, #tpu.memory_space<hbm>>
      tpu.enqueue_dma source(%dma_start3A_132 : memref<10240xf32, #tpu.memory_space<hbm>>) target(%dma_start3A_129 : memref<10240xf32, #tpu.memory_space<vmem>>) target_semaphore(%run_scoped3A : memref<!tpu.dma_semaphore, #tpu.memory_space<semaphore_mem>>)
      %dma_wait3A = arith.constant 0 : i32
      %dma_wait3A_133 = tpu.memref_slice %arg7[%dma_wait3A] : memref<40960xf32, #tpu.memory_space<vmem>> -> memref<10240xf32, #tpu.memory_space<vmem>>
      %dma_wait3A_134 = arith.constant 0 : i32
      %dma_wait3A_135 = tpu.memref_slice %arg2[%add3A_4, %dma_wait3A_134] : memref<128x10240xf32, #tpu.memory_space<hbm>> -> memref<1x10240xf32, #tpu.memory_space<hbm>>
      %dma_wait3A_136 = tpu.memref_squeeze %dma_wait3A_135 : memref<1x10240xf32, #tpu.memory_space<hbm>> -> memref<10240xf32, #tpu.memory_space<hbm>>
      %dma_wait3A_137 = arith.constant 0 : i32
      %dma_wait3A_138 = tpu.memref_slice %arg7[%dma_wait3A_137] : memref<40960xf32, #tpu.memory_space<vmem>> -> memref<10240xf32, #tpu.memory_space<vmem>>
      %dma_wait3A_139 = arith.constant 0 : i32
      %dma_wait3A_140 = tpu.memref_slice %arg2[%add3A_4, %dma_wait3A_139] : memref<128x10240xf32, #tpu.memory_space<hbm>> -> memref<1x10240xf32, #tpu.memory_space<hbm>>
      %dma_wait3A_141 = tpu.memref_squeeze %dma_wait3A_140 : memref<1x10240xf32, #tpu.memory_space<hbm>> -> memref<10240xf32, #tpu.memory_space<hbm>>
      tpu.wait_dma2 semaphore(%run_scoped3A : memref<!tpu.dma_semaphore, #tpu.memory_space<semaphore_mem>>) src(%dma_wait3A_141 : memref<10240xf32, #tpu.memory_space<hbm>>) dst(%dma_wait3A_138 : memref<10240xf32, #tpu.memory_space<vmem>>)
      tpu.yield
    }) : () -> ()
    %add3A_5 = arith.constant 1 : i32
    %add3A_6 = arith.addi %mul3A_2, %add3A_5 : i32
    "tpu.region"() ({
      %run_scoped3A = tpu.sem_alloc : memref<!tpu.dma_semaphore, #tpu.memory_space<semaphore_mem>>
      %dma_start3A_123 = arith.constant 10240 : i32
      %dma_start3A_124 = tpu.memref_slice %arg7[%dma_start3A_123] : memref<40960xf32, #tpu.memory_space<vmem>> -> memref<10240xf32, #tpu.memory_space<vmem>>
      %dma_start3A_125 = arith.constant 0 : i32
      %dma_start3A_126 = tpu.memref_slice %arg2[%add3A_6, %dma_start3A_125] : memref<128x10240xf32, #tpu.memory_space<hbm>> -> memref<1x10240xf32, #tpu.memory_space<hbm>>
      %dma_start3A_127 = tpu.memref_squeeze %dma_start3A_126 : memref<1x10240xf32, #tpu.memory_space<hbm>> -> memref<10240xf32, #tpu.memory_space<hbm>>
      %dma_start3A_128 = arith.constant 10240 : i32
      %dma_start3A_129 = tpu.memref_slice %arg7[%dma_start3A_128] : memref<40960xf32, #tpu.memory_space<vmem>> -> memref<10240xf32, #tpu.memory_space<vmem>>
      %dma_start3A_130 = arith.constant 0 : i32
      %dma_start3A_131 = tpu.memref_slice %arg2[%add3A_6, %dma_start3A_130] : memref<128x10240xf32, #tpu.memory_space<hbm>> -> memref<1x10240xf32, #tpu.memory_space<hbm>>
      %dma_start3A_132 = tpu.memref_squeeze %dma_start3A_131 : memref<1x10240xf32, #tpu.memory_space<hbm>> -> memref<10240xf32, #tpu.memory_space<hbm>>
      tpu.enqueue_dma source(%dma_start3A_132 : memref<10240xf32, #tpu.memory_space<hbm>>) target(%dma_start3A_129 : memref<10240xf32, #tpu.memory_space<vmem>>) target_semaphore(%run_scoped3A : memref<!tpu.dma_semaphore, #tpu.memory_space<semaphore_mem>>)
      %dma_wait3A = arith.constant 10240 : i32
      %dma_wait3A_133 = tpu.memref_slice %arg7[%dma_wait3A] : memref<40960xf32, #tpu.memory_space<vmem>> -> memref<10240xf32, #tpu.memory_space<vmem>>
      %dma_wait3A_134 = arith.constant 0 : i32
      %dma_wait3A_135 = tpu.memref_slice %arg2[%add3A_6, %dma_wait3A_134] : memref<128x10240xf32, #tpu.memory_space<hbm>> -> memref<1x10240xf32, #tpu.memory_space<hbm>>
      %dma_wait3A_136 = tpu.memref_squeeze %dma_wait3A_135 : memref<1x10240xf32, #tpu.memory_space<hbm>> -> memref<10240xf32, #tpu.memory_space<hbm>>
      %dma_wait3A_137 = arith.constant 10240 : i32
      %dma_wait3A_138 = tpu.memref_slice %arg7[%dma_wait3A_137] : memref<40960xf32, #tpu.memory_space<vmem>> -> memref<10240xf32, #tpu.memory_space<vmem>>
      %dma_wait3A_139 = arith.constant 0 : i32
      %dma_wait3A_140 = tpu.memref_slice %arg2[%add3A_6, %dma_wait3A_139] : memref<128x10240xf32, #tpu.memory_space<hbm>> -> memref<1x10240xf32, #tpu.memory_space<hbm>>
      %dma_wait3A_141 = tpu.memref_squeeze %dma_wait3A_140 : memref<1x10240xf32, #tpu.memory_space<hbm>> -> memref<10240xf32, #tpu.memory_space<hbm>>
      tpu.wait_dma2 semaphore(%run_scoped3A : memref<!tpu.dma_semaphore, #tpu.memory_space<semaphore_mem>>) src(%dma_wait3A_141 : memref<10240xf32, #tpu.memory_space<hbm>>) dst(%dma_wait3A_138 : memref<10240xf32, #tpu.memory_space<vmem>>)
      tpu.yield
    }) : () -> ()
    %add3A_7 = arith.constant 2 : i32
    %add3A_8 = arith.addi %mul3A_2, %add3A_7 : i32
    "tpu.region"() ({
      %run_scoped3A = tpu.sem_alloc : memref<!tpu.dma_semaphore, #tpu.memory_space<semaphore_mem>>
      %dma_start3A_123 = arith.constant 20480 : i32
      %dma_start3A_124 = tpu.memref_slice %arg7[%dma_start3A_123] : memref<40960xf32, #tpu.memory_space<vmem>> -> memref<10240xf32, #tpu.memory_space<vmem>>
      %dma_start3A_125 = arith.constant 0 : i32
      %dma_start3A_126 = tpu.memref_slice %arg2[%add3A_8, %dma_start3A_125] : memref<128x10240xf32, #tpu.memory_space<hbm>> -> memref<1x10240xf32, #tpu.memory_space<hbm>>
      %dma_start3A_127 = tpu.memref_squeeze %dma_start3A_126 : memref<1x10240xf32, #tpu.memory_space<hbm>> -> memref<10240xf32, #tpu.memory_space<hbm>>
      %dma_start3A_128 = arith.constant 20480 : i32
      %dma_start3A_129 = tpu.memref_slice %arg7[%dma_start3A_128] : memref<40960xf32, #tpu.memory_space<vmem>> -> memref<10240xf32, #tpu.memory_space<vmem>>
      %dma_start3A_130 = arith.constant 0 : i32
      %dma_start3A_131 = tpu.memref_slice %arg2[%add3A_8, %dma_start3A_130] : memref<128x10240xf32, #tpu.memory_space<hbm>> -> memref<1x10240xf32, #tpu.memory_space<hbm>>
      %dma_start3A_132 = tpu.memref_squeeze %dma_start3A_131 : memref<1x10240xf32, #tpu.memory_space<hbm>> -> memref<10240xf32, #tpu.memory_space<hbm>>
      tpu.enqueue_dma source(%dma_start3A_132 : memref<10240xf32, #tpu.memory_space<hbm>>) target(%dma_start3A_129 : memref<10240xf32, #tpu.memory_space<vmem>>) target_semaphore(%run_scoped3A : memref<!tpu.dma_semaphore, #tpu.memory_space<semaphore_mem>>)
      %dma_wait3A = arith.constant 20480 : i32
      %dma_wait3A_133 = tpu.memref_slice %arg7[%dma_wait3A] : memref<40960xf32, #tpu.memory_space<vmem>> -> memref<10240xf32, #tpu.memory_space<vmem>>
      %dma_wait3A_134 = arith.constant 0 : i32
      %dma_wait3A_135 = tpu.memref_slice %arg2[%add3A_8, %dma_wait3A_134] : memref<128x10240xf32, #tpu.memory_space<hbm>> -> memref<1x10240xf32, #tpu.memory_space<hbm>>
      %dma_wait3A_136 = tpu.memref_squeeze %dma_wait3A_135 : memref<1x10240xf32, #tpu.memory_space<hbm>> -> memref<10240xf32, #tpu.memory_space<hbm>>
      %dma_wait3A_137 = arith.constant 20480 : i32
      %dma_wait3A_138 = tpu.memref_slice %arg7[%dma_wait3A_137] : memref<40960xf32, #tpu.memory_space<vmem>> -> memref<10240xf32, #tpu.memory_space<vmem>>
      %dma_wait3A_139 = arith.constant 0 : i32
      %dma_wait3A_140 = tpu.memref_slice %arg2[%add3A_8, %dma_wait3A_139] : memref<128x10240xf32, #tpu.memory_space<hbm>> -> memref<1x10240xf32, #tpu.memory_space<hbm>>
      %dma_wait3A_141 = tpu.memref_squeeze %dma_wait3A_140 : memref<1x10240xf32, #tpu.memory_space<hbm>> -> memref<10240xf32, #tpu.memory_space<hbm>>
      tpu.wait_dma2 semaphore(%run_scoped3A : memref<!tpu.dma_semaphore, #tpu.memory_space<semaphore_mem>>) src(%dma_wait3A_141 : memref<10240xf32, #tpu.memory_space<hbm>>) dst(%dma_wait3A_138 : memref<10240xf32, #tpu.memory_space<vmem>>)
      tpu.yield
    }) : () -> ()
    %add3A_9 = arith.constant 3 : i32
    %add3A_10 = arith.addi %mul3A_2, %add3A_9 : i32
    "tpu.region"() ({
      %run_scoped3A = tpu.sem_alloc : memref<!tpu.dma_semaphore, #tpu.memory_space<semaphore_mem>>
      %dma_start3A_123 = arith.constant 30720 : i32
      %dma_start3A_124 = tpu.memref_slice %arg7[%dma_start3A_123] : memref<40960xf32, #tpu.memory_space<vmem>> -> memref<10240xf32, #tpu.memory_space<vmem>>
      %dma_start3A_125 = arith.constant 0 : i32
      %dma_start3A_126 = tpu.memref_slice %arg2[%add3A_10, %dma_start3A_125] : memref<128x10240xf32, #tpu.memory_space<hbm>> -> memref<1x10240xf32, #tpu.memory_space<hbm>>
      %dma_start3A_127 = tpu.memref_squeeze %dma_start3A_126 : memref<1x10240xf32, #tpu.memory_space<hbm>> -> memref<10240xf32, #tpu.memory_space<hbm>>
      %dma_start3A_128 = arith.constant 30720 : i32
      %dma_start3A_129 = tpu.memref_slice %arg7[%dma_start3A_128] : memref<40960xf32, #tpu.memory_space<vmem>> -> memref<10240xf32, #tpu.memory_space<vmem>>
      %dma_start3A_130 = arith.constant 0 : i32
      %dma_start3A_131 = tpu.memref_slice %arg2[%add3A_10, %dma_start3A_130] : memref<128x10240xf32, #tpu.memory_space<hbm>> -> memref<1x10240xf32, #tpu.memory_space<hbm>>
      %dma_start3A_132 = tpu.memref_squeeze %dma_start3A_131 : memref<1x10240xf32, #tpu.memory_space<hbm>> -> memref<10240xf32, #tpu.memory_space<hbm>>
      tpu.enqueue_dma source(%dma_start3A_132 : memref<10240xf32, #tpu.memory_space<hbm>>) target(%dma_start3A_129 : memref<10240xf32, #tpu.memory_space<vmem>>) target_semaphore(%run_scoped3A : memref<!tpu.dma_semaphore, #tpu.memory_space<semaphore_mem>>)
      %dma_wait3A = arith.constant 30720 : i32
      %dma_wait3A_133 = tpu.memref_slice %arg7[%dma_wait3A] : memref<40960xf32, #tpu.memory_space<vmem>> -> memref<10240xf32, #tpu.memory_space<vmem>>
      %dma_wait3A_134 = arith.constant 0 : i32
      %dma_wait3A_135 = tpu.memref_slice %arg2[%add3A_10, %dma_wait3A_134] : memref<128x10240xf32, #tpu.memory_space<hbm>> -> memref<1x10240xf32, #tpu.memory_space<hbm>>
      %dma_wait3A_136 = tpu.memref_squeeze %dma_wait3A_135 : memref<1x10240xf32, #tpu.memory_space<hbm>> -> memref<10240xf32, #tpu.memory_space<hbm>>
      %dma_wait3A_137 = arith.constant 30720 : i32
      %dma_wait3A_138 = tpu.memref_slice %arg7[%dma_wait3A_137] : memref<40960xf32, #tpu.memory_space<vmem>> -> memref<10240xf32, #tpu.memory_space<vmem>>
      %dma_wait3A_139 = arith.constant 0 : i32
      %dma_wait3A_140 = tpu.memref_slice %arg2[%add3A_10, %dma_wait3A_139] : memref<128x10240xf32, #tpu.memory_space<hbm>> -> memref<1x10240xf32, #tpu.memory_space<hbm>>
      %dma_wait3A_141 = tpu.memref_squeeze %dma_wait3A_140 : memref<1x10240xf32, #tpu.memory_space<hbm>> -> memref<10240xf32, #tpu.memory_space<hbm>>
      tpu.wait_dma2 semaphore(%run_scoped3A : memref<!tpu.dma_semaphore, #tpu.memory_space<semaphore_mem>>) src(%dma_wait3A_141 : memref<10240xf32, #tpu.memory_space<hbm>>) dst(%dma_wait3A_138 : memref<10240xf32, #tpu.memory_space<vmem>>)
      tpu.yield
    }) : () -> ()
    "tpu.region"() ({
      %run_scoped3A = tpu.sem_alloc : memref<!tpu.dma_semaphore, #tpu.memory_space<semaphore_mem>>
      tpu.enqueue_dma source(%arg5 : memref<64xf32, #tpu.memory_space<hbm>>) target(%arg14 : memref<64xf32, #tpu.memory_space<vmem>>) target_semaphore(%run_scoped3A : memref<!tpu.dma_semaphore, #tpu.memory_space<semaphore_mem>>)
      tpu.wait_dma2 semaphore(%run_scoped3A : memref<!tpu.dma_semaphore, #tpu.memory_space<semaphore_mem>>) src(%arg5 : memref<64xf32, #tpu.memory_space<hbm>>) dst(%arg14 : memref<64xf32, #tpu.memory_space<vmem>>)
      tpu.yield
    }) : () -> ()
    %broadcast_in_dim3A = arith.constant 0.000000e+00 : f32
    %broadcast_in_dim3A_11 = vector.broadcast %broadcast_in_dim3A : f32 to vector<16xf32>
    %parallel_loop3A = arith.constant 0 : i32
    %parallel_loop3A_12 = arith.constant 640 : i32
    %parallel_loop3A_13 = arith.constant 1 : i32
    scf.for %parallel_loop3A_123 = %parallel_loop3A to %parallel_loop3A_12 step %parallel_loop3A_13  : i32 {
      %parallel_loop3A_124 = arith.constant 16 : i32
      %parallel_loop3A_125 = arith.muli %parallel_loop3A_123, %parallel_loop3A_124 : i32
      %parallel_loop3A_126 = arith.constant 0 : i32
      %parallel_loop3A_127 = arith.addi %parallel_loop3A_126, %parallel_loop3A_125 : i32
      %parallel_loop3A_128 = arith.index_cast %parallel_loop3A_127 : i32 to index
      %parallel_loop3A_129 = tpu.vector_load %arg8[%parallel_loop3A_128] {strides = array<i32>} : memref<40960xf32, #tpu.memory_space<vmem>>, vector<16xf32>,
      tpu.vector_store %arg8[%parallel_loop3A_128], %broadcast_in_dim3A_11 {strides = array<i32>} : memref<40960xf32, #tpu.memory_space<vmem>>, vector<16xf32>,
      %parallel_loop3A_130 = arith.index_cast %parallel_loop3A_127 : i32 to index
      %parallel_loop3A_131 = tpu.vector_load %arg7[%parallel_loop3A_130] {strides = array<i32>} : memref<40960xf32, #tpu.memory_space<vmem>>, vector<16xf32>,
      %parallel_loop3A_132 = arith.constant 10240 : i32
      %parallel_loop3A_133 = arith.addi %parallel_loop3A_132, %parallel_loop3A_125 : i32
      %parallel_loop3A_134 = arith.index_cast %parallel_loop3A_133 : i32 to index
      %parallel_loop3A_135 = tpu.vector_load %arg8[%parallel_loop3A_134] {strides = array<i32>} : memref<40960xf32, #tpu.memory_space<vmem>>, vector<16xf32>,
      tpu.vector_store %arg8[%parallel_loop3A_134], %broadcast_in_dim3A_11 {strides = array<i32>} : memref<40960xf32, #tpu.memory_space<vmem>>, vector<16xf32>,
      %parallel_loop3A_136 = arith.index_cast %parallel_loop3A_133 : i32 to index
      %parallel_loop3A_137 = tpu.vector_load %arg7[%parallel_loop3A_136] {strides = array<i32>} : memref<40960xf32, #tpu.memory_space<vmem>>, vector<16xf32>,
      %parallel_loop3A_138 = arith.constant 20480 : i32
      %parallel_loop3A_139 = arith.addi %parallel_loop3A_138, %parallel_loop3A_125 : i32
      %parallel_loop3A_140 = arith.index_cast %parallel_loop3A_139 : i32 to index
      %parallel_loop3A_141 = tpu.vector_load %arg8[%parallel_loop3A_140] {strides = array<i32>} : memref<40960xf32, #tpu.memory_space<vmem>>, vector<16xf32>,
      tpu.vector_store %arg8[%parallel_loop3A_140], %broadcast_in_dim3A_11 {strides = array<i32>} : memref<40960xf32, #tpu.memory_space<vmem>>, vector<16xf32>,
      %parallel_loop3A_142 = arith.index_cast %parallel_loop3A_139 : i32 to index
      %parallel_loop3A_143 = tpu.vector_load %arg7[%parallel_loop3A_142] {strides = array<i32>} : memref<40960xf32, #tpu.memory_space<vmem>>, vector<16xf32>,
      %parallel_loop3A_144 = arith.constant 30720 : i32
      %parallel_loop3A_145 = arith.addi %parallel_loop3A_144, %parallel_loop3A_125 : i32
      %parallel_loop3A_146 = arith.index_cast %parallel_loop3A_145 : i32 to index
      %parallel_loop3A_147 = tpu.vector_load %arg8[%parallel_loop3A_146] {strides = array<i32>} : memref<40960xf32, #tpu.memory_space<vmem>>, vector<16xf32>,
      tpu.vector_store %arg8[%parallel_loop3A_146], %broadcast_in_dim3A_11 {strides = array<i32>} : memref<40960xf32, #tpu.memory_space<vmem>>, vector<16xf32>,
      %parallel_loop3A_148 = arith.index_cast %parallel_loop3A_145 : i32 to index
      %parallel_loop3A_149 = tpu.vector_load %arg7[%parallel_loop3A_148] {strides = array<i32>} : memref<40960xf32, #tpu.memory_space<vmem>>, vector<16xf32>,
      %parallel_loop3A_150 = tpu.pack_subelements %parallel_loop3A_131, %parallel_loop3A_137 {pack_format = #tpu.pack_format<interleaved>, positions = array<i32: 0, 1>} : vector<16xf32>, vector<16xf32> -> vector<32xbf16>
      %parallel_loop3A_151 = vector.bitcast %parallel_loop3A_150 : vector<32xbf16> to vector<16xi32>
      %parallel_loop3A_152 = arith.constant 0 : i32
      %parallel_loop3A_153 = arith.addi %parallel_loop3A_152, %parallel_loop3A_125 : i32
      %parallel_loop3A_154 = arith.index_cast %parallel_loop3A_153 : i32 to index
      %parallel_loop3A_155 = tpu.vector_load %arg9[%parallel_loop3A_154] {strides = array<i32>} : memref<20480xi32, #tpu.memory_space<vmem>>, vector<16xi32>,
      tpu.vector_store %arg9[%parallel_loop3A_154], %parallel_loop3A_151 {strides = array<i32>} : memref<20480xi32, #tpu.memory_space<vmem>>, vector<16xi32>,
      %parallel_loop3A_156 = tpu.pack_subelements %parallel_loop3A_143, %parallel_loop3A_149 {pack_format = #tpu.pack_format<interleaved>, positions = array<i32: 0, 1>} : vector<16xf32>, vector<16xf32> -> vector<32xbf16>
      %parallel_loop3A_157 = vector.bitcast %parallel_loop3A_156 : vector<32xbf16> to vector<16xi32>
      %parallel_loop3A_158 = arith.constant 10240 : i32
      %parallel_loop3A_159 = arith.addi %parallel_loop3A_158, %parallel_loop3A_125 : i32
      %parallel_loop3A_160 = arith.index_cast %parallel_loop3A_159 : i32 to index
      %parallel_loop3A_161 = tpu.vector_load %arg9[%parallel_loop3A_160] {strides = array<i32>} : memref<20480xi32, #tpu.memory_space<vmem>>, vector<16xi32>,
      tpu.vector_store %arg9[%parallel_loop3A_160], %parallel_loop3A_157 {strides = array<i32>} : memref<20480xi32, #tpu.memory_space<vmem>>, vector<16xi32>,
    } {sc.loop_unroll_factor = 4 : i64, sc.parallel_access}
    %dma_start3A = arith.constant 0 : i32
    %dma_start3A_14 = tpu.memref_slice %arg3[%dma_start3A] : memref<320000xi32, #tpu.memory_space<hbm>> -> memref<4000xi32, #tpu.memory_space<hbm>>
    %dma_start3A_15 = arith.constant 0 : i32
    %dma_start3A_16 = tpu.memref_slice %arg3[%dma_start3A_15] : memref<320000xi32, #tpu.memory_space<hbm>> -> memref<4000xi32, #tpu.memory_space<hbm>>
    tpu.enqueue_dma source(%dma_start3A_16 : memref<4000xi32, #tpu.memory_space<hbm>>) target(%arg10 : memref<4000xi32, #tpu.memory_space<vmem>>) target_semaphore(%arg15 : memref<!tpu.dma_semaphore, #tpu.memory_space<semaphore_mem>>)
    %dma_start3A_17 = arith.constant 0 : i32
    %dma_start3A_18 = tpu.memref_slice %arg4[%dma_start3A_17] : memref<320000xf32, #tpu.memory_space<hbm>> -> memref<4000xf32, #tpu.memory_space<hbm>>
    %dma_start3A_19 = arith.constant 0 : i32
    %dma_start3A_20 = tpu.memref_slice %arg4[%dma_start3A_19] : memref<320000xf32, #tpu.memory_space<hbm>> -> memref<4000xf32, #tpu.memory_space<hbm>>
    tpu.enqueue_dma source(%dma_start3A_20 : memref<4000xf32, #tpu.memory_space<hbm>>) target(%arg12 : memref<4000xf32, #tpu.memory_space<vmem>>) target_semaphore(%arg15 : memref<!tpu.dma_semaphore, #tpu.memory_space<semaphore_mem>>)
    %dma_start3A_21 = arith.constant 4000 : i32
    %dma_start3A_22 = tpu.memref_slice %arg3[%dma_start3A_21] : memref<320000xi32, #tpu.memory_space<hbm>> -> memref<4000xi32, #tpu.memory_space<hbm>>
    %dma_start3A_23 = arith.constant 4000 : i32
    %dma_start3A_24 = tpu.memref_slice %arg3[%dma_start3A_23] : memref<320000xi32, #tpu.memory_space<hbm>> -> memref<4000xi32, #tpu.memory_space<hbm>>
    tpu.enqueue_dma source(%dma_start3A_24 : memref<4000xi32, #tpu.memory_space<hbm>>) target(%arg11 : memref<4000xi32, #tpu.memory_space<vmem>>) target_semaphore(%arg16 : memref<!tpu.dma_semaphore, #tpu.memory_space<semaphore_mem>>)
    %dma_start3A_25 = arith.constant 4000 : i32
    %dma_start3A_26 = tpu.memref_slice %arg4[%dma_start3A_25] : memref<320000xf32, #tpu.memory_space<hbm>> -> memref<4000xf32, #tpu.memory_space<hbm>>
    %dma_start3A_27 = arith.constant 4000 : i32
    %dma_start3A_28 = tpu.memref_slice %arg4[%dma_start3A_27] : memref<320000xf32, #tpu.memory_space<hbm>> -> memref<4000xf32, #tpu.memory_space<hbm>>
    tpu.enqueue_dma source(%dma_start3A_28 : memref<4000xf32, #tpu.memory_space<hbm>>) target(%arg13 : memref<4000xf32, #tpu.memory_space<vmem>>) target_semaphore(%arg16 : memref<!tpu.dma_semaphore, #tpu.memory_space<semaphore_mem>>)
    %scan3A = arith.constant 0 : i32
    %scan3A_29 = arith.constant 40 : i32
    %scan3A_30 = arith.addi %scan3A, %scan3A_29 : i32
    %scan3A_31 = arith.constant 1 : i32
    scf.for %scan3A_123 = %scan3A to %scan3A_30 step %scan3A_31  : i32 {
      %mul3A_124 = arith.constant 2 : i32
      %mul3A_125 = arith.muli %scan3A_123, %mul3A_124 : i32
      %add3A_126 = arith.constant 0 : i32
      %add3A_127 = arith.addi %add3A_126, %mul3A_125 : i32
      %dma_wait3A = arith.constant 0 : i32
      %dma_wait3A_128 = tpu.memref_slice %arg3[%dma_wait3A] : memref<320000xi32, #tpu.memory_space<hbm>> -> memref<4000xi32, #tpu.memory_space<hbm>>
      %dma_wait3A_129 = arith.constant 0 : i32
      %dma_wait3A_130 = tpu.memref_slice %arg3[%dma_wait3A_129] : memref<320000xi32, #tpu.memory_space<hbm>> -> memref<4000xi32, #tpu.memory_space<hbm>>
      tpu.wait_dma2 semaphore(%arg15 : memref<!tpu.dma_semaphore, #tpu.memory_space<semaphore_mem>>) src(%dma_wait3A_130 : memref<4000xi32, #tpu.memory_space<hbm>>) dst(%arg10 : memref<4000xi32, #tpu.memory_space<vmem>>)
      %dma_wait3A_131 = arith.constant 0 : i32
      %dma_wait3A_132 = tpu.memref_slice %arg4[%dma_wait3A_131] : memref<320000xf32, #tpu.memory_space<hbm>> -> memref<4000xf32, #tpu.memory_space<hbm>>
      %dma_wait3A_133 = arith.constant 0 : i32
      %dma_wait3A_134 = tpu.memref_slice %arg4[%dma_wait3A_133] : memref<320000xf32, #tpu.memory_space<hbm>> -> memref<4000xf32, #tpu.memory_space<hbm>>
      tpu.wait_dma2 semaphore(%arg15 : memref<!tpu.dma_semaphore, #tpu.memory_space<semaphore_mem>>) src(%dma_wait3A_134 : memref<4000xf32, #tpu.memory_space<hbm>>) dst(%arg12 : memref<4000xf32, #tpu.memory_space<vmem>>)
      %parallel_loop3A_135 = arith.constant 0 : i32
      %parallel_loop3A_136 = arith.constant 250 : i32
      %parallel_loop3A_137 = arith.constant 1 : i32
      scf.for %parallel_loop3A_164 = %parallel_loop3A_135 to %parallel_loop3A_136 step %parallel_loop3A_137  : i32 {
        %parallel_loop3A_165 = arith.constant 16 : i32
        %parallel_loop3A_166 = arith.muli %parallel_loop3A_164, %parallel_loop3A_165 : i32
        %parallel_loop3A_167 = arith.index_cast %parallel_loop3A_166 : i32 to index
        %parallel_loop3A_168 = tpu.vector_load %arg10[%parallel_loop3A_167] {strides = array<i32>} : memref<4000xi32, #tpu.memory_space<vmem>>, vector<16xi32>,
        %parallel_loop3A_169 = arith.index_cast %parallel_loop3A_166 : i32 to index
        %parallel_loop3A_170 = tpu.vector_load %arg12[%parallel_loop3A_169] {strides = array<i32>} : memref<4000xf32, #tpu.memory_space<vmem>>, vector<16xf32>,
        %parallel_loop3A_171 = arith.constant 65535 : i32
        %parallel_loop3A_172 = vector.broadcast %parallel_loop3A_171 : i32 to vector<16xi32>
        %parallel_loop3A_173 = arith.andi %parallel_loop3A_168, %parallel_loop3A_172 : vector<16xi32>
        %parallel_loop3A_174 = arith.constant 16 : i32
        %parallel_loop3A_175 = vector.broadcast %parallel_loop3A_174 : i32 to vector<16xi32>
        %parallel_loop3A_176 = arith.shrui %parallel_loop3A_168, %parallel_loop3A_175 : vector<16xi32>
        %parallel_loop3A_177 = arith.constant 0 : i32
        %parallel_loop3A_178 = tpu.memref_slice %arg9[%parallel_loop3A_177] : memref<20480xi32, #tpu.memory_space<vmem>> -> memref<10240xi32, #tpu.memory_space<vmem>>
        %parallel_loop3A_179 = tpu.vector_load_idx %parallel_loop3A_178[%parallel_loop3A_173] : memref<10240xi32, #tpu.memory_space<vmem>>[vector<16xi32>], vector<16xi32>,
        %parallel_loop3A_180 = vector.bitcast %parallel_loop3A_179 : vector<16xi32> to vector<32xbf16>
        %parallel_loop3A_181 = tpu.unpack_subelements %parallel_loop3A_180, 0 {pack_format = #tpu.pack_format<interleaved>} : vector<32xbf16> -> vector<16xf32>
        %parallel_loop3A_182 = tpu.unpack_subelements %parallel_loop3A_180, 1 {pack_format = #tpu.pack_format<interleaved>} : vector<32xbf16> -> vector<16xf32>
        %parallel_loop3A_183 = arith.mulf %parallel_loop3A_181, %parallel_loop3A_170 : vector<16xf32>
        %parallel_loop3A_184 = arith.constant 0 : i32
        %parallel_loop3A_185 = tpu.memref_slice %arg8[%parallel_loop3A_184] : memref<40960xf32, #tpu.memory_space<vmem>> -> memref<10240xf32, #tpu.memory_space<vmem>>
        tpu.vector_store_idx %parallel_loop3A_185[%parallel_loop3A_176], %parallel_loop3A_183 {add = true} : memref<10240xf32, #tpu.memory_space<vmem>>[vector<16xi32>], vector<16xf32>,
        %parallel_loop3A_186 = arith.mulf %parallel_loop3A_182, %parallel_loop3A_170 : vector<16xf32>
        %parallel_loop3A_187 = arith.constant 10240 : i32
        %parallel_loop3A_188 = tpu.memref_slice %arg8[%parallel_loop3A_187] : memref<40960xf32, #tpu.memory_space<vmem>> -> memref<10240xf32, #tpu.memory_space<vmem>>
        tpu.vector_store_idx %parallel_loop3A_188[%parallel_loop3A_176], %parallel_loop3A_186 {add = true} : memref<10240xf32, #tpu.memory_space<vmem>>[vector<16xi32>], vector<16xf32>,
        %parallel_loop3A_189 = arith.constant 10240 : i32
        %parallel_loop3A_190 = tpu.memref_slice %arg9[%parallel_loop3A_189] : memref<20480xi32, #tpu.memory_space<vmem>> -> memref<10240xi32, #tpu.memory_space<vmem>>
        %parallel_loop3A_191 = tpu.vector_load_idx %parallel_loop3A_190[%parallel_loop3A_173] : memref<10240xi32, #tpu.memory_space<vmem>>[vector<16xi32>], vector<16xi32>,
        %parallel_loop3A_192 = vector.bitcast %parallel_loop3A_191 : vector<16xi32> to vector<32xbf16>
        %parallel_loop3A_193 = tpu.unpack_subelements %parallel_loop3A_192, 0 {pack_format = #tpu.pack_format<interleaved>} : vector<32xbf16> -> vector<16xf32>
        %parallel_loop3A_194 = tpu.unpack_subelements %parallel_loop3A_192, 1 {pack_format = #tpu.pack_format<interleaved>} : vector<32xbf16> -> vector<16xf32>
        %parallel_loop3A_195 = arith.mulf %parallel_loop3A_193, %parallel_loop3A_170 : vector<16xf32>
        %parallel_loop3A_196 = arith.constant 20480 : i32
        %parallel_loop3A_197 = tpu.memref_slice %arg8[%parallel_loop3A_196] : memref<40960xf32, #tpu.memory_space<vmem>> -> memref<10240xf32, #tpu.memory_space<vmem>>
        tpu.vector_store_idx %parallel_loop3A_197[%parallel_loop3A_176], %parallel_loop3A_195 {add = true} : memref<10240xf32, #tpu.memory_space<vmem>>[vector<16xi32>], vector<16xf32>,
        %parallel_loop3A_198 = arith.mulf %parallel_loop3A_194, %parallel_loop3A_170 : vector<16xf32>
        %parallel_loop3A_199 = arith.constant 30720 : i32
        %parallel_loop3A_200 = tpu.memref_slice %arg8[%parallel_loop3A_199] : memref<40960xf32, #tpu.memory_space<vmem>> -> memref<10240xf32, #tpu.memory_space<vmem>>
        tpu.vector_store_idx %parallel_loop3A_200[%parallel_loop3A_176], %parallel_loop3A_198 {add = true} : memref<10240xf32, #tpu.memory_space<vmem>>[vector<16xi32>], vector<16xf32>,
      } {sc.loop_unroll_factor = 4 : i64, sc.parallel_access}
      %add3A_138 = arith.constant 2 : i32
      %add3A_139 = arith.addi %add3A_127, %add3A_138 : i32
      %add3A_140 = arith.constant 0 : i32
      %add3A_141 = arith.addi %add3A_139, %add3A_140 : i32
      %lt3A = arith.constant 80 : i32
      %lt3A_142 = arith.cmpi slt, %add3A_141, %lt3A : i32
      %convert_element_type3A = arith.extui %lt3A_142 : i1 to i32
      %cond3A = arith.constant 0 : i32
      %cond3A_143 = arith.cmpi ne, %convert_element_type3A, %cond3A : i32
      scf.if %cond3A_143 {
        %mul3A_164 = arith.constant 4000 : i32
        %mul3A_165 = arith.muli %add3A_141, %mul3A_164 : i32
        %dma_start3A_166 = tpu.memref_slice %arg3[%mul3A_165] : memref<320000xi32, #tpu.memory_space<hbm>> -> memref<4000xi32, #tpu.memory_space<hbm>>
        %dma_start3A_167 = tpu.memref_slice %arg3[%mul3A_165] : memref<320000xi32, #tpu.memory_space<hbm>> -> memref<4000xi32, #tpu.memory_space<hbm>>
        tpu.enqueue_dma source(%dma_start3A_167 : memref<4000xi32, #tpu.memory_space<hbm>>) target(%arg10 : memref<4000xi32, #tpu.memory_space<vmem>>) target_semaphore(%arg15 : memref<!tpu.dma_semaphore, #tpu.memory_space<semaphore_mem>>)
        %dma_start3A_168 = tpu.memref_slice %arg4[%mul3A_165] : memref<320000xf32, #tpu.memory_space<hbm>> -> memref<4000xf32, #tpu.memory_space<hbm>>
        %dma_start3A_169 = tpu.memref_slice %arg4[%mul3A_165] : memref<320000xf32, #tpu.memory_space<hbm>> -> memref<4000xf32, #tpu.memory_space<hbm>>
        tpu.enqueue_dma source(%dma_start3A_169 : memref<4000xf32, #tpu.memory_space<hbm>>) target(%arg12 : memref<4000xf32, #tpu.memory_space<vmem>>) target_semaphore(%arg15 : memref<!tpu.dma_semaphore, #tpu.memory_space<semaphore_mem>>)
      } else {
      }
      %dma_wait3A_144 = arith.constant 0 : i32
      %dma_wait3A_145 = tpu.memref_slice %arg3[%dma_wait3A_144] : memref<320000xi32, #tpu.memory_space<hbm>> -> memref<4000xi32, #tpu.memory_space<hbm>>
      %dma_wait3A_146 = arith.constant 0 : i32
      %dma_wait3A_147 = tpu.memref_slice %arg3[%dma_wait3A_146] : memref<320000xi32, #tpu.memory_space<hbm>> -> memref<4000xi32, #tpu.memory_space<hbm>>
      tpu.wait_dma2 semaphore(%arg16 : memref<!tpu.dma_semaphore, #tpu.memory_space<semaphore_mem>>) src(%dma_wait3A_147 : memref<4000xi32, #tpu.memory_space<hbm>>) dst(%arg11 : memref<4000xi32, #tpu.memory_space<vmem>>)
      %dma_wait3A_148 = arith.constant 0 : i32
      %dma_wait3A_149 = tpu.memref_slice %arg4[%dma_wait3A_148] : memref<320000xf32, #tpu.memory_space<hbm>> -> memref<4000xf32, #tpu.memory_space<hbm>>
      %dma_wait3A_150 = arith.constant 0 : i32
      %dma_wait3A_151 = tpu.memref_slice %arg4[%dma_wait3A_150] : memref<320000xf32, #tpu.memory_space<hbm>> -> memref<4000xf32, #tpu.memory_space<hbm>>
      tpu.wait_dma2 semaphore(%arg16 : memref<!tpu.dma_semaphore, #tpu.memory_space<semaphore_mem>>) src(%dma_wait3A_151 : memref<4000xf32, #tpu.memory_space<hbm>>) dst(%arg13 : memref<4000xf32, #tpu.memory_space<vmem>>)
      %parallel_loop3A_152 = arith.constant 0 : i32
      %parallel_loop3A_153 = arith.constant 250 : i32
      %parallel_loop3A_154 = arith.constant 1 : i32
      scf.for %parallel_loop3A_164 = %parallel_loop3A_152 to %parallel_loop3A_153 step %parallel_loop3A_154  : i32 {
        %parallel_loop3A_165 = arith.constant 16 : i32
        %parallel_loop3A_166 = arith.muli %parallel_loop3A_164, %parallel_loop3A_165 : i32
        %parallel_loop3A_167 = arith.index_cast %parallel_loop3A_166 : i32 to index
        %parallel_loop3A_168 = tpu.vector_load %arg11[%parallel_loop3A_167] {strides = array<i32>} : memref<4000xi32, #tpu.memory_space<vmem>>, vector<16xi32>,
        %parallel_loop3A_169 = arith.index_cast %parallel_loop3A_166 : i32 to index
        %parallel_loop3A_170 = tpu.vector_load %arg13[%parallel_loop3A_169] {strides = array<i32>} : memref<4000xf32, #tpu.memory_space<vmem>>, vector<16xf32>,
        %parallel_loop3A_171 = arith.constant 65535 : i32
        %parallel_loop3A_172 = vector.broadcast %parallel_loop3A_171 : i32 to vector<16xi32>
        %parallel_loop3A_173 = arith.andi %parallel_loop3A_168, %parallel_loop3A_172 : vector<16xi32>
        %parallel_loop3A_174 = arith.constant 16 : i32
        %parallel_loop3A_175 = vector.broadcast %parallel_loop3A_174 : i32 to vector<16xi32>
        %parallel_loop3A_176 = arith.shrui %parallel_loop3A_168, %parallel_loop3A_175 : vector<16xi32>
        %parallel_loop3A_177 = arith.constant 0 : i32
        %parallel_loop3A_178 = tpu.memref_slice %arg9[%parallel_loop3A_177] : memref<20480xi32, #tpu.memory_space<vmem>> -> memref<10240xi32, #tpu.memory_space<vmem>>
        %parallel_loop3A_179 = tpu.vector_load_idx %parallel_loop3A_178[%parallel_loop3A_173] : memref<10240xi32, #tpu.memory_space<vmem>>[vector<16xi32>], vector<16xi32>,
        %parallel_loop3A_180 = vector.bitcast %parallel_loop3A_179 : vector<16xi32> to vector<32xbf16>
        %parallel_loop3A_181 = tpu.unpack_subelements %parallel_loop3A_180, 0 {pack_format = #tpu.pack_format<interleaved>} : vector<32xbf16> -> vector<16xf32>
        %parallel_loop3A_182 = tpu.unpack_subelements %parallel_loop3A_180, 1 {pack_format = #tpu.pack_format<interleaved>} : vector<32xbf16> -> vector<16xf32>
        %parallel_loop3A_183 = arith.mulf %parallel_loop3A_181, %parallel_loop3A_170 : vector<16xf32>
        %parallel_loop3A_184 = arith.constant 0 : i32
        %parallel_loop3A_185 = tpu.memref_slice %arg8[%parallel_loop3A_184] : memref<40960xf32, #tpu.memory_space<vmem>> -> memref<10240xf32, #tpu.memory_space<vmem>>
        tpu.vector_store_idx %parallel_loop3A_185[%parallel_loop3A_176], %parallel_loop3A_183 {add = true} : memref<10240xf32, #tpu.memory_space<vmem>>[vector<16xi32>], vector<16xf32>,
        %parallel_loop3A_186 = arith.mulf %parallel_loop3A_182, %parallel_loop3A_170 : vector<16xf32>
        %parallel_loop3A_187 = arith.constant 10240 : i32
        %parallel_loop3A_188 = tpu.memref_slice %arg8[%parallel_loop3A_187] : memref<40960xf32, #tpu.memory_space<vmem>> -> memref<10240xf32, #tpu.memory_space<vmem>>
        tpu.vector_store_idx %parallel_loop3A_188[%parallel_loop3A_176], %parallel_loop3A_186 {add = true} : memref<10240xf32, #tpu.memory_space<vmem>>[vector<16xi32>], vector<16xf32>,
        %parallel_loop3A_189 = arith.constant 10240 : i32
        %parallel_loop3A_190 = tpu.memref_slice %arg9[%parallel_loop3A_189] : memref<20480xi32, #tpu.memory_space<vmem>> -> memref<10240xi32, #tpu.memory_space<vmem>>
        %parallel_loop3A_191 = tpu.vector_load_idx %parallel_loop3A_190[%parallel_loop3A_173] : memref<10240xi32, #tpu.memory_space<vmem>>[vector<16xi32>], vector<16xi32>,
        %parallel_loop3A_192 = vector.bitcast %parallel_loop3A_191 : vector<16xi32> to vector<32xbf16>
        %parallel_loop3A_193 = tpu.unpack_subelements %parallel_loop3A_192, 0 {pack_format = #tpu.pack_format<interleaved>} : vector<32xbf16> -> vector<16xf32>
        %parallel_loop3A_194 = tpu.unpack_subelements %parallel_loop3A_192, 1 {pack_format = #tpu.pack_format<interleaved>} : vector<32xbf16> -> vector<16xf32>
        %parallel_loop3A_195 = arith.mulf %parallel_loop3A_193, %parallel_loop3A_170 : vector<16xf32>
        %parallel_loop3A_196 = arith.constant 20480 : i32
        %parallel_loop3A_197 = tpu.memref_slice %arg8[%parallel_loop3A_196] : memref<40960xf32, #tpu.memory_space<vmem>> -> memref<10240xf32, #tpu.memory_space<vmem>>
        tpu.vector_store_idx %parallel_loop3A_197[%parallel_loop3A_176], %parallel_loop3A_195 {add = true} : memref<10240xf32, #tpu.memory_space<vmem>>[vector<16xi32>], vector<16xf32>,
        %parallel_loop3A_198 = arith.mulf %parallel_loop3A_194, %parallel_loop3A_170 : vector<16xf32>
        %parallel_loop3A_199 = arith.constant 30720 : i32
        %parallel_loop3A_200 = tpu.memref_slice %arg8[%parallel_loop3A_199] : memref<40960xf32, #tpu.memory_space<vmem>> -> memref<10240xf32, #tpu.memory_space<vmem>>
        tpu.vector_store_idx %parallel_loop3A_200[%parallel_loop3A_176], %parallel_loop3A_198 {add = true} : memref<10240xf32, #tpu.memory_space<vmem>>[vector<16xi32>], vector<16xf32>,
      } {sc.loop_unroll_factor = 4 : i64, sc.parallel_access}
      %add3A_155 = arith.constant 2 : i32
      %add3A_156 = arith.addi %add3A_127, %add3A_155 : i32
      %add3A_157 = arith.constant 1 : i32
      %add3A_158 = arith.addi %add3A_156, %add3A_157 : i32
      %lt3A_159 = arith.constant 80 : i32
      %lt3A_160 = arith.cmpi slt, %add3A_158, %lt3A_159 : i32
      %convert_element_type3A_161 = arith.extui %lt3A_160 : i1 to i32
      %cond3A_162 = arith.constant 0 : i32
      %cond3A_163 = arith.cmpi ne, %convert_element_type3A_161, %cond3A_162 : i32
      scf.if %cond3A_163 {
        %mul3A_164 = arith.constant 4000 : i32
        %mul3A_165 = arith.muli %add3A_158, %mul3A_164 : i32
        %dma_start3A_166 = tpu.memref_slice %arg3[%mul3A_165] : memref<320000xi32, #tpu.memory_space<hbm>> -> memref<4000xi32, #tpu.memory_space<hbm>>
        %dma_start3A_167 = tpu.memref_slice %arg3[%mul3A_165] : memref<320000xi32, #tpu.memory_space<hbm>> -> memref<4000xi32, #tpu.memory_space<hbm>>
        tpu.enqueue_dma source(%dma_start3A_167 : memref<4000xi32, #tpu.memory_space<hbm>>) target(%arg11 : memref<4000xi32, #tpu.memory_space<vmem>>) target_semaphore(%arg16 : memref<!tpu.dma_semaphore, #tpu.memory_space<semaphore_mem>>)
        %dma_start3A_168 = tpu.memref_slice %arg4[%mul3A_165] : memref<320000xf32, #tpu.memory_space<hbm>> -> memref<4000xf32, #tpu.memory_space<hbm>>
        %dma_start3A_169 = tpu.memref_slice %arg4[%mul3A_165] : memref<320000xf32, #tpu.memory_space<hbm>> -> memref<4000xf32, #tpu.memory_space<hbm>>
        tpu.enqueue_dma source(%dma_start3A_169 : memref<4000xf32, #tpu.memory_space<hbm>>) target(%arg13 : memref<4000xf32, #tpu.memory_space<vmem>>) target_semaphore(%arg16 : memref<!tpu.dma_semaphore, #tpu.memory_space<semaphore_mem>>)
      } else {
      }
    }
    %scan3A_32 = arith.constant 40 : i32
    %get3A = arith.constant 0 : index
    %get3A_33 = tpu.vector_load %arg14[%get3A] {strides = array<i32>} : memref<64xf32, #tpu.memory_space<vmem>>, vector<16xf32>,
    %parallel_loop3A_34 = arith.constant 0 : i32
    %parallel_loop3A_35 = arith.constant 640 : i32
    %parallel_loop3A_36 = arith.constant 1 : i32
    scf.for %parallel_loop3A_123 = %parallel_loop3A_34 to %parallel_loop3A_35 step %parallel_loop3A_36  : i32 {
      %parallel_loop3A_124 = arith.constant 16 : i32
      %parallel_loop3A_125 = arith.muli %parallel_loop3A_123, %parallel_loop3A_124 : i32
      %parallel_loop3A_126 = arith.constant 0 : i32
      %parallel_loop3A_127 = arith.addi %parallel_loop3A_126, %parallel_loop3A_125 : i32
      %parallel_loop3A_128 = arith.index_cast %parallel_loop3A_127 : i32 to index
      %parallel_loop3A_129 = tpu.vector_load %arg7[%parallel_loop3A_128] {strides = array<i32>} : memref<40960xf32, #tpu.memory_space<vmem>>, vector<16xf32>,
      %parallel_loop3A_130 = arith.index_cast %parallel_loop3A_127 : i32 to index
      %parallel_loop3A_131 = tpu.vector_load %arg8[%parallel_loop3A_130] {strides = array<i32>} : memref<40960xf32, #tpu.memory_space<vmem>>, vector<16xf32>,
      %parallel_loop3A_132 = arith.constant 0.000000e+00 : f32
      %parallel_loop3A_133 = vector.broadcast %parallel_loop3A_132 : f32 to vector<16xf32>
      %parallel_loop3A_134 = arith.maximumf %parallel_loop3A_131, %parallel_loop3A_133 : vector<16xf32>
      %parallel_loop3A_135 = arith.mulf %parallel_loop3A_134, %get3A_33 : vector<16xf32>
      %parallel_loop3A_136 = arith.addf %parallel_loop3A_129, %parallel_loop3A_135 : vector<16xf32>
      %parallel_loop3A_137 = arith.index_cast %parallel_loop3A_127 : i32 to index
      %parallel_loop3A_138 = tpu.vector_load %arg7[%parallel_loop3A_137] {strides = array<i32>} : memref<40960xf32, #tpu.memory_space<vmem>>, vector<16xf32>,
      tpu.vector_store %arg7[%parallel_loop3A_137], %parallel_loop3A_136 {strides = array<i32>} : memref<40960xf32, #tpu.memory_space<vmem>>, vector<16xf32>,
      %parallel_loop3A_139 = arith.index_cast %parallel_loop3A_127 : i32 to index
      %parallel_loop3A_140 = tpu.vector_load %arg8[%parallel_loop3A_139] {strides = array<i32>} : memref<40960xf32, #tpu.memory_space<vmem>>, vector<16xf32>,
      tpu.vector_store %arg8[%parallel_loop3A_139], %broadcast_in_dim3A_11 {strides = array<i32>} : memref<40960xf32, #tpu.memory_space<vmem>>, vector<16xf32>,
      %parallel_loop3A_141 = arith.constant 10240 : i32
      %parallel_loop3A_142 = arith.addi %parallel_loop3A_141, %parallel_loop3A_125 : i32
      %parallel_loop3A_143 = arith.index_cast %parallel_loop3A_142 : i32 to index
      %parallel_loop3A_144 = tpu.vector_load %arg7[%parallel_loop3A_143] {strides = array<i32>} : memref<40960xf32, #tpu.memory_space<vmem>>, vector<16xf32>,
      %parallel_loop3A_145 = arith.index_cast %parallel_loop3A_142 : i32 to index
      %parallel_loop3A_146 = tpu.vector_load %arg8[%parallel_loop3A_145] {strides = array<i32>} : memref<40960xf32, #tpu.memory_space<vmem>>, vector<16xf32>,
      %parallel_loop3A_147 = arith.constant 0.000000e+00 : f32
      %parallel_loop3A_148 = vector.broadcast %parallel_loop3A_147 : f32 to vector<16xf32>
      %parallel_loop3A_149 = arith.maximumf %parallel_loop3A_146, %parallel_loop3A_148 : vector<16xf32>
      %parallel_loop3A_150 = arith.mulf %parallel_loop3A_149, %get3A_33 : vector<16xf32>
      %parallel_loop3A_151 = arith.addf %parallel_loop3A_144, %parallel_loop3A_150 : vector<16xf32>
      %parallel_loop3A_152 = arith.index_cast %parallel_loop3A_142 : i32 to index
      %parallel_loop3A_153 = tpu.vector_load %arg7[%parallel_loop3A_152] {strides = array<i32>} : memref<40960xf32, #tpu.memory_space<vmem>>, vector<16xf32>,
      tpu.vector_store %arg7[%parallel_loop3A_152], %parallel_loop3A_151 {strides = array<i32>} : memref<40960xf32, #tpu.memory_space<vmem>>, vector<16xf32>,
      %parallel_loop3A_154 = arith.index_cast %parallel_loop3A_142 : i32 to index
      %parallel_loop3A_155 = tpu.vector_load %arg8[%parallel_loop3A_154] {strides = array<i32>} : memref<40960xf32, #tpu.memory_space<vmem>>, vector<16xf32>,
      tpu.vector_store %arg8[%parallel_loop3A_154], %broadcast_in_dim3A_11 {strides = array<i32>} : memref<40960xf32, #tpu.memory_space<vmem>>, vector<16xf32>,
      %parallel_loop3A_156 = arith.constant 20480 : i32
      %parallel_loop3A_157 = arith.addi %parallel_loop3A_156, %parallel_loop3A_125 : i32
      %parallel_loop3A_158 = arith.index_cast %parallel_loop3A_157 : i32 to index
      %parallel_loop3A_159 = tpu.vector_load %arg7[%parallel_loop3A_158] {strides = array<i32>} : memref<40960xf32, #tpu.memory_space<vmem>>, vector<16xf32>,
      %parallel_loop3A_160 = arith.index_cast %parallel_loop3A_157 : i32 to index
      %parallel_loop3A_161 = tpu.vector_load %arg8[%parallel_loop3A_160] {strides = array<i32>} : memref<40960xf32, #tpu.memory_space<vmem>>, vector<16xf32>,
      %parallel_loop3A_162 = arith.constant 0.000000e+00 : f32
      %parallel_loop3A_163 = vector.broadcast %parallel_loop3A_162 : f32 to vector<16xf32>
      %parallel_loop3A_164 = arith.maximumf %parallel_loop3A_161, %parallel_loop3A_163 : vector<16xf32>
      %parallel_loop3A_165 = arith.mulf %parallel_loop3A_164, %get3A_33 : vector<16xf32>
      %parallel_loop3A_166 = arith.addf %parallel_loop3A_159, %parallel_loop3A_165 : vector<16xf32>
      %parallel_loop3A_167 = arith.index_cast %parallel_loop3A_157 : i32 to index
      %parallel_loop3A_168 = tpu.vector_load %arg7[%parallel_loop3A_167] {strides = array<i32>} : memref<40960xf32, #tpu.memory_space<vmem>>, vector<16xf32>,
      tpu.vector_store %arg7[%parallel_loop3A_167], %parallel_loop3A_166 {strides = array<i32>} : memref<40960xf32, #tpu.memory_space<vmem>>, vector<16xf32>,
      %parallel_loop3A_169 = arith.index_cast %parallel_loop3A_157 : i32 to index
      %parallel_loop3A_170 = tpu.vector_load %arg8[%parallel_loop3A_169] {strides = array<i32>} : memref<40960xf32, #tpu.memory_space<vmem>>, vector<16xf32>,
      tpu.vector_store %arg8[%parallel_loop3A_169], %broadcast_in_dim3A_11 {strides = array<i32>} : memref<40960xf32, #tpu.memory_space<vmem>>, vector<16xf32>,
      %parallel_loop3A_171 = arith.constant 30720 : i32
      %parallel_loop3A_172 = arith.addi %parallel_loop3A_171, %parallel_loop3A_125 : i32
      %parallel_loop3A_173 = arith.index_cast %parallel_loop3A_172 : i32 to index
      %parallel_loop3A_174 = tpu.vector_load %arg7[%parallel_loop3A_173] {strides = array<i32>} : memref<40960xf32, #tpu.memory_space<vmem>>, vector<16xf32>,
      %parallel_loop3A_175 = arith.index_cast %parallel_loop3A_172 : i32 to index
      %parallel_loop3A_176 = tpu.vector_load %arg8[%parallel_loop3A_175] {strides = array<i32>} : memref<40960xf32, #tpu.memory_space<vmem>>, vector<16xf32>,
      %parallel_loop3A_177 = arith.constant 0.000000e+00 : f32
      %parallel_loop3A_178 = vector.broadcast %parallel_loop3A_177 : f32 to vector<16xf32>
      %parallel_loop3A_179 = arith.maximumf %parallel_loop3A_176, %parallel_loop3A_178 : vector<16xf32>
      %parallel_loop3A_180 = arith.mulf %parallel_loop3A_179, %get3A_33 : vector<16xf32>
      %parallel_loop3A_181 = arith.addf %parallel_loop3A_174, %parallel_loop3A_180 : vector<16xf32>
      %parallel_loop3A_182 = arith.index_cast %parallel_loop3A_172 : i32 to index
      %parallel_loop3A_183 = tpu.vector_load %arg7[%parallel_loop3A_182] {strides = array<i32>} : memref<40960xf32, #tpu.memory_space<vmem>>, vector<16xf32>,
      tpu.vector_store %arg7[%parallel_loop3A_182], %parallel_loop3A_181 {strides = array<i32>} : memref<40960xf32, #tpu.memory_space<vmem>>, vector<16xf32>,
      %parallel_loop3A_184 = arith.index_cast %parallel_loop3A_172 : i32 to index
      %parallel_loop3A_185 = tpu.vector_load %arg8[%parallel_loop3A_184] {strides = array<i32>} : memref<40960xf32, #tpu.memory_space<vmem>>, vector<16xf32>,
      tpu.vector_store %arg8[%parallel_loop3A_184], %broadcast_in_dim3A_11 {strides = array<i32>} : memref<40960xf32, #tpu.memory_space<vmem>>, vector<16xf32>,
      %parallel_loop3A_186 = tpu.pack_subelements %parallel_loop3A_136, %parallel_loop3A_151 {pack_format = #tpu.pack_format<interleaved>, positions = array<i32: 0, 1>} : vector<16xf32>, vector<16xf32> -> vector<32xbf16>
      %parallel_loop3A_187 = vector.bitcast %parallel_loop3A_186 : vector<32xbf16> to vector<16xi32>
      %parallel_loop3A_188 = arith.constant 0 : i32
      %parallel_loop3A_189 = arith.addi %parallel_loop3A_188, %parallel_loop3A_125 : i32
      %parallel_loop3A_190 = arith.index_cast %parallel_loop3A_189 : i32 to index
      %parallel_loop3A_191 = tpu.vector_load %arg9[%parallel_loop3A_190] {strides = array<i32>} : memref<20480xi32, #tpu.memory_space<vmem>>, vector<16xi32>,
      tpu.vector_store %arg9[%parallel_loop3A_190], %parallel_loop3A_187 {strides = array<i32>} : memref<20480xi32, #tpu.memory_space<vmem>>, vector<16xi32>,
      %parallel_loop3A_192 = tpu.pack_subelements %parallel_loop3A_166, %parallel_loop3A_181 {pack_format = #tpu.pack_format<interleaved>, positions = array<i32: 0, 1>} : vector<16xf32>, vector<16xf32> -> vector<32xbf16>
      %parallel_loop3A_193 = vector.bitcast %parallel_loop3A_192 : vector<32xbf16> to vector<16xi32>
      %parallel_loop3A_194 = arith.constant 10240 : i32
      %parallel_loop3A_195 = arith.addi %parallel_loop3A_194, %parallel_loop3A_125 : i32
      %parallel_loop3A_196 = arith.index_cast %parallel_loop3A_195 : i32 to index
      %parallel_loop3A_197 = tpu.vector_load %arg9[%parallel_loop3A_196] {strides = array<i32>} : memref<20480xi32, #tpu.memory_space<vmem>>, vector<16xi32>,
      tpu.vector_store %arg9[%parallel_loop3A_196], %parallel_loop3A_193 {strides = array<i32>} : memref<20480xi32, #tpu.memory_space<vmem>>, vector<16xi32>,
    } {sc.loop_unroll_factor = 4 : i64, sc.parallel_access}
    %dma_start3A_37 = arith.constant 0 : i32
    %dma_start3A_38 = tpu.memref_slice %arg3[%dma_start3A_37] : memref<320000xi32, #tpu.memory_space<hbm>> -> memref<4000xi32, #tpu.memory_space<hbm>>
    %dma_start3A_39 = arith.constant 0 : i32
    %dma_start3A_40 = tpu.memref_slice %arg3[%dma_start3A_39] : memref<320000xi32, #tpu.memory_space<hbm>> -> memref<4000xi32, #tpu.memory_space<hbm>>
    tpu.enqueue_dma source(%dma_start3A_40 : memref<4000xi32, #tpu.memory_space<hbm>>) target(%arg10 : memref<4000xi32, #tpu.memory_space<vmem>>) target_semaphore(%arg15 : memref<!tpu.dma_semaphore, #tpu.memory_space<semaphore_mem>>)
    %dma_start3A_41 = arith.constant 0 : i32
    %dma_start3A_42 = tpu.memref_slice %arg4[%dma_start3A_41] : memref<320000xf32, #tpu.memory_space<hbm>> -> memref<4000xf32, #tpu.memory_space<hbm>>
    %dma_start3A_43 = arith.constant 0 : i32
    %dma_start3A_44 = tpu.memref_slice %arg4[%dma_start3A_43] : memref<320000xf32, #tpu.memory_space<hbm>> -> memref<4000xf32, #tpu.memory_space<hbm>>
    tpu.enqueue_dma source(%dma_start3A_44 : memref<4000xf32, #tpu.memory_space<hbm>>) target(%arg12 : memref<4000xf32, #tpu.memory_space<vmem>>) target_semaphore(%arg15 : memref<!tpu.dma_semaphore, #tpu.memory_space<semaphore_mem>>)
    %dma_start3A_45 = arith.constant 4000 : i32
    %dma_start3A_46 = tpu.memref_slice %arg3[%dma_start3A_45] : memref<320000xi32, #tpu.memory_space<hbm>> -> memref<4000xi32, #tpu.memory_space<hbm>>
    %dma_start3A_47 = arith.constant 4000 : i32
    %dma_start3A_48 = tpu.memref_slice %arg3[%dma_start3A_47] : memref<320000xi32, #tpu.memory_space<hbm>> -> memref<4000xi32, #tpu.memory_space<hbm>>
    tpu.enqueue_dma source(%dma_start3A_48 : memref<4000xi32, #tpu.memory_space<hbm>>) target(%arg11 : memref<4000xi32, #tpu.memory_space<vmem>>) target_semaphore(%arg16 : memref<!tpu.dma_semaphore, #tpu.memory_space<semaphore_mem>>)
    %dma_start3A_49 = arith.constant 4000 : i32
    %dma_start3A_50 = tpu.memref_slice %arg4[%dma_start3A_49] : memref<320000xf32, #tpu.memory_space<hbm>> -> memref<4000xf32, #tpu.memory_space<hbm>>
    %dma_start3A_51 = arith.constant 4000 : i32
    %dma_start3A_52 = tpu.memref_slice %arg4[%dma_start3A_51] : memref<320000xf32, #tpu.memory_space<hbm>> -> memref<4000xf32, #tpu.memory_space<hbm>>
    tpu.enqueue_dma source(%dma_start3A_52 : memref<4000xf32, #tpu.memory_space<hbm>>) target(%arg13 : memref<4000xf32, #tpu.memory_space<vmem>>) target_semaphore(%arg16 : memref<!tpu.dma_semaphore, #tpu.memory_space<semaphore_mem>>)
    %scan3A_53 = arith.constant 0 : i32
    %scan3A_54 = arith.constant 40 : i32
    %scan3A_55 = arith.addi %scan3A_53, %scan3A_54 : i32
    %scan3A_56 = arith.constant 1 : i32
    scf.for %scan3A_123 = %scan3A_53 to %scan3A_55 step %scan3A_56  : i32 {
      %mul3A_124 = arith.constant 2 : i32
      %mul3A_125 = arith.muli %scan3A_123, %mul3A_124 : i32
      %add3A_126 = arith.constant 0 : i32
      %add3A_127 = arith.addi %add3A_126, %mul3A_125 : i32
      %dma_wait3A = arith.constant 0 : i32
      %dma_wait3A_128 = tpu.memref_slice %arg3[%dma_wait3A] : memref<320000xi32, #tpu.memory_space<hbm>> -> memref<4000xi32, #tpu.memory_space<hbm>>
      %dma_wait3A_129 = arith.constant 0 : i32
      %dma_wait3A_130 = tpu.memref_slice %arg3[%dma_wait3A_129] : memref<320000xi32, #tpu.memory_space<hbm>> -> memref<4000xi32, #tpu.memory_space<hbm>>
      tpu.wait_dma2 semaphore(%arg15 : memref<!tpu.dma_semaphore, #tpu.memory_space<semaphore_mem>>) src(%dma_wait3A_130 : memref<4000xi32, #tpu.memory_space<hbm>>) dst(%arg10 : memref<4000xi32, #tpu.memory_space<vmem>>)
      %dma_wait3A_131 = arith.constant 0 : i32
      %dma_wait3A_132 = tpu.memref_slice %arg4[%dma_wait3A_131] : memref<320000xf32, #tpu.memory_space<hbm>> -> memref<4000xf32, #tpu.memory_space<hbm>>
      %dma_wait3A_133 = arith.constant 0 : i32
      %dma_wait3A_134 = tpu.memref_slice %arg4[%dma_wait3A_133] : memref<320000xf32, #tpu.memory_space<hbm>> -> memref<4000xf32, #tpu.memory_space<hbm>>
      tpu.wait_dma2 semaphore(%arg15 : memref<!tpu.dma_semaphore, #tpu.memory_space<semaphore_mem>>) src(%dma_wait3A_134 : memref<4000xf32, #tpu.memory_space<hbm>>) dst(%arg12 : memref<4000xf32, #tpu.memory_space<vmem>>)
      %parallel_loop3A_135 = arith.constant 0 : i32
      %parallel_loop3A_136 = arith.constant 250 : i32
      %parallel_loop3A_137 = arith.constant 1 : i32
      scf.for %parallel_loop3A_164 = %parallel_loop3A_135 to %parallel_loop3A_136 step %parallel_loop3A_137  : i32 {
        %parallel_loop3A_165 = arith.constant 16 : i32
        %parallel_loop3A_166 = arith.muli %parallel_loop3A_164, %parallel_loop3A_165 : i32
        %parallel_loop3A_167 = arith.index_cast %parallel_loop3A_166 : i32 to index
        %parallel_loop3A_168 = tpu.vector_load %arg10[%parallel_loop3A_167] {strides = array<i32>} : memref<4000xi32, #tpu.memory_space<vmem>>, vector<16xi32>,
        %parallel_loop3A_169 = arith.index_cast %parallel_loop3A_166 : i32 to index
        %parallel_loop3A_170 = tpu.vector_load %arg12[%parallel_loop3A_169] {strides = array<i32>} : memref<4000xf32, #tpu.memory_space<vmem>>, vector<16xf32>,
        %parallel_loop3A_171 = arith.constant 65535 : i32
        %parallel_loop3A_172 = vector.broadcast %parallel_loop3A_171 : i32 to vector<16xi32>
        %parallel_loop3A_173 = arith.andi %parallel_loop3A_168, %parallel_loop3A_172 : vector<16xi32>
        %parallel_loop3A_174 = arith.constant 16 : i32
        %parallel_loop3A_175 = vector.broadcast %parallel_loop3A_174 : i32 to vector<16xi32>
        %parallel_loop3A_176 = arith.shrui %parallel_loop3A_168, %parallel_loop3A_175 : vector<16xi32>
        %parallel_loop3A_177 = arith.constant 0 : i32
        %parallel_loop3A_178 = tpu.memref_slice %arg9[%parallel_loop3A_177] : memref<20480xi32, #tpu.memory_space<vmem>> -> memref<10240xi32, #tpu.memory_space<vmem>>
        %parallel_loop3A_179 = tpu.vector_load_idx %parallel_loop3A_178[%parallel_loop3A_173] : memref<10240xi32, #tpu.memory_space<vmem>>[vector<16xi32>], vector<16xi32>,
        %parallel_loop3A_180 = vector.bitcast %parallel_loop3A_179 : vector<16xi32> to vector<32xbf16>
        %parallel_loop3A_181 = tpu.unpack_subelements %parallel_loop3A_180, 0 {pack_format = #tpu.pack_format<interleaved>} : vector<32xbf16> -> vector<16xf32>
        %parallel_loop3A_182 = tpu.unpack_subelements %parallel_loop3A_180, 1 {pack_format = #tpu.pack_format<interleaved>} : vector<32xbf16> -> vector<16xf32>
        %parallel_loop3A_183 = arith.mulf %parallel_loop3A_181, %parallel_loop3A_170 : vector<16xf32>
        %parallel_loop3A_184 = arith.constant 0 : i32
        %parallel_loop3A_185 = tpu.memref_slice %arg8[%parallel_loop3A_184] : memref<40960xf32, #tpu.memory_space<vmem>> -> memref<10240xf32, #tpu.memory_space<vmem>>
        tpu.vector_store_idx %parallel_loop3A_185[%parallel_loop3A_176], %parallel_loop3A_183 {add = true} : memref<10240xf32, #tpu.memory_space<vmem>>[vector<16xi32>], vector<16xf32>,
        %parallel_loop3A_186 = arith.mulf %parallel_loop3A_182, %parallel_loop3A_170 : vector<16xf32>
        %parallel_loop3A_187 = arith.constant 10240 : i32
        %parallel_loop3A_188 = tpu.memref_slice %arg8[%parallel_loop3A_187] : memref<40960xf32, #tpu.memory_space<vmem>> -> memref<10240xf32, #tpu.memory_space<vmem>>
        tpu.vector_store_idx %parallel_loop3A_188[%parallel_loop3A_176], %parallel_loop3A_186 {add = true} : memref<10240xf32, #tpu.memory_space<vmem>>[vector<16xi32>], vector<16xf32>,
        %parallel_loop3A_189 = arith.constant 10240 : i32
        %parallel_loop3A_190 = tpu.memref_slice %arg9[%parallel_loop3A_189] : memref<20480xi32, #tpu.memory_space<vmem>> -> memref<10240xi32, #tpu.memory_space<vmem>>
        %parallel_loop3A_191 = tpu.vector_load_idx %parallel_loop3A_190[%parallel_loop3A_173] : memref<10240xi32, #tpu.memory_space<vmem>>[vector<16xi32>], vector<16xi32>,
        %parallel_loop3A_192 = vector.bitcast %parallel_loop3A_191 : vector<16xi32> to vector<32xbf16>
        %parallel_loop3A_193 = tpu.unpack_subelements %parallel_loop3A_192, 0 {pack_format = #tpu.pack_format<interleaved>} : vector<32xbf16> -> vector<16xf32>
        %parallel_loop3A_194 = tpu.unpack_subelements %parallel_loop3A_192, 1 {pack_format = #tpu.pack_format<interleaved>} : vector<32xbf16> -> vector<16xf32>
        %parallel_loop3A_195 = arith.mulf %parallel_loop3A_193, %parallel_loop3A_170 : vector<16xf32>
        %parallel_loop3A_196 = arith.constant 20480 : i32
        %parallel_loop3A_197 = tpu.memref_slice %arg8[%parallel_loop3A_196] : memref<40960xf32, #tpu.memory_space<vmem>> -> memref<10240xf32, #tpu.memory_space<vmem>>
        tpu.vector_store_idx %parallel_loop3A_197[%parallel_loop3A_176], %parallel_loop3A_195 {add = true} : memref<10240xf32, #tpu.memory_space<vmem>>[vector<16xi32>], vector<16xf32>,
        %parallel_loop3A_198 = arith.mulf %parallel_loop3A_194, %parallel_loop3A_170 : vector<16xf32>
        %parallel_loop3A_199 = arith.constant 30720 : i32
        %parallel_loop3A_200 = tpu.memref_slice %arg8[%parallel_loop3A_199] : memref<40960xf32, #tpu.memory_space<vmem>> -> memref<10240xf32, #tpu.memory_space<vmem>>
        tpu.vector_store_idx %parallel_loop3A_200[%parallel_loop3A_176], %parallel_loop3A_198 {add = true} : memref<10240xf32, #tpu.memory_space<vmem>>[vector<16xi32>], vector<16xf32>,
      } {sc.loop_unroll_factor = 4 : i64, sc.parallel_access}
      %add3A_138 = arith.constant 2 : i32
      %add3A_139 = arith.addi %add3A_127, %add3A_138 : i32
      %add3A_140 = arith.constant 0 : i32
      %add3A_141 = arith.addi %add3A_139, %add3A_140 : i32
      %lt3A = arith.constant 80 : i32
      %lt3A_142 = arith.cmpi slt, %add3A_141, %lt3A : i32
      %convert_element_type3A = arith.extui %lt3A_142 : i1 to i32
      %cond3A = arith.constant 0 : i32
      %cond3A_143 = arith.cmpi ne, %convert_element_type3A, %cond3A : i32
      scf.if %cond3A_143 {
        %mul3A_164 = arith.constant 4000 : i32
        %mul3A_165 = arith.muli %add3A_141, %mul3A_164 : i32
        %dma_start3A_166 = tpu.memref_slice %arg3[%mul3A_165] : memref<320000xi32, #tpu.memory_space<hbm>> -> memref<4000xi32, #tpu.memory_space<hbm>>
        %dma_start3A_167 = tpu.memref_slice %arg3[%mul3A_165] : memref<320000xi32, #tpu.memory_space<hbm>> -> memref<4000xi32, #tpu.memory_space<hbm>>
        tpu.enqueue_dma source(%dma_start3A_167 : memref<4000xi32, #tpu.memory_space<hbm>>) target(%arg10 : memref<4000xi32, #tpu.memory_space<vmem>>) target_semaphore(%arg15 : memref<!tpu.dma_semaphore, #tpu.memory_space<semaphore_mem>>)
        %dma_start3A_168 = tpu.memref_slice %arg4[%mul3A_165] : memref<320000xf32, #tpu.memory_space<hbm>> -> memref<4000xf32, #tpu.memory_space<hbm>>
        %dma_start3A_169 = tpu.memref_slice %arg4[%mul3A_165] : memref<320000xf32, #tpu.memory_space<hbm>> -> memref<4000xf32, #tpu.memory_space<hbm>>
        tpu.enqueue_dma source(%dma_start3A_169 : memref<4000xf32, #tpu.memory_space<hbm>>) target(%arg12 : memref<4000xf32, #tpu.memory_space<vmem>>) target_semaphore(%arg15 : memref<!tpu.dma_semaphore, #tpu.memory_space<semaphore_mem>>)
      } else {
      }
      %dma_wait3A_144 = arith.constant 0 : i32
      %dma_wait3A_145 = tpu.memref_slice %arg3[%dma_wait3A_144] : memref<320000xi32, #tpu.memory_space<hbm>> -> memref<4000xi32, #tpu.memory_space<hbm>>
      %dma_wait3A_146 = arith.constant 0 : i32
      %dma_wait3A_147 = tpu.memref_slice %arg3[%dma_wait3A_146] : memref<320000xi32, #tpu.memory_space<hbm>> -> memref<4000xi32, #tpu.memory_space<hbm>>
      tpu.wait_dma2 semaphore(%arg16 : memref<!tpu.dma_semaphore, #tpu.memory_space<semaphore_mem>>) src(%dma_wait3A_147 : memref<4000xi32, #tpu.memory_space<hbm>>) dst(%arg11 : memref<4000xi32, #tpu.memory_space<vmem>>)
      %dma_wait3A_148 = arith.constant 0 : i32
      %dma_wait3A_149 = tpu.memref_slice %arg4[%dma_wait3A_148] : memref<320000xf32, #tpu.memory_space<hbm>> -> memref<4000xf32, #tpu.memory_space<hbm>>
      %dma_wait3A_150 = arith.constant 0 : i32
      %dma_wait3A_151 = tpu.memref_slice %arg4[%dma_wait3A_150] : memref<320000xf32, #tpu.memory_space<hbm>> -> memref<4000xf32, #tpu.memory_space<hbm>>
      tpu.wait_dma2 semaphore(%arg16 : memref<!tpu.dma_semaphore, #tpu.memory_space<semaphore_mem>>) src(%dma_wait3A_151 : memref<4000xf32, #tpu.memory_space<hbm>>) dst(%arg13 : memref<4000xf32, #tpu.memory_space<vmem>>)
      %parallel_loop3A_152 = arith.constant 0 : i32
      %parallel_loop3A_153 = arith.constant 250 : i32
      %parallel_loop3A_154 = arith.constant 1 : i32
      scf.for %parallel_loop3A_164 = %parallel_loop3A_152 to %parallel_loop3A_153 step %parallel_loop3A_154  : i32 {
        %parallel_loop3A_165 = arith.constant 16 : i32
        %parallel_loop3A_166 = arith.muli %parallel_loop3A_164, %parallel_loop3A_165 : i32
        %parallel_loop3A_167 = arith.index_cast %parallel_loop3A_166 : i32 to index
        %parallel_loop3A_168 = tpu.vector_load %arg11[%parallel_loop3A_167] {strides = array<i32>} : memref<4000xi32, #tpu.memory_space<vmem>>, vector<16xi32>,
        %parallel_loop3A_169 = arith.index_cast %parallel_loop3A_166 : i32 to index
        %parallel_loop3A_170 = tpu.vector_load %arg13[%parallel_loop3A_169] {strides = array<i32>} : memref<4000xf32, #tpu.memory_space<vmem>>, vector<16xf32>,
        %parallel_loop3A_171 = arith.constant 65535 : i32
        %parallel_loop3A_172 = vector.broadcast %parallel_loop3A_171 : i32 to vector<16xi32>
        %parallel_loop3A_173 = arith.andi %parallel_loop3A_168, %parallel_loop3A_172 : vector<16xi32>
        %parallel_loop3A_174 = arith.constant 16 : i32
        %parallel_loop3A_175 = vector.broadcast %parallel_loop3A_174 : i32 to vector<16xi32>
        %parallel_loop3A_176 = arith.shrui %parallel_loop3A_168, %parallel_loop3A_175 : vector<16xi32>
        %parallel_loop3A_177 = arith.constant 0 : i32
        %parallel_loop3A_178 = tpu.memref_slice %arg9[%parallel_loop3A_177] : memref<20480xi32, #tpu.memory_space<vmem>> -> memref<10240xi32, #tpu.memory_space<vmem>>
        %parallel_loop3A_179 = tpu.vector_load_idx %parallel_loop3A_178[%parallel_loop3A_173] : memref<10240xi32, #tpu.memory_space<vmem>>[vector<16xi32>], vector<16xi32>,
        %parallel_loop3A_180 = vector.bitcast %parallel_loop3A_179 : vector<16xi32> to vector<32xbf16>
        %parallel_loop3A_181 = tpu.unpack_subelements %parallel_loop3A_180, 0 {pack_format = #tpu.pack_format<interleaved>} : vector<32xbf16> -> vector<16xf32>
        %parallel_loop3A_182 = tpu.unpack_subelements %parallel_loop3A_180, 1 {pack_format = #tpu.pack_format<interleaved>} : vector<32xbf16> -> vector<16xf32>
        %parallel_loop3A_183 = arith.mulf %parallel_loop3A_181, %parallel_loop3A_170 : vector<16xf32>
        %parallel_loop3A_184 = arith.constant 0 : i32
        %parallel_loop3A_185 = tpu.memref_slice %arg8[%parallel_loop3A_184] : memref<40960xf32, #tpu.memory_space<vmem>> -> memref<10240xf32, #tpu.memory_space<vmem>>
        tpu.vector_store_idx %parallel_loop3A_185[%parallel_loop3A_176], %parallel_loop3A_183 {add = true} : memref<10240xf32, #tpu.memory_space<vmem>>[vector<16xi32>], vector<16xf32>,
        %parallel_loop3A_186 = arith.mulf %parallel_loop3A_182, %parallel_loop3A_170 : vector<16xf32>
        %parallel_loop3A_187 = arith.constant 10240 : i32
        %parallel_loop3A_188 = tpu.memref_slice %arg8[%parallel_loop3A_187] : memref<40960xf32, #tpu.memory_space<vmem>> -> memref<10240xf32, #tpu.memory_space<vmem>>
        tpu.vector_store_idx %parallel_loop3A_188[%parallel_loop3A_176], %parallel_loop3A_186 {add = true} : memref<10240xf32, #tpu.memory_space<vmem>>[vector<16xi32>], vector<16xf32>,
        %parallel_loop3A_189 = arith.constant 10240 : i32
        %parallel_loop3A_190 = tpu.memref_slice %arg9[%parallel_loop3A_189] : memref<20480xi32, #tpu.memory_space<vmem>> -> memref<10240xi32, #tpu.memory_space<vmem>>
        %parallel_loop3A_191 = tpu.vector_load_idx %parallel_loop3A_190[%parallel_loop3A_173] : memref<10240xi32, #tpu.memory_space<vmem>>[vector<16xi32>], vector<16xi32>,
        %parallel_loop3A_192 = vector.bitcast %parallel_loop3A_191 : vector<16xi32> to vector<32xbf16>
        %parallel_loop3A_193 = tpu.unpack_subelements %parallel_loop3A_192, 0 {pack_format = #tpu.pack_format<interleaved>} : vector<32xbf16> -> vector<16xf32>
        %parallel_loop3A_194 = tpu.unpack_subelements %parallel_loop3A_192, 1 {pack_format = #tpu.pack_format<interleaved>} : vector<32xbf16> -> vector<16xf32>
        %parallel_loop3A_195 = arith.mulf %parallel_loop3A_193, %parallel_loop3A_170 : vector<16xf32>
        %parallel_loop3A_196 = arith.constant 20480 : i32
        %parallel_loop3A_197 = tpu.memref_slice %arg8[%parallel_loop3A_196] : memref<40960xf32, #tpu.memory_space<vmem>> -> memref<10240xf32, #tpu.memory_space<vmem>>
        tpu.vector_store_idx %parallel_loop3A_197[%parallel_loop3A_176], %parallel_loop3A_195 {add = true} : memref<10240xf32, #tpu.memory_space<vmem>>[vector<16xi32>], vector<16xf32>,
        %parallel_loop3A_198 = arith.mulf %parallel_loop3A_194, %parallel_loop3A_170 : vector<16xf32>
        %parallel_loop3A_199 = arith.constant 30720 : i32
        %parallel_loop3A_200 = tpu.memref_slice %arg8[%parallel_loop3A_199] : memref<40960xf32, #tpu.memory_space<vmem>> -> memref<10240xf32, #tpu.memory_space<vmem>>
        tpu.vector_store_idx %parallel_loop3A_200[%parallel_loop3A_176], %parallel_loop3A_198 {add = true} : memref<10240xf32, #tpu.memory_space<vmem>>[vector<16xi32>], vector<16xf32>,
      } {sc.loop_unroll_factor = 4 : i64, sc.parallel_access}
      %add3A_155 = arith.constant 2 : i32
      %add3A_156 = arith.addi %add3A_127, %add3A_155 : i32
      %add3A_157 = arith.constant 1 : i32
      %add3A_158 = arith.addi %add3A_156, %add3A_157 : i32
      %lt3A_159 = arith.constant 80 : i32
      %lt3A_160 = arith.cmpi slt, %add3A_158, %lt3A_159 : i32
      %convert_element_type3A_161 = arith.extui %lt3A_160 : i1 to i32
      %cond3A_162 = arith.constant 0 : i32
      %cond3A_163 = arith.cmpi ne, %convert_element_type3A_161, %cond3A_162 : i32
      scf.if %cond3A_163 {
        %mul3A_164 = arith.constant 4000 : i32
        %mul3A_165 = arith.muli %add3A_158, %mul3A_164 : i32
        %dma_start3A_166 = tpu.memref_slice %arg3[%mul3A_165] : memref<320000xi32, #tpu.memory_space<hbm>> -> memref<4000xi32, #tpu.memory_space<hbm>>
        %dma_start3A_167 = tpu.memref_slice %arg3[%mul3A_165] : memref<320000xi32, #tpu.memory_space<hbm>> -> memref<4000xi32, #tpu.memory_space<hbm>>
        tpu.enqueue_dma source(%dma_start3A_167 : memref<4000xi32, #tpu.memory_space<hbm>>) target(%arg11 : memref<4000xi32, #tpu.memory_space<vmem>>) target_semaphore(%arg16 : memref<!tpu.dma_semaphore, #tpu.memory_space<semaphore_mem>>)
        %dma_start3A_168 = tpu.memref_slice %arg4[%mul3A_165] : memref<320000xf32, #tpu.memory_space<hbm>> -> memref<4000xf32, #tpu.memory_space<hbm>>
        %dma_start3A_169 = tpu.memref_slice %arg4[%mul3A_165] : memref<320000xf32, #tpu.memory_space<hbm>> -> memref<4000xf32, #tpu.memory_space<hbm>>
        tpu.enqueue_dma source(%dma_start3A_169 : memref<4000xf32, #tpu.memory_space<hbm>>) target(%arg13 : memref<4000xf32, #tpu.memory_space<vmem>>) target_semaphore(%arg16 : memref<!tpu.dma_semaphore, #tpu.memory_space<semaphore_mem>>)
      } else {
      }
    }
    %scan3A_57 = arith.constant 40 : i32
    %get3A_58 = arith.constant 16 : index
    %get3A_59 = tpu.vector_load %arg14[%get3A_58] {strides = array<i32>} : memref<64xf32, #tpu.memory_space<vmem>>, vector<16xf32>,
    %parallel_loop3A_60 = arith.constant 0 : i32
    %parallel_loop3A_61 = arith.constant 640 : i32
    %parallel_loop3A_62 = arith.constant 1 : i32
    scf.for %parallel_loop3A_123 = %parallel_loop3A_60 to %parallel_loop3A_61 step %parallel_loop3A_62  : i32 {
      %parallel_loop3A_124 = arith.constant 16 : i32
      %parallel_loop3A_125 = arith.muli %parallel_loop3A_123, %parallel_loop3A_124 : i32
      %parallel_loop3A_126 = arith.constant 0 : i32
      %parallel_loop3A_127 = arith.addi %parallel_loop3A_126, %parallel_loop3A_125 : i32
      %parallel_loop3A_128 = arith.index_cast %parallel_loop3A_127 : i32 to index
      %parallel_loop3A_129 = tpu.vector_load %arg7[%parallel_loop3A_128] {strides = array<i32>} : memref<40960xf32, #tpu.memory_space<vmem>>, vector<16xf32>,
      %parallel_loop3A_130 = arith.index_cast %parallel_loop3A_127 : i32 to index
      %parallel_loop3A_131 = tpu.vector_load %arg8[%parallel_loop3A_130] {strides = array<i32>} : memref<40960xf32, #tpu.memory_space<vmem>>, vector<16xf32>,
      %parallel_loop3A_132 = arith.constant 0.000000e+00 : f32
      %parallel_loop3A_133 = vector.broadcast %parallel_loop3A_132 : f32 to vector<16xf32>
      %parallel_loop3A_134 = arith.maximumf %parallel_loop3A_131, %parallel_loop3A_133 : vector<16xf32>
      %parallel_loop3A_135 = arith.mulf %parallel_loop3A_134, %get3A_59 : vector<16xf32>
      %parallel_loop3A_136 = arith.addf %parallel_loop3A_129, %parallel_loop3A_135 : vector<16xf32>
      %parallel_loop3A_137 = arith.index_cast %parallel_loop3A_127 : i32 to index
      %parallel_loop3A_138 = tpu.vector_load %arg7[%parallel_loop3A_137] {strides = array<i32>} : memref<40960xf32, #tpu.memory_space<vmem>>, vector<16xf32>,
      tpu.vector_store %arg7[%parallel_loop3A_137], %parallel_loop3A_136 {strides = array<i32>} : memref<40960xf32, #tpu.memory_space<vmem>>, vector<16xf32>,
      %parallel_loop3A_139 = arith.index_cast %parallel_loop3A_127 : i32 to index
      %parallel_loop3A_140 = tpu.vector_load %arg8[%parallel_loop3A_139] {strides = array<i32>} : memref<40960xf32, #tpu.memory_space<vmem>>, vector<16xf32>,
      tpu.vector_store %arg8[%parallel_loop3A_139], %broadcast_in_dim3A_11 {strides = array<i32>} : memref<40960xf32, #tpu.memory_space<vmem>>, vector<16xf32>,
      %parallel_loop3A_141 = arith.constant 10240 : i32
      %parallel_loop3A_142 = arith.addi %parallel_loop3A_141, %parallel_loop3A_125 : i32
      %parallel_loop3A_143 = arith.index_cast %parallel_loop3A_142 : i32 to index
      %parallel_loop3A_144 = tpu.vector_load %arg7[%parallel_loop3A_143] {strides = array<i32>} : memref<40960xf32, #tpu.memory_space<vmem>>, vector<16xf32>,
      %parallel_loop3A_145 = arith.index_cast %parallel_loop3A_142 : i32 to index
      %parallel_loop3A_146 = tpu.vector_load %arg8[%parallel_loop3A_145] {strides = array<i32>} : memref<40960xf32, #tpu.memory_space<vmem>>, vector<16xf32>,
      %parallel_loop3A_147 = arith.constant 0.000000e+00 : f32
      %parallel_loop3A_148 = vector.broadcast %parallel_loop3A_147 : f32 to vector<16xf32>
      %parallel_loop3A_149 = arith.maximumf %parallel_loop3A_146, %parallel_loop3A_148 : vector<16xf32>
      %parallel_loop3A_150 = arith.mulf %parallel_loop3A_149, %get3A_59 : vector<16xf32>
      %parallel_loop3A_151 = arith.addf %parallel_loop3A_144, %parallel_loop3A_150 : vector<16xf32>
      %parallel_loop3A_152 = arith.index_cast %parallel_loop3A_142 : i32 to index
      %parallel_loop3A_153 = tpu.vector_load %arg7[%parallel_loop3A_152] {strides = array<i32>} : memref<40960xf32, #tpu.memory_space<vmem>>, vector<16xf32>,
      tpu.vector_store %arg7[%parallel_loop3A_152], %parallel_loop3A_151 {strides = array<i32>} : memref<40960xf32, #tpu.memory_space<vmem>>, vector<16xf32>,
      %parallel_loop3A_154 = arith.index_cast %parallel_loop3A_142 : i32 to index
      %parallel_loop3A_155 = tpu.vector_load %arg8[%parallel_loop3A_154] {strides = array<i32>} : memref<40960xf32, #tpu.memory_space<vmem>>, vector<16xf32>,
      tpu.vector_store %arg8[%parallel_loop3A_154], %broadcast_in_dim3A_11 {strides = array<i32>} : memref<40960xf32, #tpu.memory_space<vmem>>, vector<16xf32>,
      %parallel_loop3A_156 = arith.constant 20480 : i32
      %parallel_loop3A_157 = arith.addi %parallel_loop3A_156, %parallel_loop3A_125 : i32
      %parallel_loop3A_158 = arith.index_cast %parallel_loop3A_157 : i32 to index
      %parallel_loop3A_159 = tpu.vector_load %arg7[%parallel_loop3A_158] {strides = array<i32>} : memref<40960xf32, #tpu.memory_space<vmem>>, vector<16xf32>,
      %parallel_loop3A_160 = arith.index_cast %parallel_loop3A_157 : i32 to index
      %parallel_loop3A_161 = tpu.vector_load %arg8[%parallel_loop3A_160] {strides = array<i32>} : memref<40960xf32, #tpu.memory_space<vmem>>, vector<16xf32>,
      %parallel_loop3A_162 = arith.constant 0.000000e+00 : f32
      %parallel_loop3A_163 = vector.broadcast %parallel_loop3A_162 : f32 to vector<16xf32>
      %parallel_loop3A_164 = arith.maximumf %parallel_loop3A_161, %parallel_loop3A_163 : vector<16xf32>
      %parallel_loop3A_165 = arith.mulf %parallel_loop3A_164, %get3A_59 : vector<16xf32>
      %parallel_loop3A_166 = arith.addf %parallel_loop3A_159, %parallel_loop3A_165 : vector<16xf32>
      %parallel_loop3A_167 = arith.index_cast %parallel_loop3A_157 : i32 to index
      %parallel_loop3A_168 = tpu.vector_load %arg7[%parallel_loop3A_167] {strides = array<i32>} : memref<40960xf32, #tpu.memory_space<vmem>>, vector<16xf32>,
      tpu.vector_store %arg7[%parallel_loop3A_167], %parallel_loop3A_166 {strides = array<i32>} : memref<40960xf32, #tpu.memory_space<vmem>>, vector<16xf32>,
      %parallel_loop3A_169 = arith.index_cast %parallel_loop3A_157 : i32 to index
      %parallel_loop3A_170 = tpu.vector_load %arg8[%parallel_loop3A_169] {strides = array<i32>} : memref<40960xf32, #tpu.memory_space<vmem>>, vector<16xf32>,
      tpu.vector_store %arg8[%parallel_loop3A_169], %broadcast_in_dim3A_11 {strides = array<i32>} : memref<40960xf32, #tpu.memory_space<vmem>>, vector<16xf32>,
      %parallel_loop3A_171 = arith.constant 30720 : i32
      %parallel_loop3A_172 = arith.addi %parallel_loop3A_171, %parallel_loop3A_125 : i32
      %parallel_loop3A_173 = arith.index_cast %parallel_loop3A_172 : i32 to index
      %parallel_loop3A_174 = tpu.vector_load %arg7[%parallel_loop3A_173] {strides = array<i32>} : memref<40960xf32, #tpu.memory_space<vmem>>, vector<16xf32>,
      %parallel_loop3A_175 = arith.index_cast %parallel_loop3A_172 : i32 to index
      %parallel_loop3A_176 = tpu.vector_load %arg8[%parallel_loop3A_175] {strides = array<i32>} : memref<40960xf32, #tpu.memory_space<vmem>>, vector<16xf32>,
      %parallel_loop3A_177 = arith.constant 0.000000e+00 : f32
      %parallel_loop3A_178 = vector.broadcast %parallel_loop3A_177 : f32 to vector<16xf32>
      %parallel_loop3A_179 = arith.maximumf %parallel_loop3A_176, %parallel_loop3A_178 : vector<16xf32>
      %parallel_loop3A_180 = arith.mulf %parallel_loop3A_179, %get3A_59 : vector<16xf32>
      %parallel_loop3A_181 = arith.addf %parallel_loop3A_174, %parallel_loop3A_180 : vector<16xf32>
      %parallel_loop3A_182 = arith.index_cast %parallel_loop3A_172 : i32 to index
      %parallel_loop3A_183 = tpu.vector_load %arg7[%parallel_loop3A_182] {strides = array<i32>} : memref<40960xf32, #tpu.memory_space<vmem>>, vector<16xf32>,
      tpu.vector_store %arg7[%parallel_loop3A_182], %parallel_loop3A_181 {strides = array<i32>} : memref<40960xf32, #tpu.memory_space<vmem>>, vector<16xf32>,
      %parallel_loop3A_184 = arith.index_cast %parallel_loop3A_172 : i32 to index
      %parallel_loop3A_185 = tpu.vector_load %arg8[%parallel_loop3A_184] {strides = array<i32>} : memref<40960xf32, #tpu.memory_space<vmem>>, vector<16xf32>,
      tpu.vector_store %arg8[%parallel_loop3A_184], %broadcast_in_dim3A_11 {strides = array<i32>} : memref<40960xf32, #tpu.memory_space<vmem>>, vector<16xf32>,
      %parallel_loop3A_186 = tpu.pack_subelements %parallel_loop3A_136, %parallel_loop3A_151 {pack_format = #tpu.pack_format<interleaved>, positions = array<i32: 0, 1>} : vector<16xf32>, vector<16xf32> -> vector<32xbf16>
      %parallel_loop3A_187 = vector.bitcast %parallel_loop3A_186 : vector<32xbf16> to vector<16xi32>
      %parallel_loop3A_188 = arith.constant 0 : i32
      %parallel_loop3A_189 = arith.addi %parallel_loop3A_188, %parallel_loop3A_125 : i32
      %parallel_loop3A_190 = arith.index_cast %parallel_loop3A_189 : i32 to index
      %parallel_loop3A_191 = tpu.vector_load %arg9[%parallel_loop3A_190] {strides = array<i32>} : memref<20480xi32, #tpu.memory_space<vmem>>, vector<16xi32>,
      tpu.vector_store %arg9[%parallel_loop3A_190], %parallel_loop3A_187 {strides = array<i32>} : memref<20480xi32, #tpu.memory_space<vmem>>, vector<16xi32>,
      %parallel_loop3A_192 = tpu.pack_subelements %parallel_loop3A_166, %parallel_loop3A_181 {pack_format = #tpu.pack_format<interleaved>, positions = array<i32: 0, 1>} : vector<16xf32>, vector<16xf32> -> vector<32xbf16>
      %parallel_loop3A_193 = vector.bitcast %parallel_loop3A_192 : vector<32xbf16> to vector<16xi32>
      %parallel_loop3A_194 = arith.constant 10240 : i32
      %parallel_loop3A_195 = arith.addi %parallel_loop3A_194, %parallel_loop3A_125 : i32
      %parallel_loop3A_196 = arith.index_cast %parallel_loop3A_195 : i32 to index
      %parallel_loop3A_197 = tpu.vector_load %arg9[%parallel_loop3A_196] {strides = array<i32>} : memref<20480xi32, #tpu.memory_space<vmem>>, vector<16xi32>,
      tpu.vector_store %arg9[%parallel_loop3A_196], %parallel_loop3A_193 {strides = array<i32>} : memref<20480xi32, #tpu.memory_space<vmem>>, vector<16xi32>,
    } {sc.loop_unroll_factor = 4 : i64, sc.parallel_access}
    %dma_start3A_63 = arith.constant 0 : i32
    %dma_start3A_64 = tpu.memref_slice %arg3[%dma_start3A_63] : memref<320000xi32, #tpu.memory_space<hbm>> -> memref<4000xi32, #tpu.memory_space<hbm>>
    %dma_start3A_65 = arith.constant 0 : i32
    %dma_start3A_66 = tpu.memref_slice %arg3[%dma_start3A_65] : memref<320000xi32, #tpu.memory_space<hbm>> -> memref<4000xi32, #tpu.memory_space<hbm>>
    tpu.enqueue_dma source(%dma_start3A_66 : memref<4000xi32, #tpu.memory_space<hbm>>) target(%arg10 : memref<4000xi32, #tpu.memory_space<vmem>>) target_semaphore(%arg15 : memref<!tpu.dma_semaphore, #tpu.memory_space<semaphore_mem>>)
    %dma_start3A_67 = arith.constant 0 : i32
    %dma_start3A_68 = tpu.memref_slice %arg4[%dma_start3A_67] : memref<320000xf32, #tpu.memory_space<hbm>> -> memref<4000xf32, #tpu.memory_space<hbm>>
    %dma_start3A_69 = arith.constant 0 : i32
    %dma_start3A_70 = tpu.memref_slice %arg4[%dma_start3A_69] : memref<320000xf32, #tpu.memory_space<hbm>> -> memref<4000xf32, #tpu.memory_space<hbm>>
    tpu.enqueue_dma source(%dma_start3A_70 : memref<4000xf32, #tpu.memory_space<hbm>>) target(%arg12 : memref<4000xf32, #tpu.memory_space<vmem>>) target_semaphore(%arg15 : memref<!tpu.dma_semaphore, #tpu.memory_space<semaphore_mem>>)
    %dma_start3A_71 = arith.constant 4000 : i32
    %dma_start3A_72 = tpu.memref_slice %arg3[%dma_start3A_71] : memref<320000xi32, #tpu.memory_space<hbm>> -> memref<4000xi32, #tpu.memory_space<hbm>>
    %dma_start3A_73 = arith.constant 4000 : i32
    %dma_start3A_74 = tpu.memref_slice %arg3[%dma_start3A_73] : memref<320000xi32, #tpu.memory_space<hbm>> -> memref<4000xi32, #tpu.memory_space<hbm>>
    tpu.enqueue_dma source(%dma_start3A_74 : memref<4000xi32, #tpu.memory_space<hbm>>) target(%arg11 : memref<4000xi32, #tpu.memory_space<vmem>>) target_semaphore(%arg16 : memref<!tpu.dma_semaphore, #tpu.memory_space<semaphore_mem>>)
    %dma_start3A_75 = arith.constant 4000 : i32
    %dma_start3A_76 = tpu.memref_slice %arg4[%dma_start3A_75] : memref<320000xf32, #tpu.memory_space<hbm>> -> memref<4000xf32, #tpu.memory_space<hbm>>
    %dma_start3A_77 = arith.constant 4000 : i32
    %dma_start3A_78 = tpu.memref_slice %arg4[%dma_start3A_77] : memref<320000xf32, #tpu.memory_space<hbm>> -> memref<4000xf32, #tpu.memory_space<hbm>>
    tpu.enqueue_dma source(%dma_start3A_78 : memref<4000xf32, #tpu.memory_space<hbm>>) target(%arg13 : memref<4000xf32, #tpu.memory_space<vmem>>) target_semaphore(%arg16 : memref<!tpu.dma_semaphore, #tpu.memory_space<semaphore_mem>>)
    %scan3A_79 = arith.constant 0 : i32
    %scan3A_80 = arith.constant 40 : i32
    %scan3A_81 = arith.addi %scan3A_79, %scan3A_80 : i32
    %scan3A_82 = arith.constant 1 : i32
    scf.for %scan3A_123 = %scan3A_79 to %scan3A_81 step %scan3A_82  : i32 {
      %mul3A_124 = arith.constant 2 : i32
      %mul3A_125 = arith.muli %scan3A_123, %mul3A_124 : i32
      %add3A_126 = arith.constant 0 : i32
      %add3A_127 = arith.addi %add3A_126, %mul3A_125 : i32
      %dma_wait3A = arith.constant 0 : i32
      %dma_wait3A_128 = tpu.memref_slice %arg3[%dma_wait3A] : memref<320000xi32, #tpu.memory_space<hbm>> -> memref<4000xi32, #tpu.memory_space<hbm>>
      %dma_wait3A_129 = arith.constant 0 : i32
      %dma_wait3A_130 = tpu.memref_slice %arg3[%dma_wait3A_129] : memref<320000xi32, #tpu.memory_space<hbm>> -> memref<4000xi32, #tpu.memory_space<hbm>>
      tpu.wait_dma2 semaphore(%arg15 : memref<!tpu.dma_semaphore, #tpu.memory_space<semaphore_mem>>) src(%dma_wait3A_130 : memref<4000xi32, #tpu.memory_space<hbm>>) dst(%arg10 : memref<4000xi32, #tpu.memory_space<vmem>>)
      %dma_wait3A_131 = arith.constant 0 : i32
      %dma_wait3A_132 = tpu.memref_slice %arg4[%dma_wait3A_131] : memref<320000xf32, #tpu.memory_space<hbm>> -> memref<4000xf32, #tpu.memory_space<hbm>>
      %dma_wait3A_133 = arith.constant 0 : i32
      %dma_wait3A_134 = tpu.memref_slice %arg4[%dma_wait3A_133] : memref<320000xf32, #tpu.memory_space<hbm>> -> memref<4000xf32, #tpu.memory_space<hbm>>
      tpu.wait_dma2 semaphore(%arg15 : memref<!tpu.dma_semaphore, #tpu.memory_space<semaphore_mem>>) src(%dma_wait3A_134 : memref<4000xf32, #tpu.memory_space<hbm>>) dst(%arg12 : memref<4000xf32, #tpu.memory_space<vmem>>)
      %parallel_loop3A_135 = arith.constant 0 : i32
      %parallel_loop3A_136 = arith.constant 250 : i32
      %parallel_loop3A_137 = arith.constant 1 : i32
      scf.for %parallel_loop3A_164 = %parallel_loop3A_135 to %parallel_loop3A_136 step %parallel_loop3A_137  : i32 {
        %parallel_loop3A_165 = arith.constant 16 : i32
        %parallel_loop3A_166 = arith.muli %parallel_loop3A_164, %parallel_loop3A_165 : i32
        %parallel_loop3A_167 = arith.index_cast %parallel_loop3A_166 : i32 to index
        %parallel_loop3A_168 = tpu.vector_load %arg10[%parallel_loop3A_167] {strides = array<i32>} : memref<4000xi32, #tpu.memory_space<vmem>>, vector<16xi32>,
        %parallel_loop3A_169 = arith.index_cast %parallel_loop3A_166 : i32 to index
        %parallel_loop3A_170 = tpu.vector_load %arg12[%parallel_loop3A_169] {strides = array<i32>} : memref<4000xf32, #tpu.memory_space<vmem>>, vector<16xf32>,
        %parallel_loop3A_171 = arith.constant 65535 : i32
        %parallel_loop3A_172 = vector.broadcast %parallel_loop3A_171 : i32 to vector<16xi32>
        %parallel_loop3A_173 = arith.andi %parallel_loop3A_168, %parallel_loop3A_172 : vector<16xi32>
        %parallel_loop3A_174 = arith.constant 16 : i32
        %parallel_loop3A_175 = vector.broadcast %parallel_loop3A_174 : i32 to vector<16xi32>
        %parallel_loop3A_176 = arith.shrui %parallel_loop3A_168, %parallel_loop3A_175 : vector<16xi32>
        %parallel_loop3A_177 = arith.constant 0 : i32
        %parallel_loop3A_178 = tpu.memref_slice %arg9[%parallel_loop3A_177] : memref<20480xi32, #tpu.memory_space<vmem>> -> memref<10240xi32, #tpu.memory_space<vmem>>
        %parallel_loop3A_179 = tpu.vector_load_idx %parallel_loop3A_178[%parallel_loop3A_173] : memref<10240xi32, #tpu.memory_space<vmem>>[vector<16xi32>], vector<16xi32>,
        %parallel_loop3A_180 = vector.bitcast %parallel_loop3A_179 : vector<16xi32> to vector<32xbf16>
        %parallel_loop3A_181 = tpu.unpack_subelements %parallel_loop3A_180, 0 {pack_format = #tpu.pack_format<interleaved>} : vector<32xbf16> -> vector<16xf32>
        %parallel_loop3A_182 = tpu.unpack_subelements %parallel_loop3A_180, 1 {pack_format = #tpu.pack_format<interleaved>} : vector<32xbf16> -> vector<16xf32>
        %parallel_loop3A_183 = arith.mulf %parallel_loop3A_181, %parallel_loop3A_170 : vector<16xf32>
        %parallel_loop3A_184 = arith.constant 0 : i32
        %parallel_loop3A_185 = tpu.memref_slice %arg8[%parallel_loop3A_184] : memref<40960xf32, #tpu.memory_space<vmem>> -> memref<10240xf32, #tpu.memory_space<vmem>>
        tpu.vector_store_idx %parallel_loop3A_185[%parallel_loop3A_176], %parallel_loop3A_183 {add = true} : memref<10240xf32, #tpu.memory_space<vmem>>[vector<16xi32>], vector<16xf32>,
        %parallel_loop3A_186 = arith.mulf %parallel_loop3A_182, %parallel_loop3A_170 : vector<16xf32>
        %parallel_loop3A_187 = arith.constant 10240 : i32
        %parallel_loop3A_188 = tpu.memref_slice %arg8[%parallel_loop3A_187] : memref<40960xf32, #tpu.memory_space<vmem>> -> memref<10240xf32, #tpu.memory_space<vmem>>
        tpu.vector_store_idx %parallel_loop3A_188[%parallel_loop3A_176], %parallel_loop3A_186 {add = true} : memref<10240xf32, #tpu.memory_space<vmem>>[vector<16xi32>], vector<16xf32>,
        %parallel_loop3A_189 = arith.constant 10240 : i32
        %parallel_loop3A_190 = tpu.memref_slice %arg9[%parallel_loop3A_189] : memref<20480xi32, #tpu.memory_space<vmem>> -> memref<10240xi32, #tpu.memory_space<vmem>>
        %parallel_loop3A_191 = tpu.vector_load_idx %parallel_loop3A_190[%parallel_loop3A_173] : memref<10240xi32, #tpu.memory_space<vmem>>[vector<16xi32>], vector<16xi32>,
        %parallel_loop3A_192 = vector.bitcast %parallel_loop3A_191 : vector<16xi32> to vector<32xbf16>
        %parallel_loop3A_193 = tpu.unpack_subelements %parallel_loop3A_192, 0 {pack_format = #tpu.pack_format<interleaved>} : vector<32xbf16> -> vector<16xf32>
        %parallel_loop3A_194 = tpu.unpack_subelements %parallel_loop3A_192, 1 {pack_format = #tpu.pack_format<interleaved>} : vector<32xbf16> -> vector<16xf32>
        %parallel_loop3A_195 = arith.mulf %parallel_loop3A_193, %parallel_loop3A_170 : vector<16xf32>
        %parallel_loop3A_196 = arith.constant 20480 : i32
        %parallel_loop3A_197 = tpu.memref_slice %arg8[%parallel_loop3A_196] : memref<40960xf32, #tpu.memory_space<vmem>> -> memref<10240xf32, #tpu.memory_space<vmem>>
        tpu.vector_store_idx %parallel_loop3A_197[%parallel_loop3A_176], %parallel_loop3A_195 {add = true} : memref<10240xf32, #tpu.memory_space<vmem>>[vector<16xi32>], vector<16xf32>,
        %parallel_loop3A_198 = arith.mulf %parallel_loop3A_194, %parallel_loop3A_170 : vector<16xf32>
        %parallel_loop3A_199 = arith.constant 30720 : i32
        %parallel_loop3A_200 = tpu.memref_slice %arg8[%parallel_loop3A_199] : memref<40960xf32, #tpu.memory_space<vmem>> -> memref<10240xf32, #tpu.memory_space<vmem>>
        tpu.vector_store_idx %parallel_loop3A_200[%parallel_loop3A_176], %parallel_loop3A_198 {add = true} : memref<10240xf32, #tpu.memory_space<vmem>>[vector<16xi32>], vector<16xf32>,
      } {sc.loop_unroll_factor = 4 : i64, sc.parallel_access}
      %add3A_138 = arith.constant 2 : i32
      %add3A_139 = arith.addi %add3A_127, %add3A_138 : i32
      %add3A_140 = arith.constant 0 : i32
      %add3A_141 = arith.addi %add3A_139, %add3A_140 : i32
      %lt3A = arith.constant 80 : i32
      %lt3A_142 = arith.cmpi slt, %add3A_141, %lt3A : i32
      %convert_element_type3A = arith.extui %lt3A_142 : i1 to i32
      %cond3A = arith.constant 0 : i32
      %cond3A_143 = arith.cmpi ne, %convert_element_type3A, %cond3A : i32
      scf.if %cond3A_143 {
        %mul3A_164 = arith.constant 4000 : i32
        %mul3A_165 = arith.muli %add3A_141, %mul3A_164 : i32
        %dma_start3A_166 = tpu.memref_slice %arg3[%mul3A_165] : memref<320000xi32, #tpu.memory_space<hbm>> -> memref<4000xi32, #tpu.memory_space<hbm>>
        %dma_start3A_167 = tpu.memref_slice %arg3[%mul3A_165] : memref<320000xi32, #tpu.memory_space<hbm>> -> memref<4000xi32, #tpu.memory_space<hbm>>
        tpu.enqueue_dma source(%dma_start3A_167 : memref<4000xi32, #tpu.memory_space<hbm>>) target(%arg10 : memref<4000xi32, #tpu.memory_space<vmem>>) target_semaphore(%arg15 : memref<!tpu.dma_semaphore, #tpu.memory_space<semaphore_mem>>)
        %dma_start3A_168 = tpu.memref_slice %arg4[%mul3A_165] : memref<320000xf32, #tpu.memory_space<hbm>> -> memref<4000xf32, #tpu.memory_space<hbm>>
        %dma_start3A_169 = tpu.memref_slice %arg4[%mul3A_165] : memref<320000xf32, #tpu.memory_space<hbm>> -> memref<4000xf32, #tpu.memory_space<hbm>>
        tpu.enqueue_dma source(%dma_start3A_169 : memref<4000xf32, #tpu.memory_space<hbm>>) target(%arg12 : memref<4000xf32, #tpu.memory_space<vmem>>) target_semaphore(%arg15 : memref<!tpu.dma_semaphore, #tpu.memory_space<semaphore_mem>>)
      } else {
      }
      %dma_wait3A_144 = arith.constant 0 : i32
      %dma_wait3A_145 = tpu.memref_slice %arg3[%dma_wait3A_144] : memref<320000xi32, #tpu.memory_space<hbm>> -> memref<4000xi32, #tpu.memory_space<hbm>>
      %dma_wait3A_146 = arith.constant 0 : i32
      %dma_wait3A_147 = tpu.memref_slice %arg3[%dma_wait3A_146] : memref<320000xi32, #tpu.memory_space<hbm>> -> memref<4000xi32, #tpu.memory_space<hbm>>
      tpu.wait_dma2 semaphore(%arg16 : memref<!tpu.dma_semaphore, #tpu.memory_space<semaphore_mem>>) src(%dma_wait3A_147 : memref<4000xi32, #tpu.memory_space<hbm>>) dst(%arg11 : memref<4000xi32, #tpu.memory_space<vmem>>)
      %dma_wait3A_148 = arith.constant 0 : i32
      %dma_wait3A_149 = tpu.memref_slice %arg4[%dma_wait3A_148] : memref<320000xf32, #tpu.memory_space<hbm>> -> memref<4000xf32, #tpu.memory_space<hbm>>
      %dma_wait3A_150 = arith.constant 0 : i32
      %dma_wait3A_151 = tpu.memref_slice %arg4[%dma_wait3A_150] : memref<320000xf32, #tpu.memory_space<hbm>> -> memref<4000xf32, #tpu.memory_space<hbm>>
      tpu.wait_dma2 semaphore(%arg16 : memref<!tpu.dma_semaphore, #tpu.memory_space<semaphore_mem>>) src(%dma_wait3A_151 : memref<4000xf32, #tpu.memory_space<hbm>>) dst(%arg13 : memref<4000xf32, #tpu.memory_space<vmem>>)
      %parallel_loop3A_152 = arith.constant 0 : i32
      %parallel_loop3A_153 = arith.constant 250 : i32
      %parallel_loop3A_154 = arith.constant 1 : i32
      scf.for %parallel_loop3A_164 = %parallel_loop3A_152 to %parallel_loop3A_153 step %parallel_loop3A_154  : i32 {
        %parallel_loop3A_165 = arith.constant 16 : i32
        %parallel_loop3A_166 = arith.muli %parallel_loop3A_164, %parallel_loop3A_165 : i32
        %parallel_loop3A_167 = arith.index_cast %parallel_loop3A_166 : i32 to index
        %parallel_loop3A_168 = tpu.vector_load %arg11[%parallel_loop3A_167] {strides = array<i32>} : memref<4000xi32, #tpu.memory_space<vmem>>, vector<16xi32>,
        %parallel_loop3A_169 = arith.index_cast %parallel_loop3A_166 : i32 to index
        %parallel_loop3A_170 = tpu.vector_load %arg13[%parallel_loop3A_169] {strides = array<i32>} : memref<4000xf32, #tpu.memory_space<vmem>>, vector<16xf32>,
        %parallel_loop3A_171 = arith.constant 65535 : i32
        %parallel_loop3A_172 = vector.broadcast %parallel_loop3A_171 : i32 to vector<16xi32>
        %parallel_loop3A_173 = arith.andi %parallel_loop3A_168, %parallel_loop3A_172 : vector<16xi32>
        %parallel_loop3A_174 = arith.constant 16 : i32
        %parallel_loop3A_175 = vector.broadcast %parallel_loop3A_174 : i32 to vector<16xi32>
        %parallel_loop3A_176 = arith.shrui %parallel_loop3A_168, %parallel_loop3A_175 : vector<16xi32>
        %parallel_loop3A_177 = arith.constant 0 : i32
        %parallel_loop3A_178 = tpu.memref_slice %arg9[%parallel_loop3A_177] : memref<20480xi32, #tpu.memory_space<vmem>> -> memref<10240xi32, #tpu.memory_space<vmem>>
        %parallel_loop3A_179 = tpu.vector_load_idx %parallel_loop3A_178[%parallel_loop3A_173] : memref<10240xi32, #tpu.memory_space<vmem>>[vector<16xi32>], vector<16xi32>,
        %parallel_loop3A_180 = vector.bitcast %parallel_loop3A_179 : vector<16xi32> to vector<32xbf16>
        %parallel_loop3A_181 = tpu.unpack_subelements %parallel_loop3A_180, 0 {pack_format = #tpu.pack_format<interleaved>} : vector<32xbf16> -> vector<16xf32>
        %parallel_loop3A_182 = tpu.unpack_subelements %parallel_loop3A_180, 1 {pack_format = #tpu.pack_format<interleaved>} : vector<32xbf16> -> vector<16xf32>
        %parallel_loop3A_183 = arith.mulf %parallel_loop3A_181, %parallel_loop3A_170 : vector<16xf32>
        %parallel_loop3A_184 = arith.constant 0 : i32
        %parallel_loop3A_185 = tpu.memref_slice %arg8[%parallel_loop3A_184] : memref<40960xf32, #tpu.memory_space<vmem>> -> memref<10240xf32, #tpu.memory_space<vmem>>
        tpu.vector_store_idx %parallel_loop3A_185[%parallel_loop3A_176], %parallel_loop3A_183 {add = true} : memref<10240xf32, #tpu.memory_space<vmem>>[vector<16xi32>], vector<16xf32>,
        %parallel_loop3A_186 = arith.mulf %parallel_loop3A_182, %parallel_loop3A_170 : vector<16xf32>
        %parallel_loop3A_187 = arith.constant 10240 : i32
        %parallel_loop3A_188 = tpu.memref_slice %arg8[%parallel_loop3A_187] : memref<40960xf32, #tpu.memory_space<vmem>> -> memref<10240xf32, #tpu.memory_space<vmem>>
        tpu.vector_store_idx %parallel_loop3A_188[%parallel_loop3A_176], %parallel_loop3A_186 {add = true} : memref<10240xf32, #tpu.memory_space<vmem>>[vector<16xi32>], vector<16xf32>,
        %parallel_loop3A_189 = arith.constant 10240 : i32
        %parallel_loop3A_190 = tpu.memref_slice %arg9[%parallel_loop3A_189] : memref<20480xi32, #tpu.memory_space<vmem>> -> memref<10240xi32, #tpu.memory_space<vmem>>
        %parallel_loop3A_191 = tpu.vector_load_idx %parallel_loop3A_190[%parallel_loop3A_173] : memref<10240xi32, #tpu.memory_space<vmem>>[vector<16xi32>], vector<16xi32>,
        %parallel_loop3A_192 = vector.bitcast %parallel_loop3A_191 : vector<16xi32> to vector<32xbf16>
        %parallel_loop3A_193 = tpu.unpack_subelements %parallel_loop3A_192, 0 {pack_format = #tpu.pack_format<interleaved>} : vector<32xbf16> -> vector<16xf32>
        %parallel_loop3A_194 = tpu.unpack_subelements %parallel_loop3A_192, 1 {pack_format = #tpu.pack_format<interleaved>} : vector<32xbf16> -> vector<16xf32>
        %parallel_loop3A_195 = arith.mulf %parallel_loop3A_193, %parallel_loop3A_170 : vector<16xf32>
        %parallel_loop3A_196 = arith.constant 20480 : i32
        %parallel_loop3A_197 = tpu.memref_slice %arg8[%parallel_loop3A_196] : memref<40960xf32, #tpu.memory_space<vmem>> -> memref<10240xf32, #tpu.memory_space<vmem>>
        tpu.vector_store_idx %parallel_loop3A_197[%parallel_loop3A_176], %parallel_loop3A_195 {add = true} : memref<10240xf32, #tpu.memory_space<vmem>>[vector<16xi32>], vector<16xf32>,
        %parallel_loop3A_198 = arith.mulf %parallel_loop3A_194, %parallel_loop3A_170 : vector<16xf32>
        %parallel_loop3A_199 = arith.constant 30720 : i32
        %parallel_loop3A_200 = tpu.memref_slice %arg8[%parallel_loop3A_199] : memref<40960xf32, #tpu.memory_space<vmem>> -> memref<10240xf32, #tpu.memory_space<vmem>>
        tpu.vector_store_idx %parallel_loop3A_200[%parallel_loop3A_176], %parallel_loop3A_198 {add = true} : memref<10240xf32, #tpu.memory_space<vmem>>[vector<16xi32>], vector<16xf32>,
      } {sc.loop_unroll_factor = 4 : i64, sc.parallel_access}
      %add3A_155 = arith.constant 2 : i32
      %add3A_156 = arith.addi %add3A_127, %add3A_155 : i32
      %add3A_157 = arith.constant 1 : i32
      %add3A_158 = arith.addi %add3A_156, %add3A_157 : i32
      %lt3A_159 = arith.constant 80 : i32
      %lt3A_160 = arith.cmpi slt, %add3A_158, %lt3A_159 : i32
      %convert_element_type3A_161 = arith.extui %lt3A_160 : i1 to i32
      %cond3A_162 = arith.constant 0 : i32
      %cond3A_163 = arith.cmpi ne, %convert_element_type3A_161, %cond3A_162 : i32
      scf.if %cond3A_163 {
        %mul3A_164 = arith.constant 4000 : i32
        %mul3A_165 = arith.muli %add3A_158, %mul3A_164 : i32
        %dma_start3A_166 = tpu.memref_slice %arg3[%mul3A_165] : memref<320000xi32, #tpu.memory_space<hbm>> -> memref<4000xi32, #tpu.memory_space<hbm>>
        %dma_start3A_167 = tpu.memref_slice %arg3[%mul3A_165] : memref<320000xi32, #tpu.memory_space<hbm>> -> memref<4000xi32, #tpu.memory_space<hbm>>
        tpu.enqueue_dma source(%dma_start3A_167 : memref<4000xi32, #tpu.memory_space<hbm>>) target(%arg11 : memref<4000xi32, #tpu.memory_space<vmem>>) target_semaphore(%arg16 : memref<!tpu.dma_semaphore, #tpu.memory_space<semaphore_mem>>)
        %dma_start3A_168 = tpu.memref_slice %arg4[%mul3A_165] : memref<320000xf32, #tpu.memory_space<hbm>> -> memref<4000xf32, #tpu.memory_space<hbm>>
        %dma_start3A_169 = tpu.memref_slice %arg4[%mul3A_165] : memref<320000xf32, #tpu.memory_space<hbm>> -> memref<4000xf32, #tpu.memory_space<hbm>>
        tpu.enqueue_dma source(%dma_start3A_169 : memref<4000xf32, #tpu.memory_space<hbm>>) target(%arg13 : memref<4000xf32, #tpu.memory_space<vmem>>) target_semaphore(%arg16 : memref<!tpu.dma_semaphore, #tpu.memory_space<semaphore_mem>>)
      } else {
      }
    }
    %scan3A_83 = arith.constant 40 : i32
    %get3A_84 = arith.constant 32 : index
    %get3A_85 = tpu.vector_load %arg14[%get3A_84] {strides = array<i32>} : memref<64xf32, #tpu.memory_space<vmem>>, vector<16xf32>,
    %parallel_loop3A_86 = arith.constant 0 : i32
    %parallel_loop3A_87 = arith.constant 640 : i32
    %parallel_loop3A_88 = arith.constant 1 : i32
    scf.for %parallel_loop3A_123 = %parallel_loop3A_86 to %parallel_loop3A_87 step %parallel_loop3A_88  : i32 {
      %parallel_loop3A_124 = arith.constant 16 : i32
      %parallel_loop3A_125 = arith.muli %parallel_loop3A_123, %parallel_loop3A_124 : i32
      %parallel_loop3A_126 = arith.constant 0 : i32
      %parallel_loop3A_127 = arith.addi %parallel_loop3A_126, %parallel_loop3A_125 : i32
      %parallel_loop3A_128 = arith.index_cast %parallel_loop3A_127 : i32 to index
      %parallel_loop3A_129 = tpu.vector_load %arg7[%parallel_loop3A_128] {strides = array<i32>} : memref<40960xf32, #tpu.memory_space<vmem>>, vector<16xf32>,
      %parallel_loop3A_130 = arith.index_cast %parallel_loop3A_127 : i32 to index
      %parallel_loop3A_131 = tpu.vector_load %arg8[%parallel_loop3A_130] {strides = array<i32>} : memref<40960xf32, #tpu.memory_space<vmem>>, vector<16xf32>,
      %parallel_loop3A_132 = arith.constant 0.000000e+00 : f32
      %parallel_loop3A_133 = vector.broadcast %parallel_loop3A_132 : f32 to vector<16xf32>
      %parallel_loop3A_134 = arith.maximumf %parallel_loop3A_131, %parallel_loop3A_133 : vector<16xf32>
      %parallel_loop3A_135 = arith.mulf %parallel_loop3A_134, %get3A_85 : vector<16xf32>
      %parallel_loop3A_136 = arith.addf %parallel_loop3A_129, %parallel_loop3A_135 : vector<16xf32>
      %parallel_loop3A_137 = arith.index_cast %parallel_loop3A_127 : i32 to index
      %parallel_loop3A_138 = tpu.vector_load %arg7[%parallel_loop3A_137] {strides = array<i32>} : memref<40960xf32, #tpu.memory_space<vmem>>, vector<16xf32>,
      tpu.vector_store %arg7[%parallel_loop3A_137], %parallel_loop3A_136 {strides = array<i32>} : memref<40960xf32, #tpu.memory_space<vmem>>, vector<16xf32>,
      %parallel_loop3A_139 = arith.index_cast %parallel_loop3A_127 : i32 to index
      %parallel_loop3A_140 = tpu.vector_load %arg8[%parallel_loop3A_139] {strides = array<i32>} : memref<40960xf32, #tpu.memory_space<vmem>>, vector<16xf32>,
      tpu.vector_store %arg8[%parallel_loop3A_139], %broadcast_in_dim3A_11 {strides = array<i32>} : memref<40960xf32, #tpu.memory_space<vmem>>, vector<16xf32>,
      %parallel_loop3A_141 = arith.constant 10240 : i32
      %parallel_loop3A_142 = arith.addi %parallel_loop3A_141, %parallel_loop3A_125 : i32
      %parallel_loop3A_143 = arith.index_cast %parallel_loop3A_142 : i32 to index
      %parallel_loop3A_144 = tpu.vector_load %arg7[%parallel_loop3A_143] {strides = array<i32>} : memref<40960xf32, #tpu.memory_space<vmem>>, vector<16xf32>,
      %parallel_loop3A_145 = arith.index_cast %parallel_loop3A_142 : i32 to index
      %parallel_loop3A_146 = tpu.vector_load %arg8[%parallel_loop3A_145] {strides = array<i32>} : memref<40960xf32, #tpu.memory_space<vmem>>, vector<16xf32>,
      %parallel_loop3A_147 = arith.constant 0.000000e+00 : f32
      %parallel_loop3A_148 = vector.broadcast %parallel_loop3A_147 : f32 to vector<16xf32>
      %parallel_loop3A_149 = arith.maximumf %parallel_loop3A_146, %parallel_loop3A_148 : vector<16xf32>
      %parallel_loop3A_150 = arith.mulf %parallel_loop3A_149, %get3A_85 : vector<16xf32>
      %parallel_loop3A_151 = arith.addf %parallel_loop3A_144, %parallel_loop3A_150 : vector<16xf32>
      %parallel_loop3A_152 = arith.index_cast %parallel_loop3A_142 : i32 to index
      %parallel_loop3A_153 = tpu.vector_load %arg7[%parallel_loop3A_152] {strides = array<i32>} : memref<40960xf32, #tpu.memory_space<vmem>>, vector<16xf32>,
      tpu.vector_store %arg7[%parallel_loop3A_152], %parallel_loop3A_151 {strides = array<i32>} : memref<40960xf32, #tpu.memory_space<vmem>>, vector<16xf32>,
      %parallel_loop3A_154 = arith.index_cast %parallel_loop3A_142 : i32 to index
      %parallel_loop3A_155 = tpu.vector_load %arg8[%parallel_loop3A_154] {strides = array<i32>} : memref<40960xf32, #tpu.memory_space<vmem>>, vector<16xf32>,
      tpu.vector_store %arg8[%parallel_loop3A_154], %broadcast_in_dim3A_11 {strides = array<i32>} : memref<40960xf32, #tpu.memory_space<vmem>>, vector<16xf32>,
      %parallel_loop3A_156 = arith.constant 20480 : i32
      %parallel_loop3A_157 = arith.addi %parallel_loop3A_156, %parallel_loop3A_125 : i32
      %parallel_loop3A_158 = arith.index_cast %parallel_loop3A_157 : i32 to index
      %parallel_loop3A_159 = tpu.vector_load %arg7[%parallel_loop3A_158] {strides = array<i32>} : memref<40960xf32, #tpu.memory_space<vmem>>, vector<16xf32>,
      %parallel_loop3A_160 = arith.index_cast %parallel_loop3A_157 : i32 to index
      %parallel_loop3A_161 = tpu.vector_load %arg8[%parallel_loop3A_160] {strides = array<i32>} : memref<40960xf32, #tpu.memory_space<vmem>>, vector<16xf32>,
      %parallel_loop3A_162 = arith.constant 0.000000e+00 : f32
      %parallel_loop3A_163 = vector.broadcast %parallel_loop3A_162 : f32 to vector<16xf32>
      %parallel_loop3A_164 = arith.maximumf %parallel_loop3A_161, %parallel_loop3A_163 : vector<16xf32>
      %parallel_loop3A_165 = arith.mulf %parallel_loop3A_164, %get3A_85 : vector<16xf32>
      %parallel_loop3A_166 = arith.addf %parallel_loop3A_159, %parallel_loop3A_165 : vector<16xf32>
      %parallel_loop3A_167 = arith.index_cast %parallel_loop3A_157 : i32 to index
      %parallel_loop3A_168 = tpu.vector_load %arg7[%parallel_loop3A_167] {strides = array<i32>} : memref<40960xf32, #tpu.memory_space<vmem>>, vector<16xf32>,
      tpu.vector_store %arg7[%parallel_loop3A_167], %parallel_loop3A_166 {strides = array<i32>} : memref<40960xf32, #tpu.memory_space<vmem>>, vector<16xf32>,
      %parallel_loop3A_169 = arith.index_cast %parallel_loop3A_157 : i32 to index
      %parallel_loop3A_170 = tpu.vector_load %arg8[%parallel_loop3A_169] {strides = array<i32>} : memref<40960xf32, #tpu.memory_space<vmem>>, vector<16xf32>,
      tpu.vector_store %arg8[%parallel_loop3A_169], %broadcast_in_dim3A_11 {strides = array<i32>} : memref<40960xf32, #tpu.memory_space<vmem>>, vector<16xf32>,
      %parallel_loop3A_171 = arith.constant 30720 : i32
      %parallel_loop3A_172 = arith.addi %parallel_loop3A_171, %parallel_loop3A_125 : i32
      %parallel_loop3A_173 = arith.index_cast %parallel_loop3A_172 : i32 to index
      %parallel_loop3A_174 = tpu.vector_load %arg7[%parallel_loop3A_173] {strides = array<i32>} : memref<40960xf32, #tpu.memory_space<vmem>>, vector<16xf32>,
      %parallel_loop3A_175 = arith.index_cast %parallel_loop3A_172 : i32 to index
      %parallel_loop3A_176 = tpu.vector_load %arg8[%parallel_loop3A_175] {strides = array<i32>} : memref<40960xf32, #tpu.memory_space<vmem>>, vector<16xf32>,
      %parallel_loop3A_177 = arith.constant 0.000000e+00 : f32
      %parallel_loop3A_178 = vector.broadcast %parallel_loop3A_177 : f32 to vector<16xf32>
      %parallel_loop3A_179 = arith.maximumf %parallel_loop3A_176, %parallel_loop3A_178 : vector<16xf32>
      %parallel_loop3A_180 = arith.mulf %parallel_loop3A_179, %get3A_85 : vector<16xf32>
      %parallel_loop3A_181 = arith.addf %parallel_loop3A_174, %parallel_loop3A_180 : vector<16xf32>
      %parallel_loop3A_182 = arith.index_cast %parallel_loop3A_172 : i32 to index
      %parallel_loop3A_183 = tpu.vector_load %arg7[%parallel_loop3A_182] {strides = array<i32>} : memref<40960xf32, #tpu.memory_space<vmem>>, vector<16xf32>,
      tpu.vector_store %arg7[%parallel_loop3A_182], %parallel_loop3A_181 {strides = array<i32>} : memref<40960xf32, #tpu.memory_space<vmem>>, vector<16xf32>,
      %parallel_loop3A_184 = arith.index_cast %parallel_loop3A_172 : i32 to index
      %parallel_loop3A_185 = tpu.vector_load %arg8[%parallel_loop3A_184] {strides = array<i32>} : memref<40960xf32, #tpu.memory_space<vmem>>, vector<16xf32>,
      tpu.vector_store %arg8[%parallel_loop3A_184], %broadcast_in_dim3A_11 {strides = array<i32>} : memref<40960xf32, #tpu.memory_space<vmem>>, vector<16xf32>,
      %parallel_loop3A_186 = tpu.pack_subelements %parallel_loop3A_136, %parallel_loop3A_151 {pack_format = #tpu.pack_format<interleaved>, positions = array<i32: 0, 1>} : vector<16xf32>, vector<16xf32> -> vector<32xbf16>
      %parallel_loop3A_187 = vector.bitcast %parallel_loop3A_186 : vector<32xbf16> to vector<16xi32>
      %parallel_loop3A_188 = arith.constant 0 : i32
      %parallel_loop3A_189 = arith.addi %parallel_loop3A_188, %parallel_loop3A_125 : i32
      %parallel_loop3A_190 = arith.index_cast %parallel_loop3A_189 : i32 to index
      %parallel_loop3A_191 = tpu.vector_load %arg9[%parallel_loop3A_190] {strides = array<i32>} : memref<20480xi32, #tpu.memory_space<vmem>>, vector<16xi32>,
      tpu.vector_store %arg9[%parallel_loop3A_190], %parallel_loop3A_187 {strides = array<i32>} : memref<20480xi32, #tpu.memory_space<vmem>>, vector<16xi32>,
      %parallel_loop3A_192 = tpu.pack_subelements %parallel_loop3A_166, %parallel_loop3A_181 {pack_format = #tpu.pack_format<interleaved>, positions = array<i32: 0, 1>} : vector<16xf32>, vector<16xf32> -> vector<32xbf16>
      %parallel_loop3A_193 = vector.bitcast %parallel_loop3A_192 : vector<32xbf16> to vector<16xi32>
      %parallel_loop3A_194 = arith.constant 10240 : i32
      %parallel_loop3A_195 = arith.addi %parallel_loop3A_194, %parallel_loop3A_125 : i32
      %parallel_loop3A_196 = arith.index_cast %parallel_loop3A_195 : i32 to index
      %parallel_loop3A_197 = tpu.vector_load %arg9[%parallel_loop3A_196] {strides = array<i32>} : memref<20480xi32, #tpu.memory_space<vmem>>, vector<16xi32>,
      tpu.vector_store %arg9[%parallel_loop3A_196], %parallel_loop3A_193 {strides = array<i32>} : memref<20480xi32, #tpu.memory_space<vmem>>, vector<16xi32>,
    } {sc.loop_unroll_factor = 4 : i64, sc.parallel_access}
    %dma_start3A_89 = arith.constant 0 : i32
    %dma_start3A_90 = tpu.memref_slice %arg3[%dma_start3A_89] : memref<320000xi32, #tpu.memory_space<hbm>> -> memref<4000xi32, #tpu.memory_space<hbm>>
    %dma_start3A_91 = arith.constant 0 : i32
    %dma_start3A_92 = tpu.memref_slice %arg3[%dma_start3A_91] : memref<320000xi32, #tpu.memory_space<hbm>> -> memref<4000xi32, #tpu.memory_space<hbm>>
    tpu.enqueue_dma source(%dma_start3A_92 : memref<4000xi32, #tpu.memory_space<hbm>>) target(%arg10 : memref<4000xi32, #tpu.memory_space<vmem>>) target_semaphore(%arg15 : memref<!tpu.dma_semaphore, #tpu.memory_space<semaphore_mem>>)
    %dma_start3A_93 = arith.constant 0 : i32
    %dma_start3A_94 = tpu.memref_slice %arg4[%dma_start3A_93] : memref<320000xf32, #tpu.memory_space<hbm>> -> memref<4000xf32, #tpu.memory_space<hbm>>
    %dma_start3A_95 = arith.constant 0 : i32
    %dma_start3A_96 = tpu.memref_slice %arg4[%dma_start3A_95] : memref<320000xf32, #tpu.memory_space<hbm>> -> memref<4000xf32, #tpu.memory_space<hbm>>
    tpu.enqueue_dma source(%dma_start3A_96 : memref<4000xf32, #tpu.memory_space<hbm>>) target(%arg12 : memref<4000xf32, #tpu.memory_space<vmem>>) target_semaphore(%arg15 : memref<!tpu.dma_semaphore, #tpu.memory_space<semaphore_mem>>)
    %dma_start3A_97 = arith.constant 4000 : i32
    %dma_start3A_98 = tpu.memref_slice %arg3[%dma_start3A_97] : memref<320000xi32, #tpu.memory_space<hbm>> -> memref<4000xi32, #tpu.memory_space<hbm>>
    %dma_start3A_99 = arith.constant 4000 : i32
    %dma_start3A_100 = tpu.memref_slice %arg3[%dma_start3A_99] : memref<320000xi32, #tpu.memory_space<hbm>> -> memref<4000xi32, #tpu.memory_space<hbm>>
    tpu.enqueue_dma source(%dma_start3A_100 : memref<4000xi32, #tpu.memory_space<hbm>>) target(%arg11 : memref<4000xi32, #tpu.memory_space<vmem>>) target_semaphore(%arg16 : memref<!tpu.dma_semaphore, #tpu.memory_space<semaphore_mem>>)
    %dma_start3A_101 = arith.constant 4000 : i32
    %dma_start3A_102 = tpu.memref_slice %arg4[%dma_start3A_101] : memref<320000xf32, #tpu.memory_space<hbm>> -> memref<4000xf32, #tpu.memory_space<hbm>>
    %dma_start3A_103 = arith.constant 4000 : i32
    %dma_start3A_104 = tpu.memref_slice %arg4[%dma_start3A_103] : memref<320000xf32, #tpu.memory_space<hbm>> -> memref<4000xf32, #tpu.memory_space<hbm>>
    tpu.enqueue_dma source(%dma_start3A_104 : memref<4000xf32, #tpu.memory_space<hbm>>) target(%arg13 : memref<4000xf32, #tpu.memory_space<vmem>>) target_semaphore(%arg16 : memref<!tpu.dma_semaphore, #tpu.memory_space<semaphore_mem>>)
    %scan3A_105 = arith.constant 0 : i32
    %scan3A_106 = arith.constant 40 : i32
    %scan3A_107 = arith.addi %scan3A_105, %scan3A_106 : i32
    %scan3A_108 = arith.constant 1 : i32
    scf.for %scan3A_123 = %scan3A_105 to %scan3A_107 step %scan3A_108  : i32 {
      %mul3A_124 = arith.constant 2 : i32
      %mul3A_125 = arith.muli %scan3A_123, %mul3A_124 : i32
      %add3A_126 = arith.constant 0 : i32
      %add3A_127 = arith.addi %add3A_126, %mul3A_125 : i32
      %dma_wait3A = arith.constant 0 : i32
      %dma_wait3A_128 = tpu.memref_slice %arg3[%dma_wait3A] : memref<320000xi32, #tpu.memory_space<hbm>> -> memref<4000xi32, #tpu.memory_space<hbm>>
      %dma_wait3A_129 = arith.constant 0 : i32
      %dma_wait3A_130 = tpu.memref_slice %arg3[%dma_wait3A_129] : memref<320000xi32, #tpu.memory_space<hbm>> -> memref<4000xi32, #tpu.memory_space<hbm>>
      tpu.wait_dma2 semaphore(%arg15 : memref<!tpu.dma_semaphore, #tpu.memory_space<semaphore_mem>>) src(%dma_wait3A_130 : memref<4000xi32, #tpu.memory_space<hbm>>) dst(%arg10 : memref<4000xi32, #tpu.memory_space<vmem>>)
      %dma_wait3A_131 = arith.constant 0 : i32
      %dma_wait3A_132 = tpu.memref_slice %arg4[%dma_wait3A_131] : memref<320000xf32, #tpu.memory_space<hbm>> -> memref<4000xf32, #tpu.memory_space<hbm>>
      %dma_wait3A_133 = arith.constant 0 : i32
      %dma_wait3A_134 = tpu.memref_slice %arg4[%dma_wait3A_133] : memref<320000xf32, #tpu.memory_space<hbm>> -> memref<4000xf32, #tpu.memory_space<hbm>>
      tpu.wait_dma2 semaphore(%arg15 : memref<!tpu.dma_semaphore, #tpu.memory_space<semaphore_mem>>) src(%dma_wait3A_134 : memref<4000xf32, #tpu.memory_space<hbm>>) dst(%arg12 : memref<4000xf32, #tpu.memory_space<vmem>>)
      %parallel_loop3A_135 = arith.constant 0 : i32
      %parallel_loop3A_136 = arith.constant 250 : i32
      %parallel_loop3A_137 = arith.constant 1 : i32
      scf.for %parallel_loop3A_164 = %parallel_loop3A_135 to %parallel_loop3A_136 step %parallel_loop3A_137  : i32 {
        %parallel_loop3A_165 = arith.constant 16 : i32
        %parallel_loop3A_166 = arith.muli %parallel_loop3A_164, %parallel_loop3A_165 : i32
        %parallel_loop3A_167 = arith.index_cast %parallel_loop3A_166 : i32 to index
        %parallel_loop3A_168 = tpu.vector_load %arg10[%parallel_loop3A_167] {strides = array<i32>} : memref<4000xi32, #tpu.memory_space<vmem>>, vector<16xi32>,
        %parallel_loop3A_169 = arith.index_cast %parallel_loop3A_166 : i32 to index
        %parallel_loop3A_170 = tpu.vector_load %arg12[%parallel_loop3A_169] {strides = array<i32>} : memref<4000xf32, #tpu.memory_space<vmem>>, vector<16xf32>,
        %parallel_loop3A_171 = arith.constant 65535 : i32
        %parallel_loop3A_172 = vector.broadcast %parallel_loop3A_171 : i32 to vector<16xi32>
        %parallel_loop3A_173 = arith.andi %parallel_loop3A_168, %parallel_loop3A_172 : vector<16xi32>
        %parallel_loop3A_174 = arith.constant 16 : i32
        %parallel_loop3A_175 = vector.broadcast %parallel_loop3A_174 : i32 to vector<16xi32>
        %parallel_loop3A_176 = arith.shrui %parallel_loop3A_168, %parallel_loop3A_175 : vector<16xi32>
        %parallel_loop3A_177 = arith.constant 0 : i32
        %parallel_loop3A_178 = tpu.memref_slice %arg9[%parallel_loop3A_177] : memref<20480xi32, #tpu.memory_space<vmem>> -> memref<10240xi32, #tpu.memory_space<vmem>>
        %parallel_loop3A_179 = tpu.vector_load_idx %parallel_loop3A_178[%parallel_loop3A_173] : memref<10240xi32, #tpu.memory_space<vmem>>[vector<16xi32>], vector<16xi32>,
        %parallel_loop3A_180 = vector.bitcast %parallel_loop3A_179 : vector<16xi32> to vector<32xbf16>
        %parallel_loop3A_181 = tpu.unpack_subelements %parallel_loop3A_180, 0 {pack_format = #tpu.pack_format<interleaved>} : vector<32xbf16> -> vector<16xf32>
        %parallel_loop3A_182 = tpu.unpack_subelements %parallel_loop3A_180, 1 {pack_format = #tpu.pack_format<interleaved>} : vector<32xbf16> -> vector<16xf32>
        %parallel_loop3A_183 = arith.mulf %parallel_loop3A_181, %parallel_loop3A_170 : vector<16xf32>
        %parallel_loop3A_184 = arith.constant 0 : i32
        %parallel_loop3A_185 = tpu.memref_slice %arg8[%parallel_loop3A_184] : memref<40960xf32, #tpu.memory_space<vmem>> -> memref<10240xf32, #tpu.memory_space<vmem>>
        tpu.vector_store_idx %parallel_loop3A_185[%parallel_loop3A_176], %parallel_loop3A_183 {add = true} : memref<10240xf32, #tpu.memory_space<vmem>>[vector<16xi32>], vector<16xf32>,
        %parallel_loop3A_186 = arith.mulf %parallel_loop3A_182, %parallel_loop3A_170 : vector<16xf32>
        %parallel_loop3A_187 = arith.constant 10240 : i32
        %parallel_loop3A_188 = tpu.memref_slice %arg8[%parallel_loop3A_187] : memref<40960xf32, #tpu.memory_space<vmem>> -> memref<10240xf32, #tpu.memory_space<vmem>>
        tpu.vector_store_idx %parallel_loop3A_188[%parallel_loop3A_176], %parallel_loop3A_186 {add = true} : memref<10240xf32, #tpu.memory_space<vmem>>[vector<16xi32>], vector<16xf32>,
        %parallel_loop3A_189 = arith.constant 10240 : i32
        %parallel_loop3A_190 = tpu.memref_slice %arg9[%parallel_loop3A_189] : memref<20480xi32, #tpu.memory_space<vmem>> -> memref<10240xi32, #tpu.memory_space<vmem>>
        %parallel_loop3A_191 = tpu.vector_load_idx %parallel_loop3A_190[%parallel_loop3A_173] : memref<10240xi32, #tpu.memory_space<vmem>>[vector<16xi32>], vector<16xi32>,
        %parallel_loop3A_192 = vector.bitcast %parallel_loop3A_191 : vector<16xi32> to vector<32xbf16>
        %parallel_loop3A_193 = tpu.unpack_subelements %parallel_loop3A_192, 0 {pack_format = #tpu.pack_format<interleaved>} : vector<32xbf16> -> vector<16xf32>
        %parallel_loop3A_194 = tpu.unpack_subelements %parallel_loop3A_192, 1 {pack_format = #tpu.pack_format<interleaved>} : vector<32xbf16> -> vector<16xf32>
        %parallel_loop3A_195 = arith.mulf %parallel_loop3A_193, %parallel_loop3A_170 : vector<16xf32>
        %parallel_loop3A_196 = arith.constant 20480 : i32
        %parallel_loop3A_197 = tpu.memref_slice %arg8[%parallel_loop3A_196] : memref<40960xf32, #tpu.memory_space<vmem>> -> memref<10240xf32, #tpu.memory_space<vmem>>
        tpu.vector_store_idx %parallel_loop3A_197[%parallel_loop3A_176], %parallel_loop3A_195 {add = true} : memref<10240xf32, #tpu.memory_space<vmem>>[vector<16xi32>], vector<16xf32>,
        %parallel_loop3A_198 = arith.mulf %parallel_loop3A_194, %parallel_loop3A_170 : vector<16xf32>
        %parallel_loop3A_199 = arith.constant 30720 : i32
        %parallel_loop3A_200 = tpu.memref_slice %arg8[%parallel_loop3A_199] : memref<40960xf32, #tpu.memory_space<vmem>> -> memref<10240xf32, #tpu.memory_space<vmem>>
        tpu.vector_store_idx %parallel_loop3A_200[%parallel_loop3A_176], %parallel_loop3A_198 {add = true} : memref<10240xf32, #tpu.memory_space<vmem>>[vector<16xi32>], vector<16xf32>,
      } {sc.loop_unroll_factor = 4 : i64, sc.parallel_access}
      %add3A_138 = arith.constant 2 : i32
      %add3A_139 = arith.addi %add3A_127, %add3A_138 : i32
      %add3A_140 = arith.constant 0 : i32
      %add3A_141 = arith.addi %add3A_139, %add3A_140 : i32
      %lt3A = arith.constant 80 : i32
      %lt3A_142 = arith.cmpi slt, %add3A_141, %lt3A : i32
      %convert_element_type3A = arith.extui %lt3A_142 : i1 to i32
      %cond3A = arith.constant 0 : i32
      %cond3A_143 = arith.cmpi ne, %convert_element_type3A, %cond3A : i32
      scf.if %cond3A_143 {
        %mul3A_164 = arith.constant 4000 : i32
        %mul3A_165 = arith.muli %add3A_141, %mul3A_164 : i32
        %dma_start3A_166 = tpu.memref_slice %arg3[%mul3A_165] : memref<320000xi32, #tpu.memory_space<hbm>> -> memref<4000xi32, #tpu.memory_space<hbm>>
        %dma_start3A_167 = tpu.memref_slice %arg3[%mul3A_165] : memref<320000xi32, #tpu.memory_space<hbm>> -> memref<4000xi32, #tpu.memory_space<hbm>>
        tpu.enqueue_dma source(%dma_start3A_167 : memref<4000xi32, #tpu.memory_space<hbm>>) target(%arg10 : memref<4000xi32, #tpu.memory_space<vmem>>) target_semaphore(%arg15 : memref<!tpu.dma_semaphore, #tpu.memory_space<semaphore_mem>>)
        %dma_start3A_168 = tpu.memref_slice %arg4[%mul3A_165] : memref<320000xf32, #tpu.memory_space<hbm>> -> memref<4000xf32, #tpu.memory_space<hbm>>
        %dma_start3A_169 = tpu.memref_slice %arg4[%mul3A_165] : memref<320000xf32, #tpu.memory_space<hbm>> -> memref<4000xf32, #tpu.memory_space<hbm>>
        tpu.enqueue_dma source(%dma_start3A_169 : memref<4000xf32, #tpu.memory_space<hbm>>) target(%arg12 : memref<4000xf32, #tpu.memory_space<vmem>>) target_semaphore(%arg15 : memref<!tpu.dma_semaphore, #tpu.memory_space<semaphore_mem>>)
      } else {
      }
      %dma_wait3A_144 = arith.constant 0 : i32
      %dma_wait3A_145 = tpu.memref_slice %arg3[%dma_wait3A_144] : memref<320000xi32, #tpu.memory_space<hbm>> -> memref<4000xi32, #tpu.memory_space<hbm>>
      %dma_wait3A_146 = arith.constant 0 : i32
      %dma_wait3A_147 = tpu.memref_slice %arg3[%dma_wait3A_146] : memref<320000xi32, #tpu.memory_space<hbm>> -> memref<4000xi32, #tpu.memory_space<hbm>>
      tpu.wait_dma2 semaphore(%arg16 : memref<!tpu.dma_semaphore, #tpu.memory_space<semaphore_mem>>) src(%dma_wait3A_147 : memref<4000xi32, #tpu.memory_space<hbm>>) dst(%arg11 : memref<4000xi32, #tpu.memory_space<vmem>>)
      %dma_wait3A_148 = arith.constant 0 : i32
      %dma_wait3A_149 = tpu.memref_slice %arg4[%dma_wait3A_148] : memref<320000xf32, #tpu.memory_space<hbm>> -> memref<4000xf32, #tpu.memory_space<hbm>>
      %dma_wait3A_150 = arith.constant 0 : i32
      %dma_wait3A_151 = tpu.memref_slice %arg4[%dma_wait3A_150] : memref<320000xf32, #tpu.memory_space<hbm>> -> memref<4000xf32, #tpu.memory_space<hbm>>
      tpu.wait_dma2 semaphore(%arg16 : memref<!tpu.dma_semaphore, #tpu.memory_space<semaphore_mem>>) src(%dma_wait3A_151 : memref<4000xf32, #tpu.memory_space<hbm>>) dst(%arg13 : memref<4000xf32, #tpu.memory_space<vmem>>)
      %parallel_loop3A_152 = arith.constant 0 : i32
      %parallel_loop3A_153 = arith.constant 250 : i32
      %parallel_loop3A_154 = arith.constant 1 : i32
      scf.for %parallel_loop3A_164 = %parallel_loop3A_152 to %parallel_loop3A_153 step %parallel_loop3A_154  : i32 {
        %parallel_loop3A_165 = arith.constant 16 : i32
        %parallel_loop3A_166 = arith.muli %parallel_loop3A_164, %parallel_loop3A_165 : i32
        %parallel_loop3A_167 = arith.index_cast %parallel_loop3A_166 : i32 to index
        %parallel_loop3A_168 = tpu.vector_load %arg11[%parallel_loop3A_167] {strides = array<i32>} : memref<4000xi32, #tpu.memory_space<vmem>>, vector<16xi32>,
        %parallel_loop3A_169 = arith.index_cast %parallel_loop3A_166 : i32 to index
        %parallel_loop3A_170 = tpu.vector_load %arg13[%parallel_loop3A_169] {strides = array<i32>} : memref<4000xf32, #tpu.memory_space<vmem>>, vector<16xf32>,
        %parallel_loop3A_171 = arith.constant 65535 : i32
        %parallel_loop3A_172 = vector.broadcast %parallel_loop3A_171 : i32 to vector<16xi32>
        %parallel_loop3A_173 = arith.andi %parallel_loop3A_168, %parallel_loop3A_172 : vector<16xi32>
        %parallel_loop3A_174 = arith.constant 16 : i32
        %parallel_loop3A_175 = vector.broadcast %parallel_loop3A_174 : i32 to vector<16xi32>
        %parallel_loop3A_176 = arith.shrui %parallel_loop3A_168, %parallel_loop3A_175 : vector<16xi32>
        %parallel_loop3A_177 = arith.constant 0 : i32
        %parallel_loop3A_178 = tpu.memref_slice %arg9[%parallel_loop3A_177] : memref<20480xi32, #tpu.memory_space<vmem>> -> memref<10240xi32, #tpu.memory_space<vmem>>
        %parallel_loop3A_179 = tpu.vector_load_idx %parallel_loop3A_178[%parallel_loop3A_173] : memref<10240xi32, #tpu.memory_space<vmem>>[vector<16xi32>], vector<16xi32>,
        %parallel_loop3A_180 = vector.bitcast %parallel_loop3A_179 : vector<16xi32> to vector<32xbf16>
        %parallel_loop3A_181 = tpu.unpack_subelements %parallel_loop3A_180, 0 {pack_format = #tpu.pack_format<interleaved>} : vector<32xbf16> -> vector<16xf32>
        %parallel_loop3A_182 = tpu.unpack_subelements %parallel_loop3A_180, 1 {pack_format = #tpu.pack_format<interleaved>} : vector<32xbf16> -> vector<16xf32>
        %parallel_loop3A_183 = arith.mulf %parallel_loop3A_181, %parallel_loop3A_170 : vector<16xf32>
        %parallel_loop3A_184 = arith.constant 0 : i32
        %parallel_loop3A_185 = tpu.memref_slice %arg8[%parallel_loop3A_184] : memref<40960xf32, #tpu.memory_space<vmem>> -> memref<10240xf32, #tpu.memory_space<vmem>>
        tpu.vector_store_idx %parallel_loop3A_185[%parallel_loop3A_176], %parallel_loop3A_183 {add = true} : memref<10240xf32, #tpu.memory_space<vmem>>[vector<16xi32>], vector<16xf32>,
        %parallel_loop3A_186 = arith.mulf %parallel_loop3A_182, %parallel_loop3A_170 : vector<16xf32>
        %parallel_loop3A_187 = arith.constant 10240 : i32
        %parallel_loop3A_188 = tpu.memref_slice %arg8[%parallel_loop3A_187] : memref<40960xf32, #tpu.memory_space<vmem>> -> memref<10240xf32, #tpu.memory_space<vmem>>
        tpu.vector_store_idx %parallel_loop3A_188[%parallel_loop3A_176], %parallel_loop3A_186 {add = true} : memref<10240xf32, #tpu.memory_space<vmem>>[vector<16xi32>], vector<16xf32>,
        %parallel_loop3A_189 = arith.constant 10240 : i32
        %parallel_loop3A_190 = tpu.memref_slice %arg9[%parallel_loop3A_189] : memref<20480xi32, #tpu.memory_space<vmem>> -> memref<10240xi32, #tpu.memory_space<vmem>>
        %parallel_loop3A_191 = tpu.vector_load_idx %parallel_loop3A_190[%parallel_loop3A_173] : memref<10240xi32, #tpu.memory_space<vmem>>[vector<16xi32>], vector<16xi32>,
        %parallel_loop3A_192 = vector.bitcast %parallel_loop3A_191 : vector<16xi32> to vector<32xbf16>
        %parallel_loop3A_193 = tpu.unpack_subelements %parallel_loop3A_192, 0 {pack_format = #tpu.pack_format<interleaved>} : vector<32xbf16> -> vector<16xf32>
        %parallel_loop3A_194 = tpu.unpack_subelements %parallel_loop3A_192, 1 {pack_format = #tpu.pack_format<interleaved>} : vector<32xbf16> -> vector<16xf32>
        %parallel_loop3A_195 = arith.mulf %parallel_loop3A_193, %parallel_loop3A_170 : vector<16xf32>
        %parallel_loop3A_196 = arith.constant 20480 : i32
        %parallel_loop3A_197 = tpu.memref_slice %arg8[%parallel_loop3A_196] : memref<40960xf32, #tpu.memory_space<vmem>> -> memref<10240xf32, #tpu.memory_space<vmem>>
        tpu.vector_store_idx %parallel_loop3A_197[%parallel_loop3A_176], %parallel_loop3A_195 {add = true} : memref<10240xf32, #tpu.memory_space<vmem>>[vector<16xi32>], vector<16xf32>,
        %parallel_loop3A_198 = arith.mulf %parallel_loop3A_194, %parallel_loop3A_170 : vector<16xf32>
        %parallel_loop3A_199 = arith.constant 30720 : i32
        %parallel_loop3A_200 = tpu.memref_slice %arg8[%parallel_loop3A_199] : memref<40960xf32, #tpu.memory_space<vmem>> -> memref<10240xf32, #tpu.memory_space<vmem>>
        tpu.vector_store_idx %parallel_loop3A_200[%parallel_loop3A_176], %parallel_loop3A_198 {add = true} : memref<10240xf32, #tpu.memory_space<vmem>>[vector<16xi32>], vector<16xf32>,
      } {sc.loop_unroll_factor = 4 : i64, sc.parallel_access}
      %add3A_155 = arith.constant 2 : i32
      %add3A_156 = arith.addi %add3A_127, %add3A_155 : i32
      %add3A_157 = arith.constant 1 : i32
      %add3A_158 = arith.addi %add3A_156, %add3A_157 : i32
      %lt3A_159 = arith.constant 80 : i32
      %lt3A_160 = arith.cmpi slt, %add3A_158, %lt3A_159 : i32
      %convert_element_type3A_161 = arith.extui %lt3A_160 : i1 to i32
      %cond3A_162 = arith.constant 0 : i32
      %cond3A_163 = arith.cmpi ne, %convert_element_type3A_161, %cond3A_162 : i32
      scf.if %cond3A_163 {
        %mul3A_164 = arith.constant 4000 : i32
        %mul3A_165 = arith.muli %add3A_158, %mul3A_164 : i32
        %dma_start3A_166 = tpu.memref_slice %arg3[%mul3A_165] : memref<320000xi32, #tpu.memory_space<hbm>> -> memref<4000xi32, #tpu.memory_space<hbm>>
        %dma_start3A_167 = tpu.memref_slice %arg3[%mul3A_165] : memref<320000xi32, #tpu.memory_space<hbm>> -> memref<4000xi32, #tpu.memory_space<hbm>>
        tpu.enqueue_dma source(%dma_start3A_167 : memref<4000xi32, #tpu.memory_space<hbm>>) target(%arg11 : memref<4000xi32, #tpu.memory_space<vmem>>) target_semaphore(%arg16 : memref<!tpu.dma_semaphore, #tpu.memory_space<semaphore_mem>>)
        %dma_start3A_168 = tpu.memref_slice %arg4[%mul3A_165] : memref<320000xf32, #tpu.memory_space<hbm>> -> memref<4000xf32, #tpu.memory_space<hbm>>
        %dma_start3A_169 = tpu.memref_slice %arg4[%mul3A_165] : memref<320000xf32, #tpu.memory_space<hbm>> -> memref<4000xf32, #tpu.memory_space<hbm>>
        tpu.enqueue_dma source(%dma_start3A_169 : memref<4000xf32, #tpu.memory_space<hbm>>) target(%arg13 : memref<4000xf32, #tpu.memory_space<vmem>>) target_semaphore(%arg16 : memref<!tpu.dma_semaphore, #tpu.memory_space<semaphore_mem>>)
      } else {
      }
    }
    %scan3A_109 = arith.constant 40 : i32
    %get3A_110 = arith.constant 48 : index
    %get3A_111 = tpu.vector_load %arg14[%get3A_110] {strides = array<i32>} : memref<64xf32, #tpu.memory_space<vmem>>, vector<16xf32>,
    %parallel_loop3A_112 = arith.constant 0 : i32
    %parallel_loop3A_113 = arith.constant 640 : i32
    %parallel_loop3A_114 = arith.constant 1 : i32
    scf.for %parallel_loop3A_123 = %parallel_loop3A_112 to %parallel_loop3A_113 step %parallel_loop3A_114  : i32 {
      %parallel_loop3A_124 = arith.constant 16 : i32
      %parallel_loop3A_125 = arith.muli %parallel_loop3A_123, %parallel_loop3A_124 : i32
      %parallel_loop3A_126 = arith.constant 0 : i32
      %parallel_loop3A_127 = arith.addi %parallel_loop3A_126, %parallel_loop3A_125 : i32
      %parallel_loop3A_128 = arith.index_cast %parallel_loop3A_127 : i32 to index
      %parallel_loop3A_129 = tpu.vector_load %arg7[%parallel_loop3A_128] {strides = array<i32>} : memref<40960xf32, #tpu.memory_space<vmem>>, vector<16xf32>,
      %parallel_loop3A_130 = arith.index_cast %parallel_loop3A_127 : i32 to index
      %parallel_loop3A_131 = tpu.vector_load %arg8[%parallel_loop3A_130] {strides = array<i32>} : memref<40960xf32, #tpu.memory_space<vmem>>, vector<16xf32>,
      %parallel_loop3A_132 = arith.constant 0.000000e+00 : f32
      %parallel_loop3A_133 = vector.broadcast %parallel_loop3A_132 : f32 to vector<16xf32>
      %parallel_loop3A_134 = arith.maximumf %parallel_loop3A_131, %parallel_loop3A_133 : vector<16xf32>
      %parallel_loop3A_135 = arith.mulf %parallel_loop3A_134, %get3A_111 : vector<16xf32>
      %parallel_loop3A_136 = arith.addf %parallel_loop3A_129, %parallel_loop3A_135 : vector<16xf32>
      %parallel_loop3A_137 = arith.index_cast %parallel_loop3A_127 : i32 to index
      %parallel_loop3A_138 = tpu.vector_load %arg7[%parallel_loop3A_137] {strides = array<i32>} : memref<40960xf32, #tpu.memory_space<vmem>>, vector<16xf32>,
      tpu.vector_store %arg7[%parallel_loop3A_137], %parallel_loop3A_136 {strides = array<i32>} : memref<40960xf32, #tpu.memory_space<vmem>>, vector<16xf32>,
      %parallel_loop3A_139 = arith.index_cast %parallel_loop3A_127 : i32 to index
      %parallel_loop3A_140 = tpu.vector_load %arg8[%parallel_loop3A_139] {strides = array<i32>} : memref<40960xf32, #tpu.memory_space<vmem>>, vector<16xf32>,
      tpu.vector_store %arg8[%parallel_loop3A_139], %broadcast_in_dim3A_11 {strides = array<i32>} : memref<40960xf32, #tpu.memory_space<vmem>>, vector<16xf32>,
      %parallel_loop3A_141 = arith.constant 10240 : i32
      %parallel_loop3A_142 = arith.addi %parallel_loop3A_141, %parallel_loop3A_125 : i32
      %parallel_loop3A_143 = arith.index_cast %parallel_loop3A_142 : i32 to index
      %parallel_loop3A_144 = tpu.vector_load %arg7[%parallel_loop3A_143] {strides = array<i32>} : memref<40960xf32, #tpu.memory_space<vmem>>, vector<16xf32>,
      %parallel_loop3A_145 = arith.index_cast %parallel_loop3A_142 : i32 to index
      %parallel_loop3A_146 = tpu.vector_load %arg8[%parallel_loop3A_145] {strides = array<i32>} : memref<40960xf32, #tpu.memory_space<vmem>>, vector<16xf32>,
      %parallel_loop3A_147 = arith.constant 0.000000e+00 : f32
      %parallel_loop3A_148 = vector.broadcast %parallel_loop3A_147 : f32 to vector<16xf32>
      %parallel_loop3A_149 = arith.maximumf %parallel_loop3A_146, %parallel_loop3A_148 : vector<16xf32>
      %parallel_loop3A_150 = arith.mulf %parallel_loop3A_149, %get3A_111 : vector<16xf32>
      %parallel_loop3A_151 = arith.addf %parallel_loop3A_144, %parallel_loop3A_150 : vector<16xf32>
      %parallel_loop3A_152 = arith.index_cast %parallel_loop3A_142 : i32 to index
      %parallel_loop3A_153 = tpu.vector_load %arg7[%parallel_loop3A_152] {strides = array<i32>} : memref<40960xf32, #tpu.memory_space<vmem>>, vector<16xf32>,
      tpu.vector_store %arg7[%parallel_loop3A_152], %parallel_loop3A_151 {strides = array<i32>} : memref<40960xf32, #tpu.memory_space<vmem>>, vector<16xf32>,
      %parallel_loop3A_154 = arith.index_cast %parallel_loop3A_142 : i32 to index
      %parallel_loop3A_155 = tpu.vector_load %arg8[%parallel_loop3A_154] {strides = array<i32>} : memref<40960xf32, #tpu.memory_space<vmem>>, vector<16xf32>,
      tpu.vector_store %arg8[%parallel_loop3A_154], %broadcast_in_dim3A_11 {strides = array<i32>} : memref<40960xf32, #tpu.memory_space<vmem>>, vector<16xf32>,
      %parallel_loop3A_156 = arith.constant 20480 : i32
      %parallel_loop3A_157 = arith.addi %parallel_loop3A_156, %parallel_loop3A_125 : i32
      %parallel_loop3A_158 = arith.index_cast %parallel_loop3A_157 : i32 to index
      %parallel_loop3A_159 = tpu.vector_load %arg7[%parallel_loop3A_158] {strides = array<i32>} : memref<40960xf32, #tpu.memory_space<vmem>>, vector<16xf32>,
      %parallel_loop3A_160 = arith.index_cast %parallel_loop3A_157 : i32 to index
      %parallel_loop3A_161 = tpu.vector_load %arg8[%parallel_loop3A_160] {strides = array<i32>} : memref<40960xf32, #tpu.memory_space<vmem>>, vector<16xf32>,
      %parallel_loop3A_162 = arith.constant 0.000000e+00 : f32
      %parallel_loop3A_163 = vector.broadcast %parallel_loop3A_162 : f32 to vector<16xf32>
      %parallel_loop3A_164 = arith.maximumf %parallel_loop3A_161, %parallel_loop3A_163 : vector<16xf32>
      %parallel_loop3A_165 = arith.mulf %parallel_loop3A_164, %get3A_111 : vector<16xf32>
      %parallel_loop3A_166 = arith.addf %parallel_loop3A_159, %parallel_loop3A_165 : vector<16xf32>
      %parallel_loop3A_167 = arith.index_cast %parallel_loop3A_157 : i32 to index
      %parallel_loop3A_168 = tpu.vector_load %arg7[%parallel_loop3A_167] {strides = array<i32>} : memref<40960xf32, #tpu.memory_space<vmem>>, vector<16xf32>,
      tpu.vector_store %arg7[%parallel_loop3A_167], %parallel_loop3A_166 {strides = array<i32>} : memref<40960xf32, #tpu.memory_space<vmem>>, vector<16xf32>,
      %parallel_loop3A_169 = arith.index_cast %parallel_loop3A_157 : i32 to index
      %parallel_loop3A_170 = tpu.vector_load %arg8[%parallel_loop3A_169] {strides = array<i32>} : memref<40960xf32, #tpu.memory_space<vmem>>, vector<16xf32>,
      tpu.vector_store %arg8[%parallel_loop3A_169], %broadcast_in_dim3A_11 {strides = array<i32>} : memref<40960xf32, #tpu.memory_space<vmem>>, vector<16xf32>,
      %parallel_loop3A_171 = arith.constant 30720 : i32
      %parallel_loop3A_172 = arith.addi %parallel_loop3A_171, %parallel_loop3A_125 : i32
      %parallel_loop3A_173 = arith.index_cast %parallel_loop3A_172 : i32 to index
      %parallel_loop3A_174 = tpu.vector_load %arg7[%parallel_loop3A_173] {strides = array<i32>} : memref<40960xf32, #tpu.memory_space<vmem>>, vector<16xf32>,
      %parallel_loop3A_175 = arith.index_cast %parallel_loop3A_172 : i32 to index
      %parallel_loop3A_176 = tpu.vector_load %arg8[%parallel_loop3A_175] {strides = array<i32>} : memref<40960xf32, #tpu.memory_space<vmem>>, vector<16xf32>,
      %parallel_loop3A_177 = arith.constant 0.000000e+00 : f32
      %parallel_loop3A_178 = vector.broadcast %parallel_loop3A_177 : f32 to vector<16xf32>
      %parallel_loop3A_179 = arith.maximumf %parallel_loop3A_176, %parallel_loop3A_178 : vector<16xf32>
      %parallel_loop3A_180 = arith.mulf %parallel_loop3A_179, %get3A_111 : vector<16xf32>
      %parallel_loop3A_181 = arith.addf %parallel_loop3A_174, %parallel_loop3A_180 : vector<16xf32>
      %parallel_loop3A_182 = arith.index_cast %parallel_loop3A_172 : i32 to index
      %parallel_loop3A_183 = tpu.vector_load %arg7[%parallel_loop3A_182] {strides = array<i32>} : memref<40960xf32, #tpu.memory_space<vmem>>, vector<16xf32>,
      tpu.vector_store %arg7[%parallel_loop3A_182], %parallel_loop3A_181 {strides = array<i32>} : memref<40960xf32, #tpu.memory_space<vmem>>, vector<16xf32>,
      %parallel_loop3A_184 = arith.index_cast %parallel_loop3A_172 : i32 to index
      %parallel_loop3A_185 = tpu.vector_load %arg8[%parallel_loop3A_184] {strides = array<i32>} : memref<40960xf32, #tpu.memory_space<vmem>>, vector<16xf32>,
      tpu.vector_store %arg8[%parallel_loop3A_184], %broadcast_in_dim3A_11 {strides = array<i32>} : memref<40960xf32, #tpu.memory_space<vmem>>, vector<16xf32>,
      %parallel_loop3A_186 = tpu.pack_subelements %parallel_loop3A_136, %parallel_loop3A_151 {pack_format = #tpu.pack_format<interleaved>, positions = array<i32: 0, 1>} : vector<16xf32>, vector<16xf32> -> vector<32xbf16>
      %parallel_loop3A_187 = vector.bitcast %parallel_loop3A_186 : vector<32xbf16> to vector<16xi32>
      %parallel_loop3A_188 = arith.constant 0 : i32
      %parallel_loop3A_189 = arith.addi %parallel_loop3A_188, %parallel_loop3A_125 : i32
      %parallel_loop3A_190 = arith.index_cast %parallel_loop3A_189 : i32 to index
      %parallel_loop3A_191 = tpu.vector_load %arg9[%parallel_loop3A_190] {strides = array<i32>} : memref<20480xi32, #tpu.memory_space<vmem>>, vector<16xi32>,
      tpu.vector_store %arg9[%parallel_loop3A_190], %parallel_loop3A_187 {strides = array<i32>} : memref<20480xi32, #tpu.memory_space<vmem>>, vector<16xi32>,
      %parallel_loop3A_192 = tpu.pack_subelements %parallel_loop3A_166, %parallel_loop3A_181 {pack_format = #tpu.pack_format<interleaved>, positions = array<i32: 0, 1>} : vector<16xf32>, vector<16xf32> -> vector<32xbf16>
      %parallel_loop3A_193 = vector.bitcast %parallel_loop3A_192 : vector<32xbf16> to vector<16xi32>
      %parallel_loop3A_194 = arith.constant 10240 : i32
      %parallel_loop3A_195 = arith.addi %parallel_loop3A_194, %parallel_loop3A_125 : i32
      %parallel_loop3A_196 = arith.index_cast %parallel_loop3A_195 : i32 to index
      %parallel_loop3A_197 = tpu.vector_load %arg9[%parallel_loop3A_196] {strides = array<i32>} : memref<20480xi32, #tpu.memory_space<vmem>>, vector<16xi32>,
      tpu.vector_store %arg9[%parallel_loop3A_196], %parallel_loop3A_193 {strides = array<i32>} : memref<20480xi32, #tpu.memory_space<vmem>>, vector<16xi32>,
    } {sc.loop_unroll_factor = 4 : i64, sc.parallel_access}
    %add3A_115 = arith.constant 0 : i32
    %add3A_116 = arith.addi %mul3A_2, %add3A_115 : i32
    "tpu.region"() ({
      %run_scoped3A = tpu.sem_alloc : memref<!tpu.dma_semaphore, #tpu.memory_space<semaphore_mem>>
      %dma_start3A_123 = arith.constant 0 : i32
      %dma_start3A_124 = tpu.memref_slice %arg7[%dma_start3A_123] : memref<40960xf32, #tpu.memory_space<vmem>> -> memref<10240xf32, #tpu.memory_space<vmem>>
      %dma_start3A_125 = arith.constant 0 : i32
      %dma_start3A_126 = tpu.memref_slice %arg6[%add3A_116, %dma_start3A_125] : memref<128x10240xf32, #tpu.memory_space<hbm>> -> memref<1x10240xf32, #tpu.memory_space<hbm>>
      %dma_start3A_127 = tpu.memref_squeeze %dma_start3A_126 : memref<1x10240xf32, #tpu.memory_space<hbm>> -> memref<10240xf32, #tpu.memory_space<hbm>>
      %dma_start3A_128 = arith.constant 0 : i32
      %dma_start3A_129 = tpu.memref_slice %arg6[%add3A_116, %dma_start3A_128] : memref<128x10240xf32, #tpu.memory_space<hbm>> -> memref<1x10240xf32, #tpu.memory_space<hbm>>
      %dma_start3A_130 = tpu.memref_squeeze %dma_start3A_129 : memref<1x10240xf32, #tpu.memory_space<hbm>> -> memref<10240xf32, #tpu.memory_space<hbm>>
      %dma_start3A_131 = arith.constant 0 : i32
      %dma_start3A_132 = tpu.memref_slice %arg7[%dma_start3A_131] : memref<40960xf32, #tpu.memory_space<vmem>> -> memref<10240xf32, #tpu.memory_space<vmem>>
      tpu.enqueue_dma source(%dma_start3A_132 : memref<10240xf32, #tpu.memory_space<vmem>>) target(%dma_start3A_130 : memref<10240xf32, #tpu.memory_space<hbm>>) target_semaphore(%run_scoped3A : memref<!tpu.dma_semaphore, #tpu.memory_space<semaphore_mem>>)
      %dma_wait3A = arith.constant 0 : i32
      %dma_wait3A_133 = tpu.memref_slice %arg7[%dma_wait3A] : memref<40960xf32, #tpu.memory_space<vmem>> -> memref<10240xf32, #tpu.memory_space<vmem>>
      %dma_wait3A_134 = arith.constant 0 : i32
      %dma_wait3A_135 = tpu.memref_slice %arg6[%add3A_116, %dma_wait3A_134] : memref<128x10240xf32, #tpu.memory_space<hbm>> -> memref<1x10240xf32, #tpu.memory_space<hbm>>
      %dma_wait3A_136 = tpu.memref_squeeze %dma_wait3A_135 : memref<1x10240xf32, #tpu.memory_space<hbm>> -> memref<10240xf32, #tpu.memory_space<hbm>>
      %dma_wait3A_137 = arith.constant 0 : i32
      %dma_wait3A_138 = tpu.memref_slice %arg6[%add3A_116, %dma_wait3A_137] : memref<128x10240xf32, #tpu.memory_space<hbm>> -> memref<1x10240xf32, #tpu.memory_space<hbm>>
      %dma_wait3A_139 = tpu.memref_squeeze %dma_wait3A_138 : memref<1x10240xf32, #tpu.memory_space<hbm>> -> memref<10240xf32, #tpu.memory_space<hbm>>
      %dma_wait3A_140 = arith.constant 0 : i32
      %dma_wait3A_141 = tpu.memref_slice %arg7[%dma_wait3A_140] : memref<40960xf32, #tpu.memory_space<vmem>> -> memref<10240xf32, #tpu.memory_space<vmem>>
      tpu.wait_dma2 semaphore(%run_scoped3A : memref<!tpu.dma_semaphore, #tpu.memory_space<semaphore_mem>>) src(%dma_wait3A_141 : memref<10240xf32, #tpu.memory_space<vmem>>) dst(%dma_wait3A_139 : memref<10240xf32, #tpu.memory_space<hbm>>)
      tpu.yield
    }) : () -> ()
    %add3A_117 = arith.constant 1 : i32
    %add3A_118 = arith.addi %mul3A_2, %add3A_117 : i32
    "tpu.region"() ({
      %run_scoped3A = tpu.sem_alloc : memref<!tpu.dma_semaphore, #tpu.memory_space<semaphore_mem>>
      %dma_start3A_123 = arith.constant 10240 : i32
      %dma_start3A_124 = tpu.memref_slice %arg7[%dma_start3A_123] : memref<40960xf32, #tpu.memory_space<vmem>> -> memref<10240xf32, #tpu.memory_space<vmem>>
      %dma_start3A_125 = arith.constant 0 : i32
      %dma_start3A_126 = tpu.memref_slice %arg6[%add3A_118, %dma_start3A_125] : memref<128x10240xf32, #tpu.memory_space<hbm>> -> memref<1x10240xf32, #tpu.memory_space<hbm>>
      %dma_start3A_127 = tpu.memref_squeeze %dma_start3A_126 : memref<1x10240xf32, #tpu.memory_space<hbm>> -> memref<10240xf32, #tpu.memory_space<hbm>>
      %dma_start3A_128 = arith.constant 0 : i32
      %dma_start3A_129 = tpu.memref_slice %arg6[%add3A_118, %dma_start3A_128] : memref<128x10240xf32, #tpu.memory_space<hbm>> -> memref<1x10240xf32, #tpu.memory_space<hbm>>
      %dma_start3A_130 = tpu.memref_squeeze %dma_start3A_129 : memref<1x10240xf32, #tpu.memory_space<hbm>> -> memref<10240xf32, #tpu.memory_space<hbm>>
      %dma_start3A_131 = arith.constant 10240 : i32
      %dma_start3A_132 = tpu.memref_slice %arg7[%dma_start3A_131] : memref<40960xf32, #tpu.memory_space<vmem>> -> memref<10240xf32, #tpu.memory_space<vmem>>
      tpu.enqueue_dma source(%dma_start3A_132 : memref<10240xf32, #tpu.memory_space<vmem>>) target(%dma_start3A_130 : memref<10240xf32, #tpu.memory_space<hbm>>) target_semaphore(%run_scoped3A : memref<!tpu.dma_semaphore, #tpu.memory_space<semaphore_mem>>)
      %dma_wait3A = arith.constant 10240 : i32
      %dma_wait3A_133 = tpu.memref_slice %arg7[%dma_wait3A] : memref<40960xf32, #tpu.memory_space<vmem>> -> memref<10240xf32, #tpu.memory_space<vmem>>
      %dma_wait3A_134 = arith.constant 0 : i32
      %dma_wait3A_135 = tpu.memref_slice %arg6[%add3A_118, %dma_wait3A_134] : memref<128x10240xf32, #tpu.memory_space<hbm>> -> memref<1x10240xf32, #tpu.memory_space<hbm>>
      %dma_wait3A_136 = tpu.memref_squeeze %dma_wait3A_135 : memref<1x10240xf32, #tpu.memory_space<hbm>> -> memref<10240xf32, #tpu.memory_space<hbm>>
      %dma_wait3A_137 = arith.constant 0 : i32
      %dma_wait3A_138 = tpu.memref_slice %arg6[%add3A_118, %dma_wait3A_137] : memref<128x10240xf32, #tpu.memory_space<hbm>> -> memref<1x10240xf32, #tpu.memory_space<hbm>>
      %dma_wait3A_139 = tpu.memref_squeeze %dma_wait3A_138 : memref<1x10240xf32, #tpu.memory_space<hbm>> -> memref<10240xf32, #tpu.memory_space<hbm>>
      %dma_wait3A_140 = arith.constant 10240 : i32
      %dma_wait3A_141 = tpu.memref_slice %arg7[%dma_wait3A_140] : memref<40960xf32, #tpu.memory_space<vmem>> -> memref<10240xf32, #tpu.memory_space<vmem>>
      tpu.wait_dma2 semaphore(%run_scoped3A : memref<!tpu.dma_semaphore, #tpu.memory_space<semaphore_mem>>) src(%dma_wait3A_141 : memref<10240xf32, #tpu.memory_space<vmem>>) dst(%dma_wait3A_139 : memref<10240xf32, #tpu.memory_space<hbm>>)
      tpu.yield
    }) : () -> ()
    %add3A_119 = arith.constant 2 : i32
    %add3A_120 = arith.addi %mul3A_2, %add3A_119 : i32
    "tpu.region"() ({
      %run_scoped3A = tpu.sem_alloc : memref<!tpu.dma_semaphore, #tpu.memory_space<semaphore_mem>>
      %dma_start3A_123 = arith.constant 20480 : i32
      %dma_start3A_124 = tpu.memref_slice %arg7[%dma_start3A_123] : memref<40960xf32, #tpu.memory_space<vmem>> -> memref<10240xf32, #tpu.memory_space<vmem>>
      %dma_start3A_125 = arith.constant 0 : i32
      %dma_start3A_126 = tpu.memref_slice %arg6[%add3A_120, %dma_start3A_125] : memref<128x10240xf32, #tpu.memory_space<hbm>> -> memref<1x10240xf32, #tpu.memory_space<hbm>>
      %dma_start3A_127 = tpu.memref_squeeze %dma_start3A_126 : memref<1x10240xf32, #tpu.memory_space<hbm>> -> memref<10240xf32, #tpu.memory_space<hbm>>
      %dma_start3A_128 = arith.constant 0 : i32
      %dma_start3A_129 = tpu.memref_slice %arg6[%add3A_120, %dma_start3A_128] : memref<128x10240xf32, #tpu.memory_space<hbm>> -> memref<1x10240xf32, #tpu.memory_space<hbm>>
      %dma_start3A_130 = tpu.memref_squeeze %dma_start3A_129 : memref<1x10240xf32, #tpu.memory_space<hbm>> -> memref<10240xf32, #tpu.memory_space<hbm>>
      %dma_start3A_131 = arith.constant 20480 : i32
      %dma_start3A_132 = tpu.memref_slice %arg7[%dma_start3A_131] : memref<40960xf32, #tpu.memory_space<vmem>> -> memref<10240xf32, #tpu.memory_space<vmem>>
      tpu.enqueue_dma source(%dma_start3A_132 : memref<10240xf32, #tpu.memory_space<vmem>>) target(%dma_start3A_130 : memref<10240xf32, #tpu.memory_space<hbm>>) target_semaphore(%run_scoped3A : memref<!tpu.dma_semaphore, #tpu.memory_space<semaphore_mem>>)
      %dma_wait3A = arith.constant 20480 : i32
      %dma_wait3A_133 = tpu.memref_slice %arg7[%dma_wait3A] : memref<40960xf32, #tpu.memory_space<vmem>> -> memref<10240xf32, #tpu.memory_space<vmem>>
      %dma_wait3A_134 = arith.constant 0 : i32
      %dma_wait3A_135 = tpu.memref_slice %arg6[%add3A_120, %dma_wait3A_134] : memref<128x10240xf32, #tpu.memory_space<hbm>> -> memref<1x10240xf32, #tpu.memory_space<hbm>>
      %dma_wait3A_136 = tpu.memref_squeeze %dma_wait3A_135 : memref<1x10240xf32, #tpu.memory_space<hbm>> -> memref<10240xf32, #tpu.memory_space<hbm>>
      %dma_wait3A_137 = arith.constant 0 : i32
      %dma_wait3A_138 = tpu.memref_slice %arg6[%add3A_120, %dma_wait3A_137] : memref<128x10240xf32, #tpu.memory_space<hbm>> -> memref<1x10240xf32, #tpu.memory_space<hbm>>
      %dma_wait3A_139 = tpu.memref_squeeze %dma_wait3A_138 : memref<1x10240xf32, #tpu.memory_space<hbm>> -> memref<10240xf32, #tpu.memory_space<hbm>>
      %dma_wait3A_140 = arith.constant 20480 : i32
      %dma_wait3A_141 = tpu.memref_slice %arg7[%dma_wait3A_140] : memref<40960xf32, #tpu.memory_space<vmem>> -> memref<10240xf32, #tpu.memory_space<vmem>>
      tpu.wait_dma2 semaphore(%run_scoped3A : memref<!tpu.dma_semaphore, #tpu.memory_space<semaphore_mem>>) src(%dma_wait3A_141 : memref<10240xf32, #tpu.memory_space<vmem>>) dst(%dma_wait3A_139 : memref<10240xf32, #tpu.memory_space<hbm>>)
      tpu.yield
    }) : () -> ()
    %add3A_121 = arith.constant 3 : i32
    %add3A_122 = arith.addi %mul3A_2, %add3A_121 : i32
    "tpu.region"() ({
      %run_scoped3A = tpu.sem_alloc : memref<!tpu.dma_semaphore, #tpu.memory_space<semaphore_mem>>
      %dma_start3A_123 = arith.constant 30720 : i32
      %dma_start3A_124 = tpu.memref_slice %arg7[%dma_start3A_123] : memref<40960xf32, #tpu.memory_space<vmem>> -> memref<10240xf32, #tpu.memory_space<vmem>>
      %dma_start3A_125 = arith.constant 0 : i32
      %dma_start3A_126 = tpu.memref_slice %arg6[%add3A_122, %dma_start3A_125] : memref<128x10240xf32, #tpu.memory_space<hbm>> -> memref<1x10240xf32, #tpu.memory_space<hbm>>
      %dma_start3A_127 = tpu.memref_squeeze %dma_start3A_126 : memref<1x10240xf32, #tpu.memory_space<hbm>> -> memref<10240xf32, #tpu.memory_space<hbm>>
      %dma_start3A_128 = arith.constant 0 : i32
      %dma_start3A_129 = tpu.memref_slice %arg6[%add3A_122, %dma_start3A_128] : memref<128x10240xf32, #tpu.memory_space<hbm>> -> memref<1x10240xf32, #tpu.memory_space<hbm>>
      %dma_start3A_130 = tpu.memref_squeeze %dma_start3A_129 : memref<1x10240xf32, #tpu.memory_space<hbm>> -> memref<10240xf32, #tpu.memory_space<hbm>>
      %dma_start3A_131 = arith.constant 30720 : i32
      %dma_start3A_132 = tpu.memref_slice %arg7[%dma_start3A_131] : memref<40960xf32, #tpu.memory_space<vmem>> -> memref<10240xf32, #tpu.memory_space<vmem>>
      tpu.enqueue_dma source(%dma_start3A_132 : memref<10240xf32, #tpu.memory_space<vmem>>) target(%dma_start3A_130 : memref<10240xf32, #tpu.memory_space<hbm>>) target_semaphore(%run_scoped3A : memref<!tpu.dma_semaphore, #tpu.memory_space<semaphore_mem>>)
      %dma_wait3A = arith.constant 30720 : i32
      %dma_wait3A_133 = tpu.memref_slice %arg7[%dma_wait3A] : memref<40960xf32, #tpu.memory_space<vmem>> -> memref<10240xf32, #tpu.memory_space<vmem>>
      %dma_wait3A_134 = arith.constant 0 : i32
      %dma_wait3A_135 = tpu.memref_slice %arg6[%add3A_122, %dma_wait3A_134] : memref<128x10240xf32, #tpu.memory_space<hbm>> -> memref<1x10240xf32, #tpu.memory_space<hbm>>
      %dma_wait3A_136 = tpu.memref_squeeze %dma_wait3A_135 : memref<1x10240xf32, #tpu.memory_space<hbm>> -> memref<10240xf32, #tpu.memory_space<hbm>>
      %dma_wait3A_137 = arith.constant 0 : i32
      %dma_wait3A_138 = tpu.memref_slice %arg6[%add3A_122, %dma_wait3A_137] : memref<128x10240xf32, #tpu.memory_space<hbm>> -> memref<1x10240xf32, #tpu.memory_space<hbm>>
      %dma_wait3A_139 = tpu.memref_squeeze %dma_wait3A_138 : memref<1x10240xf32, #tpu.memory_space<hbm>> -> memref<10240xf32, #tpu.memory_space<hbm>>
      %dma_wait3A_140 = arith.constant 30720 : i32
      %dma_wait3A_141 = tpu.memref_slice %arg7[%dma_wait3A_140] : memref<40960xf32, #tpu.memory_space<vmem>> -> memref<10240xf32, #tpu.memory_space<vmem>>
      tpu.wait_dma2 semaphore(%run_scoped3A : memref<!tpu.dma_semaphore, #tpu.memory_space<semaphore_mem>>) src(%dma_wait3A_141 : memref<10240xf32, #tpu.memory_space<vmem>>) dst(%dma_wait3A_139 : memref<10240xf32, #tpu.memory_space<hbm>>)
      tpu.yield
    }) : () -> ()
    return
  }
}

module attributes {stable_mosaic.version = 14 : i64} {
  func.func @_mm1_body(%arg0: i32, %arg1: memref<128x128xf32, #tpu.memory_space<vmem>>, %arg2: memref<1024x128xf32, #tpu.memory_space<vmem>>, %arg3: memref<128x1xf32, #tpu.memory_space<vmem>>, %arg4: memref<128x1024xf32, #tpu.memory_space<vmem>>) attributes {dimension_semantics = [#tpu.dimension_semantics<arbitrary>], iteration_bounds = array<i64: 10>, scalar_prefetch = 0 : i64, scratch_operands = 0 : i64, tpu.core_type = #tpu.core_type<tc>, window_params = [{pipeline_mode = #tpu.pipeline_mode<synchronous>, transform_indices = @transform_0, window_bounds = array<i64: 128, 128>}, {transform_indices = @transform_1, window_bounds = array<i64: 1024, 128>}, {pipeline_mode = #tpu.pipeline_mode<synchronous>, transform_indices = @transform_2, window_bounds = array<i64: 128, 1>}, {transform_indices = @transform_3, window_bounds = array<i64: 128, 1024>}]} {
    %get3A = arith.constant 0 : index
    %get3A_0 = arith.constant 0 : index
    %get3A_1 = vector.load %arg1[%get3A, %get3A_0] : memref<128x128xf32, #tpu.memory_space<vmem>>, vector<128x128xf32>
    %get3A_2 = arith.constant 0 : index
    %get3A_3 = arith.constant 0 : index
    %get3A_4 = vector.load %arg2[%get3A_2, %get3A_3] : memref<1024x128xf32, #tpu.memory_space<vmem>>, vector<1024x128xf32>
    %dot_general3A = arith.constant dense<0.000000e+00> : vector<128x1024xf32>
    %dot_general3A_5 = tpu.matmul %get3A_1, %get3A_4, %dot_general3A {dimension_numbers = #tpu.dot_dimension_numbers<[1], [1], [0], [0], [0, 0, 1, 0], [], []>, transpose_lhs_hint = false} : vector<128x128xf32>, vector<1024x128xf32>, vector<128x1024xf32> -> vector<128x1024xf32>
    %get3A_6 = arith.constant 0 : index
    %get3A_7 = arith.constant 0 : index
    %get3A_8 = vector.load %arg3[%get3A_6, %get3A_7] : memref<128x1xf32, #tpu.memory_space<vmem>>, vector<128x1xf32>
    %add3A = vector.broadcast %get3A_8 : vector<128x1xf32> to vector<128x1024xf32>
    %add3A_9 = arith.addf %dot_general3A_5, %add3A : vector<128x1024xf32>
    %max3A = arith.constant 0.000000e+00 : f32
    %max3A_10 = vector.broadcast %max3A : f32 to vector<128x1024xf32>
    %max3A_11 = arith.maximumf %add3A_9, %max3A_10 : vector<128x1024xf32>
    %swap3A = arith.constant 0 : index
    %swap3A_12 = arith.constant 0 : index
    %swap3A_13 = vector.load %arg4[%swap3A, %swap3A_12] : memref<128x1024xf32, #tpu.memory_space<vmem>>, vector<128x1024xf32>
    tpu.vector_store %arg4[%swap3A, %swap3A_12], %max3A_11 {strides = array<i32>} : memref<128x1024xf32, #tpu.memory_space<vmem>>, vector<128x1024xf32>,
    return
  }
  func.func @transform_0(%arg0: i32) -> (i32, i32) {
    %c0_i32 = arith.constant 0 : i32
    %c0_i32_0 = arith.constant 0 : i32
    %c0_i32_1 = arith.constant 0 : i32
    return %c0_i32, %c0_i32_0 : i32, i32
  }
  func.func @transform_1(%arg0: i32) -> (i32, i32) {
    %c0_i32 = arith.constant 0 : i32
    %c0_i32_0 = arith.constant 0 : i32
    return %arg0, %c0_i32 : i32, i32
  }
  func.func @transform_2(%arg0: i32) -> (i32, i32) {
    %c0_i32 = arith.constant 0 : i32
    %c0_i32_0 = arith.constant 0 : i32
    %c0_i32_1 = arith.constant 0 : i32
    return %c0_i32, %c0_i32_0 : i32, i32
  }
  func.func @transform_3(%arg0: i32) -> (i32, i32) {
    %c0_i32 = arith.constant 0 : i32
    %c0_i32_0 = arith.constant 0 : i32
    return %c0_i32, %arg0 : i32, i32
  }
}

module attributes {stable_mosaic.version = 14 : i64} {
  func.func @_mm2_body(%arg0: i32, %arg1: memref<128x1024xf32, #tpu.memory_space<vmem>>, %arg2: memref<64x128xf32, #tpu.memory_space<vmem>>, %arg3: memref<1x64xf32, #tpu.memory_space<vmem>>, %arg4: memref<1024x64xf32, #tpu.memory_space<vmem>>) attributes {dimension_semantics = [#tpu.dimension_semantics<arbitrary>], iteration_bounds = array<i64: 10>, scalar_prefetch = 0 : i64, scratch_operands = 0 : i64, tpu.core_type = #tpu.core_type<tc>, window_params = [{transform_indices = @transform_0, window_bounds = array<i64: 128, 1024>}, {pipeline_mode = #tpu.pipeline_mode<synchronous>, transform_indices = @transform_1, window_bounds = array<i64: 64, 128>}, {pipeline_mode = #tpu.pipeline_mode<synchronous>, transform_indices = @transform_2, window_bounds = array<i64: 1, 64>}, {transform_indices = @transform_3, window_bounds = array<i64: 1024, 64>}]} {
    %get3A = arith.constant 0 : index
    %get3A_0 = arith.constant 0 : index
    %get3A_1 = vector.load %arg1[%get3A, %get3A_0] : memref<128x1024xf32, #tpu.memory_space<vmem>>, vector<128x1024xf32>
    %get3A_2 = arith.constant 0 : index
    %get3A_3 = arith.constant 0 : index
    %get3A_4 = vector.load %arg2[%get3A_2, %get3A_3] : memref<64x128xf32, #tpu.memory_space<vmem>>, vector<64x128xf32>
    %dot_general3A = arith.constant dense<0.000000e+00> : vector<1024x64xf32>
    %dot_general3A_5 = tpu.matmul %get3A_1, %get3A_4, %dot_general3A {dimension_numbers = #tpu.dot_dimension_numbers<[0], [1], [1], [0], [0, 1, 1, 0], [], []>, transpose_lhs_hint = false} : vector<128x1024xf32>, vector<64x128xf32>, vector<1024x64xf32> -> vector<1024x64xf32>
    %get3A_6 = arith.constant 0 : index
    %get3A_7 = arith.constant 0 : index
    %get3A_8 = vector.load %arg3[%get3A_6, %get3A_7] : memref<1x64xf32, #tpu.memory_space<vmem>>, vector<1x64xf32>
    %add3A = vector.broadcast %get3A_8 : vector<1x64xf32> to vector<1024x64xf32>
    %add3A_9 = arith.addf %dot_general3A_5, %add3A : vector<1024x64xf32>
    %swap3A = arith.constant 0 : index
    %swap3A_10 = arith.constant 0 : index
    %swap3A_11 = vector.load %arg4[%swap3A, %swap3A_10] : memref<1024x64xf32, #tpu.memory_space<vmem>>, vector<1024x64xf32>
    tpu.vector_store %arg4[%swap3A, %swap3A_10], %add3A_9 {strides = array<i32>} : memref<1024x64xf32, #tpu.memory_space<vmem>>, vector<1024x64xf32>,
    return
  }
  func.func @transform_0(%arg0: i32) -> (i32, i32) {
    %c0_i32 = arith.constant 0 : i32
    %c0_i32_0 = arith.constant 0 : i32
    return %c0_i32, %arg0 : i32, i32
  }
  func.func @transform_1(%arg0: i32) -> (i32, i32) {
    %c0_i32 = arith.constant 0 : i32
    %c0_i32_0 = arith.constant 0 : i32
    %c0_i32_1 = arith.constant 0 : i32
    return %c0_i32, %c0_i32_0 : i32, i32
  }
  func.func @transform_2(%arg0: i32) -> (i32, i32) {
    %c0_i32 = arith.constant 0 : i32
    %c0_i32_0 = arith.constant 0 : i32
    %c0_i32_1 = arith.constant 0 : i32
    return %c0_i32, %c0_i32_0 : i32, i32
  }
  func.func @transform_3(%arg0: i32) -> (i32, i32) {
    %c0_i32 = arith.constant 0 : i32
    %c0_i32_0 = arith.constant 0 : i32
    return %arg0, %c0_i32 : i32, i32
  }
}

</mosaic_0001>

<sc_bundles>
// kernel: kernel.5.cloned.1.call-start
scs
__scs_entry_jumppad:
0x0: {  	(pc) =	sbr.rel $0x88, $3  }
0x1: {  	(tag) =	ssettag $0x0;
	lr =	simm.s32 $0x1  }
0x2: {  	[smem:$0x3F99] =	sst lr;
	_ =	strace $0xD0000000  }
0x3: {  	_ = 	snop  }
0x4: {  	_ = 	snop  }
0x5: {  	_ = 	snop  }
0x6: {  	_ = 	snop  }
0x7: {  	_ = 	snop  }
__scs_overlays_trampoline_lowered:
0x8: {  	[smem:$0x3FA8] =	sst s0  }
0x9: {  	[smem:$0x3FA9] =	sst s1  }
0xa: {  	[smem:$0x3FAA] =	sst s2  }
0xb: {  	[smem:$0x3FAB] =	sst s3  }
0xc: {  	[smem:$0x3FAC] =	sst s4  }
0xd: {  	[smem:$0x3FAD] =	sst s5  }
0xe: {  	[smem:$0x3FAE] =	sst s6  }
0xf: {  	[smem:$0x3FAF] =	sst s7  }
0x10: {  	[smem:$0x3FB0] =	sst s8  }
0x11: {  	[smem:$0x3FB1] =	sst s9;
	s0 =	simm.s32 @!p0 $0x0  }
0x12: {  	s1 =	sld [smem:$0x3F97];
	s0 =	simm.s32 @p0 $0x1  }
0x13: {  	[smem:$0x3FB2] =	sst s0;
	s0 =	simm.s32 @!p1 $0x0  }
0x14: {  	s2 =	sld [smem:$0x3F96];
	s0 =	simm.s32 @p1 $0x1  }
0x15: {  	[smem:$0x3FB3] =	sst s0;
	s0 =	simm.s32 @!p2 $0x0  }
0x16: {  	s3 =	sld [smem:$0x3FDB];
	s0 =	simm.s32 @p2 $0x1  }
0x17: {  	s4 =	simm.s32 $0x1BF5;
	[smem:$0x3FB5] =	sst s0  }
0x18: {  	s0 =	sld [smem:$0x3F98];
	_ =	swait.ge [sflag:s4], $0x0  }
0x19: {  	s7 =	sld [smem:$0x3F99]  }
0x1a: {  	s8 =	sadd.s32 $0xFFFFE003, lr  }
0x1b: {  	s9 =	sadd.s32 $0xFFFFFEF7, lr;
	s5 =	simm.s32 $0xFFFFFFFF;
	p2 =	slt.u32 s8, $0xFFFFF086  }
0x1c: {  	p1 =	slt.u32 s9, $0xF7A;
	s5 =	simm.s32 @!p2 $0x0  }
0x1d: {  	s5 =	simm.s32 @p1 $0x1;
	p0 =	seq.s32 s7, s2  }
0x1e: {  	s7 =	smul.u32 @!p0 $0xF7A, s2;
	p2 =	seq.s32 @!p0 s5, $0x0  }
0x1f: {  	s9 =	smul.u32 $0xF7A, s1;
	s8 =	simm.s32 @!p0 $0x1BF5;
	p2 =	por !p2, p0  }
0x20: {  	[sflag:s8] =	ssyncset.s32 @!p0 $0xFFFFF086;
	s6 =	sadd.s32 @!p0 s3, s7;
	s7 =	simm.s32 @!p0 $0x108  }
0x21: {  	s3 =	sadd.s32 s3, s9;
	s6 =	sadd.s32 @!p0 $0x88, s6;
	s7 =	simm.s32 @p2 $0x1082  }
0x22: {  	[simem:s7], [sflag:s8] =	dma.local @!p0 [hbm:s6], $0xF7A  }
0x23: {  	s9 =	sor.u32 $0xD0000000, s2;
	s6 =	simm.s32 $0x108;
	_ =	swait.ge @!p0 [sflag:s8], $0x0  }
0x24: {  	s3 =	sadd.s32 $0x88, s3;
	s6 =	simm.s32 @!p1 $0x1082;
	[sflag:s4] =	ssyncset.s32 $0xFFFFF086  }
0x25: {  	[simem:s6], [sflag:s4] =	dma.local [hbm:s3], $0xF7A  }
0x26: {  	[smem:$0x3F99] =	sst s1;
	(tag) =	ssettag s2;
	_ =	strace s9  }
0x27: {  	s1 =	sld [smem:$0x3FA9]  }
0x28: {  	s2 =	sld [smem:$0x3FAA]  }
0x29: {  	s4 =	sld [smem:$0x3FAC]  }
0x2a: {  	p0 =	seq.s32 s5, $0x0;
	s5 =	sld [smem:$0x3FAD]  }
0x2b: {  	s6 =	sld [smem:$0x3FAE]  }
0x2c: {  	s7 =	sld [smem:$0x3FAF]  }
0x2d: {  	s3 =	simm.s32 $0x108;
	s8 =	sld [smem:$0x3FB0]  }
0x2e: {  	s3 =	simm.s32 @!p0 $0x1082;
	s9 =	sld [smem:$0x3FB1]  }
0x2f: {  	lr =	sadd.s32 s0, s3;
	s0 =	sld [smem:$0x3FA8]  }
0x30: {  	s3 =	sld [smem:$0x3FAB]  }
0x31: {  	[smem:$0x3FB4] =	sst s10  }
0x32: {  	s10 =	sld [smem:$0x3FB2];
	_ =	sdelay $0x3  }
0x33: {  	p0 =	seq.s32 s10, $0x1;
	s10 =	sld [smem:$0x3FB4];
	_ =	sdelay $0x3  }
0x34: {  	[smem:$0x3FB4] =	sst s10  }
0x35: {  	s10 =	sld [smem:$0x3FB3];
	_ =	sdelay $0x3  }
0x36: {  	p1 =	seq.s32 s10, $0x1;
	s10 =	sld [smem:$0x3FB4];
	_ =	sdelay $0x3  }
0x37: {  	[smem:$0x3FB4] =	sst s10  }
0x38: {  	s10 =	sld [smem:$0x3FB5]  }
0x39: {  	_ = 	snop;
	(pc) =	sbr.ind lr, $3  }
0x3a: {  	_ = 	snop  }
0x3b: {  	_ = 	snop  }
0x3c: {  	p2 =	seq.s32 s10, $0x1;
	s10 =	sld [smem:$0x3FB4]  }
0x3d: {  	_ =	shalt  }
0x3e: {  	_ =	shalt  }
0x3f: {  	_ =	shalt  }
0x40: {  	_ =	shalt  }
0x41: {  	_ =	shalt  }
0x42: {  	_ =	shalt  }
0x43: {  	_ =	shalt  }
0x44: {  	_ =	shalt  }
0x45: {  	_ =	shalt  }
0x46: {  	_ =	shalt  }
0x47: {  	_ =	shalt  }
0x48: {  	_ =	shalt  }
0x49: {  	_ =	shalt  }
0x4a: {  	_ =	shalt  }
0x4b: {  	_ =	shalt  }
0x4c: {  	_ =	shalt  }
0x4d: {  	_ =	shalt  }
0x4e: {  	_ =	shalt  }
0x4f: {  	_ =	shalt  }
0x50: {  	_ =	shalt  }
0x51: {  	_ =	shalt  }
0x52: {  	_ =	shalt  }
0x53: {  	_ =	shalt  }
0x54: {  	_ =	shalt  }
0x55: {  	_ =	shalt  }
0x56: {  	_ =	shalt  }
0x57: {  	_ =	shalt  }
0x58: {  	_ =	shalt  }
0x59: {  	_ =	shalt  }
0x5a: {  	_ =	shalt  }
0x5b: {  	_ =	shalt  }
0x5c: {  	_ =	shalt  }
0x5d: {  	_ =	shalt  }
0x5e: {  	_ =	shalt  }
0x5f: {  	_ =	shalt  }
0x60: {  	_ =	shalt  }
0x61: {  	_ =	shalt  }
0x62: {  	_ =	shalt  }
0x63: {  	_ =	shalt  }
0x64: {  	_ =	shalt  }
0x65: {  	_ =	shalt  }
0x66: {  	_ =	shalt  }
0x67: {  	_ =	shalt  }
0x68: {  	_ =	shalt  }
0x69: {  	_ =	shalt  }
0x6a: {  	_ =	shalt  }
0x6b: {  	_ =	shalt  }
0x6c: {  	_ =	shalt  }
0x6d: {  	_ =	shalt  }
0x6e: {  	_ =	shalt  }
0x6f: {  	_ =	shalt  }
0x70: {  	_ =	shalt  }
0x71: {  	_ =	shalt  }
0x72: {  	_ =	shalt  }
0x73: {  	_ =	shalt  }
0x74: {  	_ =	shalt  }
0x75: {  	_ =	shalt  }
0x76: {  	_ =	shalt  }
0x77: {  	_ =	shalt  }
0x78: {  	_ =	shalt  }
0x79: {  	_ =	shalt  }
0x7a: {  	_ =	shalt  }
0x7b: {  	_ =	shalt  }
0x7c: {  	_ =	shalt  }
0x7d: {  	_ =	shalt  }
0x7e: {  	_ =	shalt  }
0x7f: {  	_ =	shalt  }
0x80: {  	_ =	shalt  }
0x81: {  	_ =	shalt  }
0x82: {  	_ =	shalt  }
0x83: {  	_ =	shalt  }
0x84: {  	_ =	shalt  }
0x85: {  	_ =	shalt  }
0x86: {  	_ =	shalt  }
0x87: {  	_ =	shalt  }
.Lfunc_end0:
.L_simem_size_0:
called_computation_lowered:
.L_overlay_start_0:
0x88: {  	s2 =	sld [smem:$0x3FD9]  }
0x89: {  	s3 =	sld [smem:$0x3FFE];
	_ =	sdelay $0x1  }
0x8a: {  	s1 =	srdreg.scid  }
0x8b: {  	s0 =	sand.u32 $0x1, s1  }
0x8c: {  	s17 =	sshll.u32 s0, $0xA;
	s2 =	sadd.s32 s3, s2  }
0x8d: {  	s2 =	sadd.s32 s2, s17  }
0x8e: {  	[smem:$0x3FC0] =	sst s2  }
0x8f: {  	_ = 	snop  }
0x90: {  	s2 =	sld [smem:$0x3FC7]  }
0x91: {  	s18 =	sld [smem:$0x3FD0];
	(tm) =	ssettm $0x1  }
0x92: {  	s4 =	sld [smem:$0x3FFB];
	_ =	sdelay $0x3  }
0x93: {  	_ =	strace s4  }
0x94: {  	s4 =	sld [smem:$0x3FFC];
	_ =	sdelay $0x3  }
0x95: {  	_ =	strace s4  }
0x96: {  	s4 =	sld [smem:$0x3FFD];
	_ =	sdelay $0x3  }
0x97: {  	_ =	strace s4  }
0x98: {  	_ =	strace $0x8FFFFFFF  }
0x99: {  	s19 =	sld [smem:$0x3FDB];
	_ =	sdelay $0x1  }
0x9a: {  	s5 =	simm.s32 $_scs_section_size  }
0x9b: {  	s6 =	simm.s32 $_size__tile_overlayer_lowered;
	s7 =	simm.s32 $_tile_overlayer_lowered  }
0x9c: {  	s22 =	simm.s32 $0x1BFF;
	s21 =	sshll.u32 s7, $0x1;
	s4 =	sadd.s32 s5, s19  }
0x9d: {  	s8 =	simm.s32 $0x0;
	s20 =	sshll.u32 s6, $0x1;
	s6 =	sadd.s32 s21, s4  }
0x9e: {  	[timem:s8], [sflag:s22] =	dma.local [hbm:s6], s20  }
0x9f: {  	_ =	swait.ge [sflag:s22], s20  }
0xa0: {  	s5 =	ssub.s32 $0x0, s20;
	[sflag:s22] =	ssyncset.done $0x0  }
0xa1: {  	[sflag:s22] =	ssyncadd.s32 s5;
	_ =	sdelay $0x1  }
0xa2: {  	s23 =	simm.s32 $0x1B8B  }
0xa3: {  	_ =	swait.ge [sflag:s23], $0x1  }
0xa4: {  	[sflag:s23] =	ssyncset.done $0x0  }
0xa5: {  	s25 =	simm.s32 $0x1B8E;
	s24 =	sld [smem:$0x3FFE];
	[sflag:s23] =	ssyncadd.s32 $0xFFFFFFFF  }
0xa6: {  	s26 =	simm.s32 $execute0_lowered;
	[smem:$0x3FD2] =	sst s25  }
0xa7: {  	s6 =	sshll.u32 s26, $0x1;
	_ =	strace $0x80000046;
	[dreg:$0x1] =	wrdreg $0xFFFFFFFF  }
0xa8: {  	s28 =	simm.s32 $_size_execute0_lowered;
	s4 =	sadd.s32 s4, s6;
	[dreg:$0x0] =	wrdreg $0x0  }
0xa9: {  	s6 =	sshll.u32 s28, $0x1;
	[dreg:$0x2] =	wrdreg s4  }
0xaa: {  	[dreg:$0x3] =	wrdreg s6  }
0xab: {  	[dreg:$0x4] =	wrdreg $0xC0  }
0xac: {  	_ =	task [dreg:s8], $0x5FFFF  }
0xad: {  	[dreg:$0x1] =	wrdreg $0xFFFFFFFF  }
0xae: {  	[dreg:$0x0] =	wrdreg $0x60  }
0xaf: {  	[dreg:$0x2] =	wrdreg s24  }
0xb0: {  	[dreg:$0x3] =	wrdreg s18  }
0xb1: {  	[dreg:$0x4] =	wrdreg s2  }
0xb2: {  	[dreg:$0x5] =	wrdreg $0x9  }
0xb3: {  	_ =	task.clear_ibuf [dreg:s8], $0x6FFFF;
	_ =	strace $0x90000046  }
0xb4: {  	s29 =	simm.s32 $0x9;
	_ =	strace $0x80000048  }
0xb5: {  	_ =	swait.ge [sflag:s29], $0x1  }
0xb6: {  	[sflag:s29] =	ssyncadd.s32 $0xFFFFFFFF  }
0xb7: {  	_ =	strace $0x90000048  }
0xb8: {  	_ =	sfence  }
0xb9: {  	s30 =	sld [smem:$0x0];
	_ =	sdelay $0x2  }
0xba: {  	s31 =	sshll.u32 s1, $0xD;
	s1 =	sshrl.u32 s1, $0x2  }
0xbb: {  	s3 =	sand.u32 $0x4000, s31;
	s1 =	sadd.s32 s1, s30  }
0xbc: {  	s0 =	sor.u32 s3, s0;
	s1 =	sshll.u32 s1, $0x11  }
0xbd: {  	s0 =	sor.u32 s1, s0  }
0xbe: {  	s0 =	sadd.s32 $0x8F2B, s0  }
0xbf: {  	[sflag:s0] =	ssyncadd.remote.s32 $0x1  }
0xc0: {  	_ =	sfence.sel $0xFFFF  }
0xc1: {  	[dreg:$0x0] =	wrdreg $0xFFFFFFFF;
	(pc) =	sbr.abs _section_cstart, $3  }
0xc2: {  	[dreg:$0x1] =	wrdreg $0xFFFFFFFF  }
0xc3: {  	_ =	task.clear_ibuf [dreg:s8], $0x2FFFF;
	_ =	strace $0x9FFFFFFF  }
0xc4: {  	(tm) =	ssettm $0x7FFFFFFF  }
0xc5: {  	_ =	shalt  }
tec
execute0_lowered:
.L_overlay_start_1:
0x0: {  	(tag) =	ssettag $0x1  }
0x1: {  	s0 =	rddreg [dreg:$0x0]  }
0x2: {  	s1 =	rddreg [dreg:$0x1]  }
0x3: {  	s3 =	rddreg [dreg:$0x2];
	s4 =	simm.s32 $0x0  }
0x4: {  	s2 =	srdreg.scid;
	s5 =	stileid.u32;
	s17 =	simm.s32 $0x80  }
0x5: {  	s18 =	simm.s32 $0x400;
	s19 =	simm.s32 $0x3;
	s28 =	simm.s32 $0x1C000  }
0x6: {  	s29 =	simm.s32 $0x1;
	s30 =	simm.s32 $0x14000;
	s31 =	simm.s32 $0xA000  }
0x7: {  	s20 =	simm.s32 $0x11800;
	s21 =	simm.s32 $0x2;
	[smem:$0x7FF] =	sst s4  }
0x8: {  	s2 =	sand.u32 $0x1, s2;
	s5 =	smul.u32 $0x14000, s5;
	s7 =	sadd.s32 $0xE00, s0  }
0x9: {  	s22 =	sadd.s32 $0xC00, s0;
	s0 =	sadd.s32 $0x28E00, s0;
	s11 =	sadd.s32 $0x1F4, s3  }
0xa: {  	_ =	strace $0x80000047;
	s6 =	sshll.u32 s2, $0x9;
	s2 =	ssub.s32 $0x2, s2  }
0xb: {  	[dreg:$0x4] =	wrdreg s22;
	s22 =	simm.s32 $0x0;
	s5 =	sor.u32 s6, s5  }
0xc: {  	s23 =	sshrl.u32 s2, $0x1;
	s6 =	simm.s32 $0x2800;
	s5 =	sshrl.u32 s5, $0x3  }
0xd: {  	s2 =	ssub.s32 s2, s23;
	s23 =	simm.s32 $0xF000;
	s24 =	sadd.s32 s7, s5  }
0xe: {  	s25 =	sor.u32 $0x10, s5;
	s8 =	sor.u32 $0x20, s5;
	s9 =	sor.u32 $0x30, s5  }
0xf: {  	s5 =	sadd.s32 s0, s5;
	s16 =	smax.u32 s2, $0x1;
	s2 =	simm.s32 $0x16800  }
0x10: {  	[dreg:$0x5] =	wrdreg s24;
	s10 =	sadd.s32 s7, s25;
	s26 =	sadd.s32 s7, s8  }
0x11: {  	s7 =	sadd.s32 s7, s9;
	[dreg:$0x9] =	wrdreg s5;
	s13 =	sadd.s32 s0, s25  }
0x12: {  	s14 =	sadd.s32 s0, s8;
	s15 =	sadd.s32 s0, s9;
	[dreg:$0x6] =	wrdreg s10  }
0x13: {  	s8 =	simm.s32 $0x7800;
	s24 =	simm.s32 $0x19000;
	[dreg:$0x7] =	wrdreg s26  }
0x14: {  	s25 =	simm.s32 $0x1B000;
	s0 =	simm.s32 $0xC800;
	[dreg:$0x8] =	wrdreg s7  }
0x15: {  	v0 =	vimm.f32 $0.0e+00;
	s10 =	sadd.s32 $0x1F4, s1;
	s7 =	simm.s32 $0x5000;
	s26 =	simm.s32 $0x1A000  }
.LBB2_1:
0x16: {  	s5 =	rddreg [dreg:$0x5]  }
0x17: {  	[tilespmem:s4], [sflag:$0x3] =	stream.strided.gather [hbm4b:s5+s17], $0x2800, s18, s17, $0x38;
	[tilespmem:$0x1D080] =	vst v63  }
0x18: {  	_ =	swait.ge [sflag:s19], $0x2800  }
0x19: {  	[sflag:s19] =	ssyncset.done $0x0  }
0x1a: {  	s9 =	rddreg [dreg:$0x6];
	[sflag:s19] =	ssyncadd.s32 $0xFFFFD800  }
0x1b: {  	[tilespmem:s6], [sflag:$0x3] =	stream.strided.gather [hbm4b:s9+s17], $0x2800, s18, s17, $0x38;
	[tilespmem:$0x1D080] =	vst v63  }
0x1c: {  	_ =	swait.ge [sflag:s19], $0x2800  }
0x1d: {  	[sflag:s19] =	ssyncset.done $0x0  }
0x1e: {  	s12 =	rddreg [dreg:$0x7];
	[sflag:s19] =	ssyncadd.s32 $0xFFFFD800  }
0x1f: {  	[tilespmem:s7], [sflag:$0x3] =	stream.strided.gather [hbm4b:s12+s17], $0x2800, s18, s17, $0x38;
	[tilespmem:$0x1D080] =	vst v63  }
0x20: {  	_ =	swait.ge [sflag:s19], $0x2800  }
0x21: {  	[sflag:s19] =	ssyncset.done $0x0  }
0x22: {  	s6 =	rddreg [dreg:$0x8];
	[sflag:s19] =	ssyncadd.s32 $0xFFFFD800  }
0x23: {  	[tilespmem:s8], [sflag:$0x3] =	stream.strided.gather [hbm4b:s6+s17], $0x2800, s18, s17, $0x38;
	[tilespmem:$0x1D080] =	vst v63  }
0x24: {  	_ =	swait.ge [sflag:s19], $0x2800  }
0x25: {  	[sflag:s19] =	ssyncset.done $0x0  }
0x26: {  	s8 =	simm.s32 $0x1D000;
	s7 =	rddreg [dreg:$0x4];
	[sflag:s19] =	ssyncadd.s32 $0xFFFFD800  }
0x27: {  	[tilespmem:s8], [sflag:$0x3] =	stream.linear.gather [hbm4b:s7+s4], $0x80, $0x38;
	[tilespmem:$0x1D080] =	vst v63  }
0x28: {  	_ =	swait.ge [sflag:s19], $0x80  }
0x29: {  	[sflag:s19] =	ssyncset.done $0x0  }
0x2a: {  	s5 =	simm.s32 $0x0;
	[sflag:s19] =	ssyncadd.s32 $0xFFFFFF80  }
0x2b: {  	[tilespmem:s5+$0xA000] =	vst v0  }
0x2c: {  	v1 =	vld [tilespmem:s5+$0x0];
	[tilespmem:s5+$0xA010] =	vst v0  }
0x2d: {  	v2 =	vld [tilespmem:s5+$0x10];
	[tilespmem:s5+$0xC810] =	vst v0  }
0x2e: {  	s9 =	sand.u32 $0x3FC0, s4;
	v5 =	vld [tilespmem:s5+$0x2810];
	[tilespmem:s5+$0xF010] =	vst v0  }
0x2f: {  	v7 =	vld [tilespmem:s5+$0x5010];
	[tilespmem:s9+$0xC800] =	vst v0  }
0x30: {  	s12 =	sadd.s32 $0x7800, s9;
	[tilespmem:s9+$0xF000] =	vst v0;
	v3 =	vld [tilespmem:s9+$0x2800]  }
0x31: {  	v4 =	vld [tilespmem:s9+$0x5000];
	[tilespmem:s12+$0xA000] =	vst v0  }
0x32: {  	[tilespmem:s5+$0x11810] =	vst v0;
	v6 =	vld [tilespmem:s9+$0x7800]  }
0x33: {  	v8 =	vld [tilespmem:s5+$0x7810];
	[tilespmem:s5+$0xA020] =	vst v0  }
0x34: {  	v59 =	vld [tilespmem:s5+$0x2820];
	[tilespmem:s5+$0xC820] =	vst v0  }
0x35: {  	[tilespmem:s5+$0xF020] =	vst v0;
	v1 =	vpack.i.f32.bf16 v3, v1;
	v3 =	vld [tilespmem:s5+$0x20]  }
0x36: {  	v61 =	vld [tilespmem:s5+$0x30];
	[tilespmem:s5+$0x11820] =	vst v0  }
0x37: {  	v62 =	vld [tilespmem:s5+$0x2830];
	[tilespmem:s5+$0x14000] =	vst v1;
	v1 =	vpack.i.f32.bf16 v6, v4  }
0x38: {  	[tilespmem:s9+$0x16800] =	vst v1;
	v1 =	vpack.i.f32.bf16 v5, v2;
	v2 =	vld [tilespmem:s5+$0x5020]  }
0x39: {  	[tilespmem:s5+$0x14010] =	vst v1;
	v1 =	vld [tilespmem:s5+$0x7820]  }
0x3a: {  	v63 =	vld [tilespmem:s5+$0x5030];
	[tilespmem:s5+$0xA030] =	vst v0;
	v3 =	vpack.i.f32.bf16 v59, v3  }
0x3b: {  	[tilespmem:s5+$0x14020] =	vst v3;
	v3 =	vld [tilespmem:s5+$0x7830]  }
0x3c: {  	[tilespmem:s5+$0xC830] =	vst v0  }
0x3d: {  	[tilespmem:s5+$0xF030] =	vst v0;
	v60 =	vpack.i.f32.bf16 v8, v7  }
0x3e: {  	[tilespmem:s5+$0x16810] =	vst v60;
	v1 =	vpack.i.f32.bf16 v1, v2  }
0x3f: {  	[tilespmem:s5+$0x16820] =	vst v1;
	v1 =	vpack.i.f32.bf16 v62, v61  }
0x40: {  	[tilespmem:s5+$0x14030] =	vst v1;
	v1 =	vpack.i.f32.bf16 v3, v63  }
0x41: {  	s6 =	simm.s32 $0x0;
	s7 =	simm.s32 $0x100;
	s8 =	simm.s32 $0x0;
	[tilespmem:s5+$0x16830] =	vst v1  }
.LBB2_2:
0x42: {  	[tilespmem:s5+$0x11830] =	vst v0;
	s5 =	sshra.s32 s7, $0x2;
	s8 =	sadd.s32 $0x40, s8  }
0x43: {  	[tilespmem:s5+$0xA000] =	vst v0;
	s9 =	sand.u32 $0x3FC0, s8;
	v1 =	vld [tilespmem:s5+$0x10]  }
0x44: {  	s6 =	sadd.s32 $0x4, s6;
	v2 =	vld [tilespmem:s5+$0x0];
	[tilespmem:s9+$0xC800] =	vst v0  }
0x45: {  	p0 =	slt.u32 s6, $0x27C;
	s12 =	sadd.s32 $0x7800, s9;
	v3 =	vld [tilespmem:s9+$0x2800];
	[tilespmem:s9+$0xF000] =	vst v0  }
0x46: {  	v4 =	vld [tilespmem:s9+$0x5000];
	[tilespmem:s12+$0xA000] =	vst v0  }
0x47: {  	v5 =	vld [tilespmem:s9+$0x7800];
	[tilespmem:s5+$0xA010] =	vst v0  }
0x48: {  	[tilespmem:s5+$0xC810] =	vst v0;
	v6 =	vld [tilespmem:s5+$0x2810]  }
0x49: {  	[tilespmem:s5+$0xF010] =	vst v0;
	v7 =	vld [tilespmem:s5+$0x5010]  }
0x4a: {  	[tilespmem:s5+$0x11810] =	vst v0;
	v8 =	vld [tilespmem:s5+$0x7810]  }
0x4b: {  	v2 =	vpack.i.f32.bf16 v3, v2;
	[tilespmem:s5+$0xA020] =	vst v0;
	v3 =	vld [tilespmem:s5+$0x20]  }
0x4c: {  	[tilespmem:s5+$0x14000] =	vst v2;
	v2 =	vpack.i.f32.bf16 v5, v4;
	v4 =	vld [tilespmem:s5+$0x2820]  }
0x4d: {  	[tilespmem:s9+$0x16800] =	vst v2;
	v1 =	vpack.i.f32.bf16 v6, v1;
	v2 =	vld [tilespmem:s5+$0x5020]  }
0x4e: {  	[tilespmem:s5+$0x14010] =	vst v1;
	v1 =	vld [tilespmem:s5+$0x7820]  }
0x4f: {  	v5 =	vpack.i.f32.bf16 v8, v7;
	[tilespmem:s5+$0xC820] =	vst v0;
	v6 =	vld [tilespmem:s5+$0x30]  }
0x50: {  	[tilespmem:s5+$0x16810] =	vst v5;
	v5 =	vld [tilespmem:s5+$0x2830]  }
0x51: {  	[tilespmem:s5+$0xF020] =	vst v0;
	v3 =	vpack.i.f32.bf16 v4, v3;
	v4 =	vld [tilespmem:s5+$0x5030]  }
0x52: {  	[tilespmem:s5+$0x14020] =	vst v3;
	v3 =	vld [tilespmem:s5+$0x7830]  }
0x53: {  	[tilespmem:s5+$0x11820] =	vst v0;
	v1 =	vpack.i.f32.bf16 v1, v2  }
0x54: {  	[tilespmem:s5+$0x16820] =	vst v1  }
.Ltmp0:
0x55: {  	[tilespmem:s5+$0xA030] =	vst v0;
	v1 =	vpack.i.f32.bf16 v5, v6;
	(pc) =	sbr.rel @p0 .LBB2_2-.Ltmp0, $4  }
0x56: {  	[tilespmem:s5+$0x14030] =	vst v1  }
0x57: {  	[tilespmem:s5+$0xC830] =	vst v0;
	v1 =	vpack.i.f32.bf16 v3, v4  }
0x58: {  	[tilespmem:s5+$0x16830] =	vst v1  }
0x59: {  	s7 =	sadd.s32 $0x100, s7;
	[tilespmem:s5+$0xF030] =	vst v0  }
0x5a: {  	[tilespmem:s5+$0x11830] =	vst v0;
	s5 =	simm.s32 $0x0  }
0x5b: {  	[tilespmem:s24], [sflag:$0x1] =	stream.linear.gather [hbm4b:s1+s5], $0xFA0, $0x38;
	[tilespmem:$0x1D080] =	vst v63  }
0x5c: {  	_ = 	snop  }
0x5d: {  	[tilespmem:s25], [sflag:$0x1] =	stream.linear.gather [hbm4b:s3+s5], $0xFA0, $0x38;
	[tilespmem:$0x1D080] =	vst v63  }
0x5e: {  	_ = 	snop  }
0x5f: {  	[tilespmem:s26], [sflag:$0x2] =	stream.linear.gather [hbm4b:s10+s5], $0xFA0, $0x38;
	[tilespmem:$0x1D080] =	vst v63  }
0x60: {  	_ = 	snop  }
0x61: {  	[tilespmem:s28], [sflag:$0x2] =	stream.linear.gather [hbm4b:s11+s5], $0xFA0, $0x38;
	[tilespmem:$0x1D080] =	vst v63  }
.LBB2_4:
0x62: {  	_ =	swait.ge [sflag:s29], $0xFA0  }
0x63: {  	[sflag:s29] =	ssyncset.done $0x0  }
0x64: {  	[sflag:s29] =	ssyncadd.s32 $0xFFFFF060  }
0x65: {  	_ =	swait.ge [sflag:s29], $0xFA0  }
0x66: {  	[sflag:s29] =	ssyncset.done $0x0  }
0x67: {  	s6 =	simm.s32 $0x19020;
	[sflag:s29] =	ssyncadd.s32 $0xFFFFF060  }
0x68: {  	v1 =	vld [tilespmem:s6+$0x10]  }
0x69: {  	v3 =	vld [tilespmem:s6+$0xFFFFFFE0];
	_ =	sdelay $0x3  }
0x6a: {  	v2 =	vld [tilespmem:s6+$0xFFFFFFF0];
	v5 =	vand.u32 $0xFFFF, v1  }
0x6b: {  	v7 =	vand.u32 $0xFFFF, v3  }
0x6c: {  	v4 =	vld [tilespmem:s6+$0x0]  }
0x6d: {  	s9 =	simm.s32 $0x1B020  }
0x6e: {  	v10 =	vld [tilespmem:s9+$0x10]  }
0x6f: {  	v6 =	vand.u32 $0xFFFF, v2;
	v9 =	vld.idx.msk [tilespmem:v5+s30+$0x0], $0xffff  }
0x70: {  	v12 =	vld.idx.msk [tilespmem:v7+s30+$0x0], $0xffff  }
0x71: {  	v14 =	vld [tilespmem:s9+$0xFFFFFFE0];
	v8 =	vand.u32 $0xFFFF, v4  }
0x72: {  	v16 =	vld [tilespmem:s9+$0xFFFFFFF0];
	v13 =	vshrl.u32 v1, $0x10  }
0x73: {  	v17 =	vld [tilespmem:s9+$0x0];
	v3 =	vshrl.u32 v3, $0x10  }
0x74: {  	s6 =	simm.s32 $0x1B060;
	v11 =	vld.idx.msk [tilespmem:v6+s30+$0x0], $0xffff;
	v1 =	vunpack.i.l.bf16.f32 v9  }
0x75: {  	v61 =	vld [tilespmem:s6+$0x10];
	v18 =	vunpack.i.l.bf16.f32 v12;
	v1 =	vmul.f32 v1, v10  }
0x76: {  	v15 =	vld.idx.msk [tilespmem:v8+s30+$0x0], $0xffff;
	v9 =	vunpack.i.u.bf16.f32 v9;
	v18 =	vmul.f32 v18, v14  }
0x77: {  	v2 =	vshrl.u32 v2, $0x10;
	v9 =	vmul.f32 v9, v10;
	[tilespmem:v13+s31+$0x0] =	vst.idx.add.f32.msk $0xffff, v1  }
0x78: {  	v12 =	vunpack.i.u.bf16.f32 v12;
	[tilespmem:v3+s31+$0x0] =	vst.idx.add.f32.msk $0xffff, v18  }
0x79: {  	v1 =	vshrl.u32 v4, $0x10;
	v4 =	vunpack.i.l.bf16.f32 v11;
	[tilespmem:v13+s0+$0x0] =	vst.idx.add.f32.msk $0xffff, v9;
	v9 =	vmul.f32 v12, v14  }
0x7a: {  	v11 =	vunpack.i.u.bf16.f32 v11;
	v4 =	vmul.f32 v4, v16;
	v5 =	vld.idx.msk [tilespmem:v5+s2+$0x0], $0xffff  }
0x7b: {  	v54 =	vunpack.i.l.bf16.f32 v15;
	v11 =	vmul.f32 v11, v16;
	[tilespmem:v3+s0+$0x0] =	vst.idx.add.f32.msk $0xffff, v9  }
0x7c: {  	v12 =	vmul.f32 v54, v17;
	v9 =	vunpack.i.u.bf16.f32 v15;
	[tilespmem:v2+s31+$0x0] =	vst.idx.add.f32.msk $0xffff, v4  }
0x7d: {  	v4 =	vmul.f32 v9, v17;
	[tilespmem:v2+s0+$0x0] =	vst.idx.add.f32.msk $0xffff, v11  }
0x7e: {  	[tilespmem:v1+s31+$0x0] =	vst.idx.add.f32.msk $0xffff, v12  }
0x7f: {  	[tilespmem:v1+s0+$0x0] =	vst.idx.add.f32.msk $0xffff, v4;
	v4 =	vunpack.i.l.bf16.f32 v5  }
0x80: {  	v7 =	vld.idx.msk [tilespmem:v7+s2+$0x0], $0xffff;
	v4 =	vmul.f32 v4, v10  }
0x81: {  	v6 =	vld.idx.msk [tilespmem:v6+s2+$0x0], $0xffff  }
0x82: {  	s12 =	simm.s32 $0x19060;
	v5 =	vunpack.i.u.bf16.f32 v5;
	[tilespmem:v13+s23+$0x0] =	vst.idx.add.f32.msk $0xffff, v4  }
0x83: {  	v4 =	vmul.f32 v5, v10;
	v5 =	vld [tilespmem:s12+$0x10]  }
0x84: {  	v9 =	vld [tilespmem:s12+$0xFFFFFFF0]  }
0x85: {  	v10 =	vld [tilespmem:s12+$0xFFFFFFE0]  }
0x86: {  	v11 =	vld [tilespmem:s12+$0x0];
	v55 =	vunpack.i.l.bf16.f32 v6  }
0x87: {  	v56 =	vld.idx.msk [tilespmem:v8+s2+$0x0], $0xffff;
	v8 =	vmul.f32 v55, v16  }
0x88: {  	v6 =	vunpack.i.u.bf16.f32 v6;
	[tilespmem:v13+s20+$0x0] =	vst.idx.add.f32.msk $0xffff, v4;
	v57 =	vand.u32 $0xFFFF, v5  }
0x89: {  	v6 =	vmul.f32 v6, v16;
	v4 =	vunpack.i.l.bf16.f32 v7;
	[tilespmem:v2+s23+$0x0] =	vst.idx.add.f32.msk $0xffff, v8  }
0x8a: {  	v4 =	vmul.f32 v4, v14;
	v8 =	vld [tilespmem:s6+$0xFFFFFFE0];
	v59 =	vand.u32 $0xFFFF, v10  }
0x8b: {  	v58 =	vand.u32 $0xFFFF, v9;
	v7 =	vunpack.i.u.bf16.f32 v7;
	[tilespmem:v2+s20+$0x0] =	vst.idx.add.f32.msk $0xffff, v6  }
0x8c: {  	v7 =	vmul.f32 v7, v14;
	[tilespmem:v3+s23+$0x0] =	vst.idx.add.f32.msk $0xffff, v4  }
0x8d: {  	v2 =	vld.idx.msk [tilespmem:v57+s30+$0x0], $0xffff  }
0x8e: {  	[tilespmem:v3+s20+$0x0] =	vst.idx.add.f32.msk $0xffff, v7  }
0x8f: {  	v4 =	vand.u32 $0xFFFF, v11;
	v3 =	vld.idx.msk [tilespmem:v59+s30+$0x0], $0xffff  }
0x90: {  	v60 =	vld.idx.msk [tilespmem:v58+s30+$0x0], $0xffff;
	v20 =	vshrl.u32 v5, $0x10;
	v5 =	vunpack.i.l.bf16.f32 v56  }
0x91: {  	v6 =	vld [tilespmem:s6+$0x0];
	v21 =	vmul.f32 v5, v17  }
0x92: {  	v7 =	vld [tilespmem:s6+$0xFFFFFFF0];
	v5 =	vshrl.u32 v10, $0x10;
	v22 =	vunpack.i.l.bf16.f32 v2  }
0x93: {  	[tilespmem:v1+s23+$0x0] =	vst.idx.add.f32.msk $0xffff, v21;
	v2 =	vunpack.i.u.bf16.f32 v2;
	v10 =	vmul.f32 v22, v61  }
0x94: {  	v19 =	vld.idx.msk [tilespmem:v4+s30+$0x0], $0xffff;
	v62 =	vmul.f32 v2, v61;
	v2 =	vshrl.u32 v9, $0x10;
	v9 =	vunpack.i.l.bf16.f32 v3  }
0x95: {  	v9 =	vmul.f32 v9, v8;
	[tilespmem:v20+s31+$0x0] =	vst.idx.add.f32.msk $0xffff, v10  }
0x96: {  	v10 =	vunpack.i.u.bf16.f32 v3;
	[tilespmem:v20+s0+$0x0] =	vst.idx.add.f32.msk $0xffff, v62  }
0x97: {  	v3 =	vshrl.u32 v11, $0x10;
	v11 =	vunpack.i.l.bf16.f32 v60;
	v10 =	vmul.f32 v10, v8;
	[tilespmem:v5+s31+$0x0] =	vst.idx.add.f32.msk $0xffff, v9  }
0x98: {  	v16 =	vunpack.i.u.bf16.f32 v60;
	v11 =	vmul.f32 v11, v7;
	v14 =	vld.idx.msk [tilespmem:v57+s2+$0x0], $0xffff  }
0x99: {  	v16 =	vmul.f32 v16, v7;
	[tilespmem:v5+s0+$0x0] =	vst.idx.add.f32.msk $0xffff, v10  }
0x9a: {  	v9 =	vunpack.i.l.bf16.f32 v19;
	[tilespmem:v2+s31+$0x0] =	vst.idx.add.f32.msk $0xffff, v11  }
0x9b: {  	v9 =	vmul.f32 v9, v6;
	v10 =	vunpack.i.u.bf16.f32 v19;
	[tilespmem:v2+s0+$0x0] =	vst.idx.add.f32.msk $0xffff, v16  }
0x9c: {  	v10 =	vmul.f32 v10, v6;
	v11 =	vld.idx.msk [tilespmem:v59+s2+$0x0], $0xffff  }
0x9d: {  	[tilespmem:v3+s31+$0x0] =	vst.idx.add.f32.msk $0xffff, v9;
	v9 =	vunpack.i.l.bf16.f32 v14  }
0x9e: {  	[tilespmem:v3+s0+$0x0] =	vst.idx.add.f32.msk $0xffff, v10;
	v14 =	vunpack.i.u.bf16.f32 v14;
	v9 =	vmul.f32 v9, v61  }
0x9f: {  	v10 =	vld.idx.msk [tilespmem:v58+s2+$0x0], $0xffff;
	v63 =	vmul.f32 v14, v61  }
0xa0: {  	v13 =	vunpack.i.u.bf16.f32 v56;
	[tilespmem:v20+s23+$0x0] =	vst.idx.add.f32.msk $0xffff, v9  }
0xa1: {  	s7 =	simm.s32 $0x4;
	s8 =	simm.s32 $0x190A0;
	v9 =	vmul.f32 v13, v17;
	[tilespmem:v20+s20+$0x0] =	vst.idx.add.f32.msk $0xffff, v63  }
.LBB2_5:
0xa2: {  	v12 =	vld [tilespmem:s8+$0x10]  }
0xa3: {  	v13 =	vld [tilespmem:s8+$0xFFFFFFF0]  }
0xa4: {  	s7 =	sadd.s32 $0x4, s7;
	v15 =	vunpack.i.u.bf16.f32 v11;
	v11 =	vunpack.i.l.bf16.f32 v11;
	v14 =	vld [tilespmem:s8+$0x0]  }
0xa5: {  	p0 =	slt.u32 s7, $0xF4;
	v11 =	vmul.f32 v11, v8;
	v17 =	vunpack.i.u.bf16.f32 v10;
	v10 =	vunpack.i.l.bf16.f32 v10;
	v16 =	vld [tilespmem:s8+$0xFFFFFFE0]  }
0xa6: {  	v8 =	vmul.f32 v15, v8;
	v10 =	vmul.f32 v10, v7;
	v15 =	vld.idx.msk [tilespmem:v4+s2+$0x0], $0xffff  }
0xa7: {  	v7 =	vmul.f32 v17, v7;
	v18 =	vand.u32 $0xFFFF, v12;
	[tilespmem:v5+s23+$0x0] =	vst.idx.add.f32.msk $0xffff, v11  }
0xa8: {  	v11 =	vshrl.u32 v13, $0x10;
	v13 =	vand.u32 $0xFFFF, v13;
	[tilespmem:v5+s20+$0x0] =	vst.idx.add.f32.msk $0xffff, v8  }
0xa9: {  	v8 =	vshrl.u32 v14, $0x10;
	v4 =	vand.u32 $0xFFFF, v14;
	[tilespmem:v2+s23+$0x0] =	vst.idx.add.f32.msk $0xffff, v10  }
0xaa: {  	v5 =	vshrl.u32 v16, $0x10;
	v10 =	vand.u32 $0xFFFF, v16;
	[tilespmem:v2+s20+$0x0] =	vst.idx.add.f32.msk $0xffff, v7;
	v2 =	vmov v11  }
0xab: {  	[tilespmem:v1+s20+$0x0] =	vst.idx.add.f32.msk $0xffff, v9;
	v1 =	vmov v3;
	v3 =	vmov v8  }
0xac: {  	v7 =	vunpack.i.u.bf16.f32 v15;
	v8 =	vunpack.i.l.bf16.f32 v15;
	v11 =	vld.idx.msk [tilespmem:v18+s30+$0x0], $0xffff  }
0xad: {  	s6 =	sadd.s32 $0x40, s6;
	v15 =	vmul.f32 v8, v6;
	v9 =	vmul.f32 v7, v6;
	v14 =	vld.idx.msk [tilespmem:v13+s30+$0x0], $0xffff  }
0xae: {  	v16 =	vld [tilespmem:s6+$0x10]  }
0xaf: {  	v17 =	vld.idx.msk [tilespmem:v10+s30+$0x0], $0xffff  }
0xb0: {  	v12 =	vshrl.u32 v12, $0x10;
	v19 =	vld.idx.msk [tilespmem:v4+s30+$0x0], $0xffff  }
0xb1: {  	v8 =	vld [tilespmem:s6+$0xFFFFFFE0]  }
0xb2: {  	v20 =	vunpack.i.l.bf16.f32 v11;
	v7 =	vld [tilespmem:s6+$0xFFFFFFF0]  }
0xb3: {  	v11 =	vunpack.i.u.bf16.f32 v11;
	v21 =	vunpack.i.u.bf16.f32 v14;
	v6 =	vld [tilespmem:s6+$0x0];
	v20 =	vmul.f32 v20, v16  }
0xb4: {  	v14 =	vunpack.i.l.bf16.f32 v14;
	v11 =	vmul.f32 v11, v16;
	[tilespmem:v1+s23+$0x0] =	vst.idx.add.f32.msk $0xffff, v15  }
0xb5: {  	v15 =	vunpack.i.u.bf16.f32 v17;
	v17 =	vunpack.i.l.bf16.f32 v17;
	[tilespmem:v12+s31+$0x0] =	vst.idx.add.f32.msk $0xffff, v20  }
0xb6: {  	v20 =	vunpack.i.u.bf16.f32 v19;
	v19 =	vunpack.i.l.bf16.f32 v19;
	v17 =	vmul.f32 v17, v8;
	[tilespmem:v12+s0+$0x0] =	vst.idx.add.f32.msk $0xffff, v11  }
0xb7: {  	v11 =	vmul.f32 v15, v8;
	v14 =	vmul.f32 v14, v7;
	v15 =	vld.idx.msk [tilespmem:v18+s2+$0x0], $0xffff  }
0xb8: {  	[tilespmem:v5+s31+$0x0] =	vst.idx.add.f32.msk $0xffff, v17;
	v17 =	vmul.f32 v21, v7;
	v18 =	vmul.f32 v19, v6  }
0xb9: {  	[tilespmem:v5+s0+$0x0] =	vst.idx.add.f32.msk $0xffff, v11;
	v11 =	vmul.f32 v20, v6  }
0xba: {  	[tilespmem:v2+s31+$0x0] =	vst.idx.add.f32.msk $0xffff, v14  }
0xbb: {  	[tilespmem:v2+s0+$0x0] =	vst.idx.add.f32.msk $0xffff, v17  }
0xbc: {  	[tilespmem:v3+s31+$0x0] =	vst.idx.add.f32.msk $0xffff, v18  }
.Ltmp1:
0xbd: {  	v14 =	vunpack.i.l.bf16.f32 v15;
	[tilespmem:v3+s0+$0x0] =	vst.idx.add.f32.msk $0xffff, v11;
	(pc) =	sbr.rel @p0 .LBB2_5-.Ltmp1, $4  }
0xbe: {  	v15 =	vunpack.i.u.bf16.f32 v15;
	v14 =	vmul.f32 v14, v16;
	v11 =	vld.idx.msk [tilespmem:v10+s2+$0x0], $0xffff  }
0xbf: {  	v10 =	vld.idx.msk [tilespmem:v13+s2+$0x0], $0xffff;
	v13 =	vmul.f32 v15, v16  }
0xc0: {  	[tilespmem:v12+s23+$0x0] =	vst.idx.add.f32.msk $0xffff, v14  }
0xc1: {  	s9 =	simm.s32 $0x0;
	s8 =	sadd.s32 $0x40, s8;
	[tilespmem:v12+s20+$0x0] =	vst.idx.add.f32.msk $0xffff, v13  }
0xc2: {  	_ =	sdelay $0x3  }
0xc3: {  	v4 =	vld.idx.msk [tilespmem:v4+s2+$0x0], $0xffff  }
0xc4: {  	v12 =	vunpack.i.l.bf16.f32 v11  }
0xc5: {  	v12 =	vmul.f32 v12, v8;
	v13 =	vunpack.i.l.bf16.f32 v10  }
0xc6: {  	[tilespmem:v1+s20+$0x0] =	vst.idx.add.f32.msk $0xffff, v9;
	v59 =	vunpack.i.u.bf16.f32 v10;
	v60 =	vmul.f32 v13, v7  }
0xc7: {  	v57 =	vunpack.i.u.bf16.f32 v11;
	v61 =	vmul.f32 v59, v7;
	[tilespmem:v5+s23+$0x0] =	vst.idx.add.f32.msk $0xffff, v12  }
0xc8: {  	v58 =	vmul.f32 v57, v8;
	[tilespmem:v2+s23+$0x0] =	vst.idx.add.f32.msk $0xffff, v60;
	v62 =	vunpack.i.l.bf16.f32 v4  }
0xc9: {  	[tilespmem:v2+s20+$0x0] =	vst.idx.add.f32.msk $0xffff, v61;
	v2 =	vunpack.i.u.bf16.f32 v4;
	v63 =	vmul.f32 v62, v6  }
0xca: {  	[tilespmem:v5+s20+$0x0] =	vst.idx.add.f32.msk $0xffff, v58;
	v1 =	vmul.f32 v2, v6  }
0xcb: {  	[tilespmem:v3+s23+$0x0] =	vst.idx.add.f32.msk $0xffff, v63  }
0xcc: {  	[tilespmem:v3+s20+$0x0] =	vst.idx.add.f32.msk $0xffff, v1  }
.LBB2_7:
0xcd: {  	s6 =	sshra.s32 s9, $0x2  }
0xce: {  	v1 =	vld [tilespmem:s6+$0x19F80];
	_ =	sdelay $0x4  }
0xcf: {  	v2 =	vand.u32 $0xFFFF, v1;
	_ =	sdelay $0x4  }
0xd0: {  	v3 =	vld.idx.msk [tilespmem:v2+s30+$0x0], $0xffff  }
0xd1: {  	v4 =	vld [tilespmem:s6+$0x1BF80];
	_ =	sdelay $0x1  }
0xd2: {  	v1 =	vshrl.u32 v1, $0x10;
	_ =	sdelay $0x1  }
0xd3: {  	v5 =	vunpack.i.l.bf16.f32 v3  }
0xd4: {  	v3 =	vunpack.i.u.bf16.f32 v3;
	v5 =	vmul.f32 v5, v4  }
0xd5: {  	v3 =	vmul.f32 v3, v4  }
0xd6: {  	[tilespmem:v1+s31+$0x0] =	vst.idx.add.f32.msk $0xffff, v5  }
0xd7: {  	[tilespmem:v1+s0+$0x0] =	vst.idx.add.f32.msk $0xffff, v3  }
0xd8: {  	v2 =	vld.idx.msk [tilespmem:v2+s2+$0x0], $0xffff;
	_ =	sdelay $0x3  }
0xd9: {  	p0 =	sne.s32 s9, $0x40  }
.Ltmp2:
0xda: {  	v3 =	vunpack.i.l.bf16.f32 v2;
	(pc) =	sbr.rel @p0 .LBB2_7-.Ltmp2, $4  }
0xdb: {  	v2 =	vunpack.i.u.bf16.f32 v2;
	v3 =	vmul.f32 v3, v4  }
0xdc: {  	v2 =	vmul.f32 v2, v4  }
0xdd: {  	[tilespmem:v1+s23+$0x0] =	vst.idx.add.f32.msk $0xffff, v3  }
0xde: {  	s9 =	sadd.s32 $0x40, s9;
	[tilespmem:v1+s20+$0x0] =	vst.idx.add.f32.msk $0xffff, v2  }
0xdf: {  	p0 =	seq.s32 s5, $0x27  }
0xe0: {  	s6 =	smul.u32 @!p0 $0x1F40, s5;
	_ =	sdelay $0x1  }
0xe1: {  	s6 =	sshrl.u32 @!p0 s6, $0x3  }
0xe2: {  	s6 =	sadd.s32 @!p0 $0x3E8, s6  }
0xe3: {  	s8 =	simm.s32 @!p0 $0x0;
	s9 =	simm.s32 @!p0 $0x19000;
	s7 =	sadd.s32 @!p0 s1, s6  }
0xe4: {  	[tilespmem:s9], [sflag:$0x1] =	stream.linear.gather @!p0 [hbm4b:s7+s8], $0xFA0, $0x38;
	[tilespmem:$0x1D080] =	vst v63  }
0xe5: {  	s6 =	sadd.s32 @!p0 s3, s6;
	s7 =	simm.s32 @!p0 $0x1B000  }
0xe6: {  	[tilespmem:s7], [sflag:$0x1] =	stream.linear.gather @!p0 [hbm4b:s6+s8], $0xFA0, $0x38;
	[tilespmem:$0x1D080] =	vst v63  }
0xe7: {  	_ =	swait.ge [sflag:s21], $0xFA0  }
0xe8: {  	[sflag:s21] =	ssyncset.done $0x0  }
0xe9: {  	[sflag:s21] =	ssyncadd.s32 $0xFFFFF060  }
0xea: {  	_ =	swait.ge [sflag:s21], $0xFA0  }
0xeb: {  	[sflag:s21] =	ssyncset.done $0x0  }
0xec: {  	s8 =	simm.s32 $0x1A020;
	[sflag:s21] =	ssyncadd.s32 $0xFFFFF060  }
0xed: {  	v1 =	vld [tilespmem:s8+$0x10]  }
0xee: {  	v3 =	vld [tilespmem:s8+$0xFFFFFFE0];
	_ =	sdelay $0x3  }
0xef: {  	v2 =	vld [tilespmem:s8+$0xFFFFFFF0];
	v5 =	vand.u32 $0xFFFF, v1  }
0xf0: {  	v7 =	vand.u32 $0xFFFF, v3  }
0xf1: {  	v4 =	vld [tilespmem:s8+$0x0]  }
0xf2: {  	s9 =	simm.s32 $0x1C020  }
0xf3: {  	v10 =	vld [tilespmem:s9+$0x10]  }
0xf4: {  	v6 =	vand.u32 $0xFFFF, v2;
	v9 =	vld.idx.msk [tilespmem:v5+s30+$0x0], $0xffff  }
0xf5: {  	v12 =	vld.idx.msk [tilespmem:v7+s30+$0x0], $0xffff  }
0xf6: {  	v14 =	vld [tilespmem:s9+$0xFFFFFFE0];
	v8 =	vand.u32 $0xFFFF, v4  }
0xf7: {  	v16 =	vld [tilespmem:s9+$0xFFFFFFF0];
	v13 =	vshrl.u32 v1, $0x10  }
0xf8: {  	v17 =	vld [tilespmem:s9+$0x0];
	v3 =	vshrl.u32 v3, $0x10  }
0xf9: {  	s6 =	simm.s32 $0x1C060;
	v11 =	vld.idx.msk [tilespmem:v6+s30+$0x0], $0xffff;
	v1 =	vunpack.i.l.bf16.f32 v9  }
0xfa: {  	v61 =	vld [tilespmem:s6+$0x10];
	v18 =	vunpack.i.l.bf16.f32 v12;
	v1 =	vmul.f32 v1, v10  }
0xfb: {  	v15 =	vld.idx.msk [tilespmem:v8+s30+$0x0], $0xffff;
	v9 =	vunpack.i.u.bf16.f32 v9;
	v18 =	vmul.f32 v18, v14  }
0xfc: {  	v2 =	vshrl.u32 v2, $0x10;
	v9 =	vmul.f32 v9, v10;
	[tilespmem:v13+s31+$0x0] =	vst.idx.add.f32.msk $0xffff, v1  }
0xfd: {  	v12 =	vunpack.i.u.bf16.f32 v12;
	[tilespmem:v3+s31+$0x0] =	vst.idx.add.f32.msk $0xffff, v18  }
0xfe: {  	v1 =	vshrl.u32 v4, $0x10;
	v4 =	vunpack.i.l.bf16.f32 v11;
	[tilespmem:v13+s0+$0x0] =	vst.idx.add.f32.msk $0xffff, v9;
	v9 =	vmul.f32 v12, v14  }
0xff: {  	v11 =	vunpack.i.u.bf16.f32 v11;
	v4 =	vmul.f32 v4, v16;
	v5 =	vld.idx.msk [tilespmem:v5+s2+$0x0], $0xffff  }
0x100: {  	v54 =	vunpack.i.l.bf16.f32 v15;
	v11 =	vmul.f32 v11, v16;
	[tilespmem:v3+s0+$0x0] =	vst.idx.add.f32.msk $0xffff, v9  }
0x101: {  	v12 =	vmul.f32 v54, v17;
	v9 =	vunpack.i.u.bf16.f32 v15;
	[tilespmem:v2+s31+$0x0] =	vst.idx.add.f32.msk $0xffff, v4  }
0x102: {  	v4 =	vmul.f32 v9, v17;
	[tilespmem:v2+s0+$0x0] =	vst.idx.add.f32.msk $0xffff, v11  }
0x103: {  	[tilespmem:v1+s31+$0x0] =	vst.idx.add.f32.msk $0xffff, v12  }
0x104: {  	[tilespmem:v1+s0+$0x0] =	vst.idx.add.f32.msk $0xffff, v4;
	v4 =	vunpack.i.l.bf16.f32 v5  }
0x105: {  	v7 =	vld.idx.msk [tilespmem:v7+s2+$0x0], $0xffff;
	v4 =	vmul.f32 v4, v10  }
0x106: {  	v6 =	vld.idx.msk [tilespmem:v6+s2+$0x0], $0xffff  }
0x107: {  	s12 =	simm.s32 $0x1A060;
	v5 =	vunpack.i.u.bf16.f32 v5;
	[tilespmem:v13+s23+$0x0] =	vst.idx.add.f32.msk $0xffff, v4  }
0x108: {  	v4 =	vmul.f32 v5, v10;
	v5 =	vld [tilespmem:s12+$0x10]  }
0x109: {  	v9 =	vld [tilespmem:s12+$0xFFFFFFF0]  }
0x10a: {  	v10 =	vld [tilespmem:s12+$0xFFFFFFE0]  }
0x10b: {  	v11 =	vld [tilespmem:s12+$0x0];
	v55 =	vunpack.i.l.bf16.f32 v6  }
0x10c: {  	v56 =	vld.idx.msk [tilespmem:v8+s2+$0x0], $0xffff;
	v8 =	vmul.f32 v55, v16  }
0x10d: {  	v6 =	vunpack.i.u.bf16.f32 v6;
	[tilespmem:v13+s20+$0x0] =	vst.idx.add.f32.msk $0xffff, v4;
	v57 =	vand.u32 $0xFFFF, v5  }
0x10e: {  	v6 =	vmul.f32 v6, v16;
	v4 =	vunpack.i.l.bf16.f32 v7;
	[tilespmem:v2+s23+$0x0] =	vst.idx.add.f32.msk $0xffff, v8  }
0x10f: {  	v4 =	vmul.f32 v4, v14;
	v8 =	vld [tilespmem:s6+$0xFFFFFFE0];
	v59 =	vand.u32 $0xFFFF, v10  }
0x110: {  	v58 =	vand.u32 $0xFFFF, v9;
	v7 =	vunpack.i.u.bf16.f32 v7;
	[tilespmem:v2+s20+$0x0] =	vst.idx.add.f32.msk $0xffff, v6  }
0x111: {  	v7 =	vmul.f32 v7, v14;
	[tilespmem:v3+s23+$0x0] =	vst.idx.add.f32.msk $0xffff, v4  }
0x112: {  	v2 =	vld.idx.msk [tilespmem:v57+s30+$0x0], $0xffff  }
0x113: {  	[tilespmem:v3+s20+$0x0] =	vst.idx.add.f32.msk $0xffff, v7  }
0x114: {  	v4 =	vand.u32 $0xFFFF, v11;
	v3 =	vld.idx.msk [tilespmem:v59+s30+$0x0], $0xffff  }
0x115: {  	v60 =	vld.idx.msk [tilespmem:v58+s30+$0x0], $0xffff;
	v20 =	vshrl.u32 v5, $0x10;
	v5 =	vunpack.i.l.bf16.f32 v56  }
0x116: {  	v6 =	vld [tilespmem:s6+$0x0];
	v21 =	vmul.f32 v5, v17  }
0x117: {  	v7 =	vld [tilespmem:s6+$0xFFFFFFF0];
	v5 =	vshrl.u32 v10, $0x10;
	v22 =	vunpack.i.l.bf16.f32 v2  }
0x118: {  	[tilespmem:v1+s23+$0x0] =	vst.idx.add.f32.msk $0xffff, v21;
	v2 =	vunpack.i.u.bf16.f32 v2;
	v10 =	vmul.f32 v22, v61  }
0x119: {  	v19 =	vld.idx.msk [tilespmem:v4+s30+$0x0], $0xffff;
	v62 =	vmul.f32 v2, v61;
	v2 =	vshrl.u32 v9, $0x10;
	v9 =	vunpack.i.l.bf16.f32 v3  }
0x11a: {  	v9 =	vmul.f32 v9, v8;
	[tilespmem:v20+s31+$0x0] =	vst.idx.add.f32.msk $0xffff, v10  }
0x11b: {  	v10 =	vunpack.i.u.bf16.f32 v3;
	[tilespmem:v20+s0+$0x0] =	vst.idx.add.f32.msk $0xffff, v62  }
0x11c: {  	v3 =	vshrl.u32 v11, $0x10;
	v11 =	vunpack.i.l.bf16.f32 v60;
	v10 =	vmul.f32 v10, v8;
	[tilespmem:v5+s31+$0x0] =	vst.idx.add.f32.msk $0xffff, v9  }
0x11d: {  	v16 =	vunpack.i.u.bf16.f32 v60;
	v11 =	vmul.f32 v11, v7;
	v14 =	vld.idx.msk [tilespmem:v57+s2+$0x0], $0xffff  }
0x11e: {  	v16 =	vmul.f32 v16, v7;
	[tilespmem:v5+s0+$0x0] =	vst.idx.add.f32.msk $0xffff, v10  }
0x11f: {  	v9 =	vunpack.i.l.bf16.f32 v19;
	[tilespmem:v2+s31+$0x0] =	vst.idx.add.f32.msk $0xffff, v11  }
0x120: {  	v9 =	vmul.f32 v9, v6;
	v10 =	vunpack.i.u.bf16.f32 v19;
	[tilespmem:v2+s0+$0x0] =	vst.idx.add.f32.msk $0xffff, v16  }
0x121: {  	v10 =	vmul.f32 v10, v6;
	v11 =	vld.idx.msk [tilespmem:v59+s2+$0x0], $0xffff  }
0x122: {  	[tilespmem:v3+s31+$0x0] =	vst.idx.add.f32.msk $0xffff, v9;
	v9 =	vunpack.i.l.bf16.f32 v14  }
0x123: {  	[tilespmem:v3+s0+$0x0] =	vst.idx.add.f32.msk $0xffff, v10;
	v14 =	vunpack.i.u.bf16.f32 v14;
	v9 =	vmul.f32 v9, v61  }
0x124: {  	v10 =	vld.idx.msk [tilespmem:v58+s2+$0x0], $0xffff;
	v63 =	vmul.f32 v14, v61  }
0x125: {  	v13 =	vunpack.i.u.bf16.f32 v56;
	[tilespmem:v20+s23+$0x0] =	vst.idx.add.f32.msk $0xffff, v9  }
0x126: {  	s7 =	simm.s32 $0x4;
	s8 =	simm.s32 $0x1A0A0;
	v9 =	vmul.f32 v13, v17;
	[tilespmem:v20+s20+$0x0] =	vst.idx.add.f32.msk $0xffff, v63  }
.LBB2_9:
0x127: {  	v12 =	vld [tilespmem:s8+$0x10]  }
0x128: {  	v13 =	vld [tilespmem:s8+$0xFFFFFFF0]  }
0x129: {  	s7 =	sadd.s32 $0x4, s7;
	v15 =	vunpack.i.u.bf16.f32 v11;
	v11 =	vunpack.i.l.bf16.f32 v11;
	v14 =	vld [tilespmem:s8+$0x0]  }
0x12a: {  	p1 =	slt.u32 s7, $0xF4;
	v11 =	vmul.f32 v11, v8;
	v17 =	vunpack.i.u.bf16.f32 v10;
	v10 =	vunpack.i.l.bf16.f32 v10;
	v16 =	vld [tilespmem:s8+$0xFFFFFFE0]  }
0x12b: {  	v8 =	vmul.f32 v15, v8;
	v10 =	vmul.f32 v10, v7;
	v15 =	vld.idx.msk [tilespmem:v4+s2+$0x0], $0xffff  }
0x12c: {  	v7 =	vmul.f32 v17, v7;
	v18 =	vand.u32 $0xFFFF, v12;
	[tilespmem:v5+s23+$0x0] =	vst.idx.add.f32.msk $0xffff, v11  }
0x12d: {  	v11 =	vshrl.u32 v13, $0x10;
	v13 =	vand.u32 $0xFFFF, v13;
	[tilespmem:v5+s20+$0x0] =	vst.idx.add.f32.msk $0xffff, v8  }
0x12e: {  	v8 =	vshrl.u32 v14, $0x10;
	v4 =	vand.u32 $0xFFFF, v14;
	[tilespmem:v2+s23+$0x0] =	vst.idx.add.f32.msk $0xffff, v10  }
0x12f: {  	v5 =	vshrl.u32 v16, $0x10;
	v10 =	vand.u32 $0xFFFF, v16;
	[tilespmem:v2+s20+$0x0] =	vst.idx.add.f32.msk $0xffff, v7;
	v2 =	vmov v11  }
0x130: {  	[tilespmem:v1+s20+$0x0] =	vst.idx.add.f32.msk $0xffff, v9;
	v1 =	vmov v3;
	v3 =	vmov v8  }
0x131: {  	v7 =	vunpack.i.u.bf16.f32 v15;
	v8 =	vunpack.i.l.bf16.f32 v15;
	v11 =	vld.idx.msk [tilespmem:v18+s30+$0x0], $0xffff  }
0x132: {  	s6 =	sadd.s32 $0x40, s6;
	v15 =	vmul.f32 v8, v6;
	v9 =	vmul.f32 v7, v6;
	v14 =	vld.idx.msk [tilespmem:v13+s30+$0x0], $0xffff  }
0x133: {  	v16 =	vld [tilespmem:s6+$0x10]  }
0x134: {  	v17 =	vld.idx.msk [tilespmem:v10+s30+$0x0], $0xffff  }
0x135: {  	v12 =	vshrl.u32 v12, $0x10;
	v19 =	vld.idx.msk [tilespmem:v4+s30+$0x0], $0xffff  }
0x136: {  	v8 =	vld [tilespmem:s6+$0xFFFFFFE0]  }
0x137: {  	v20 =	vunpack.i.l.bf16.f32 v11;
	v7 =	vld [tilespmem:s6+$0xFFFFFFF0]  }
0x138: {  	v11 =	vunpack.i.u.bf16.f32 v11;
	v21 =	vunpack.i.u.bf16.f32 v14;
	v6 =	vld [tilespmem:s6+$0x0];
	v20 =	vmul.f32 v20, v16  }
0x139: {  	v14 =	vunpack.i.l.bf16.f32 v14;
	v11 =	vmul.f32 v11, v16;
	[tilespmem:v1+s23+$0x0] =	vst.idx.add.f32.msk $0xffff, v15  }
0x13a: {  	v15 =	vunpack.i.u.bf16.f32 v17;
	v17 =	vunpack.i.l.bf16.f32 v17;
	[tilespmem:v12+s31+$0x0] =	vst.idx.add.f32.msk $0xffff, v20  }
0x13b: {  	v20 =	vunpack.i.u.bf16.f32 v19;
	v19 =	vunpack.i.l.bf16.f32 v19;
	v17 =	vmul.f32 v17, v8;
	[tilespmem:v12+s0+$0x0] =	vst.idx.add.f32.msk $0xffff, v11  }
0x13c: {  	v11 =	vmul.f32 v15, v8;
	v14 =	vmul.f32 v14, v7;
	v15 =	vld.idx.msk [tilespmem:v18+s2+$0x0], $0xffff  }
0x13d: {  	[tilespmem:v5+s31+$0x0] =	vst.idx.add.f32.msk $0xffff, v17;
	v17 =	vmul.f32 v21, v7;
	v18 =	vmul.f32 v19, v6  }
0x13e: {  	[tilespmem:v5+s0+$0x0] =	vst.idx.add.f32.msk $0xffff, v11;
	v11 =	vmul.f32 v20, v6  }
0x13f: {  	[tilespmem:v2+s31+$0x0] =	vst.idx.add.f32.msk $0xffff, v14  }
0x140: {  	[tilespmem:v2+s0+$0x0] =	vst.idx.add.f32.msk $0xffff, v17  }
0x141: {  	[tilespmem:v3+s31+$0x0] =	vst.idx.add.f32.msk $0xffff, v18  }
.Ltmp3:
0x142: {  	v14 =	vunpack.i.l.bf16.f32 v15;
	[tilespmem:v3+s0+$0x0] =	vst.idx.add.f32.msk $0xffff, v11;
	(pc) =	sbr.rel @p1 .LBB2_9-.Ltmp3, $4  }
0x143: {  	v15 =	vunpack.i.u.bf16.f32 v15;
	v14 =	vmul.f32 v14, v16;
	v11 =	vld.idx.msk [tilespmem:v10+s2+$0x0], $0xffff  }
0x144: {  	v10 =	vld.idx.msk [tilespmem:v13+s2+$0x0], $0xffff;
	v13 =	vmul.f32 v15, v16  }
0x145: {  	[tilespmem:v12+s23+$0x0] =	vst.idx.add.f32.msk $0xffff, v14  }
0x146: {  	s9 =	simm.s32 $0x0;
	s8 =	sadd.s32 $0x40, s8;
	[tilespmem:v12+s20+$0x0] =	vst.idx.add.f32.msk $0xffff, v13  }
0x147: {  	_ =	sdelay $0x3  }
0x148: {  	v4 =	vld.idx.msk [tilespmem:v4+s2+$0x0], $0xffff  }
0x149: {  	v12 =	vunpack.i.l.bf16.f32 v11  }
0x14a: {  	v12 =	vmul.f32 v12, v8;
	v13 =	vunpack.i.l.bf16.f32 v10  }
0x14b: {  	[tilespmem:v1+s20+$0x0] =	vst.idx.add.f32.msk $0xffff, v9;
	v59 =	vunpack.i.u.bf16.f32 v10;
	v60 =	vmul.f32 v13, v7  }
0x14c: {  	v57 =	vunpack.i.u.bf16.f32 v11;
	v61 =	vmul.f32 v59, v7;
	[tilespmem:v5+s23+$0x0] =	vst.idx.add.f32.msk $0xffff, v12  }
0x14d: {  	v58 =	vmul.f32 v57, v8;
	[tilespmem:v2+s23+$0x0] =	vst.idx.add.f32.msk $0xffff, v60;
	v62 =	vunpack.i.l.bf16.f32 v4  }
0x14e: {  	[tilespmem:v2+s20+$0x0] =	vst.idx.add.f32.msk $0xffff, v61;
	v2 =	vunpack.i.u.bf16.f32 v4;
	v63 =	vmul.f32 v62, v6  }
0x14f: {  	[tilespmem:v5+s20+$0x0] =	vst.idx.add.f32.msk $0xffff, v58;
	v1 =	vmul.f32 v2, v6  }
0x150: {  	[tilespmem:v3+s23+$0x0] =	vst.idx.add.f32.msk $0xffff, v63  }
0x151: {  	[tilespmem:v3+s20+$0x0] =	vst.idx.add.f32.msk $0xffff, v1  }
.LBB2_11:
0x152: {  	s6 =	sshra.s32 s9, $0x2  }
0x153: {  	v1 =	vld [tilespmem:s6+$0x1AF80];
	_ =	sdelay $0x4  }
0x154: {  	v2 =	vand.u32 $0xFFFF, v1;
	_ =	sdelay $0x4  }
0x155: {  	v3 =	vld.idx.msk [tilespmem:v2+s30+$0x0], $0xffff  }
0x156: {  	v4 =	vld [tilespmem:s6+$0x1CF80];
	_ =	sdelay $0x1  }
0x157: {  	v1 =	vshrl.u32 v1, $0x10;
	_ =	sdelay $0x1  }
0x158: {  	v5 =	vunpack.i.l.bf16.f32 v3  }
0x159: {  	v3 =	vunpack.i.u.bf16.f32 v3;
	v5 =	vmul.f32 v5, v4  }
0x15a: {  	v3 =	vmul.f32 v3, v4  }
0x15b: {  	[tilespmem:v1+s31+$0x0] =	vst.idx.add.f32.msk $0xffff, v5  }
0x15c: {  	[tilespmem:v1+s0+$0x0] =	vst.idx.add.f32.msk $0xffff, v3  }
0x15d: {  	v2 =	vld.idx.msk [tilespmem:v2+s2+$0x0], $0xffff;
	_ =	sdelay $0x3  }
0x15e: {  	p1 =	sne.s32 s9, $0x40  }
.Ltmp4:
0x15f: {  	v3 =	vunpack.i.l.bf16.f32 v2;
	(pc) =	sbr.rel @p1 .LBB2_11-.Ltmp4, $4  }
0x160: {  	v2 =	vunpack.i.u.bf16.f32 v2;
	v3 =	vmul.f32 v3, v4  }
0x161: {  	v2 =	vmul.f32 v2, v4  }
0x162: {  	[tilespmem:v1+s23+$0x0] =	vst.idx.add.f32.msk $0xffff, v3  }
0x163: {  	s9 =	sadd.s32 $0x40, s9;
	[tilespmem:v1+s20+$0x0] =	vst.idx.add.f32.msk $0xffff, v2  }
.Ltmp5:
0x164: {  	(pc) =	sbr.rel @p0 .LBB2_14-.Ltmp5, $1  }
0x165: {  	_ =	sdelay $0x3  }
0x166: {  	s6 =	smul.u32 $0x1F40, s5;
	_ =	sdelay $0x1  }
0x167: {  	s6 =	sshrl.u32 s6, $0x3  }
.Ltmp6:
0x168: {  	s6 =	sadd.s32 $0x5DC, s6;
	(pc) =	sbr.rel .LBB2_4-.Ltmp6, $4  }
0x169: {  	s7 =	sadd.s32 s1, s6  }
0x16a: {  	[tilespmem:s26], [sflag:$0x2] =	stream.linear.gather [hbm4b:s7+s4], $0xFA0, $0x38;
	[tilespmem:$0x1D080] =	vst v63  }
0x16b: {  	s5 =	sadd.s32 $0x1, s5;
	s6 =	sadd.s32 s3, s6  }
0x16c: {  	[tilespmem:s28], [sflag:$0x2] =	stream.linear.gather [hbm4b:s6+s4], $0xFA0, $0x38;
	[tilespmem:$0x1D080] =	vst v63  }
.LBB2_14:
0x16d: {  	v1 =	vld [tilespmem:$0x1D000];
	s5 =	simm.s32 $0x0  }
0x16e: {  	v2 =	vld [tilespmem:s5+$0xA000]  }
0x16f: {  	v3 =	vld [tilespmem:s5+$0xA010]  }
0x170: {  	v4 =	vld [tilespmem:s5+$0xC810]  }
0x171: {  	v5 =	vld [tilespmem:s5+$0x0]  }
0x172: {  	v6 =	vld [tilespmem:s5+$0xF010]  }
0x173: {  	v7 =	vld [tilespmem:s5+$0x11810];
	v2 =	vmax.f32 v2, $0.0e+00  }
0x174: {  	v8 =	vld [tilespmem:s5+$0xA020];
	v2 =	vmul.f32 v2, v1  }
0x175: {  	v9 =	vld [tilespmem:s5+$0xC820];
	[tilespmem:s5+$0xA010] =	vst v0  }
0x176: {  	[tilespmem:s5+$0xA000] =	vst v0;
	v10 =	vld [tilespmem:s5+$0x11820];
	v5 =	vadd.f32 v2, v5  }
0x177: {  	s6 =	simm.s32 $0x0;
	v11 =	vld [tilespmem:s5+$0xA030];
	[tilespmem:s5+$0xC810] =	vst v0  }
0x178: {  	s7 =	sand.u32 $0x3FC0, s6;
	v14 =	vld [tilespmem:s5+$0xC830];
	[tilespmem:s5+$0x0] =	vst v5  }
0x179: {  	[tilespmem:s5+$0xF010] =	vst v0;
	v12 =	vld [tilespmem:s7+$0xC800]  }
0x17a: {  	[tilespmem:s5+$0x11810] =	vst v0;
	v13 =	vld [tilespmem:s7+$0xF000]  }
0x17b: {  	[tilespmem:s5+$0xA020] =	vst v0;
	v17 =	vld [tilespmem:s5+$0xF030]  }
0x17c: {  	[tilespmem:s5+$0xC820] =	vst v0;
	v15 =	vld [tilespmem:s7+$0x2800]  }
0x17d: {  	[tilespmem:s5+$0xA030] =	vst v0;
	v16 =	vld [tilespmem:s7+$0x5000]  }
0x17e: {  	[tilespmem:s5+$0x11820] =	vst v0;
	v18 =	vld [tilespmem:s5+$0x11830];
	v12 =	vmax.f32 v12, $0.0e+00  }
0x17f: {  	v19 =	vld [tilespmem:s5+$0x10];
	[tilespmem:s5+$0xC830] =	vst v0;
	v13 =	vmax.f32 v13, $0.0e+00;
	v12 =	vmul.f32 v12, v1  }
0x180: {  	v53 =	vld [tilespmem:s5+$0x2810];
	[tilespmem:s5+$0xF030] =	vst v0;
	v13 =	vmul.f32 v13, v1  }
0x181: {  	v54 =	vld [tilespmem:s5+$0x5010];
	[tilespmem:s7+$0xC800] =	vst v0;
	v12 =	vadd.f32 v12, v15  }
0x182: {  	v20 =	vld [tilespmem:s5+$0x7810];
	v3 =	vmax.f32 v3, $0.0e+00;
	[tilespmem:s7+$0xF000] =	vst v0;
	v13 =	vadd.f32 v13, v16  }
0x183: {  	v21 =	vld [tilespmem:s5+$0x20];
	v4 =	vmax.f32 v4, $0.0e+00;
	v3 =	vmul.f32 v3, v1;
	[tilespmem:s7+$0x2800] =	vst v12  }
0x184: {  	s8 =	sadd.s32 $0x7800, s7;
	v6 =	vmax.f32 v6, $0.0e+00;
	v7 =	vmax.f32 v7, $0.0e+00;
	v4 =	vmul.f32 v4, v1;
	v2 =	vld [tilespmem:s5+$0xF020];
	[tilespmem:s7+$0x5000] =	vst v13  }
0x185: {  	[tilespmem:s5+$0x11830] =	vst v0;
	v8 =	vmax.f32 v8, $0.0e+00;
	v6 =	vmul.f32 v6, v1;
	v3 =	vadd.f32 v3, v19;
	v22 =	vld [tilespmem:s8+$0xA000]  }
0x186: {  	v55 =	vld [tilespmem:s5+$0x2820];
	v7 =	vmul.f32 v7, v1;
	v8 =	vmul.f32 v8, v1;
	[tilespmem:s5+$0xF020] =	vst v0;
	v4 =	vadd.f32 v4, v53  }
0x187: {  	v56 =	vld [tilespmem:s5+$0x5020];
	v9 =	vmax.f32 v9, $0.0e+00;
	v6 =	vadd.f32 v6, v54;
	[tilespmem:s5+$0x10] =	vst v3  }
0x188: {  	v10 =	vmax.f32 v10, $0.0e+00;
	v7 =	vadd.f32 v7, v20;
	v8 =	vadd.f32 v8, v21;
	[tilespmem:s5+$0x2810] =	vst v4;
	v57 =	vld [tilespmem:s7+$0x7800]  }
0x189: {  	v58 =	vld [tilespmem:s5+$0x7820];
	v3 =	vpack.i.f32.bf16 v4, v3;
	v4 =	vmul.f32 v9, v1;
	[tilespmem:s5+$0x5010] =	vst v6;
	v2 =	vmax.f32 v2, $0.0e+00  }
0x18a: {  	v61 =	vld [tilespmem:s5+$0x7830];
	v6 =	vpack.i.f32.bf16 v7, v6;
	[tilespmem:s5+$0x7810] =	vst v7;
	v9 =	vmul.f32 v2, v1;
	v2 =	vmax.f32 v22, $0.0e+00  }
0x18b: {  	[tilespmem:s5+$0x14010] =	vst v3;
	v3 =	vmax.f32 v11, $0.0e+00;
	v11 =	vld [tilespmem:s5+$0x30];
	v59 =	vmul.f32 v2, v1;
	v2 =	vadd.f32 v4, v55  }
0x18c: {  	[tilespmem:s5+$0x16810] =	vst v6;
	v6 =	vld [tilespmem:s5+$0x2830];
	v4 =	vmul.f32 v10, v1;
	v10 =	vmul.f32 v3, v1  }
0x18d: {  	v7 =	vld [tilespmem:s5+$0x5030];
	[tilespmem:s5+$0x20] =	vst v8;
	v3 =	vmax.f32 v14, $0.0e+00;
	v60 =	vadd.f32 v59, v57;
	v8 =	vpack.i.f32.bf16 v2, v8  }
0x18e: {  	v63 =	vmax.f32 v18, $0.0e+00;
	v62 =	vmul.f32 v3, v1;
	v3 =	vmax.f32 v17, $0.0e+00;
	[tilespmem:s5+$0x14020] =	vst v8  }
0x18f: {  	v4 =	vadd.f32 v4, v58;
	v8 =	vmul.f32 v3, v1;
	v3 =	vadd.f32 v9, v56;
	[tilespmem:s7+$0x7800] =	vst v60  }
0x190: {  	v17 =	vmul.f32 v63, v1;
	v9 =	vpack.i.f32.bf16 v12, v5;
	[tilespmem:s8+$0xA000] =	vst v0  }
0x191: {  	v5 =	vadd.f32 v10, v11;
	v6 =	vadd.f32 v62, v6;
	v10 =	vpack.i.f32.bf16 v4, v3;
	[tilespmem:s5+$0x14000] =	vst v9  }
0x192: {  	v8 =	vadd.f32 v8, v7;
	v7 =	vadd.f32 v17, v61;
	v9 =	vpack.i.f32.bf16 v60, v13;
	[tilespmem:s5+$0x16820] =	vst v10  }
0x193: {  	[tilespmem:s7+$0x16800] =	vst v9;
	v9 =	vpack.i.f32.bf16 v6, v5  }
0x194: {  	s8 =	simm.s32 $0x100;
	s7 =	simm.s32 $0x0;
	[tilespmem:s5+$0x14030] =	vst v9;
	v9 =	vpack.i.f32.bf16 v7, v8  }
.LBB2_15:
0x195: {  	s9 =	sshra.s32 s8, $0x2;
	[tilespmem:s5+$0x16830] =	vst v9  }
0x196: {  	v9 =	vld [tilespmem:s9+$0xA000];
	[tilespmem:s5+$0x2820] =	vst v2  }
0x197: {  	v2 =	vld [tilespmem:s9+$0xA010];
	[tilespmem:s5+$0x5020] =	vst v3  }
0x198: {  	s7 =	sadd.s32 $0x4, s7;
	v3 =	vld [tilespmem:s9+$0xC810];
	[tilespmem:s5+$0x7820] =	vst v4  }
0x199: {  	p0 =	slt.u32 s7, $0x27C;
	v4 =	vld [tilespmem:s9+$0x0];
	[tilespmem:s5+$0x30] =	vst v5  }
0x19a: {  	v5 =	vld [tilespmem:s9+$0xF010];
	[tilespmem:s5+$0x2830] =	vst v6  }
0x19b: {  	v6 =	vmax.f32 v9, $0.0e+00;
	v9 =	vld [tilespmem:s9+$0x11810];
	[tilespmem:s5+$0x5030] =	vst v8  }
0x19c: {  	v6 =	vmul.f32 v6, v1;
	v2 =	vmax.f32 v2, $0.0e+00;
	v8 =	vld [tilespmem:s9+$0xA020];
	[tilespmem:s5+$0x7830] =	vst v7;
	s5 =	smov.u32 s9  }
0x19d: {  	v2 =	vmul.f32 v2, v1;
	[tilespmem:s5+$0xA010] =	vst v0;
	v3 =	vmax.f32 v3, $0.0e+00;
	v7 =	vld [tilespmem:s5+$0xC820]  }
0x19e: {  	v6 =	vadd.f32 v6, v4;
	v3 =	vmul.f32 v3, v1;
	[tilespmem:s5+$0xC810] =	vst v0;
	v4 =	vld [tilespmem:s5+$0xF020]  }
0x19f: {  	s6 =	sadd.s32 $0x40, s6;
	[tilespmem:s5+$0xA000] =	vst v0;
	v5 =	vmax.f32 v5, $0.0e+00;
	v10 =	vld [tilespmem:s5+$0x11820]  }
0x1a0: {  	s9 =	sand.u32 $0x3FC0, s6;
	[tilespmem:s5+$0x0] =	vst v6;
	v5 =	vmul.f32 v5, v1;
	v9 =	vmax.f32 v9, $0.0e+00;
	v11 =	vld [tilespmem:s5+$0xA030]  }
0x1a1: {  	v12 =	vld [tilespmem:s9+$0xC800];
	[tilespmem:s5+$0xF010] =	vst v0;
	v9 =	vmul.f32 v9, v1;
	v8 =	vmax.f32 v8, $0.0e+00  }
0x1a2: {  	v13 =	vld [tilespmem:s9+$0xF000];
	[tilespmem:s5+$0x11810] =	vst v0;
	v8 =	vmul.f32 v8, v1;
	v7 =	vmax.f32 v7, $0.0e+00  }
0x1a3: {  	[tilespmem:s5+$0xA020] =	vst v0;
	v7 =	vmul.f32 v7, v1;
	v4 =	vmax.f32 v4, $0.0e+00;
	v14 =	vld [tilespmem:s5+$0xC830]  }
0x1a4: {  	v15 =	vld [tilespmem:s9+$0x2800];
	[tilespmem:s5+$0xC820] =	vst v0;
	v4 =	vmul.f32 v4, v1;
	v10 =	vmax.f32 v10, $0.0e+00  }
0x1a5: {  	v16 =	vld [tilespmem:s9+$0x5000];
	[tilespmem:s5+$0xF020] =	vst v0;
	v10 =	vmul.f32 v10, v1;
	v11 =	vmax.f32 v11, $0.0e+00  }
0x1a6: {  	v12 =	vmax.f32 v12, $0.0e+00;
	[tilespmem:s5+$0x11820] =	vst v0;
	v11 =	vmul.f32 v11, v1;
	v17 =	vld [tilespmem:s5+$0xF030]  }
0x1a7: {  	v12 =	vmul.f32 v12, v1;
	v13 =	vmax.f32 v13, $0.0e+00;
	[tilespmem:s5+$0xA030] =	vst v0;
	v18 =	vld [tilespmem:s5+$0x11830]  }
0x1a8: {  	v13 =	vmul.f32 v13, v1;
	v19 =	vld [tilespmem:s5+$0x10];
	v14 =	vmax.f32 v14, $0.0e+00;
	[tilespmem:s5+$0xC830] =	vst v0  }
0x1a9: {  	v12 =	vadd.f32 v12, v15;
	[tilespmem:s9+$0xC800] =	vst v0;
	v15 =	vld [tilespmem:s5+$0x2810];
	v14 =	vmul.f32 v14, v1  }
0x1aa: {  	v13 =	vadd.f32 v13, v16;
	[tilespmem:s9+$0xF000] =	vst v0;
	v16 =	vld [tilespmem:s5+$0x5010]  }
0x1ab: {  	[tilespmem:s9+$0x2800] =	vst v12;
	v20 =	vld [tilespmem:s5+$0x7810];
	v17 =	vmax.f32 v17, $0.0e+00  }
0x1ac: {  	s12 =	sadd.s32 $0x7800, s9;
	[tilespmem:s9+$0x5000] =	vst v13;
	v21 =	vld [tilespmem:s5+$0x20];
	v17 =	vmul.f32 v17, v1;
	v18 =	vmax.f32 v18, $0.0e+00  }
0x1ad: {  	v22 =	vld [tilespmem:s12+$0xA000];
	v2 =	vadd.f32 v2, v19;
	[tilespmem:s5+$0xF030] =	vst v0;
	v18 =	vmul.f32 v18, v1  }
0x1ae: {  	v3 =	vadd.f32 v3, v15;
	v15 =	vld [tilespmem:s5+$0x2820];
	[tilespmem:s5+$0x11830] =	vst v0  }
0x1af: {  	[tilespmem:s5+$0x10] =	vst v2;
	v5 =	vadd.f32 v5, v16;
	v16 =	vld [tilespmem:s5+$0x5020]  }
0x1b0: {  	v19 =	vld [tilespmem:s9+$0x7800];
	[tilespmem:s5+$0x2810] =	vst v3;
	v9 =	vadd.f32 v9, v20;
	v2 =	vpack.i.f32.bf16 v3, v2  }
0x1b1: {  	[tilespmem:s5+$0x14010] =	vst v2;
	v8 =	vadd.f32 v8, v21;
	v20 =	vld [tilespmem:s5+$0x7820]  }
0x1b2: {  	v2 =	vmax.f32 v22, $0.0e+00;
	[tilespmem:s5+$0x5010] =	vst v5;
	v3 =	vpack.i.f32.bf16 v9, v5;
	v5 =	vld [tilespmem:s5+$0x30]  }
0x1b3: {  	v21 =	vmul.f32 v2, v1;
	[tilespmem:s5+$0x16810] =	vst v3;
	v2 =	vadd.f32 v7, v15;
	v7 =	vld [tilespmem:s5+$0x2830]  }
0x1b4: {  	[tilespmem:s5+$0x7810] =	vst v9;
	v3 =	vadd.f32 v4, v16;
	v9 =	vld [tilespmem:s5+$0x5030]  }
0x1b5: {  	v15 =	vadd.f32 v21, v19;
	[tilespmem:s5+$0x20] =	vst v8;
	v8 =	vpack.i.f32.bf16 v2, v8;
	v16 =	vld [tilespmem:s5+$0x7830]  }
0x1b6: {  	v4 =	vadd.f32 v10, v20;
	[tilespmem:s5+$0x14020] =	vst v8  }
0x1b7: {  	[tilespmem:s9+$0x7800] =	vst v15;
	v5 =	vadd.f32 v11, v5  }
.Ltmp7:
0x1b8: {  	v8 =	vpack.i.f32.bf16 v12, v6;
	[tilespmem:s12+$0xA000] =	vst v0;
	v10 =	vpack.i.f32.bf16 v4, v3;
	v6 =	vadd.f32 v14, v7;
	(pc) =	sbr.rel @p0 .LBB2_15-.Ltmp7, $4  }
0x1b9: {  	v7 =	vpack.i.f32.bf16 v15, v13;
	[tilespmem:s5+$0x14000] =	vst v8;
	v8 =	vadd.f32 v17, v9  }
0x1ba: {  	[tilespmem:s9+$0x16800] =	vst v7;
	v7 =	vadd.f32 v18, v16;
	v9 =	vpack.i.f32.bf16 v6, v5  }
0x1bb: {  	[tilespmem:s5+$0x16820] =	vst v10  }
0x1bc: {  	s8 =	sadd.s32 $0x100, s8;
	[tilespmem:s5+$0x14030] =	vst v9;
	v9 =	vpack.i.f32.bf16 v7, v8  }
0x1bd: {  	[tilespmem:s5+$0x16830] =	vst v9  }
0x1be: {  	[tilespmem:s5+$0x2820] =	vst v2  }
0x1bf: {  	[tilespmem:s5+$0x5020] =	vst v3  }
0x1c0: {  	[tilespmem:s5+$0x7820] =	vst v4  }
0x1c1: {  	[tilespmem:s5+$0x30] =	vst v5  }
0x1c2: {  	[tilespmem:s5+$0x2830] =	vst v6  }
0x1c3: {  	[tilespmem:s5+$0x5030] =	vst v8  }
0x1c4: {  	[tilespmem:s5+$0x7830] =	vst v7;
	s5 =	simm.s32 $0x0  }
0x1c5: {  	[tilespmem:s24], [sflag:$0x1] =	stream.linear.gather [hbm4b:s1+s5], $0xFA0, $0x38;
	[tilespmem:$0x1D080] =	vst v63  }
0x1c6: {  	_ = 	snop  }
0x1c7: {  	[tilespmem:s25], [sflag:$0x1] =	stream.linear.gather [hbm4b:s3+s5], $0xFA0, $0x38;
	[tilespmem:$0x1D080] =	vst v63  }
0x1c8: {  	_ = 	snop  }
0x1c9: {  	[tilespmem:s26], [sflag:$0x2] =	stream.linear.gather [hbm4b:s10+s5], $0xFA0, $0x38;
	[tilespmem:$0x1D080] =	vst v63  }
0x1ca: {  	_ = 	snop  }
0x1cb: {  	[tilespmem:s28], [sflag:$0x2] =	stream.linear.gather [hbm4b:s11+s5], $0xFA0, $0x38;
	[tilespmem:$0x1D080] =	vst v63  }
.LBB2_17:
0x1cc: {  	_ =	swait.ge [sflag:s29], $0xFA0  }
0x1cd: {  	[sflag:s29] =	ssyncset.done $0x0  }
0x1ce: {  	[sflag:s29] =	ssyncadd.s32 $0xFFFFF060  }
0x1cf: {  	_ =	swait.ge [sflag:s29], $0xFA0  }
0x1d0: {  	[sflag:s29] =	ssyncset.done $0x0  }
0x1d1: {  	s6 =	simm.s32 $0x19020;
	[sflag:s29] =	ssyncadd.s32 $0xFFFFF060  }
0x1d2: {  	v1 =	vld [tilespmem:s6+$0x10]  }
0x1d3: {  	v3 =	vld [tilespmem:s6+$0xFFFFFFE0];
	_ =	sdelay $0x3  }
0x1d4: {  	v2 =	vld [tilespmem:s6+$0xFFFFFFF0];
	v5 =	vand.u32 $0xFFFF, v1  }
0x1d5: {  	v7 =	vand.u32 $0xFFFF, v3  }
0x1d6: {  	v4 =	vld [tilespmem:s6+$0x0]  }
0x1d7: {  	s9 =	simm.s32 $0x1B020  }
0x1d8: {  	v10 =	vld [tilespmem:s9+$0x10]  }
0x1d9: {  	v6 =	vand.u32 $0xFFFF, v2;
	v9 =	vld.idx.msk [tilespmem:v5+s30+$0x0], $0xffff  }
0x1da: {  	v12 =	vld.idx.msk [tilespmem:v7+s30+$0x0], $0xffff  }
0x1db: {  	v14 =	vld [tilespmem:s9+$0xFFFFFFE0];
	v8 =	vand.u32 $0xFFFF, v4  }
0x1dc: {  	v16 =	vld [tilespmem:s9+$0xFFFFFFF0];
	v13 =	vshrl.u32 v1, $0x10  }
0x1dd: {  	v17 =	vld [tilespmem:s9+$0x0];
	v3 =	vshrl.u32 v3, $0x10  }
0x1de: {  	s6 =	simm.s32 $0x1B060;
	v11 =	vld.idx.msk [tilespmem:v6+s30+$0x0], $0xffff;
	v1 =	vunpack.i.l.bf16.f32 v9  }
0x1df: {  	v61 =	vld [tilespmem:s6+$0x10];
	v18 =	vunpack.i.l.bf16.f32 v12;
	v1 =	vmul.f32 v1, v10  }
0x1e0: {  	v15 =	vld.idx.msk [tilespmem:v8+s30+$0x0], $0xffff;
	v9 =	vunpack.i.u.bf16.f32 v9;
	v18 =	vmul.f32 v18, v14  }
0x1e1: {  	v2 =	vshrl.u32 v2, $0x10;
	v9 =	vmul.f32 v9, v10;
	[tilespmem:v13+s31+$0x0] =	vst.idx.add.f32.msk $0xffff, v1  }
0x1e2: {  	v12 =	vunpack.i.u.bf16.f32 v12;
	[tilespmem:v3+s31+$0x0] =	vst.idx.add.f32.msk $0xffff, v18  }
0x1e3: {  	v1 =	vshrl.u32 v4, $0x10;
	v4 =	vunpack.i.l.bf16.f32 v11;
	[tilespmem:v13+s0+$0x0] =	vst.idx.add.f32.msk $0xffff, v9;
	v9 =	vmul.f32 v12, v14  }
0x1e4: {  	v11 =	vunpack.i.u.bf16.f32 v11;
	v4 =	vmul.f32 v4, v16;
	v5 =	vld.idx.msk [tilespmem:v5+s2+$0x0], $0xffff  }
0x1e5: {  	v54 =	vunpack.i.l.bf16.f32 v15;
	v11 =	vmul.f32 v11, v16;
	[tilespmem:v3+s0+$0x0] =	vst.idx.add.f32.msk $0xffff, v9  }
0x1e6: {  	v12 =	vmul.f32 v54, v17;
	v9 =	vunpack.i.u.bf16.f32 v15;
	[tilespmem:v2+s31+$0x0] =	vst.idx.add.f32.msk $0xffff, v4  }
0x1e7: {  	v4 =	vmul.f32 v9, v17;
	[tilespmem:v2+s0+$0x0] =	vst.idx.add.f32.msk $0xffff, v11  }
0x1e8: {  	[tilespmem:v1+s31+$0x0] =	vst.idx.add.f32.msk $0xffff, v12  }
0x1e9: {  	[tilespmem:v1+s0+$0x0] =	vst.idx.add.f32.msk $0xffff, v4;
	v4 =	vunpack.i.l.bf16.f32 v5  }
0x1ea: {  	v7 =	vld.idx.msk [tilespmem:v7+s2+$0x0], $0xffff;
	v4 =	vmul.f32 v4, v10  }
0x1eb: {  	v6 =	vld.idx.msk [tilespmem:v6+s2+$0x0], $0xffff  }
0x1ec: {  	s12 =	simm.s32 $0x19060;
	v5 =	vunpack.i.u.bf16.f32 v5;
	[tilespmem:v13+s23+$0x0] =	vst.idx.add.f32.msk $0xffff, v4  }
0x1ed: {  	v4 =	vmul.f32 v5, v10;
	v5 =	vld [tilespmem:s12+$0x10]  }
0x1ee: {  	v9 =	vld [tilespmem:s12+$0xFFFFFFF0]  }
0x1ef: {  	v10 =	vld [tilespmem:s12+$0xFFFFFFE0]  }
0x1f0: {  	v11 =	vld [tilespmem:s12+$0x0];
	v55 =	vunpack.i.l.bf16.f32 v6  }
0x1f1: {  	v56 =	vld.idx.msk [tilespmem:v8+s2+$0x0], $0xffff;
	v8 =	vmul.f32 v55, v16  }
0x1f2: {  	v6 =	vunpack.i.u.bf16.f32 v6;
	[tilespmem:v13+s20+$0x0] =	vst.idx.add.f32.msk $0xffff, v4;
	v57 =	vand.u32 $0xFFFF, v5  }
0x1f3: {  	v6 =	vmul.f32 v6, v16;
	v4 =	vunpack.i.l.bf16.f32 v7;
	[tilespmem:v2+s23+$0x0] =	vst.idx.add.f32.msk $0xffff, v8  }
0x1f4: {  	v4 =	vmul.f32 v4, v14;
	v8 =	vld [tilespmem:s6+$0xFFFFFFE0];
	v59 =	vand.u32 $0xFFFF, v10  }
0x1f5: {  	v58 =	vand.u32 $0xFFFF, v9;
	v7 =	vunpack.i.u.bf16.f32 v7;
	[tilespmem:v2+s20+$0x0] =	vst.idx.add.f32.msk $0xffff, v6  }
0x1f6: {  	v7 =	vmul.f32 v7, v14;
	[tilespmem:v3+s23+$0x0] =	vst.idx.add.f32.msk $0xffff, v4  }
0x1f7: {  	v2 =	vld.idx.msk [tilespmem:v57+s30+$0x0], $0xffff  }
0x1f8: {  	[tilespmem:v3+s20+$0x0] =	vst.idx.add.f32.msk $0xffff, v7  }
0x1f9: {  	v4 =	vand.u32 $0xFFFF, v11;
	v3 =	vld.idx.msk [tilespmem:v59+s30+$0x0], $0xffff  }
0x1fa: {  	v60 =	vld.idx.msk [tilespmem:v58+s30+$0x0], $0xffff;
	v20 =	vshrl.u32 v5, $0x10;
	v5 =	vunpack.i.l.bf16.f32 v56  }
0x1fb: {  	v6 =	vld [tilespmem:s6+$0x0];
	v21 =	vmul.f32 v5, v17  }
0x1fc: {  	v7 =	vld [tilespmem:s6+$0xFFFFFFF0];
	v5 =	vshrl.u32 v10, $0x10;
	v22 =	vunpack.i.l.bf16.f32 v2  }
0x1fd: {  	[tilespmem:v1+s23+$0x0] =	vst.idx.add.f32.msk $0xffff, v21;
	v2 =	vunpack.i.u.bf16.f32 v2;
	v10 =	vmul.f32 v22, v61  }
0x1fe: {  	v19 =	vld.idx.msk [tilespmem:v4+s30+$0x0], $0xffff;
	v62 =	vmul.f32 v2, v61;
	v2 =	vshrl.u32 v9, $0x10;
	v9 =	vunpack.i.l.bf16.f32 v3  }
0x1ff: {  	v9 =	vmul.f32 v9, v8;
	[tilespmem:v20+s31+$0x0] =	vst.idx.add.f32.msk $0xffff, v10  }
0x200: {  	v10 =	vunpack.i.u.bf16.f32 v3;
	[tilespmem:v20+s0+$0x0] =	vst.idx.add.f32.msk $0xffff, v62  }
0x201: {  	v3 =	vshrl.u32 v11, $0x10;
	v11 =	vunpack.i.l.bf16.f32 v60;
	v10 =	vmul.f32 v10, v8;
	[tilespmem:v5+s31+$0x0] =	vst.idx.add.f32.msk $0xffff, v9  }
0x202: {  	v16 =	vunpack.i.u.bf16.f32 v60;
	v11 =	vmul.f32 v11, v7;
	v14 =	vld.idx.msk [tilespmem:v57+s2+$0x0], $0xffff  }
0x203: {  	v16 =	vmul.f32 v16, v7;
	[tilespmem:v5+s0+$0x0] =	vst.idx.add.f32.msk $0xffff, v10  }
0x204: {  	v9 =	vunpack.i.l.bf16.f32 v19;
	[tilespmem:v2+s31+$0x0] =	vst.idx.add.f32.msk $0xffff, v11  }
0x205: {  	v9 =	vmul.f32 v9, v6;
	v10 =	vunpack.i.u.bf16.f32 v19;
	[tilespmem:v2+s0+$0x0] =	vst.idx.add.f32.msk $0xffff, v16  }
0x206: {  	v10 =	vmul.f32 v10, v6;
	v11 =	vld.idx.msk [tilespmem:v59+s2+$0x0], $0xffff  }
0x207: {  	[tilespmem:v3+s31+$0x0] =	vst.idx.add.f32.msk $0xffff, v9;
	v9 =	vunpack.i.l.bf16.f32 v14  }
0x208: {  	[tilespmem:v3+s0+$0x0] =	vst.idx.add.f32.msk $0xffff, v10;
	v14 =	vunpack.i.u.bf16.f32 v14;
	v9 =	vmul.f32 v9, v61  }
0x209: {  	v10 =	vld.idx.msk [tilespmem:v58+s2+$0x0], $0xffff;
	v63 =	vmul.f32 v14, v61  }
0x20a: {  	v13 =	vunpack.i.u.bf16.f32 v56;
	[tilespmem:v20+s23+$0x0] =	vst.idx.add.f32.msk $0xffff, v9  }
0x20b: {  	s7 =	simm.s32 $0x4;
	s8 =	simm.s32 $0x190A0;
	v9 =	vmul.f32 v13, v17;
	[tilespmem:v20+s20+$0x0] =	vst.idx.add.f32.msk $0xffff, v63  }
.LBB2_18:
0x20c: {  	v12 =	vld [tilespmem:s8+$0x10]  }
0x20d: {  	v13 =	vld [tilespmem:s8+$0xFFFFFFF0]  }
0x20e: {  	s7 =	sadd.s32 $0x4, s7;
	v15 =	vunpack.i.u.bf16.f32 v11;
	v11 =	vunpack.i.l.bf16.f32 v11;
	v14 =	vld [tilespmem:s8+$0x0]  }
0x20f: {  	p0 =	slt.u32 s7, $0xF4;
	v11 =	vmul.f32 v11, v8;
	v17 =	vunpack.i.u.bf16.f32 v10;
	v10 =	vunpack.i.l.bf16.f32 v10;
	v16 =	vld [tilespmem:s8+$0xFFFFFFE0]  }
0x210: {  	v8 =	vmul.f32 v15, v8;
	v10 =	vmul.f32 v10, v7;
	v15 =	vld.idx.msk [tilespmem:v4+s2+$0x0], $0xffff  }
0x211: {  	v7 =	vmul.f32 v17, v7;
	v18 =	vand.u32 $0xFFFF, v12;
	[tilespmem:v5+s23+$0x0] =	vst.idx.add.f32.msk $0xffff, v11  }
0x212: {  	v11 =	vshrl.u32 v13, $0x10;
	v13 =	vand.u32 $0xFFFF, v13;
	[tilespmem:v5+s20+$0x0] =	vst.idx.add.f32.msk $0xffff, v8  }
0x213: {  	v8 =	vshrl.u32 v14, $0x10;
	v4 =	vand.u32 $0xFFFF, v14;
	[tilespmem:v2+s23+$0x0] =	vst.idx.add.f32.msk $0xffff, v10  }
0x214: {  	v5 =	vshrl.u32 v16, $0x10;
	v10 =	vand.u32 $0xFFFF, v16;
	[tilespmem:v2+s20+$0x0] =	vst.idx.add.f32.msk $0xffff, v7;
	v2 =	vmov v11  }
0x215: {  	[tilespmem:v1+s20+$0x0] =	vst.idx.add.f32.msk $0xffff, v9;
	v1 =	vmov v3;
	v3 =	vmov v8  }
0x216: {  	v7 =	vunpack.i.u.bf16.f32 v15;
	v8 =	vunpack.i.l.bf16.f32 v15;
	v11 =	vld.idx.msk [tilespmem:v18+s30+$0x0], $0xffff  }
0x217: {  	s6 =	sadd.s32 $0x40, s6;
	v15 =	vmul.f32 v8, v6;
	v9 =	vmul.f32 v7, v6;
	v14 =	vld.idx.msk [tilespmem:v13+s30+$0x0], $0xffff  }
0x218: {  	v16 =	vld [tilespmem:s6+$0x10]  }
0x219: {  	v17 =	vld.idx.msk [tilespmem:v10+s30+$0x0], $0xffff  }
0x21a: {  	v12 =	vshrl.u32 v12, $0x10;
	v19 =	vld.idx.msk [tilespmem:v4+s30+$0x0], $0xffff  }
0x21b: {  	v8 =	vld [tilespmem:s6+$0xFFFFFFE0]  }
0x21c: {  	v20 =	vunpack.i.l.bf16.f32 v11;
	v7 =	vld [tilespmem:s6+$0xFFFFFFF0]  }
0x21d: {  	v11 =	vunpack.i.u.bf16.f32 v11;
	v21 =	vunpack.i.u.bf16.f32 v14;
	v6 =	vld [tilespmem:s6+$0x0];
	v20 =	vmul.f32 v20, v16  }
0x21e: {  	v14 =	vunpack.i.l.bf16.f32 v14;
	v11 =	vmul.f32 v11, v16;
	[tilespmem:v1+s23+$0x0] =	vst.idx.add.f32.msk $0xffff, v15  }
0x21f: {  	v15 =	vunpack.i.u.bf16.f32 v17;
	v17 =	vunpack.i.l.bf16.f32 v17;
	[tilespmem:v12+s31+$0x0] =	vst.idx.add.f32.msk $0xffff, v20  }
0x220: {  	v20 =	vunpack.i.u.bf16.f32 v19;
	v19 =	vunpack.i.l.bf16.f32 v19;
	v17 =	vmul.f32 v17, v8;
	[tilespmem:v12+s0+$0x0] =	vst.idx.add.f32.msk $0xffff, v11  }
0x221: {  	v11 =	vmul.f32 v15, v8;
	v14 =	vmul.f32 v14, v7;
	v15 =	vld.idx.msk [tilespmem:v18+s2+$0x0], $0xffff  }
0x222: {  	[tilespmem:v5+s31+$0x0] =	vst.idx.add.f32.msk $0xffff, v17;
	v17 =	vmul.f32 v21, v7;
	v18 =	vmul.f32 v19, v6  }
0x223: {  	[tilespmem:v5+s0+$0x0] =	vst.idx.add.f32.msk $0xffff, v11;
	v11 =	vmul.f32 v20, v6  }
0x224: {  	[tilespmem:v2+s31+$0x0] =	vst.idx.add.f32.msk $0xffff, v14  }
0x225: {  	[tilespmem:v2+s0+$0x0] =	vst.idx.add.f32.msk $0xffff, v17  }
0x226: {  	[tilespmem:v3+s31+$0x0] =	vst.idx.add.f32.msk $0xffff, v18  }
.Ltmp8:
0x227: {  	v14 =	vunpack.i.l.bf16.f32 v15;
	[tilespmem:v3+s0+$0x0] =	vst.idx.add.f32.msk $0xffff, v11;
	(pc) =	sbr.rel @p0 .LBB2_18-.Ltmp8, $4  }
0x228: {  	v15 =	vunpack.i.u.bf16.f32 v15;
	v14 =	vmul.f32 v14, v16;
	v11 =	vld.idx.msk [tilespmem:v10+s2+$0x0], $0xffff  }
0x229: {  	v10 =	vld.idx.msk [tilespmem:v13+s2+$0x0], $0xffff;
	v13 =	vmul.f32 v15, v16  }
0x22a: {  	[tilespmem:v12+s23+$0x0] =	vst.idx.add.f32.msk $0xffff, v14  }
0x22b: {  	s9 =	simm.s32 $0x0;
	s8 =	sadd.s32 $0x40, s8;
	[tilespmem:v12+s20+$0x0] =	vst.idx.add.f32.msk $0xffff, v13  }
0x22c: {  	_ =	sdelay $0x3  }
0x22d: {  	v4 =	vld.idx.msk [tilespmem:v4+s2+$0x0], $0xffff  }
0x22e: {  	v12 =	vunpack.i.l.bf16.f32 v11  }
0x22f: {  	v12 =	vmul.f32 v12, v8;
	v13 =	vunpack.i.l.bf16.f32 v10  }
0x230: {  	[tilespmem:v1+s20+$0x0] =	vst.idx.add.f32.msk $0xffff, v9;
	v59 =	vunpack.i.u.bf16.f32 v10;
	v60 =	vmul.f32 v13, v7  }
0x231: {  	v57 =	vunpack.i.u.bf16.f32 v11;
	v61 =	vmul.f32 v59, v7;
	[tilespmem:v5+s23+$0x0] =	vst.idx.add.f32.msk $0xffff, v12  }
0x232: {  	v58 =	vmul.f32 v57, v8;
	[tilespmem:v2+s23+$0x0] =	vst.idx.add.f32.msk $0xffff, v60;
	v62 =	vunpack.i.l.bf16.f32 v4  }
0x233: {  	[tilespmem:v2+s20+$0x0] =	vst.idx.add.f32.msk $0xffff, v61;
	v2 =	vunpack.i.u.bf16.f32 v4;
	v63 =	vmul.f32 v62, v6  }
0x234: {  	[tilespmem:v5+s20+$0x0] =	vst.idx.add.f32.msk $0xffff, v58;
	v1 =	vmul.f32 v2, v6  }
0x235: {  	[tilespmem:v3+s23+$0x0] =	vst.idx.add.f32.msk $0xffff, v63  }
0x236: {  	[tilespmem:v3+s20+$0x0] =	vst.idx.add.f32.msk $0xffff, v1  }
.LBB2_20:
0x237: {  	s6 =	sshra.s32 s9, $0x2  }
0x238: {  	v1 =	vld [tilespmem:s6+$0x19F80];
	_ =	sdelay $0x4  }
0x239: {  	v2 =	vand.u32 $0xFFFF, v1;
	_ =	sdelay $0x4  }
0x23a: {  	v3 =	vld.idx.msk [tilespmem:v2+s30+$0x0], $0xffff  }
0x23b: {  	v4 =	vld [tilespmem:s6+$0x1BF80];
	_ =	sdelay $0x1  }
0x23c: {  	v1 =	vshrl.u32 v1, $0x10;
	_ =	sdelay $0x1  }
0x23d: {  	v5 =	vunpack.i.l.bf16.f32 v3  }
0x23e: {  	v3 =	vunpack.i.u.bf16.f32 v3;
	v5 =	vmul.f32 v5, v4  }
0x23f: {  	v3 =	vmul.f32 v3, v4  }
0x240: {  	[tilespmem:v1+s31+$0x0] =	vst.idx.add.f32.msk $0xffff, v5  }
0x241: {  	[tilespmem:v1+s0+$0x0] =	vst.idx.add.f32.msk $0xffff, v3  }
0x242: {  	v2 =	vld.idx.msk [tilespmem:v2+s2+$0x0], $0xffff;
	_ =	sdelay $0x3  }
0x243: {  	p0 =	sne.s32 s9, $0x40  }
.Ltmp9:
0x244: {  	v3 =	vunpack.i.l.bf16.f32 v2;
	(pc) =	sbr.rel @p0 .LBB2_20-.Ltmp9, $4  }
0x245: {  	v2 =	vunpack.i.u.bf16.f32 v2;
	v3 =	vmul.f32 v3, v4  }
0x246: {  	v2 =	vmul.f32 v2, v4  }
0x247: {  	[tilespmem:v1+s23+$0x0] =	vst.idx.add.f32.msk $0xffff, v3  }
0x248: {  	s9 =	sadd.s32 $0x40, s9;
	[tilespmem:v1+s20+$0x0] =	vst.idx.add.f32.msk $0xffff, v2  }
0x249: {  	p0 =	seq.s32 s5, $0x27  }
0x24a: {  	s6 =	smul.u32 @!p0 $0x1F40, s5;
	_ =	sdelay $0x1  }
0x24b: {  	s6 =	sshrl.u32 @!p0 s6, $0x3  }
0x24c: {  	s6 =	sadd.s32 @!p0 $0x3E8, s6  }
0x24d: {  	s8 =	simm.s32 @!p0 $0x0;
	s9 =	simm.s32 @!p0 $0x19000;
	s7 =	sadd.s32 @!p0 s1, s6  }
0x24e: {  	[tilespmem:s9], [sflag:$0x1] =	stream.linear.gather @!p0 [hbm4b:s7+s8], $0xFA0, $0x38;
	[tilespmem:$0x1D080] =	vst v63  }
0x24f: {  	s6 =	sadd.s32 @!p0 s3, s6;
	s7 =	simm.s32 @!p0 $0x1B000  }
0x250: {  	[tilespmem:s7], [sflag:$0x1] =	stream.linear.gather @!p0 [hbm4b:s6+s8], $0xFA0, $0x38;
	[tilespmem:$0x1D080] =	vst v63  }
0x251: {  	_ =	swait.ge [sflag:s21], $0xFA0  }
0x252: {  	[sflag:s21] =	ssyncset.done $0x0  }
0x253: {  	[sflag:s21] =	ssyncadd.s32 $0xFFFFF060  }
0x254: {  	_ =	swait.ge [sflag:s21], $0xFA0  }
0x255: {  	[sflag:s21] =	ssyncset.done $0x0  }
0x256: {  	s8 =	simm.s32 $0x1A020;
	[sflag:s21] =	ssyncadd.s32 $0xFFFFF060  }
0x257: {  	v1 =	vld [tilespmem:s8+$0x10]  }
0x258: {  	v3 =	vld [tilespmem:s8+$0xFFFFFFE0];
	_ =	sdelay $0x3  }
0x259: {  	v2 =	vld [tilespmem:s8+$0xFFFFFFF0];
	v5 =	vand.u32 $0xFFFF, v1  }
0x25a: {  	v7 =	vand.u32 $0xFFFF, v3  }
0x25b: {  	v4 =	vld [tilespmem:s8+$0x0]  }
0x25c: {  	s9 =	simm.s32 $0x1C020  }
0x25d: {  	v10 =	vld [tilespmem:s9+$0x10]  }
0x25e: {  	v6 =	vand.u32 $0xFFFF, v2;
	v9 =	vld.idx.msk [tilespmem:v5+s30+$0x0], $0xffff  }
0x25f: {  	v12 =	vld.idx.msk [tilespmem:v7+s30+$0x0], $0xffff  }
0x260: {  	v14 =	vld [tilespmem:s9+$0xFFFFFFE0];
	v8 =	vand.u32 $0xFFFF, v4  }
0x261: {  	v16 =	vld [tilespmem:s9+$0xFFFFFFF0];
	v13 =	vshrl.u32 v1, $0x10  }
0x262: {  	v17 =	vld [tilespmem:s9+$0x0];
	v3 =	vshrl.u32 v3, $0x10  }
0x263: {  	s6 =	simm.s32 $0x1C060;
	v11 =	vld.idx.msk [tilespmem:v6+s30+$0x0], $0xffff;
	v1 =	vunpack.i.l.bf16.f32 v9  }
0x264: {  	v61 =	vld [tilespmem:s6+$0x10];
	v18 =	vunpack.i.l.bf16.f32 v12;
	v1 =	vmul.f32 v1, v10  }
0x265: {  	v15 =	vld.idx.msk [tilespmem:v8+s30+$0x0], $0xffff;
	v9 =	vunpack.i.u.bf16.f32 v9;
	v18 =	vmul.f32 v18, v14  }
0x266: {  	v2 =	vshrl.u32 v2, $0x10;
	v9 =	vmul.f32 v9, v10;
	[tilespmem:v13+s31+$0x0] =	vst.idx.add.f32.msk $0xffff, v1  }
0x267: {  	v12 =	vunpack.i.u.bf16.f32 v12;
	[tilespmem:v3+s31+$0x0] =	vst.idx.add.f32.msk $0xffff, v18  }
0x268: {  	v1 =	vshrl.u32 v4, $0x10;
	v4 =	vunpack.i.l.bf16.f32 v11;
	[tilespmem:v13+s0+$0x0] =	vst.idx.add.f32.msk $0xffff, v9;
	v9 =	vmul.f32 v12, v14  }
0x269: {  	v11 =	vunpack.i.u.bf16.f32 v11;
	v4 =	vmul.f32 v4, v16;
	v5 =	vld.idx.msk [tilespmem:v5+s2+$0x0], $0xffff  }
0x26a: {  	v54 =	vunpack.i.l.bf16.f32 v15;
	v11 =	vmul.f32 v11, v16;
	[tilespmem:v3+s0+$0x0] =	vst.idx.add.f32.msk $0xffff, v9  }
0x26b: {  	v12 =	vmul.f32 v54, v17;
	v9 =	vunpack.i.u.bf16.f32 v15;
	[tilespmem:v2+s31+$0x0] =	vst.idx.add.f32.msk $0xffff, v4  }
0x26c: {  	v4 =	vmul.f32 v9, v17;
	[tilespmem:v2+s0+$0x0] =	vst.idx.add.f32.msk $0xffff, v11  }
0x26d: {  	[tilespmem:v1+s31+$0x0] =	vst.idx.add.f32.msk $0xffff, v12  }
0x26e: {  	[tilespmem:v1+s0+$0x0] =	vst.idx.add.f32.msk $0xffff, v4;
	v4 =	vunpack.i.l.bf16.f32 v5  }
0x26f: {  	v7 =	vld.idx.msk [tilespmem:v7+s2+$0x0], $0xffff;
	v4 =	vmul.f32 v4, v10  }
0x270: {  	v6 =	vld.idx.msk [tilespmem:v6+s2+$0x0], $0xffff  }
0x271: {  	s12 =	simm.s32 $0x1A060;
	v5 =	vunpack.i.u.bf16.f32 v5;
	[tilespmem:v13+s23+$0x0] =	vst.idx.add.f32.msk $0xffff, v4  }
0x272: {  	v4 =	vmul.f32 v5, v10;
	v5 =	vld [tilespmem:s12+$0x10]  }
0x273: {  	v9 =	vld [tilespmem:s12+$0xFFFFFFF0]  }
0x274: {  	v10 =	vld [tilespmem:s12+$0xFFFFFFE0]  }
0x275: {  	v11 =	vld [tilespmem:s12+$0x0];
	v55 =	vunpack.i.l.bf16.f32 v6  }
0x276: {  	v56 =	vld.idx.msk [tilespmem:v8+s2+$0x0], $0xffff;
	v8 =	vmul.f32 v55, v16  }
0x277: {  	v6 =	vunpack.i.u.bf16.f32 v6;
	[tilespmem:v13+s20+$0x0] =	vst.idx.add.f32.msk $0xffff, v4;
	v57 =	vand.u32 $0xFFFF, v5  }
0x278: {  	v6 =	vmul.f32 v6, v16;
	v4 =	vunpack.i.l.bf16.f32 v7;
	[tilespmem:v2+s23+$0x0] =	vst.idx.add.f32.msk $0xffff, v8  }
0x279: {  	v4 =	vmul.f32 v4, v14;
	v8 =	vld [tilespmem:s6+$0xFFFFFFE0];
	v59 =	vand.u32 $0xFFFF, v10  }
0x27a: {  	v58 =	vand.u32 $0xFFFF, v9;
	v7 =	vunpack.i.u.bf16.f32 v7;
	[tilespmem:v2+s20+$0x0] =	vst.idx.add.f32.msk $0xffff, v6  }
0x27b: {  	v7 =	vmul.f32 v7, v14;
	[tilespmem:v3+s23+$0x0] =	vst.idx.add.f32.msk $0xffff, v4  }
0x27c: {  	v2 =	vld.idx.msk [tilespmem:v57+s30+$0x0], $0xffff  }
0x27d: {  	[tilespmem:v3+s20+$0x0] =	vst.idx.add.f32.msk $0xffff, v7  }
0x27e: {  	v4 =	vand.u32 $0xFFFF, v11;
	v3 =	vld.idx.msk [tilespmem:v59+s30+$0x0], $0xffff  }
0x27f: {  	v60 =	vld.idx.msk [tilespmem:v58+s30+$0x0], $0xffff;
	v20 =	vshrl.u32 v5, $0x10;
	v5 =	vunpack.i.l.bf16.f32 v56  }
0x280: {  	v6 =	vld [tilespmem:s6+$0x0];
	v21 =	vmul.f32 v5, v17  }
0x281: {  	v7 =	vld [tilespmem:s6+$0xFFFFFFF0];
	v5 =	vshrl.u32 v10, $0x10;
	v22 =	vunpack.i.l.bf16.f32 v2  }
0x282: {  	[tilespmem:v1+s23+$0x0] =	vst.idx.add.f32.msk $0xffff, v21;
	v2 =	vunpack.i.u.bf16.f32 v2;
	v10 =	vmul.f32 v22, v61  }
0x283: {  	v19 =	vld.idx.msk [tilespmem:v4+s30+$0x0], $0xffff;
	v62 =	vmul.f32 v2, v61;
	v2 =	vshrl.u32 v9, $0x10;
	v9 =	vunpack.i.l.bf16.f32 v3  }
0x284: {  	v9 =	vmul.f32 v9, v8;
	[tilespmem:v20+s31+$0x0] =	vst.idx.add.f32.msk $0xffff, v10  }
0x285: {  	v10 =	vunpack.i.u.bf16.f32 v3;
	[tilespmem:v20+s0+$0x0] =	vst.idx.add.f32.msk $0xffff, v62  }
0x286: {  	v3 =	vshrl.u32 v11, $0x10;
	v11 =	vunpack.i.l.bf16.f32 v60;
	v10 =	vmul.f32 v10, v8;
	[tilespmem:v5+s31+$0x0] =	vst.idx.add.f32.msk $0xffff, v9  }
0x287: {  	v16 =	vunpack.i.u.bf16.f32 v60;
	v11 =	vmul.f32 v11, v7;
	v14 =	vld.idx.msk [tilespmem:v57+s2+$0x0], $0xffff  }
0x288: {  	v16 =	vmul.f32 v16, v7;
	[tilespmem:v5+s0+$0x0] =	vst.idx.add.f32.msk $0xffff, v10  }
0x289: {  	v9 =	vunpack.i.l.bf16.f32 v19;
	[tilespmem:v2+s31+$0x0] =	vst.idx.add.f32.msk $0xffff, v11  }
0x28a: {  	v9 =	vmul.f32 v9, v6;
	v10 =	vunpack.i.u.bf16.f32 v19;
	[tilespmem:v2+s0+$0x0] =	vst.idx.add.f32.msk $0xffff, v16  }
0x28b: {  	v10 =	vmul.f32 v10, v6;
	v11 =	vld.idx.msk [tilespmem:v59+s2+$0x0], $0xffff  }
0x28c: {  	[tilespmem:v3+s31+$0x0] =	vst.idx.add.f32.msk $0xffff, v9;
	v9 =	vunpack.i.l.bf16.f32 v14  }
0x28d: {  	[tilespmem:v3+s0+$0x0] =	vst.idx.add.f32.msk $0xffff, v10;
	v14 =	vunpack.i.u.bf16.f32 v14;
	v9 =	vmul.f32 v9, v61  }
0x28e: {  	v10 =	vld.idx.msk [tilespmem:v58+s2+$0x0], $0xffff;
	v63 =	vmul.f32 v14, v61  }
0x28f: {  	v13 =	vunpack.i.u.bf16.f32 v56;
	[tilespmem:v20+s23+$0x0] =	vst.idx.add.f32.msk $0xffff, v9  }
0x290: {  	s7 =	simm.s32 $0x4;
	s8 =	simm.s32 $0x1A0A0;
	v9 =	vmul.f32 v13, v17;
	[tilespmem:v20+s20+$0x0] =	vst.idx.add.f32.msk $0xffff, v63  }
.LBB2_22:
0x291: {  	v12 =	vld [tilespmem:s8+$0x10]  }
0x292: {  	v13 =	vld [tilespmem:s8+$0xFFFFFFF0]  }
0x293: {  	s7 =	sadd.s32 $0x4, s7;
	v15 =	vunpack.i.u.bf16.f32 v11;
	v11 =	vunpack.i.l.bf16.f32 v11;
	v14 =	vld [tilespmem:s8+$0x0]  }
0x294: {  	p1 =	slt.u32 s7, $0xF4;
	v11 =	vmul.f32 v11, v8;
	v17 =	vunpack.i.u.bf16.f32 v10;
	v10 =	vunpack.i.l.bf16.f32 v10;
	v16 =	vld [tilespmem:s8+$0xFFFFFFE0]  }
0x295: {  	v8 =	vmul.f32 v15, v8;
	v10 =	vmul.f32 v10, v7;
	v15 =	vld.idx.msk [tilespmem:v4+s2+$0x0], $0xffff  }
0x296: {  	v7 =	vmul.f32 v17, v7;
	v18 =	vand.u32 $0xFFFF, v12;
	[tilespmem:v5+s23+$0x0] =	vst.idx.add.f32.msk $0xffff, v11  }
0x297: {  	v11 =	vshrl.u32 v13, $0x10;
	v13 =	vand.u32 $0xFFFF, v13;
	[tilespmem:v5+s20+$0x0] =	vst.idx.add.f32.msk $0xffff, v8  }
0x298: {  	v8 =	vshrl.u32 v14, $0x10;
	v4 =	vand.u32 $0xFFFF, v14;
	[tilespmem:v2+s23+$0x0] =	vst.idx.add.f32.msk $0xffff, v10  }
0x299: {  	v5 =	vshrl.u32 v16, $0x10;
	v10 =	vand.u32 $0xFFFF, v16;
	[tilespmem:v2+s20+$0x0] =	vst.idx.add.f32.msk $0xffff, v7;
	v2 =	vmov v11  }
0x29a: {  	[tilespmem:v1+s20+$0x0] =	vst.idx.add.f32.msk $0xffff, v9;
	v1 =	vmov v3;
	v3 =	vmov v8  }
0x29b: {  	v7 =	vunpack.i.u.bf16.f32 v15;
	v8 =	vunpack.i.l.bf16.f32 v15;
	v11 =	vld.idx.msk [tilespmem:v18+s30+$0x0], $0xffff  }
0x29c: {  	s6 =	sadd.s32 $0x40, s6;
	v15 =	vmul.f32 v8, v6;
	v9 =	vmul.f32 v7, v6;
	v14 =	vld.idx.msk [tilespmem:v13+s30+$0x0], $0xffff  }
0x29d: {  	v16 =	vld [tilespmem:s6+$0x10]  }
0x29e: {  	v17 =	vld.idx.msk [tilespmem:v10+s30+$0x0], $0xffff  }
0x29f: {  	v12 =	vshrl.u32 v12, $0x10;
	v19 =	vld.idx.msk [tilespmem:v4+s30+$0x0], $0xffff  }
0x2a0: {  	v8 =	vld [tilespmem:s6+$0xFFFFFFE0]  }
0x2a1: {  	v20 =	vunpack.i.l.bf16.f32 v11;
	v7 =	vld [tilespmem:s6+$0xFFFFFFF0]  }
0x2a2: {  	v11 =	vunpack.i.u.bf16.f32 v11;
	v21 =	vunpack.i.u.bf16.f32 v14;
	v6 =	vld [tilespmem:s6+$0x0];
	v20 =	vmul.f32 v20, v16  }
0x2a3: {  	v14 =	vunpack.i.l.bf16.f32 v14;
	v11 =	vmul.f32 v11, v16;
	[tilespmem:v1+s23+$0x0] =	vst.idx.add.f32.msk $0xffff, v15  }
0x2a4: {  	v15 =	vunpack.i.u.bf16.f32 v17;
	v17 =	vunpack.i.l.bf16.f32 v17;
	[tilespmem:v12+s31+$0x0] =	vst.idx.add.f32.msk $0xffff, v20  }
0x2a5: {  	v20 =	vunpack.i.u.bf16.f32 v19;
	v19 =	vunpack.i.l.bf16.f32 v19;
	v17 =	vmul.f32 v17, v8;
	[tilespmem:v12+s0+$0x0] =	vst.idx.add.f32.msk $0xffff, v11  }
0x2a6: {  	v11 =	vmul.f32 v15, v8;
	v14 =	vmul.f32 v14, v7;
	v15 =	vld.idx.msk [tilespmem:v18+s2+$0x0], $0xffff  }
0x2a7: {  	[tilespmem:v5+s31+$0x0] =	vst.idx.add.f32.msk $0xffff, v17;
	v17 =	vmul.f32 v21, v7;
	v18 =	vmul.f32 v19, v6  }
0x2a8: {  	[tilespmem:v5+s0+$0x0] =	vst.idx.add.f32.msk $0xffff, v11;
	v11 =	vmul.f32 v20, v6  }
0x2a9: {  	[tilespmem:v2+s31+$0x0] =	vst.idx.add.f32.msk $0xffff, v14  }
0x2aa: {  	[tilespmem:v2+s0+$0x0] =	vst.idx.add.f32.msk $0xffff, v17  }
0x2ab: {  	[tilespmem:v3+s31+$0x0] =	vst.idx.add.f32.msk $0xffff, v18  }
.Ltmp10:
0x2ac: {  	v14 =	vunpack.i.l.bf16.f32 v15;
	[tilespmem:v3+s0+$0x0] =	vst.idx.add.f32.msk $0xffff, v11;
	(pc) =	sbr.rel @p1 .LBB2_22-.Ltmp10, $4  }
0x2ad: {  	v15 =	vunpack.i.u.bf16.f32 v15;
	v14 =	vmul.f32 v14, v16;
	v11 =	vld.idx.msk [tilespmem:v10+s2+$0x0], $0xffff  }
0x2ae: {  	v10 =	vld.idx.msk [tilespmem:v13+s2+$0x0], $0xffff;
	v13 =	vmul.f32 v15, v16  }
0x2af: {  	[tilespmem:v12+s23+$0x0] =	vst.idx.add.f32.msk $0xffff, v14  }
0x2b0: {  	s9 =	simm.s32 $0x0;
	s8 =	sadd.s32 $0x40, s8;
	[tilespmem:v12+s20+$0x0] =	vst.idx.add.f32.msk $0xffff, v13  }
0x2b1: {  	_ =	sdelay $0x3  }
0x2b2: {  	v4 =	vld.idx.msk [tilespmem:v4+s2+$0x0], $0xffff  }
0x2b3: {  	v12 =	vunpack.i.l.bf16.f32 v11  }
0x2b4: {  	v12 =	vmul.f32 v12, v8;
	v13 =	vunpack.i.l.bf16.f32 v10  }
0x2b5: {  	[tilespmem:v1+s20+$0x0] =	vst.idx.add.f32.msk $0xffff, v9;
	v59 =	vunpack.i.u.bf16.f32 v10;
	v60 =	vmul.f32 v13, v7  }
0x2b6: {  	v57 =	vunpack.i.u.bf16.f32 v11;
	v61 =	vmul.f32 v59, v7;
	[tilespmem:v5+s23+$0x0] =	vst.idx.add.f32.msk $0xffff, v12  }
0x2b7: {  	v58 =	vmul.f32 v57, v8;
	[tilespmem:v2+s23+$0x0] =	vst.idx.add.f32.msk $0xffff, v60;
	v62 =	vunpack.i.l.bf16.f32 v4  }
0x2b8: {  	[tilespmem:v2+s20+$0x0] =	vst.idx.add.f32.msk $0xffff, v61;
	v2 =	vunpack.i.u.bf16.f32 v4;
	v63 =	vmul.f32 v62, v6  }
0x2b9: {  	[tilespmem:v5+s20+$0x0] =	vst.idx.add.f32.msk $0xffff, v58;
	v1 =	vmul.f32 v2, v6  }
0x2ba: {  	[tilespmem:v3+s23+$0x0] =	vst.idx.add.f32.msk $0xffff, v63  }
0x2bb: {  	[tilespmem:v3+s20+$0x0] =	vst.idx.add.f32.msk $0xffff, v1  }
.LBB2_24:
0x2bc: {  	s6 =	sshra.s32 s9, $0x2  }
0x2bd: {  	v1 =	vld [tilespmem:s6+$0x1AF80];
	_ =	sdelay $0x4  }
0x2be: {  	v2 =	vand.u32 $0xFFFF, v1;
	_ =	sdelay $0x4  }
0x2bf: {  	v3 =	vld.idx.msk [tilespmem:v2+s30+$0x0], $0xffff  }
0x2c0: {  	v4 =	vld [tilespmem:s6+$0x1CF80];
	_ =	sdelay $0x1  }
0x2c1: {  	v1 =	vshrl.u32 v1, $0x10;
	_ =	sdelay $0x1  }
0x2c2: {  	v5 =	vunpack.i.l.bf16.f32 v3  }
0x2c3: {  	v3 =	vunpack.i.u.bf16.f32 v3;
	v5 =	vmul.f32 v5, v4  }
0x2c4: {  	v3 =	vmul.f32 v3, v4  }
0x2c5: {  	[tilespmem:v1+s31+$0x0] =	vst.idx.add.f32.msk $0xffff, v5  }
0x2c6: {  	[tilespmem:v1+s0+$0x0] =	vst.idx.add.f32.msk $0xffff, v3  }
0x2c7: {  	v2 =	vld.idx.msk [tilespmem:v2+s2+$0x0], $0xffff;
	_ =	sdelay $0x3  }
0x2c8: {  	p1 =	sne.s32 s9, $0x40  }
.Ltmp11:
0x2c9: {  	v3 =	vunpack.i.l.bf16.f32 v2;
	(pc) =	sbr.rel @p1 .LBB2_24-.Ltmp11, $4  }
0x2ca: {  	v2 =	vunpack.i.u.bf16.f32 v2;
	v3 =	vmul.f32 v3, v4  }
0x2cb: {  	v2 =	vmul.f32 v2, v4  }
0x2cc: {  	[tilespmem:v1+s23+$0x0] =	vst.idx.add.f32.msk $0xffff, v3  }
0x2cd: {  	s9 =	sadd.s32 $0x40, s9;
	[tilespmem:v1+s20+$0x0] =	vst.idx.add.f32.msk $0xffff, v2  }
.Ltmp12:
0x2ce: {  	(pc) =	sbr.rel @p0 .LBB2_27-.Ltmp12, $1  }
0x2cf: {  	_ =	sdelay $0x3  }
0x2d0: {  	s6 =	smul.u32 $0x1F40, s5;
	_ =	sdelay $0x1  }
0x2d1: {  	s6 =	sshrl.u32 s6, $0x3  }
.Ltmp13:
0x2d2: {  	s6 =	sadd.s32 $0x5DC, s6;
	(pc) =	sbr.rel .LBB2_17-.Ltmp13, $4  }
0x2d3: {  	s7 =	sadd.s32 s1, s6  }
0x2d4: {  	[tilespmem:s26], [sflag:$0x2] =	stream.linear.gather [hbm4b:s7+s4], $0xFA0, $0x38;
	[tilespmem:$0x1D080] =	vst v63  }
0x2d5: {  	s5 =	sadd.s32 $0x1, s5;
	s6 =	sadd.s32 s3, s6  }
0x2d6: {  	[tilespmem:s28], [sflag:$0x2] =	stream.linear.gather [hbm4b:s6+s4], $0xFA0, $0x38;
	[tilespmem:$0x1D080] =	vst v63  }
.LBB2_27:
0x2d7: {  	v1 =	vld [tilespmem:$0x1D010];
	s5 =	simm.s32 $0x0  }
0x2d8: {  	v2 =	vld [tilespmem:s5+$0xA000]  }
0x2d9: {  	v3 =	vld [tilespmem:s5+$0xA010]  }
0x2da: {  	v4 =	vld [tilespmem:s5+$0xC810]  }
0x2db: {  	v5 =	vld [tilespmem:s5+$0x0]  }
0x2dc: {  	v6 =	vld [tilespmem:s5+$0xF010]  }
0x2dd: {  	v7 =	vld [tilespmem:s5+$0x11810];
	v2 =	vmax.f32 v2, $0.0e+00  }
0x2de: {  	v8 =	vld [tilespmem:s5+$0xA020];
	v2 =	vmul.f32 v2, v1  }
0x2df: {  	v9 =	vld [tilespmem:s5+$0xC820];
	[tilespmem:s5+$0xA010] =	vst v0  }
0x2e0: {  	[tilespmem:s5+$0xA000] =	vst v0;
	v10 =	vld [tilespmem:s5+$0x11820];
	v5 =	vadd.f32 v2, v5  }
0x2e1: {  	s6 =	simm.s32 $0x0;
	v11 =	vld [tilespmem:s5+$0xA030];
	[tilespmem:s5+$0xC810] =	vst v0  }
0x2e2: {  	s7 =	sand.u32 $0x3FC0, s6;
	v14 =	vld [tilespmem:s5+$0xC830];
	[tilespmem:s5+$0x0] =	vst v5  }
0x2e3: {  	[tilespmem:s5+$0xF010] =	vst v0;
	v12 =	vld [tilespmem:s7+$0xC800]  }
0x2e4: {  	[tilespmem:s5+$0x11810] =	vst v0;
	v13 =	vld [tilespmem:s7+$0xF000]  }
0x2e5: {  	[tilespmem:s5+$0xA020] =	vst v0;
	v17 =	vld [tilespmem:s5+$0xF030]  }
0x2e6: {  	[tilespmem:s5+$0xC820] =	vst v0;
	v15 =	vld [tilespmem:s7+$0x2800]  }
0x2e7: {  	[tilespmem:s5+$0xA030] =	vst v0;
	v16 =	vld [tilespmem:s7+$0x5000]  }
0x2e8: {  	[tilespmem:s5+$0x11820] =	vst v0;
	v18 =	vld [tilespmem:s5+$0x11830];
	v12 =	vmax.f32 v12, $0.0e+00  }
0x2e9: {  	v19 =	vld [tilespmem:s5+$0x10];
	[tilespmem:s5+$0xC830] =	vst v0;
	v13 =	vmax.f32 v13, $0.0e+00;
	v12 =	vmul.f32 v12, v1  }
0x2ea: {  	v53 =	vld [tilespmem:s5+$0x2810];
	[tilespmem:s5+$0xF030] =	vst v0;
	v13 =	vmul.f32 v13, v1  }
0x2eb: {  	v54 =	vld [tilespmem:s5+$0x5010];
	[tilespmem:s7+$0xC800] =	vst v0;
	v12 =	vadd.f32 v12, v15  }
0x2ec: {  	v20 =	vld [tilespmem:s5+$0x7810];
	v3 =	vmax.f32 v3, $0.0e+00;
	[tilespmem:s7+$0xF000] =	vst v0;
	v13 =	vadd.f32 v13, v16  }
0x2ed: {  	v21 =	vld [tilespmem:s5+$0x20];
	v4 =	vmax.f32 v4, $0.0e+00;
	v3 =	vmul.f32 v3, v1;
	[tilespmem:s7+$0x2800] =	vst v12  }
0x2ee: {  	s8 =	sadd.s32 $0x7800, s7;
	v6 =	vmax.f32 v6, $0.0e+00;
	v7 =	vmax.f32 v7, $0.0e+00;
	v4 =	vmul.f32 v4, v1;
	v2 =	vld [tilespmem:s5+$0xF020];
	[tilespmem:s7+$0x5000] =	vst v13  }
0x2ef: {  	[tilespmem:s5+$0x11830] =	vst v0;
	v8 =	vmax.f32 v8, $0.0e+00;
	v6 =	vmul.f32 v6, v1;
	v3 =	vadd.f32 v3, v19;
	v22 =	vld [tilespmem:s8+$0xA000]  }
0x2f0: {  	v55 =	vld [tilespmem:s5+$0x2820];
	v7 =	vmul.f32 v7, v1;
	v8 =	vmul.f32 v8, v1;
	[tilespmem:s5+$0xF020] =	vst v0;
	v4 =	vadd.f32 v4, v53  }
0x2f1: {  	v56 =	vld [tilespmem:s5+$0x5020];
	v9 =	vmax.f32 v9, $0.0e+00;
	v6 =	vadd.f32 v6, v54;
	[tilespmem:s5+$0x10] =	vst v3  }
0x2f2: {  	v10 =	vmax.f32 v10, $0.0e+00;
	v7 =	vadd.f32 v7, v20;
	v8 =	vadd.f32 v8, v21;
	[tilespmem:s5+$0x2810] =	vst v4;
	v57 =	vld [tilespmem:s7+$0x7800]  }
0x2f3: {  	v58 =	vld [tilespmem:s5+$0x7820];
	v3 =	vpack.i.f32.bf16 v4, v3;
	v4 =	vmul.f32 v9, v1;
	[tilespmem:s5+$0x5010] =	vst v6;
	v2 =	vmax.f32 v2, $0.0e+00  }
0x2f4: {  	v61 =	vld [tilespmem:s5+$0x7830];
	v6 =	vpack.i.f32.bf16 v7, v6;
	[tilespmem:s5+$0x7810] =	vst v7;
	v9 =	vmul.f32 v2, v1;
	v2 =	vmax.f32 v22, $0.0e+00  }
0x2f5: {  	[tilespmem:s5+$0x14010] =	vst v3;
	v3 =	vmax.f32 v11, $0.0e+00;
	v11 =	vld [tilespmem:s5+$0x30];
	v59 =	vmul.f32 v2, v1;
	v2 =	vadd.f32 v4, v55  }
0x2f6: {  	[tilespmem:s5+$0x16810] =	vst v6;
	v6 =	vld [tilespmem:s5+$0x2830];
	v4 =	vmul.f32 v10, v1;
	v10 =	vmul.f32 v3, v1  }
0x2f7: {  	v7 =	vld [tilespmem:s5+$0x5030];
	[tilespmem:s5+$0x20] =	vst v8;
	v3 =	vmax.f32 v14, $0.0e+00;
	v60 =	vadd.f32 v59, v57;
	v8 =	vpack.i.f32.bf16 v2, v8  }
0x2f8: {  	v63 =	vmax.f32 v18, $0.0e+00;
	v62 =	vmul.f32 v3, v1;
	v3 =	vmax.f32 v17, $0.0e+00;
	[tilespmem:s5+$0x14020] =	vst v8  }
0x2f9: {  	v4 =	vadd.f32 v4, v58;
	v8 =	vmul.f32 v3, v1;
	v3 =	vadd.f32 v9, v56;
	[tilespmem:s7+$0x7800] =	vst v60  }
0x2fa: {  	v17 =	vmul.f32 v63, v1;
	v9 =	vpack.i.f32.bf16 v12, v5;
	[tilespmem:s8+$0xA000] =	vst v0  }
0x2fb: {  	v5 =	vadd.f32 v10, v11;
	v6 =	vadd.f32 v62, v6;
	v10 =	vpack.i.f32.bf16 v4, v3;
	[tilespmem:s5+$0x14000] =	vst v9  }
0x2fc: {  	v8 =	vadd.f32 v8, v7;
	v7 =	vadd.f32 v17, v61;
	v9 =	vpack.i.f32.bf16 v60, v13;
	[tilespmem:s5+$0x16820] =	vst v10  }
0x2fd: {  	[tilespmem:s7+$0x16800] =	vst v9;
	v9 =	vpack.i.f32.bf16 v6, v5  }
0x2fe: {  	s8 =	simm.s32 $0x100;
	s7 =	simm.s32 $0x0;
	[tilespmem:s5+$0x14030] =	vst v9;
	v9 =	vpack.i.f32.bf16 v7, v8  }
.LBB2_28:
0x2ff: {  	s9 =	sshra.s32 s8, $0x2;
	[tilespmem:s5+$0x16830] =	vst v9  }
0x300: {  	v9 =	vld [tilespmem:s9+$0xA000];
	[tilespmem:s5+$0x2820] =	vst v2  }
0x301: {  	v2 =	vld [tilespmem:s9+$0xA010];
	[tilespmem:s5+$0x5020] =	vst v3  }
0x302: {  	s7 =	sadd.s32 $0x4, s7;
	v3 =	vld [tilespmem:s9+$0xC810];
	[tilespmem:s5+$0x7820] =	vst v4  }
0x303: {  	p0 =	slt.u32 s7, $0x27C;
	v4 =	vld [tilespmem:s9+$0x0];
	[tilespmem:s5+$0x30] =	vst v5  }
0x304: {  	v5 =	vld [tilespmem:s9+$0xF010];
	[tilespmem:s5+$0x2830] =	vst v6  }
0x305: {  	v6 =	vmax.f32 v9, $0.0e+00;
	v9 =	vld [tilespmem:s9+$0x11810];
	[tilespmem:s5+$0x5030] =	vst v8  }
0x306: {  	v6 =	vmul.f32 v6, v1;
	v2 =	vmax.f32 v2, $0.0e+00;
	v8 =	vld [tilespmem:s9+$0xA020];
	[tilespmem:s5+$0x7830] =	vst v7;
	s5 =	smov.u32 s9  }
0x307: {  	v2 =	vmul.f32 v2, v1;
	[tilespmem:s5+$0xA010] =	vst v0;
	v3 =	vmax.f32 v3, $0.0e+00;
	v7 =	vld [tilespmem:s5+$0xC820]  }
0x308: {  	v6 =	vadd.f32 v6, v4;
	v3 =	vmul.f32 v3, v1;
	[tilespmem:s5+$0xC810] =	vst v0;
	v4 =	vld [tilespmem:s5+$0xF020]  }
0x309: {  	s6 =	sadd.s32 $0x40, s6;
	[tilespmem:s5+$0xA000] =	vst v0;
	v5 =	vmax.f32 v5, $0.0e+00;
	v10 =	vld [tilespmem:s5+$0x11820]  }
0x30a: {  	s9 =	sand.u32 $0x3FC0, s6;
	[tilespmem:s5+$0x0] =	vst v6;
	v5 =	vmul.f32 v5, v1;
	v9 =	vmax.f32 v9, $0.0e+00;
	v11 =	vld [tilespmem:s5+$0xA030]  }
0x30b: {  	v12 =	vld [tilespmem:s9+$0xC800];
	[tilespmem:s5+$0xF010] =	vst v0;
	v9 =	vmul.f32 v9, v1;
	v8 =	vmax.f32 v8, $0.0e+00  }
0x30c: {  	v13 =	vld [tilespmem:s9+$0xF000];
	[tilespmem:s5+$0x11810] =	vst v0;
	v8 =	vmul.f32 v8, v1;
	v7 =	vmax.f32 v7, $0.0e+00  }
0x30d: {  	[tilespmem:s5+$0xA020] =	vst v0;
	v7 =	vmul.f32 v7, v1;
	v4 =	vmax.f32 v4, $0.0e+00;
	v14 =	vld [tilespmem:s5+$0xC830]  }
0x30e: {  	v15 =	vld [tilespmem:s9+$0x2800];
	[tilespmem:s5+$0xC820] =	vst v0;
	v4 =	vmul.f32 v4, v1;
	v10 =	vmax.f32 v10, $0.0e+00  }
0x30f: {  	v16 =	vld [tilespmem:s9+$0x5000];
	[tilespmem:s5+$0xF020] =	vst v0;
	v10 =	vmul.f32 v10, v1;
	v11 =	vmax.f32 v11, $0.0e+00  }
0x310: {  	v12 =	vmax.f32 v12, $0.0e+00;
	[tilespmem:s5+$0x11820] =	vst v0;
	v11 =	vmul.f32 v11, v1;
	v17 =	vld [tilespmem:s5+$0xF030]  }
0x311: {  	v12 =	vmul.f32 v12, v1;
	v13 =	vmax.f32 v13, $0.0e+00;
	[tilespmem:s5+$0xA030] =	vst v0;
	v18 =	vld [tilespmem:s5+$0x11830]  }
0x312: {  	v13 =	vmul.f32 v13, v1;
	v19 =	vld [tilespmem:s5+$0x10];
	v14 =	vmax.f32 v14, $0.0e+00;
	[tilespmem:s5+$0xC830] =	vst v0  }
0x313: {  	v12 =	vadd.f32 v12, v15;
	[tilespmem:s9+$0xC800] =	vst v0;
	v15 =	vld [tilespmem:s5+$0x2810];
	v14 =	vmul.f32 v14, v1  }
0x314: {  	v13 =	vadd.f32 v13, v16;
	[tilespmem:s9+$0xF000] =	vst v0;
	v16 =	vld [tilespmem:s5+$0x5010]  }
0x315: {  	[tilespmem:s9+$0x2800] =	vst v12;
	v20 =	vld [tilespmem:s5+$0x7810];
	v17 =	vmax.f32 v17, $0.0e+00  }
0x316: {  	s12 =	sadd.s32 $0x7800, s9;
	[tilespmem:s9+$0x5000] =	vst v13;
	v21 =	vld [tilespmem:s5+$0x20];
	v17 =	vmul.f32 v17, v1;
	v18 =	vmax.f32 v18, $0.0e+00  }
0x317: {  	v22 =	vld [tilespmem:s12+$0xA000];
	v2 =	vadd.f32 v2, v19;
	[tilespmem:s5+$0xF030] =	vst v0;
	v18 =	vmul.f32 v18, v1  }
0x318: {  	v3 =	vadd.f32 v3, v15;
	v15 =	vld [tilespmem:s5+$0x2820];
	[tilespmem:s5+$0x11830] =	vst v0  }
0x319: {  	[tilespmem:s5+$0x10] =	vst v2;
	v5 =	vadd.f32 v5, v16;
	v16 =	vld [tilespmem:s5+$0x5020]  }
0x31a: {  	v19 =	vld [tilespmem:s9+$0x7800];
	[tilespmem:s5+$0x2810] =	vst v3;
	v9 =	vadd.f32 v9, v20;
	v2 =	vpack.i.f32.bf16 v3, v2  }
0x31b: {  	[tilespmem:s5+$0x14010] =	vst v2;
	v8 =	vadd.f32 v8, v21;
	v20 =	vld [tilespmem:s5+$0x7820]  }
0x31c: {  	v2 =	vmax.f32 v22, $0.0e+00;
	[tilespmem:s5+$0x5010] =	vst v5;
	v3 =	vpack.i.f32.bf16 v9, v5;
	v5 =	vld [tilespmem:s5+$0x30]  }
0x31d: {  	v21 =	vmul.f32 v2, v1;
	[tilespmem:s5+$0x16810] =	vst v3;
	v2 =	vadd.f32 v7, v15;
	v7 =	vld [tilespmem:s5+$0x2830]  }
0x31e: {  	[tilespmem:s5+$0x7810] =	vst v9;
	v3 =	vadd.f32 v4, v16;
	v9 =	vld [tilespmem:s5+$0x5030]  }
0x31f: {  	v15 =	vadd.f32 v21, v19;
	[tilespmem:s5+$0x20] =	vst v8;
	v8 =	vpack.i.f32.bf16 v2, v8;
	v16 =	vld [tilespmem:s5+$0x7830]  }
0x320: {  	v4 =	vadd.f32 v10, v20;
	[tilespmem:s5+$0x14020] =	vst v8  }
0x321: {  	[tilespmem:s9+$0x7800] =	vst v15;
	v5 =	vadd.f32 v11, v5  }
.Ltmp14:
0x322: {  	v8 =	vpack.i.f32.bf16 v12, v6;
	[tilespmem:s12+$0xA000] =	vst v0;
	v10 =	vpack.i.f32.bf16 v4, v3;
	v6 =	vadd.f32 v14, v7;
	(pc) =	sbr.rel @p0 .LBB2_28-.Ltmp14, $4  }
0x323: {  	v7 =	vpack.i.f32.bf16 v15, v13;
	[tilespmem:s5+$0x14000] =	vst v8;
	v8 =	vadd.f32 v17, v9  }
0x324: {  	[tilespmem:s9+$0x16800] =	vst v7;
	v7 =	vadd.f32 v18, v16;
	v9 =	vpack.i.f32.bf16 v6, v5  }
0x325: {  	[tilespmem:s5+$0x16820] =	vst v10  }
0x326: {  	s8 =	sadd.s32 $0x100, s8;
	[tilespmem:s5+$0x14030] =	vst v9;
	v9 =	vpack.i.f32.bf16 v7, v8  }
0x327: {  	[tilespmem:s5+$0x16830] =	vst v9  }
0x328: {  	[tilespmem:s5+$0x2820] =	vst v2  }
0x329: {  	[tilespmem:s5+$0x5020] =	vst v3  }
0x32a: {  	[tilespmem:s5+$0x7820] =	vst v4  }
0x32b: {  	[tilespmem:s5+$0x30] =	vst v5  }
0x32c: {  	[tilespmem:s5+$0x2830] =	vst v6  }
0x32d: {  	[tilespmem:s5+$0x5030] =	vst v8  }
0x32e: {  	[tilespmem:s5+$0x7830] =	vst v7;
	s5 =	simm.s32 $0x0  }
0x32f: {  	[tilespmem:s24], [sflag:$0x1] =	stream.linear.gather [hbm4b:s1+s5], $0xFA0, $0x38;
	[tilespmem:$0x1D080] =	vst v63  }
0x330: {  	_ = 	snop  }
0x331: {  	[tilespmem:s25], [sflag:$0x1] =	stream.linear.gather [hbm4b:s3+s5], $0xFA0, $0x38;
	[tilespmem:$0x1D080] =	vst v63  }
0x332: {  	_ = 	snop  }
0x333: {  	[tilespmem:s26], [sflag:$0x2] =	stream.linear.gather [hbm4b:s10+s5], $0xFA0, $0x38;
	[tilespmem:$0x1D080] =	vst v63  }
0x334: {  	_ = 	snop  }
0x335: {  	[tilespmem:s28], [sflag:$0x2] =	stream.linear.gather [hbm4b:s11+s5], $0xFA0, $0x38;
	[tilespmem:$0x1D080] =	vst v63  }
.LBB2_30:
0x336: {  	_ =	swait.ge [sflag:s29], $0xFA0  }
0x337: {  	[sflag:s29] =	ssyncset.done $0x0  }
0x338: {  	[sflag:s29] =	ssyncadd.s32 $0xFFFFF060  }
0x339: {  	_ =	swait.ge [sflag:s29], $0xFA0  }
0x33a: {  	[sflag:s29] =	ssyncset.done $0x0  }
0x33b: {  	s6 =	simm.s32 $0x19020;
	[sflag:s29] =	ssyncadd.s32 $0xFFFFF060  }
0x33c: {  	v1 =	vld [tilespmem:s6+$0x10]  }
0x33d: {  	v3 =	vld [tilespmem:s6+$0xFFFFFFE0];
	_ =	sdelay $0x3  }
0x33e: {  	v2 =	vld [tilespmem:s6+$0xFFFFFFF0];
	v5 =	vand.u32 $0xFFFF, v1  }
0x33f: {  	v7 =	vand.u32 $0xFFFF, v3  }
0x340: {  	v4 =	vld [tilespmem:s6+$0x0]  }
0x341: {  	s9 =	simm.s32 $0x1B020  }
0x342: {  	v10 =	vld [tilespmem:s9+$0x10]  }
0x343: {  	v6 =	vand.u32 $0xFFFF, v2;
	v9 =	vld.idx.msk [tilespmem:v5+s30+$0x0], $0xffff  }
0x344: {  	v12 =	vld.idx.msk [tilespmem:v7+s30+$0x0], $0xffff  }
0x345: {  	v14 =	vld [tilespmem:s9+$0xFFFFFFE0];
	v8 =	vand.u32 $0xFFFF, v4  }
0x346: {  	v16 =	vld [tilespmem:s9+$0xFFFFFFF0];
	v13 =	vshrl.u32 v1, $0x10  }
0x347: {  	v17 =	vld [tilespmem:s9+$0x0];
	v3 =	vshrl.u32 v3, $0x10  }
0x348: {  	s6 =	simm.s32 $0x1B060;
	v11 =	vld.idx.msk [tilespmem:v6+s30+$0x0], $0xffff;
	v1 =	vunpack.i.l.bf16.f32 v9  }
0x349: {  	v61 =	vld [tilespmem:s6+$0x10];
	v18 =	vunpack.i.l.bf16.f32 v12;
	v1 =	vmul.f32 v1, v10  }
0x34a: {  	v15 =	vld.idx.msk [tilespmem:v8+s30+$0x0], $0xffff;
	v9 =	vunpack.i.u.bf16.f32 v9;
	v18 =	vmul.f32 v18, v14  }
0x34b: {  	v2 =	vshrl.u32 v2, $0x10;
	v9 =	vmul.f32 v9, v10;
	[tilespmem:v13+s31+$0x0] =	vst.idx.add.f32.msk $0xffff, v1  }
0x34c: {  	v12 =	vunpack.i.u.bf16.f32 v12;
	[tilespmem:v3+s31+$0x0] =	vst.idx.add.f32.msk $0xffff, v18  }
0x34d: {  	v1 =	vshrl.u32 v4, $0x10;
	v4 =	vunpack.i.l.bf16.f32 v11;
	[tilespmem:v13+s0+$0x0] =	vst.idx.add.f32.msk $0xffff, v9;
	v9 =	vmul.f32 v12, v14  }
0x34e: {  	v11 =	vunpack.i.u.bf16.f32 v11;
	v4 =	vmul.f32 v4, v16;
	v5 =	vld.idx.msk [tilespmem:v5+s2+$0x0], $0xffff  }
0x34f: {  	v54 =	vunpack.i.l.bf16.f32 v15;
	v11 =	vmul.f32 v11, v16;
	[tilespmem:v3+s0+$0x0] =	vst.idx.add.f32.msk $0xffff, v9  }
0x350: {  	v12 =	vmul.f32 v54, v17;
	v9 =	vunpack.i.u.bf16.f32 v15;
	[tilespmem:v2+s31+$0x0] =	vst.idx.add.f32.msk $0xffff, v4  }
0x351: {  	v4 =	vmul.f32 v9, v17;
	[tilespmem:v2+s0+$0x0] =	vst.idx.add.f32.msk $0xffff, v11  }
0x352: {  	[tilespmem:v1+s31+$0x0] =	vst.idx.add.f32.msk $0xffff, v12  }
0x353: {  	[tilespmem:v1+s0+$0x0] =	vst.idx.add.f32.msk $0xffff, v4;
	v4 =	vunpack.i.l.bf16.f32 v5  }
0x354: {  	v7 =	vld.idx.msk [tilespmem:v7+s2+$0x0], $0xffff;
	v4 =	vmul.f32 v4, v10  }
0x355: {  	v6 =	vld.idx.msk [tilespmem:v6+s2+$0x0], $0xffff  }
0x356: {  	s12 =	simm.s32 $0x19060;
	v5 =	vunpack.i.u.bf16.f32 v5;
	[tilespmem:v13+s23+$0x0] =	vst.idx.add.f32.msk $0xffff, v4  }
0x357: {  	v4 =	vmul.f32 v5, v10;
	v5 =	vld [tilespmem:s12+$0x10]  }
0x358: {  	v9 =	vld [tilespmem:s12+$0xFFFFFFF0]  }
0x359: {  	v10 =	vld [tilespmem:s12+$0xFFFFFFE0]  }
0x35a: {  	v11 =	vld [tilespmem:s12+$0x0];
	v55 =	vunpack.i.l.bf16.f32 v6  }
0x35b: {  	v56 =	vld.idx.msk [tilespmem:v8+s2+$0x0], $0xffff;
	v8 =	vmul.f32 v55, v16  }
0x35c: {  	v6 =	vunpack.i.u.bf16.f32 v6;
	[tilespmem:v13+s20+$0x0] =	vst.idx.add.f32.msk $0xffff, v4;
	v57 =	vand.u32 $0xFFFF, v5  }
0x35d: {  	v6 =	vmul.f32 v6, v16;
	v4 =	vunpack.i.l.bf16.f32 v7;
	[tilespmem:v2+s23+$0x0] =	vst.idx.add.f32.msk $0xffff, v8  }
0x35e: {  	v4 =	vmul.f32 v4, v14;
	v8 =	vld [tilespmem:s6+$0xFFFFFFE0];
	v59 =	vand.u32 $0xFFFF, v10  }
0x35f: {  	v58 =	vand.u32 $0xFFFF, v9;
	v7 =	vunpack.i.u.bf16.f32 v7;
	[tilespmem:v2+s20+$0x0] =	vst.idx.add.f32.msk $0xffff, v6  }
0x360: {  	v7 =	vmul.f32 v7, v14;
	[tilespmem:v3+s23+$0x0] =	vst.idx.add.f32.msk $0xffff, v4  }
0x361: {  	v2 =	vld.idx.msk [tilespmem:v57+s30+$0x0], $0xffff  }
0x362: {  	[tilespmem:v3+s20+$0x0] =	vst.idx.add.f32.msk $0xffff, v7  }
0x363: {  	v4 =	vand.u32 $0xFFFF, v11;
	v3 =	vld.idx.msk [tilespmem:v59+s30+$0x0], $0xffff  }
0x364: {  	v60 =	vld.idx.msk [tilespmem:v58+s30+$0x0], $0xffff;
	v20 =	vshrl.u32 v5, $0x10;
	v5 =	vunpack.i.l.bf16.f32 v56  }
0x365: {  	v6 =	vld [tilespmem:s6+$0x0];
	v21 =	vmul.f32 v5, v17  }
0x366: {  	v7 =	vld [tilespmem:s6+$0xFFFFFFF0];
	v5 =	vshrl.u32 v10, $0x10;
	v22 =	vunpack.i.l.bf16.f32 v2  }
0x367: {  	[tilespmem:v1+s23+$0x0] =	vst.idx.add.f32.msk $0xffff, v21;
	v2 =	vunpack.i.u.bf16.f32 v2;
	v10 =	vmul.f32 v22, v61  }
0x368: {  	v19 =	vld.idx.msk [tilespmem:v4+s30+$0x0], $0xffff;
	v62 =	vmul.f32 v2, v61;
	v2 =	vshrl.u32 v9, $0x10;
	v9 =	vunpack.i.l.bf16.f32 v3  }
0x369: {  	v9 =	vmul.f32 v9, v8;
	[tilespmem:v20+s31+$0x0] =	vst.idx.add.f32.msk $0xffff, v10  }
0x36a: {  	v10 =	vunpack.i.u.bf16.f32 v3;
	[tilespmem:v20+s0+$0x0] =	vst.idx.add.f32.msk $0xffff, v62  }
0x36b: {  	v3 =	vshrl.u32 v11, $0x10;
	v11 =	vunpack.i.l.bf16.f32 v60;
	v10 =	vmul.f32 v10, v8;
	[tilespmem:v5+s31+$0x0] =	vst.idx.add.f32.msk $0xffff, v9  }
0x36c: {  	v16 =	vunpack.i.u.bf16.f32 v60;
	v11 =	vmul.f32 v11, v7;
	v14 =	vld.idx.msk [tilespmem:v57+s2+$0x0], $0xffff  }
0x36d: {  	v16 =	vmul.f32 v16, v7;
	[tilespmem:v5+s0+$0x0] =	vst.idx.add.f32.msk $0xffff, v10  }
0x36e: {  	v9 =	vunpack.i.l.bf16.f32 v19;
	[tilespmem:v2+s31+$0x0] =	vst.idx.add.f32.msk $0xffff, v11  }
0x36f: {  	v9 =	vmul.f32 v9, v6;
	v10 =	vunpack.i.u.bf16.f32 v19;
	[tilespmem:v2+s0+$0x0] =	vst.idx.add.f32.msk $0xffff, v16  }
0x370: {  	v10 =	vmul.f32 v10, v6;
	v11 =	vld.idx.msk [tilespmem:v59+s2+$0x0], $0xffff  }
0x371: {  	[tilespmem:v3+s31+$0x0] =	vst.idx.add.f32.msk $0xffff, v9;
	v9 =	vunpack.i.l.bf16.f32 v14  }
0x372: {  	[tilespmem:v3+s0+$0x0] =	vst.idx.add.f32.msk $0xffff, v10;
	v14 =	vunpack.i.u.bf16.f32 v14;
	v9 =	vmul.f32 v9, v61  }
0x373: {  	v10 =	vld.idx.msk [tilespmem:v58+s2+$0x0], $0xffff;
	v63 =	vmul.f32 v14, v61  }
0x374: {  	v13 =	vunpack.i.u.bf16.f32 v56;
	[tilespmem:v20+s23+$0x0] =	vst.idx.add.f32.msk $0xffff, v9  }
0x375: {  	s7 =	simm.s32 $0x4;
	s8 =	simm.s32 $0x190A0;
	v9 =	vmul.f32 v13, v17;
	[tilespmem:v20+s20+$0x0] =	vst.idx.add.f32.msk $0xffff, v63  }
.LBB2_31:
0x376: {  	v12 =	vld [tilespmem:s8+$0x10]  }
0x377: {  	v13 =	vld [tilespmem:s8+$0xFFFFFFF0]  }
0x378: {  	s7 =	sadd.s32 $0x4, s7;
	v15 =	vunpack.i.u.bf16.f32 v11;
	v11 =	vunpack.i.l.bf16.f32 v11;
	v14 =	vld [tilespmem:s8+$0x0]  }
0x379: {  	p0 =	slt.u32 s7, $0xF4;
	v11 =	vmul.f32 v11, v8;
	v17 =	vunpack.i.u.bf16.f32 v10;
	v10 =	vunpack.i.l.bf16.f32 v10;
	v16 =	vld [tilespmem:s8+$0xFFFFFFE0]  }
0x37a: {  	v8 =	vmul.f32 v15, v8;
	v10 =	vmul.f32 v10, v7;
	v15 =	vld.idx.msk [tilespmem:v4+s2+$0x0], $0xffff  }
0x37b: {  	v7 =	vmul.f32 v17, v7;
	v18 =	vand.u32 $0xFFFF, v12;
	[tilespmem:v5+s23+$0x0] =	vst.idx.add.f32.msk $0xffff, v11  }
0x37c: {  	v11 =	vshrl.u32 v13, $0x10;
	v13 =	vand.u32 $0xFFFF, v13;
	[tilespmem:v5+s20+$0x0] =	vst.idx.add.f32.msk $0xffff, v8  }
0x37d: {  	v8 =	vshrl.u32 v14, $0x10;
	v4 =	vand.u32 $0xFFFF, v14;
	[tilespmem:v2+s23+$0x0] =	vst.idx.add.f32.msk $0xffff, v10  }
0x37e: {  	v5 =	vshrl.u32 v16, $0x10;
	v10 =	vand.u32 $0xFFFF, v16;
	[tilespmem:v2+s20+$0x0] =	vst.idx.add.f32.msk $0xffff, v7;
	v2 =	vmov v11  }
0x37f: {  	[tilespmem:v1+s20+$0x0] =	vst.idx.add.f32.msk $0xffff, v9;
	v1 =	vmov v3;
	v3 =	vmov v8  }
0x380: {  	v7 =	vunpack.i.u.bf16.f32 v15;
	v8 =	vunpack.i.l.bf16.f32 v15;
	v11 =	vld.idx.msk [tilespmem:v18+s30+$0x0], $0xffff  }
0x381: {  	s6 =	sadd.s32 $0x40, s6;
	v15 =	vmul.f32 v8, v6;
	v9 =	vmul.f32 v7, v6;
	v14 =	vld.idx.msk [tilespmem:v13+s30+$0x0], $0xffff  }
0x382: {  	v16 =	vld [tilespmem:s6+$0x10]  }
0x383: {  	v17 =	vld.idx.msk [tilespmem:v10+s30+$0x0], $0xffff  }
0x384: {  	v12 =	vshrl.u32 v12, $0x10;
	v19 =	vld.idx.msk [tilespmem:v4+s30+$0x0], $0xffff  }
0x385: {  	v8 =	vld [tilespmem:s6+$0xFFFFFFE0]  }
0x386: {  	v20 =	vunpack.i.l.bf16.f32 v11;
	v7 =	vld [tilespmem:s6+$0xFFFFFFF0]  }
0x387: {  	v11 =	vunpack.i.u.bf16.f32 v11;
	v21 =	vunpack.i.u.bf16.f32 v14;
	v6 =	vld [tilespmem:s6+$0x0];
	v20 =	vmul.f32 v20, v16  }
0x388: {  	v14 =	vunpack.i.l.bf16.f32 v14;
	v11 =	vmul.f32 v11, v16;
	[tilespmem:v1+s23+$0x0] =	vst.idx.add.f32.msk $0xffff, v15  }
0x389: {  	v15 =	vunpack.i.u.bf16.f32 v17;
	v17 =	vunpack.i.l.bf16.f32 v17;
	[tilespmem:v12+s31+$0x0] =	vst.idx.add.f32.msk $0xffff, v20  }
0x38a: {  	v20 =	vunpack.i.u.bf16.f32 v19;
	v19 =	vunpack.i.l.bf16.f32 v19;
	v17 =	vmul.f32 v17, v8;
	[tilespmem:v12+s0+$0x0] =	vst.idx.add.f32.msk $0xffff, v11  }
0x38b: {  	v11 =	vmul.f32 v15, v8;
	v14 =	vmul.f32 v14, v7;
	v15 =	vld.idx.msk [tilespmem:v18+s2+$0x0], $0xffff  }
0x38c: {  	[tilespmem:v5+s31+$0x0] =	vst.idx.add.f32.msk $0xffff, v17;
	v17 =	vmul.f32 v21, v7;
	v18 =	vmul.f32 v19, v6  }
0x38d: {  	[tilespmem:v5+s0+$0x0] =	vst.idx.add.f32.msk $0xffff, v11;
	v11 =	vmul.f32 v20, v6  }
0x38e: {  	[tilespmem:v2+s31+$0x0] =	vst.idx.add.f32.msk $0xffff, v14  }
0x38f: {  	[tilespmem:v2+s0+$0x0] =	vst.idx.add.f32.msk $0xffff, v17  }
0x390: {  	[tilespmem:v3+s31+$0x0] =	vst.idx.add.f32.msk $0xffff, v18  }
.Ltmp15:
0x391: {  	v14 =	vunpack.i.l.bf16.f32 v15;
	[tilespmem:v3+s0+$0x0] =	vst.idx.add.f32.msk $0xffff, v11;
	(pc) =	sbr.rel @p0 .LBB2_31-.Ltmp15, $4  }
0x392: {  	v15 =	vunpack.i.u.bf16.f32 v15;
	v14 =	vmul.f32 v14, v16;
	v11 =	vld.idx.msk [tilespmem:v10+s2+$0x0], $0xffff  }
0x393: {  	v10 =	vld.idx.msk [tilespmem:v13+s2+$0x0], $0xffff;
	v13 =	vmul.f32 v15, v16  }
0x394: {  	[tilespmem:v12+s23+$0x0] =	vst.idx.add.f32.msk $0xffff, v14  }
0x395: {  	s9 =	simm.s32 $0x0;
	s8 =	sadd.s32 $0x40, s8;
	[tilespmem:v12+s20+$0x0] =	vst.idx.add.f32.msk $0xffff, v13  }
0x396: {  	_ =	sdelay $0x3  }
0x397: {  	v4 =	vld.idx.msk [tilespmem:v4+s2+$0x0], $0xffff  }
0x398: {  	v12 =	vunpack.i.l.bf16.f32 v11  }
0x399: {  	v12 =	vmul.f32 v12, v8;
	v13 =	vunpack.i.l.bf16.f32 v10  }
0x39a: {  	[tilespmem:v1+s20+$0x0] =	vst.idx.add.f32.msk $0xffff, v9;
	v59 =	vunpack.i.u.bf16.f32 v10;
	v60 =	vmul.f32 v13, v7  }
0x39b: {  	v57 =	vunpack.i.u.bf16.f32 v11;
	v61 =	vmul.f32 v59, v7;
	[tilespmem:v5+s23+$0x0] =	vst.idx.add.f32.msk $0xffff, v12  }
0x39c: {  	v58 =	vmul.f32 v57, v8;
	[tilespmem:v2+s23+$0x0] =	vst.idx.add.f32.msk $0xffff, v60;
	v62 =	vunpack.i.l.bf16.f32 v4  }
0x39d: {  	[tilespmem:v2+s20+$0x0] =	vst.idx.add.f32.msk $0xffff, v61;
	v2 =	vunpack.i.u.bf16.f32 v4;
	v63 =	vmul.f32 v62, v6  }
0x39e: {  	[tilespmem:v5+s20+$0x0] =	vst.idx.add.f32.msk $0xffff, v58;
	v1 =	vmul.f32 v2, v6  }
0x39f: {  	[tilespmem:v3+s23+$0x0] =	vst.idx.add.f32.msk $0xffff, v63  }
0x3a0: {  	[tilespmem:v3+s20+$0x0] =	vst.idx.add.f32.msk $0xffff, v1  }
.LBB2_33:
0x3a1: {  	s6 =	sshra.s32 s9, $0x2  }
0x3a2: {  	v1 =	vld [tilespmem:s6+$0x19F80];
	_ =	sdelay $0x4  }
0x3a3: {  	v2 =	vand.u32 $0xFFFF, v1;
	_ =	sdelay $0x4  }
0x3a4: {  	v3 =	vld.idx.msk [tilespmem:v2+s30+$0x0], $0xffff  }
0x3a5: {  	v4 =	vld [tilespmem:s6+$0x1BF80];
	_ =	sdelay $0x1  }
0x3a6: {  	v1 =	vshrl.u32 v1, $0x10;
	_ =	sdelay $0x1  }
0x3a7: {  	v5 =	vunpack.i.l.bf16.f32 v3  }
0x3a8: {  	v3 =	vunpack.i.u.bf16.f32 v3;
	v5 =	vmul.f32 v5, v4  }
0x3a9: {  	v3 =	vmul.f32 v3, v4  }
0x3aa: {  	[tilespmem:v1+s31+$0x0] =	vst.idx.add.f32.msk $0xffff, v5  }
0x3ab: {  	[tilespmem:v1+s0+$0x0] =	vst.idx.add.f32.msk $0xffff, v3  }
0x3ac: {  	v2 =	vld.idx.msk [tilespmem:v2+s2+$0x0], $0xffff;
	_ =	sdelay $0x3  }
0x3ad: {  	p0 =	sne.s32 s9, $0x40  }
.Ltmp16:
0x3ae: {  	v3 =	vunpack.i.l.bf16.f32 v2;
	(pc) =	sbr.rel @p0 .LBB2_33-.Ltmp16, $4  }
0x3af: {  	v2 =	vunpack.i.u.bf16.f32 v2;
	v3 =	vmul.f32 v3, v4  }
0x3b0: {  	v2 =	vmul.f32 v2, v4  }
0x3b1: {  	[tilespmem:v1+s23+$0x0] =	vst.idx.add.f32.msk $0xffff, v3  }
0x3b2: {  	s9 =	sadd.s32 $0x40, s9;
	[tilespmem:v1+s20+$0x0] =	vst.idx.add.f32.msk $0xffff, v2  }
0x3b3: {  	p0 =	seq.s32 s5, $0x27  }
0x3b4: {  	s6 =	smul.u32 @!p0 $0x1F40, s5;
	_ =	sdelay $0x1  }
0x3b5: {  	s6 =	sshrl.u32 @!p0 s6, $0x3  }
0x3b6: {  	s6 =	sadd.s32 @!p0 $0x3E8, s6  }
0x3b7: {  	s8 =	simm.s32 @!p0 $0x0;
	s9 =	simm.s32 @!p0 $0x19000;
	s7 =	sadd.s32 @!p0 s1, s6  }
0x3b8: {  	[tilespmem:s9], [sflag:$0x1] =	stream.linear.gather @!p0 [hbm4b:s7+s8], $0xFA0, $0x38;
	[tilespmem:$0x1D080] =	vst v63  }
0x3b9: {  	s6 =	sadd.s32 @!p0 s3, s6;
	s7 =	simm.s32 @!p0 $0x1B000  }
0x3ba: {  	[tilespmem:s7], [sflag:$0x1] =	stream.linear.gather @!p0 [hbm4b:s6+s8], $0xFA0, $0x38;
	[tilespmem:$0x1D080] =	vst v63  }
0x3bb: {  	_ =	swait.ge [sflag:s21], $0xFA0  }
0x3bc: {  	[sflag:s21] =	ssyncset.done $0x0  }
0x3bd: {  	[sflag:s21] =	ssyncadd.s32 $0xFFFFF060  }
0x3be: {  	_ =	swait.ge [sflag:s21], $0xFA0  }
0x3bf: {  	[sflag:s21] =	ssyncset.done $0x0  }
0x3c0: {  	s8 =	simm.s32 $0x1A020;
	[sflag:s21] =	ssyncadd.s32 $0xFFFFF060  }
0x3c1: {  	v1 =	vld [tilespmem:s8+$0x10]  }
0x3c2: {  	v3 =	vld [tilespmem:s8+$0xFFFFFFE0];
	_ =	sdelay $0x3  }
0x3c3: {  	v2 =	vld [tilespmem:s8+$0xFFFFFFF0];
	v5 =	vand.u32 $0xFFFF, v1  }
0x3c4: {  	v7 =	vand.u32 $0xFFFF, v3  }
0x3c5: {  	v4 =	vld [tilespmem:s8+$0x0]  }
0x3c6: {  	s9 =	simm.s32 $0x1C020  }
0x3c7: {  	v10 =	vld [tilespmem:s9+$0x10]  }
0x3c8: {  	v6 =	vand.u32 $0xFFFF, v2;
	v9 =	vld.idx.msk [tilespmem:v5+s30+$0x0], $0xffff  }
0x3c9: {  	v12 =	vld.idx.msk [tilespmem:v7+s30+$0x0], $0xffff  }
0x3ca: {  	v14 =	vld [tilespmem:s9+$0xFFFFFFE0];
	v8 =	vand.u32 $0xFFFF, v4  }
0x3cb: {  	v16 =	vld [tilespmem:s9+$0xFFFFFFF0];
	v13 =	vshrl.u32 v1, $0x10  }
0x3cc: {  	v17 =	vld [tilespmem:s9+$0x0];
	v3 =	vshrl.u32 v3, $0x10  }
0x3cd: {  	s6 =	simm.s32 $0x1C060;
	v11 =	vld.idx.msk [tilespmem:v6+s30+$0x0], $0xffff;
	v1 =	vunpack.i.l.bf16.f32 v9  }
0x3ce: {  	v61 =	vld [tilespmem:s6+$0x10];
	v18 =	vunpack.i.l.bf16.f32 v12;
	v1 =	vmul.f32 v1, v10  }
0x3cf: {  	v15 =	vld.idx.msk [tilespmem:v8+s30+$0x0], $0xffff;
	v9 =	vunpack.i.u.bf16.f32 v9;
	v18 =	vmul.f32 v18, v14  }
0x3d0: {  	v2 =	vshrl.u32 v2, $0x10;
	v9 =	vmul.f32 v9, v10;
	[tilespmem:v13+s31+$0x0] =	vst.idx.add.f32.msk $0xffff, v1  }
0x3d1: {  	v12 =	vunpack.i.u.bf16.f32 v12;
	[tilespmem:v3+s31+$0x0] =	vst.idx.add.f32.msk $0xffff, v18  }
0x3d2: {  	v1 =	vshrl.u32 v4, $0x10;
	v4 =	vunpack.i.l.bf16.f32 v11;
	[tilespmem:v13+s0+$0x0] =	vst.idx.add.f32.msk $0xffff, v9;
	v9 =	vmul.f32 v12, v14  }
0x3d3: {  	v11 =	vunpack.i.u.bf16.f32 v11;
	v4 =	vmul.f32 v4, v16;
	v5 =	vld.idx.msk [tilespmem:v5+s2+$0x0], $0xffff  }
0x3d4: {  	v54 =	vunpack.i.l.bf16.f32 v15;
	v11 =	vmul.f32 v11, v16;
	[tilespmem:v3+s0+$0x0] =	vst.idx.add.f32.msk $0xffff, v9  }
0x3d5: {  	v12 =	vmul.f32 v54, v17;
	v9 =	vunpack.i.u.bf16.f32 v15;
	[tilespmem:v2+s31+$0x0] =	vst.idx.add.f32.msk $0xffff, v4  }
0x3d6: {  	v4 =	vmul.f32 v9, v17;
	[tilespmem:v2+s0+$0x0] =	vst.idx.add.f32.msk $0xffff, v11  }
0x3d7: {  	[tilespmem:v1+s31+$0x0] =	vst.idx.add.f32.msk $0xffff, v12  }
0x3d8: {  	[tilespmem:v1+s0+$0x0] =	vst.idx.add.f32.msk $0xffff, v4;
	v4 =	vunpack.i.l.bf16.f32 v5  }
0x3d9: {  	v7 =	vld.idx.msk [tilespmem:v7+s2+$0x0], $0xffff;
	v4 =	vmul.f32 v4, v10  }
0x3da: {  	v6 =	vld.idx.msk [tilespmem:v6+s2+$0x0], $0xffff  }
0x3db: {  	s12 =	simm.s32 $0x1A060;
	v5 =	vunpack.i.u.bf16.f32 v5;
	[tilespmem:v13+s23+$0x0] =	vst.idx.add.f32.msk $0xffff, v4  }
0x3dc: {  	v4 =	vmul.f32 v5, v10;
	v5 =	vld [tilespmem:s12+$0x10]  }
0x3dd: {  	v9 =	vld [tilespmem:s12+$0xFFFFFFF0]  }
0x3de: {  	v10 =	vld [tilespmem:s12+$0xFFFFFFE0]  }
0x3df: {  	v11 =	vld [tilespmem:s12+$0x0];
	v55 =	vunpack.i.l.bf16.f32 v6  }
0x3e0: {  	v56 =	vld.idx.msk [tilespmem:v8+s2+$0x0], $0xffff;
	v8 =	vmul.f32 v55, v16  }
0x3e1: {  	v6 =	vunpack.i.u.bf16.f32 v6;
	[tilespmem:v13+s20+$0x0] =	vst.idx.add.f32.msk $0xffff, v4;
	v57 =	vand.u32 $0xFFFF, v5  }
0x3e2: {  	v6 =	vmul.f32 v6, v16;
	v4 =	vunpack.i.l.bf16.f32 v7;
	[tilespmem:v2+s23+$0x0] =	vst.idx.add.f32.msk $0xffff, v8  }
0x3e3: {  	v4 =	vmul.f32 v4, v14;
	v8 =	vld [tilespmem:s6+$0xFFFFFFE0];
	v59 =	vand.u32 $0xFFFF, v10  }
0x3e4: {  	v58 =	vand.u32 $0xFFFF, v9;
	v7 =	vunpack.i.u.bf16.f32 v7;
	[tilespmem:v2+s20+$0x0] =	vst.idx.add.f32.msk $0xffff, v6  }
0x3e5: {  	v7 =	vmul.f32 v7, v14;
	[tilespmem:v3+s23+$0x0] =	vst.idx.add.f32.msk $0xffff, v4  }
0x3e6: {  	v2 =	vld.idx.msk [tilespmem:v57+s30+$0x0], $0xffff  }
0x3e7: {  	[tilespmem:v3+s20+$0x0] =	vst.idx.add.f32.msk $0xffff, v7  }
0x3e8: {  	v4 =	vand.u32 $0xFFFF, v11;
	v3 =	vld.idx.msk [tilespmem:v59+s30+$0x0], $0xffff  }
0x3e9: {  	v60 =	vld.idx.msk [tilespmem:v58+s30+$0x0], $0xffff;
	v20 =	vshrl.u32 v5, $0x10;
	v5 =	vunpack.i.l.bf16.f32 v56  }
0x3ea: {  	v6 =	vld [tilespmem:s6+$0x0];
	v21 =	vmul.f32 v5, v17  }
0x3eb: {  	v7 =	vld [tilespmem:s6+$0xFFFFFFF0];
	v5 =	vshrl.u32 v10, $0x10;
	v22 =	vunpack.i.l.bf16.f32 v2  }
0x3ec: {  	[tilespmem:v1+s23+$0x0] =	vst.idx.add.f32.msk $0xffff, v21;
	v2 =	vunpack.i.u.bf16.f32 v2;
	v10 =	vmul.f32 v22, v61  }
0x3ed: {  	v19 =	vld.idx.msk [tilespmem:v4+s30+$0x0], $0xffff;
	v62 =	vmul.f32 v2, v61;
	v2 =	vshrl.u32 v9, $0x10;
	v9 =	vunpack.i.l.bf16.f32 v3  }
0x3ee: {  	v9 =	vmul.f32 v9, v8;
	[tilespmem:v20+s31+$0x0] =	vst.idx.add.f32.msk $0xffff, v10  }
0x3ef: {  	v10 =	vunpack.i.u.bf16.f32 v3;
	[tilespmem:v20+s0+$0x0] =	vst.idx.add.f32.msk $0xffff, v62  }
0x3f0: {  	v3 =	vshrl.u32 v11, $0x10;
	v11 =	vunpack.i.l.bf16.f32 v60;
	v10 =	vmul.f32 v10, v8;
	[tilespmem:v5+s31+$0x0] =	vst.idx.add.f32.msk $0xffff, v9  }
0x3f1: {  	v16 =	vunpack.i.u.bf16.f32 v60;
	v11 =	vmul.f32 v11, v7;
	v14 =	vld.idx.msk [tilespmem:v57+s2+$0x0], $0xffff  }
0x3f2: {  	v16 =	vmul.f32 v16, v7;
	[tilespmem:v5+s0+$0x0] =	vst.idx.add.f32.msk $0xffff, v10  }
0x3f3: {  	v9 =	vunpack.i.l.bf16.f32 v19;
	[tilespmem:v2+s31+$0x0] =	vst.idx.add.f32.msk $0xffff, v11  }
0x3f4: {  	v9 =	vmul.f32 v9, v6;
	v10 =	vunpack.i.u.bf16.f32 v19;
	[tilespmem:v2+s0+$0x0] =	vst.idx.add.f32.msk $0xffff, v16  }
0x3f5: {  	v10 =	vmul.f32 v10, v6;
	v11 =	vld.idx.msk [tilespmem:v59+s2+$0x0], $0xffff  }
0x3f6: {  	[tilespmem:v3+s31+$0x0] =	vst.idx.add.f32.msk $0xffff, v9;
	v9 =	vunpack.i.l.bf16.f32 v14  }
0x3f7: {  	[tilespmem:v3+s0+$0x0] =	vst.idx.add.f32.msk $0xffff, v10;
	v14 =	vunpack.i.u.bf16.f32 v14;
	v9 =	vmul.f32 v9, v61  }
0x3f8: {  	v10 =	vld.idx.msk [tilespmem:v58+s2+$0x0], $0xffff;
	v63 =	vmul.f32 v14, v61  }
0x3f9: {  	v13 =	vunpack.i.u.bf16.f32 v56;
	[tilespmem:v20+s23+$0x0] =	vst.idx.add.f32.msk $0xffff, v9  }
0x3fa: {  	s7 =	simm.s32 $0x4;
	s8 =	simm.s32 $0x1A0A0;
	v9 =	vmul.f32 v13, v17;
	[tilespmem:v20+s20+$0x0] =	vst.idx.add.f32.msk $0xffff, v63  }
.LBB2_35:
0x3fb: {  	v12 =	vld [tilespmem:s8+$0x10]  }
0x3fc: {  	v13 =	vld [tilespmem:s8+$0xFFFFFFF0]  }
0x3fd: {  	s7 =	sadd.s32 $0x4, s7;
	v15 =	vunpack.i.u.bf16.f32 v11;
	v11 =	vunpack.i.l.bf16.f32 v11;
	v14 =	vld [tilespmem:s8+$0x0]  }
0x3fe: {  	p1 =	slt.u32 s7, $0xF4;
	v11 =	vmul.f32 v11, v8;
	v17 =	vunpack.i.u.bf16.f32 v10;
	v10 =	vunpack.i.l.bf16.f32 v10;
	v16 =	vld [tilespmem:s8+$0xFFFFFFE0]  }
0x3ff: {  	v8 =	vmul.f32 v15, v8;
	v10 =	vmul.f32 v10, v7;
	v15 =	vld.idx.msk [tilespmem:v4+s2+$0x0], $0xffff  }
0x400: {  	v7 =	vmul.f32 v17, v7;
	v18 =	vand.u32 $0xFFFF, v12;
	[tilespmem:v5+s23+$0x0] =	vst.idx.add.f32.msk $0xffff, v11  }
0x401: {  	v11 =	vshrl.u32 v13, $0x10;
	v13 =	vand.u32 $0xFFFF, v13;
	[tilespmem:v5+s20+$0x0] =	vst.idx.add.f32.msk $0xffff, v8  }
0x402: {  	v8 =	vshrl.u32 v14, $0x10;
	v4 =	vand.u32 $0xFFFF, v14;
	[tilespmem:v2+s23+$0x0] =	vst.idx.add.f32.msk $0xffff, v10  }
0x403: {  	v5 =	vshrl.u32 v16, $0x10;
	v10 =	vand.u32 $0xFFFF, v16;
	[tilespmem:v2+s20+$0x0] =	vst.idx.add.f32.msk $0xffff, v7;
	v2 =	vmov v11  }
0x404: {  	[tilespmem:v1+s20+$0x0] =	vst.idx.add.f32.msk $0xffff, v9;
	v1 =	vmov v3;
	v3 =	vmov v8  }
0x405: {  	v7 =	vunpack.i.u.bf16.f32 v15;
	v8 =	vunpack.i.l.bf16.f32 v15;
	v11 =	vld.idx.msk [tilespmem:v18+s30+$0x0], $0xffff  }
0x406: {  	s6 =	sadd.s32 $0x40, s6;
	v15 =	vmul.f32 v8, v6;
	v9 =	vmul.f32 v7, v6;
	v14 =	vld.idx.msk [tilespmem:v13+s30+$0x0], $0xffff  }
0x407: {  	v16 =	vld [tilespmem:s6+$0x10]  }
0x408: {  	v17 =	vld.idx.msk [tilespmem:v10+s30+$0x0], $0xffff  }
0x409: {  	v12 =	vshrl.u32 v12, $0x10;
	v19 =	vld.idx.msk [tilespmem:v4+s30+$0x0], $0xffff  }
0x40a: {  	v8 =	vld [tilespmem:s6+$0xFFFFFFE0]  }
0x40b: {  	v20 =	vunpack.i.l.bf16.f32 v11;
	v7 =	vld [tilespmem:s6+$0xFFFFFFF0]  }
0x40c: {  	v11 =	vunpack.i.u.bf16.f32 v11;
	v21 =	vunpack.i.u.bf16.f32 v14;
	v6 =	vld [tilespmem:s6+$0x0];
	v20 =	vmul.f32 v20, v16  }
0x40d: {  	v14 =	vunpack.i.l.bf16.f32 v14;
	v11 =	vmul.f32 v11, v16;
	[tilespmem:v1+s23+$0x0] =	vst.idx.add.f32.msk $0xffff, v15  }
0x40e: {  	v15 =	vunpack.i.u.bf16.f32 v17;
	v17 =	vunpack.i.l.bf16.f32 v17;
	[tilespmem:v12+s31+$0x0] =	vst.idx.add.f32.msk $0xffff, v20  }
0x40f: {  	v20 =	vunpack.i.u.bf16.f32 v19;
	v19 =	vunpack.i.l.bf16.f32 v19;
	v17 =	vmul.f32 v17, v8;
	[tilespmem:v12+s0+$0x0] =	vst.idx.add.f32.msk $0xffff, v11  }
0x410: {  	v11 =	vmul.f32 v15, v8;
	v14 =	vmul.f32 v14, v7;
	v15 =	vld.idx.msk [tilespmem:v18+s2+$0x0], $0xffff  }
0x411: {  	[tilespmem:v5+s31+$0x0] =	vst.idx.add.f32.msk $0xffff, v17;
	v17 =	vmul.f32 v21, v7;
	v18 =	vmul.f32 v19, v6  }
0x412: {  	[tilespmem:v5+s0+$0x0] =	vst.idx.add.f32.msk $0xffff, v11;
	v11 =	vmul.f32 v20, v6  }
0x413: {  	[tilespmem:v2+s31+$0x0] =	vst.idx.add.f32.msk $0xffff, v14  }
0x414: {  	[tilespmem:v2+s0+$0x0] =	vst.idx.add.f32.msk $0xffff, v17  }
0x415: {  	[tilespmem:v3+s31+$0x0] =	vst.idx.add.f32.msk $0xffff, v18  }
.Ltmp17:
0x416: {  	v14 =	vunpack.i.l.bf16.f32 v15;
	[tilespmem:v3+s0+$0x0] =	vst.idx.add.f32.msk $0xffff, v11;
	(pc) =	sbr.rel @p1 .LBB2_35-.Ltmp17, $4  }
0x417: {  	v15 =	vunpack.i.u.bf16.f32 v15;
	v14 =	vmul.f32 v14, v16;
	v11 =	vld.idx.msk [tilespmem:v10+s2+$0x0], $0xffff  }
0x418: {  	v10 =	vld.idx.msk [tilespmem:v13+s2+$0x0], $0xffff;
	v13 =	vmul.f32 v15, v16  }
0x419: {  	[tilespmem:v12+s23+$0x0] =	vst.idx.add.f32.msk $0xffff, v14  }
0x41a: {  	s9 =	simm.s32 $0x0;
	s8 =	sadd.s32 $0x40, s8;
	[tilespmem:v12+s20+$0x0] =	vst.idx.add.f32.msk $0xffff, v13  }
0x41b: {  	_ =	sdelay $0x3  }
0x41c: {  	v4 =	vld.idx.msk [tilespmem:v4+s2+$0x0], $0xffff  }
0x41d: {  	v12 =	vunpack.i.l.bf16.f32 v11  }
0x41e: {  	v12 =	vmul.f32 v12, v8;
	v13 =	vunpack.i.l.bf16.f32 v10  }
0x41f: {  	[tilespmem:v1+s20+$0x0] =	vst.idx.add.f32.msk $0xffff, v9;
	v59 =	vunpack.i.u.bf16.f32 v10;
	v60 =	vmul.f32 v13, v7  }
0x420: {  	v57 =	vunpack.i.u.bf16.f32 v11;
	v61 =	vmul.f32 v59, v7;
	[tilespmem:v5+s23+$0x0] =	vst.idx.add.f32.msk $0xffff, v12  }
0x421: {  	v58 =	vmul.f32 v57, v8;
	[tilespmem:v2+s23+$0x0] =	vst.idx.add.f32.msk $0xffff, v60;
	v62 =	vunpack.i.l.bf16.f32 v4  }
0x422: {  	[tilespmem:v2+s20+$0x0] =	vst.idx.add.f32.msk $0xffff, v61;
	v2 =	vunpack.i.u.bf16.f32 v4;
	v63 =	vmul.f32 v62, v6  }
0x423: {  	[tilespmem:v5+s20+$0x0] =	vst.idx.add.f32.msk $0xffff, v58;
	v1 =	vmul.f32 v2, v6  }
0x424: {  	[tilespmem:v3+s23+$0x0] =	vst.idx.add.f32.msk $0xffff, v63  }
0x425: {  	[tilespmem:v3+s20+$0x0] =	vst.idx.add.f32.msk $0xffff, v1  }
.LBB2_37:
0x426: {  	s6 =	sshra.s32 s9, $0x2  }
0x427: {  	v1 =	vld [tilespmem:s6+$0x1AF80];
	_ =	sdelay $0x4  }
0x428: {  	v2 =	vand.u32 $0xFFFF, v1;
	_ =	sdelay $0x4  }
0x429: {  	v3 =	vld.idx.msk [tilespmem:v2+s30+$0x0], $0xffff  }
0x42a: {  	v4 =	vld [tilespmem:s6+$0x1CF80];
	_ =	sdelay $0x1  }
0x42b: {  	v1 =	vshrl.u32 v1, $0x10;
	_ =	sdelay $0x1  }
0x42c: {  	v5 =	vunpack.i.l.bf16.f32 v3  }
0x42d: {  	v3 =	vunpack.i.u.bf16.f32 v3;
	v5 =	vmul.f32 v5, v4  }
0x42e: {  	v3 =	vmul.f32 v3, v4  }
0x42f: {  	[tilespmem:v1+s31+$0x0] =	vst.idx.add.f32.msk $0xffff, v5  }
0x430: {  	[tilespmem:v1+s0+$0x0] =	vst.idx.add.f32.msk $0xffff, v3  }
0x431: {  	v2 =	vld.idx.msk [tilespmem:v2+s2+$0x0], $0xffff;
	_ =	sdelay $0x3  }
0x432: {  	p1 =	sne.s32 s9, $0x40  }
.Ltmp18:
0x433: {  	v3 =	vunpack.i.l.bf16.f32 v2;
	(pc) =	sbr.rel @p1 .LBB2_37-.Ltmp18, $4  }
0x434: {  	v2 =	vunpack.i.u.bf16.f32 v2;
	v3 =	vmul.f32 v3, v4  }
0x435: {  	v2 =	vmul.f32 v2, v4  }
0x436: {  	[tilespmem:v1+s23+$0x0] =	vst.idx.add.f32.msk $0xffff, v3  }
0x437: {  	s9 =	sadd.s32 $0x40, s9;
	[tilespmem:v1+s20+$0x0] =	vst.idx.add.f32.msk $0xffff, v2  }
.Ltmp19:
0x438: {  	(pc) =	sbr.rel @p0 .LBB2_40-.Ltmp19, $1  }
0x439: {  	_ =	sdelay $0x3  }
0x43a: {  	s6 =	smul.u32 $0x1F40, s5;
	_ =	sdelay $0x1  }
0x43b: {  	s6 =	sshrl.u32 s6, $0x3  }
.Ltmp20:
0x43c: {  	s6 =	sadd.s32 $0x5DC, s6;
	(pc) =	sbr.rel .LBB2_30-.Ltmp20, $4  }
0x43d: {  	s7 =	sadd.s32 s1, s6  }
0x43e: {  	[tilespmem:s26], [sflag:$0x2] =	stream.linear.gather [hbm4b:s7+s4], $0xFA0, $0x38;
	[tilespmem:$0x1D080] =	vst v63  }
0x43f: {  	s5 =	sadd.s32 $0x1, s5;
	s6 =	sadd.s32 s3, s6  }
0x440: {  	[tilespmem:s28], [sflag:$0x2] =	stream.linear.gather [hbm4b:s6+s4], $0xFA0, $0x38;
	[tilespmem:$0x1D080] =	vst v63  }
.LBB2_40:
0x441: {  	v1 =	vld [tilespmem:$0x1D020];
	s5 =	simm.s32 $0x0  }
0x442: {  	v2 =	vld [tilespmem:s5+$0xA000]  }
0x443: {  	v3 =	vld [tilespmem:s5+$0xA010]  }
0x444: {  	v4 =	vld [tilespmem:s5+$0xC810]  }
0x445: {  	v5 =	vld [tilespmem:s5+$0x0]  }
0x446: {  	v6 =	vld [tilespmem:s5+$0xF010]  }
0x447: {  	v7 =	vld [tilespmem:s5+$0x11810];
	v2 =	vmax.f32 v2, $0.0e+00  }
0x448: {  	v8 =	vld [tilespmem:s5+$0xA020];
	v2 =	vmul.f32 v2, v1  }
0x449: {  	v9 =	vld [tilespmem:s5+$0xC820];
	[tilespmem:s5+$0xA010] =	vst v0  }
0x44a: {  	[tilespmem:s5+$0xA000] =	vst v0;
	v10 =	vld [tilespmem:s5+$0x11820];
	v5 =	vadd.f32 v2, v5  }
0x44b: {  	s6 =	simm.s32 $0x0;
	v11 =	vld [tilespmem:s5+$0xA030];
	[tilespmem:s5+$0xC810] =	vst v0  }
0x44c: {  	s7 =	sand.u32 $0x3FC0, s6;
	v14 =	vld [tilespmem:s5+$0xC830];
	[tilespmem:s5+$0x0] =	vst v5  }
0x44d: {  	[tilespmem:s5+$0xF010] =	vst v0;
	v12 =	vld [tilespmem:s7+$0xC800]  }
0x44e: {  	[tilespmem:s5+$0x11810] =	vst v0;
	v13 =	vld [tilespmem:s7+$0xF000]  }
0x44f: {  	[tilespmem:s5+$0xA020] =	vst v0;
	v17 =	vld [tilespmem:s5+$0xF030]  }
0x450: {  	[tilespmem:s5+$0xC820] =	vst v0;
	v15 =	vld [tilespmem:s7+$0x2800]  }
0x451: {  	[tilespmem:s5+$0xA030] =	vst v0;
	v16 =	vld [tilespmem:s7+$0x5000]  }
0x452: {  	[tilespmem:s5+$0x11820] =	vst v0;
	v18 =	vld [tilespmem:s5+$0x11830];
	v12 =	vmax.f32 v12, $0.0e+00  }
0x453: {  	v19 =	vld [tilespmem:s5+$0x10];
	[tilespmem:s5+$0xC830] =	vst v0;
	v13 =	vmax.f32 v13, $0.0e+00;
	v12 =	vmul.f32 v12, v1  }
0x454: {  	v53 =	vld [tilespmem:s5+$0x2810];
	[tilespmem:s5+$0xF030] =	vst v0;
	v13 =	vmul.f32 v13, v1  }
0x455: {  	v54 =	vld [tilespmem:s5+$0x5010];
	[tilespmem:s7+$0xC800] =	vst v0;
	v12 =	vadd.f32 v12, v15  }
0x456: {  	v20 =	vld [tilespmem:s5+$0x7810];
	v3 =	vmax.f32 v3, $0.0e+00;
	[tilespmem:s7+$0xF000] =	vst v0;
	v13 =	vadd.f32 v13, v16  }
0x457: {  	v21 =	vld [tilespmem:s5+$0x20];
	v4 =	vmax.f32 v4, $0.0e+00;
	v3 =	vmul.f32 v3, v1;
	[tilespmem:s7+$0x2800] =	vst v12  }
0x458: {  	s8 =	sadd.s32 $0x7800, s7;
	v6 =	vmax.f32 v6, $0.0e+00;
	v7 =	vmax.f32 v7, $0.0e+00;
	v4 =	vmul.f32 v4, v1;
	v2 =	vld [tilespmem:s5+$0xF020];
	[tilespmem:s7+$0x5000] =	vst v13  }
0x459: {  	[tilespmem:s5+$0x11830] =	vst v0;
	v8 =	vmax.f32 v8, $0.0e+00;
	v6 =	vmul.f32 v6, v1;
	v3 =	vadd.f32 v3, v19;
	v22 =	vld [tilespmem:s8+$0xA000]  }
0x45a: {  	v55 =	vld [tilespmem:s5+$0x2820];
	v7 =	vmul.f32 v7, v1;
	v8 =	vmul.f32 v8, v1;
	[tilespmem:s5+$0xF020] =	vst v0;
	v4 =	vadd.f32 v4, v53  }
0x45b: {  	v56 =	vld [tilespmem:s5+$0x5020];
	v9 =	vmax.f32 v9, $0.0e+00;
	v6 =	vadd.f32 v6, v54;
	[tilespmem:s5+$0x10] =	vst v3  }
0x45c: {  	v10 =	vmax.f32 v10, $0.0e+00;
	v7 =	vadd.f32 v7, v20;
	v8 =	vadd.f32 v8, v21;
	[tilespmem:s5+$0x2810] =	vst v4;
	v57 =	vld [tilespmem:s7+$0x7800]  }
0x45d: {  	v58 =	vld [tilespmem:s5+$0x7820];
	v3 =	vpack.i.f32.bf16 v4, v3;
	v4 =	vmul.f32 v9, v1;
	[tilespmem:s5+$0x5010] =	vst v6;
	v2 =	vmax.f32 v2, $0.0e+00  }
0x45e: {  	v61 =	vld [tilespmem:s5+$0x7830];
	v6 =	vpack.i.f32.bf16 v7, v6;
	[tilespmem:s5+$0x7810] =	vst v7;
	v9 =	vmul.f32 v2, v1;
	v2 =	vmax.f32 v22, $0.0e+00  }
0x45f: {  	[tilespmem:s5+$0x14010] =	vst v3;
	v3 =	vmax.f32 v11, $0.0e+00;
	v11 =	vld [tilespmem:s5+$0x30];
	v59 =	vmul.f32 v2, v1;
	v2 =	vadd.f32 v4, v55  }
0x460: {  	[tilespmem:s5+$0x16810] =	vst v6;
	v6 =	vld [tilespmem:s5+$0x2830];
	v4 =	vmul.f32 v10, v1;
	v10 =	vmul.f32 v3, v1  }
0x461: {  	v7 =	vld [tilespmem:s5+$0x5030];
	[tilespmem:s5+$0x20] =	vst v8;
	v3 =	vmax.f32 v14, $0.0e+00;
	v60 =	vadd.f32 v59, v57;
	v8 =	vpack.i.f32.bf16 v2, v8  }
0x462: {  	v63 =	vmax.f32 v18, $0.0e+00;
	v62 =	vmul.f32 v3, v1;
	v3 =	vmax.f32 v17, $0.0e+00;
	[tilespmem:s5+$0x14020] =	vst v8  }
0x463: {  	v4 =	vadd.f32 v4, v58;
	v8 =	vmul.f32 v3, v1;
	v3 =	vadd.f32 v9, v56;
	[tilespmem:s7+$0x7800] =	vst v60  }
0x464: {  	v17 =	vmul.f32 v63, v1;
	v9 =	vpack.i.f32.bf16 v12, v5;
	[tilespmem:s8+$0xA000] =	vst v0  }
0x465: {  	v5 =	vadd.f32 v10, v11;
	v6 =	vadd.f32 v62, v6;
	v10 =	vpack.i.f32.bf16 v4, v3;
	[tilespmem:s5+$0x14000] =	vst v9  }
0x466: {  	v8 =	vadd.f32 v8, v7;
	v7 =	vadd.f32 v17, v61;
	v9 =	vpack.i.f32.bf16 v60, v13;
	[tilespmem:s5+$0x16820] =	vst v10  }
0x467: {  	[tilespmem:s7+$0x16800] =	vst v9;
	v9 =	vpack.i.f32.bf16 v6, v5  }
0x468: {  	s8 =	simm.s32 $0x100;
	s7 =	simm.s32 $0x0;
	[tilespmem:s5+$0x14030] =	vst v9;
	v9 =	vpack.i.f32.bf16 v7, v8  }
.LBB2_41:
0x469: {  	s9 =	sshra.s32 s8, $0x2;
	[tilespmem:s5+$0x16830] =	vst v9  }
0x46a: {  	v9 =	vld [tilespmem:s9+$0xA000];
	[tilespmem:s5+$0x2820] =	vst v2  }
0x46b: {  	v2 =	vld [tilespmem:s9+$0xA010];
	[tilespmem:s5+$0x5020] =	vst v3  }
0x46c: {  	s7 =	sadd.s32 $0x4, s7;
	v3 =	vld [tilespmem:s9+$0xC810];
	[tilespmem:s5+$0x7820] =	vst v4  }
0x46d: {  	p0 =	slt.u32 s7, $0x27C;
	v4 =	vld [tilespmem:s9+$0x0];
	[tilespmem:s5+$0x30] =	vst v5  }
0x46e: {  	v5 =	vld [tilespmem:s9+$0xF010];
	[tilespmem:s5+$0x2830] =	vst v6  }
0x46f: {  	v6 =	vmax.f32 v9, $0.0e+00;
	v9 =	vld [tilespmem:s9+$0x11810];
	[tilespmem:s5+$0x5030] =	vst v8  }
0x470: {  	v6 =	vmul.f32 v6, v1;
	v2 =	vmax.f32 v2, $0.0e+00;
	v8 =	vld [tilespmem:s9+$0xA020];
	[tilespmem:s5+$0x7830] =	vst v7;
	s5 =	smov.u32 s9  }
0x471: {  	v2 =	vmul.f32 v2, v1;
	[tilespmem:s5+$0xA010] =	vst v0;
	v3 =	vmax.f32 v3, $0.0e+00;
	v7 =	vld [tilespmem:s5+$0xC820]  }
0x472: {  	v6 =	vadd.f32 v6, v4;
	v3 =	vmul.f32 v3, v1;
	[tilespmem:s5+$0xC810] =	vst v0;
	v4 =	vld [tilespmem:s5+$0xF020]  }
0x473: {  	s6 =	sadd.s32 $0x40, s6;
	[tilespmem:s5+$0xA000] =	vst v0;
	v5 =	vmax.f32 v5, $0.0e+00;
	v10 =	vld [tilespmem:s5+$0x11820]  }
0x474: {  	s9 =	sand.u32 $0x3FC0, s6;
	[tilespmem:s5+$0x0] =	vst v6;
	v5 =	vmul.f32 v5, v1;
	v9 =	vmax.f32 v9, $0.0e+00;
	v11 =	vld [tilespmem:s5+$0xA030]  }
0x475: {  	v12 =	vld [tilespmem:s9+$0xC800];
	[tilespmem:s5+$0xF010] =	vst v0;
	v9 =	vmul.f32 v9, v1;
	v8 =	vmax.f32 v8, $0.0e+00  }
0x476: {  	v13 =	vld [tilespmem:s9+$0xF000];
	[tilespmem:s5+$0x11810] =	vst v0;
	v8 =	vmul.f32 v8, v1;
	v7 =	vmax.f32 v7, $0.0e+00  }
0x477: {  	[tilespmem:s5+$0xA020] =	vst v0;
	v7 =	vmul.f32 v7, v1;
	v4 =	vmax.f32 v4, $0.0e+00;
	v14 =	vld [tilespmem:s5+$0xC830]  }
0x478: {  	v15 =	vld [tilespmem:s9+$0x2800];
	[tilespmem:s5+$0xC820] =	vst v0;
	v4 =	vmul.f32 v4, v1;
	v10 =	vmax.f32 v10, $0.0e+00  }
0x479: {  	v16 =	vld [tilespmem:s9+$0x5000];
	[tilespmem:s5+$0xF020] =	vst v0;
	v10 =	vmul.f32 v10, v1;
	v11 =	vmax.f32 v11, $0.0e+00  }
0x47a: {  	v12 =	vmax.f32 v12, $0.0e+00;
	[tilespmem:s5+$0x11820] =	vst v0;
	v11 =	vmul.f32 v11, v1;
	v17 =	vld [tilespmem:s5+$0xF030]  }
0x47b: {  	v12 =	vmul.f32 v12, v1;
	v13 =	vmax.f32 v13, $0.0e+00;
	[tilespmem:s5+$0xA030] =	vst v0;
	v18 =	vld [tilespmem:s5+$0x11830]  }
0x47c: {  	v13 =	vmul.f32 v13, v1;
	v19 =	vld [tilespmem:s5+$0x10];
	v14 =	vmax.f32 v14, $0.0e+00;
	[tilespmem:s5+$0xC830] =	vst v0  }
0x47d: {  	v12 =	vadd.f32 v12, v15;
	[tilespmem:s9+$0xC800] =	vst v0;
	v15 =	vld [tilespmem:s5+$0x2810];
	v14 =	vmul.f32 v14, v1  }
0x47e: {  	v13 =	vadd.f32 v13, v16;
	[tilespmem:s9+$0xF000] =	vst v0;
	v16 =	vld [tilespmem:s5+$0x5010]  }
0x47f: {  	[tilespmem:s9+$0x2800] =	vst v12;
	v20 =	vld [tilespmem:s5+$0x7810];
	v17 =	vmax.f32 v17, $0.0e+00  }
0x480: {  	s12 =	sadd.s32 $0x7800, s9;
	[tilespmem:s9+$0x5000] =	vst v13;
	v21 =	vld [tilespmem:s5+$0x20];
	v17 =	vmul.f32 v17, v1;
	v18 =	vmax.f32 v18, $0.0e+00  }
0x481: {  	v22 =	vld [tilespmem:s12+$0xA000];
	v2 =	vadd.f32 v2, v19;
	[tilespmem:s5+$0xF030] =	vst v0;
	v18 =	vmul.f32 v18, v1  }
0x482: {  	v3 =	vadd.f32 v3, v15;
	v15 =	vld [tilespmem:s5+$0x2820];
	[tilespmem:s5+$0x11830] =	vst v0  }
0x483: {  	[tilespmem:s5+$0x10] =	vst v2;
	v5 =	vadd.f32 v5, v16;
	v16 =	vld [tilespmem:s5+$0x5020]  }
0x484: {  	v19 =	vld [tilespmem:s9+$0x7800];
	[tilespmem:s5+$0x2810] =	vst v3;
	v9 =	vadd.f32 v9, v20;
	v2 =	vpack.i.f32.bf16 v3, v2  }
0x485: {  	[tilespmem:s5+$0x14010] =	vst v2;
	v8 =	vadd.f32 v8, v21;
	v20 =	vld [tilespmem:s5+$0x7820]  }
0x486: {  	v2 =	vmax.f32 v22, $0.0e+00;
	[tilespmem:s5+$0x5010] =	vst v5;
	v3 =	vpack.i.f32.bf16 v9, v5;
	v5 =	vld [tilespmem:s5+$0x30]  }
0x487: {  	v21 =	vmul.f32 v2, v1;
	[tilespmem:s5+$0x16810] =	vst v3;
	v2 =	vadd.f32 v7, v15;
	v7 =	vld [tilespmem:s5+$0x2830]  }
0x488: {  	[tilespmem:s5+$0x7810] =	vst v9;
	v3 =	vadd.f32 v4, v16;
	v9 =	vld [tilespmem:s5+$0x5030]  }
0x489: {  	v15 =	vadd.f32 v21, v19;
	[tilespmem:s5+$0x20] =	vst v8;
	v8 =	vpack.i.f32.bf16 v2, v8;
	v16 =	vld [tilespmem:s5+$0x7830]  }
0x48a: {  	v4 =	vadd.f32 v10, v20;
	[tilespmem:s5+$0x14020] =	vst v8  }
0x48b: {  	[tilespmem:s9+$0x7800] =	vst v15;
	v5 =	vadd.f32 v11, v5  }
.Ltmp21:
0x48c: {  	v8 =	vpack.i.f32.bf16 v12, v6;
	[tilespmem:s12+$0xA000] =	vst v0;
	v10 =	vpack.i.f32.bf16 v4, v3;
	v6 =	vadd.f32 v14, v7;
	(pc) =	sbr.rel @p0 .LBB2_41-.Ltmp21, $4  }
0x48d: {  	v7 =	vpack.i.f32.bf16 v15, v13;
	[tilespmem:s5+$0x14000] =	vst v8;
	v8 =	vadd.f32 v17, v9  }
0x48e: {  	[tilespmem:s9+$0x16800] =	vst v7;
	v7 =	vadd.f32 v18, v16;
	v9 =	vpack.i.f32.bf16 v6, v5  }
0x48f: {  	[tilespmem:s5+$0x16820] =	vst v10  }
0x490: {  	s8 =	sadd.s32 $0x100, s8;
	[tilespmem:s5+$0x14030] =	vst v9;
	v9 =	vpack.i.f32.bf16 v7, v8  }
0x491: {  	[tilespmem:s5+$0x16830] =	vst v9  }
0x492: {  	[tilespmem:s5+$0x2820] =	vst v2  }
0x493: {  	[tilespmem:s5+$0x5020] =	vst v3  }
0x494: {  	[tilespmem:s5+$0x7820] =	vst v4  }
0x495: {  	[tilespmem:s5+$0x30] =	vst v5  }
0x496: {  	[tilespmem:s5+$0x2830] =	vst v6  }
0x497: {  	[tilespmem:s5+$0x5030] =	vst v8  }
0x498: {  	[tilespmem:s5+$0x7830] =	vst v7;
	s5 =	simm.s32 $0x0  }
0x499: {  	[tilespmem:s24], [sflag:$0x1] =	stream.linear.gather [hbm4b:s1+s5], $0xFA0, $0x38;
	[tilespmem:$0x1D080] =	vst v63  }
0x49a: {  	_ = 	snop  }
0x49b: {  	[tilespmem:s25], [sflag:$0x1] =	stream.linear.gather [hbm4b:s3+s5], $0xFA0, $0x38;
	[tilespmem:$0x1D080] =	vst v63  }
0x49c: {  	_ = 	snop  }
0x49d: {  	[tilespmem:s26], [sflag:$0x2] =	stream.linear.gather [hbm4b:s10+s5], $0xFA0, $0x38;
	[tilespmem:$0x1D080] =	vst v63  }
0x49e: {  	_ = 	snop  }
0x49f: {  	[tilespmem:s28], [sflag:$0x2] =	stream.linear.gather [hbm4b:s11+s5], $0xFA0, $0x38;
	[tilespmem:$0x1D080] =	vst v63  }
.LBB2_43:
0x4a0: {  	_ =	swait.ge [sflag:s29], $0xFA0  }
0x4a1: {  	[sflag:s29] =	ssyncset.done $0x0  }
0x4a2: {  	[sflag:s29] =	ssyncadd.s32 $0xFFFFF060  }
0x4a3: {  	_ =	swait.ge [sflag:s29], $0xFA0  }
0x4a4: {  	[sflag:s29] =	ssyncset.done $0x0  }
0x4a5: {  	s6 =	simm.s32 $0x19020;
	[sflag:s29] =	ssyncadd.s32 $0xFFFFF060  }
0x4a6: {  	v1 =	vld [tilespmem:s6+$0x10]  }
0x4a7: {  	v3 =	vld [tilespmem:s6+$0xFFFFFFE0];
	_ =	sdelay $0x3  }
0x4a8: {  	v2 =	vld [tilespmem:s6+$0xFFFFFFF0];
	v5 =	vand.u32 $0xFFFF, v1  }
0x4a9: {  	v7 =	vand.u32 $0xFFFF, v3  }
0x4aa: {  	v4 =	vld [tilespmem:s6+$0x0]  }
0x4ab: {  	s9 =	simm.s32 $0x1B020  }
0x4ac: {  	v10 =	vld [tilespmem:s9+$0x10]  }
0x4ad: {  	v6 =	vand.u32 $0xFFFF, v2;
	v9 =	vld.idx.msk [tilespmem:v5+s30+$0x0], $0xffff  }
0x4ae: {  	v12 =	vld.idx.msk [tilespmem:v7+s30+$0x0], $0xffff  }
0x4af: {  	v14 =	vld [tilespmem:s9+$0xFFFFFFE0];
	v8 =	vand.u32 $0xFFFF, v4  }
0x4b0: {  	v16 =	vld [tilespmem:s9+$0xFFFFFFF0];
	v13 =	vshrl.u32 v1, $0x10  }
0x4b1: {  	v17 =	vld [tilespmem:s9+$0x0];
	v3 =	vshrl.u32 v3, $0x10  }
0x4b2: {  	s6 =	simm.s32 $0x1B060;
	v11 =	vld.idx.msk [tilespmem:v6+s30+$0x0], $0xffff;
	v1 =	vunpack.i.l.bf16.f32 v9  }
0x4b3: {  	v61 =	vld [tilespmem:s6+$0x10];
	v18 =	vunpack.i.l.bf16.f32 v12;
	v1 =	vmul.f32 v1, v10  }
0x4b4: {  	v15 =	vld.idx.msk [tilespmem:v8+s30+$0x0], $0xffff;
	v9 =	vunpack.i.u.bf16.f32 v9;
	v18 =	vmul.f32 v18, v14  }
0x4b5: {  	v2 =	vshrl.u32 v2, $0x10;
	v9 =	vmul.f32 v9, v10;
	[tilespmem:v13+s31+$0x0] =	vst.idx.add.f32.msk $0xffff, v1  }
0x4b6: {  	v12 =	vunpack.i.u.bf16.f32 v12;
	[tilespmem:v3+s31+$0x0] =	vst.idx.add.f32.msk $0xffff, v18  }
0x4b7: {  	v1 =	vshrl.u32 v4, $0x10;
	v4 =	vunpack.i.l.bf16.f32 v11;
	[tilespmem:v13+s0+$0x0] =	vst.idx.add.f32.msk $0xffff, v9;
	v9 =	vmul.f32 v12, v14  }
0x4b8: {  	v11 =	vunpack.i.u.bf16.f32 v11;
	v4 =	vmul.f32 v4, v16;
	v5 =	vld.idx.msk [tilespmem:v5+s2+$0x0], $0xffff  }
0x4b9: {  	v54 =	vunpack.i.l.bf16.f32 v15;
	v11 =	vmul.f32 v11, v16;
	[tilespmem:v3+s0+$0x0] =	vst.idx.add.f32.msk $0xffff, v9  }
0x4ba: {  	v12 =	vmul.f32 v54, v17;
	v9 =	vunpack.i.u.bf16.f32 v15;
	[tilespmem:v2+s31+$0x0] =	vst.idx.add.f32.msk $0xffff, v4  }
0x4bb: {  	v4 =	vmul.f32 v9, v17;
	[tilespmem:v2+s0+$0x0] =	vst.idx.add.f32.msk $0xffff, v11  }
0x4bc: {  	[tilespmem:v1+s31+$0x0] =	vst.idx.add.f32.msk $0xffff, v12  }
0x4bd: {  	[tilespmem:v1+s0+$0x0] =	vst.idx.add.f32.msk $0xffff, v4;
	v4 =	vunpack.i.l.bf16.f32 v5  }
0x4be: {  	v7 =	vld.idx.msk [tilespmem:v7+s2+$0x0], $0xffff;
	v4 =	vmul.f32 v4, v10  }
0x4bf: {  	v6 =	vld.idx.msk [tilespmem:v6+s2+$0x0], $0xffff  }
0x4c0: {  	s12 =	simm.s32 $0x19060;
	v5 =	vunpack.i.u.bf16.f32 v5;
	[tilespmem:v13+s23+$0x0] =	vst.idx.add.f32.msk $0xffff, v4  }
0x4c1: {  	v4 =	vmul.f32 v5, v10;
	v5 =	vld [tilespmem:s12+$0x10]  }
0x4c2: {  	v9 =	vld [tilespmem:s12+$0xFFFFFFF0]  }
0x4c3: {  	v10 =	vld [tilespmem:s12+$0xFFFFFFE0]  }
0x4c4: {  	v11 =	vld [tilespmem:s12+$0x0];
	v55 =	vunpack.i.l.bf16.f32 v6  }
0x4c5: {  	v56 =	vld.idx.msk [tilespmem:v8+s2+$0x0], $0xffff;
	v8 =	vmul.f32 v55, v16  }
0x4c6: {  	v6 =	vunpack.i.u.bf16.f32 v6;
	[tilespmem:v13+s20+$0x0] =	vst.idx.add.f32.msk $0xffff, v4;
	v57 =	vand.u32 $0xFFFF, v5  }
0x4c7: {  	v6 =	vmul.f32 v6, v16;
	v4 =	vunpack.i.l.bf16.f32 v7;
	[tilespmem:v2+s23+$0x0] =	vst.idx.add.f32.msk $0xffff, v8  }
0x4c8: {  	v4 =	vmul.f32 v4, v14;
	v8 =	vld [tilespmem:s6+$0xFFFFFFE0];
	v59 =	vand.u32 $0xFFFF, v10  }
0x4c9: {  	v58 =	vand.u32 $0xFFFF, v9;
	v7 =	vunpack.i.u.bf16.f32 v7;
	[tilespmem:v2+s20+$0x0] =	vst.idx.add.f32.msk $0xffff, v6  }
0x4ca: {  	v7 =	vmul.f32 v7, v14;
	[tilespmem:v3+s23+$0x0] =	vst.idx.add.f32.msk $0xffff, v4  }
0x4cb: {  	v2 =	vld.idx.msk [tilespmem:v57+s30+$0x0], $0xffff  }
0x4cc: {  	[tilespmem:v3+s20+$0x0] =	vst.idx.add.f32.msk $0xffff, v7  }
0x4cd: {  	v4 =	vand.u32 $0xFFFF, v11;
	v3 =	vld.idx.msk [tilespmem:v59+s30+$0x0], $0xffff  }
0x4ce: {  	v60 =	vld.idx.msk [tilespmem:v58+s30+$0x0], $0xffff;
	v20 =	vshrl.u32 v5, $0x10;
	v5 =	vunpack.i.l.bf16.f32 v56  }
0x4cf: {  	v6 =	vld [tilespmem:s6+$0x0];
	v21 =	vmul.f32 v5, v17  }
0x4d0: {  	v7 =	vld [tilespmem:s6+$0xFFFFFFF0];
	v5 =	vshrl.u32 v10, $0x10;
	v22 =	vunpack.i.l.bf16.f32 v2  }
0x4d1: {  	[tilespmem:v1+s23+$0x0] =	vst.idx.add.f32.msk $0xffff, v21;
	v2 =	vunpack.i.u.bf16.f32 v2;
	v10 =	vmul.f32 v22, v61  }
0x4d2: {  	v19 =	vld.idx.msk [tilespmem:v4+s30+$0x0], $0xffff;
	v62 =	vmul.f32 v2, v61;
	v2 =	vshrl.u32 v9, $0x10;
	v9 =	vunpack.i.l.bf16.f32 v3  }
0x4d3: {  	v9 =	vmul.f32 v9, v8;
	[tilespmem:v20+s31+$0x0] =	vst.idx.add.f32.msk $0xffff, v10  }
0x4d4: {  	v10 =	vunpack.i.u.bf16.f32 v3;
	[tilespmem:v20+s0+$0x0] =	vst.idx.add.f32.msk $0xffff, v62  }
0x4d5: {  	v3 =	vshrl.u32 v11, $0x10;
	v11 =	vunpack.i.l.bf16.f32 v60;
	v10 =	vmul.f32 v10, v8;
	[tilespmem:v5+s31+$0x0] =	vst.idx.add.f32.msk $0xffff, v9  }
0x4d6: {  	v16 =	vunpack.i.u.bf16.f32 v60;
	v11 =	vmul.f32 v11, v7;
	v14 =	vld.idx.msk [tilespmem:v57+s2+$0x0], $0xffff  }
0x4d7: {  	v16 =	vmul.f32 v16, v7;
	[tilespmem:v5+s0+$0x0] =	vst.idx.add.f32.msk $0xffff, v10  }
0x4d8: {  	v9 =	vunpack.i.l.bf16.f32 v19;
	[tilespmem:v2+s31+$0x0] =	vst.idx.add.f32.msk $0xffff, v11  }
0x4d9: {  	v9 =	vmul.f32 v9, v6;
	v10 =	vunpack.i.u.bf16.f32 v19;
	[tilespmem:v2+s0+$0x0] =	vst.idx.add.f32.msk $0xffff, v16  }
0x4da: {  	v10 =	vmul.f32 v10, v6;
	v11 =	vld.idx.msk [tilespmem:v59+s2+$0x0], $0xffff  }
0x4db: {  	[tilespmem:v3+s31+$0x0] =	vst.idx.add.f32.msk $0xffff, v9;
	v9 =	vunpack.i.l.bf16.f32 v14  }
0x4dc: {  	[tilespmem:v3+s0+$0x0] =	vst.idx.add.f32.msk $0xffff, v10;
	v14 =	vunpack.i.u.bf16.f32 v14;
	v9 =	vmul.f32 v9, v61  }
0x4dd: {  	v10 =	vld.idx.msk [tilespmem:v58+s2+$0x0], $0xffff;
	v63 =	vmul.f32 v14, v61  }
0x4de: {  	v13 =	vunpack.i.u.bf16.f32 v56;
	[tilespmem:v20+s23+$0x0] =	vst.idx.add.f32.msk $0xffff, v9  }
0x4df: {  	s7 =	simm.s32 $0x4;
	s8 =	simm.s32 $0x190A0;
	v9 =	vmul.f32 v13, v17;
	[tilespmem:v20+s20+$0x0] =	vst.idx.add.f32.msk $0xffff, v63  }
.LBB2_44:
0x4e0: {  	v12 =	vld [tilespmem:s8+$0x10]  }
0x4e1: {  	v13 =	vld [tilespmem:s8+$0xFFFFFFF0]  }
0x4e2: {  	s7 =	sadd.s32 $0x4, s7;
	v15 =	vunpack.i.u.bf16.f32 v11;
	v11 =	vunpack.i.l.bf16.f32 v11;
	v14 =	vld [tilespmem:s8+$0x0]  }
0x4e3: {  	p0 =	slt.u32 s7, $0xF4;
	v11 =	vmul.f32 v11, v8;
	v17 =	vunpack.i.u.bf16.f32 v10;
	v10 =	vunpack.i.l.bf16.f32 v10;
	v16 =	vld [tilespmem:s8+$0xFFFFFFE0]  }
0x4e4: {  	v8 =	vmul.f32 v15, v8;
	v10 =	vmul.f32 v10, v7;
	v15 =	vld.idx.msk [tilespmem:v4+s2+$0x0], $0xffff  }
0x4e5: {  	v7 =	vmul.f32 v17, v7;
	v18 =	vand.u32 $0xFFFF, v12;
	[tilespmem:v5+s23+$0x0] =	vst.idx.add.f32.msk $0xffff, v11  }
0x4e6: {  	v11 =	vshrl.u32 v13, $0x10;
	v13 =	vand.u32 $0xFFFF, v13;
	[tilespmem:v5+s20+$0x0] =	vst.idx.add.f32.msk $0xffff, v8  }
0x4e7: {  	v8 =	vshrl.u32 v14, $0x10;
	v4 =	vand.u32 $0xFFFF, v14;
	[tilespmem:v2+s23+$0x0] =	vst.idx.add.f32.msk $0xffff, v10  }
0x4e8: {  	v5 =	vshrl.u32 v16, $0x10;
	v10 =	vand.u32 $0xFFFF, v16;
	[tilespmem:v2+s20+$0x0] =	vst.idx.add.f32.msk $0xffff, v7;
	v2 =	vmov v11  }
0x4e9: {  	[tilespmem:v1+s20+$0x0] =	vst.idx.add.f32.msk $0xffff, v9;
	v1 =	vmov v3;
	v3 =	vmov v8  }
0x4ea: {  	v7 =	vunpack.i.u.bf16.f32 v15;
	v8 =	vunpack.i.l.bf16.f32 v15;
	v11 =	vld.idx.msk [tilespmem:v18+s30+$0x0], $0xffff  }
0x4eb: {  	s6 =	sadd.s32 $0x40, s6;
	v15 =	vmul.f32 v8, v6;
	v9 =	vmul.f32 v7, v6;
	v14 =	vld.idx.msk [tilespmem:v13+s30+$0x0], $0xffff  }
0x4ec: {  	v16 =	vld [tilespmem:s6+$0x10]  }
0x4ed: {  	v17 =	vld.idx.msk [tilespmem:v10+s30+$0x0], $0xffff  }
0x4ee: {  	v12 =	vshrl.u32 v12, $0x10;
	v19 =	vld.idx.msk [tilespmem:v4+s30+$0x0], $0xffff  }
0x4ef: {  	v8 =	vld [tilespmem:s6+$0xFFFFFFE0]  }
0x4f0: {  	v20 =	vunpack.i.l.bf16.f32 v11;
	v7 =	vld [tilespmem:s6+$0xFFFFFFF0]  }
0x4f1: {  	v11 =	vunpack.i.u.bf16.f32 v11;
	v21 =	vunpack.i.u.bf16.f32 v14;
	v6 =	vld [tilespmem:s6+$0x0];
	v20 =	vmul.f32 v20, v16  }
0x4f2: {  	v14 =	vunpack.i.l.bf16.f32 v14;
	v11 =	vmul.f32 v11, v16;
	[tilespmem:v1+s23+$0x0] =	vst.idx.add.f32.msk $0xffff, v15  }
0x4f3: {  	v15 =	vunpack.i.u.bf16.f32 v17;
	v17 =	vunpack.i.l.bf16.f32 v17;
	[tilespmem:v12+s31+$0x0] =	vst.idx.add.f32.msk $0xffff, v20  }
0x4f4: {  	v20 =	vunpack.i.u.bf16.f32 v19;
	v19 =	vunpack.i.l.bf16.f32 v19;
	v17 =	vmul.f32 v17, v8;
	[tilespmem:v12+s0+$0x0] =	vst.idx.add.f32.msk $0xffff, v11  }
0x4f5: {  	v11 =	vmul.f32 v15, v8;
	v14 =	vmul.f32 v14, v7;
	v15 =	vld.idx.msk [tilespmem:v18+s2+$0x0], $0xffff  }
0x4f6: {  	[tilespmem:v5+s31+$0x0] =	vst.idx.add.f32.msk $0xffff, v17;
	v17 =	vmul.f32 v21, v7;
	v18 =	vmul.f32 v19, v6  }
0x4f7: {  	[tilespmem:v5+s0+$0x0] =	vst.idx.add.f32.msk $0xffff, v11;
	v11 =	vmul.f32 v20, v6  }
0x4f8: {  	[tilespmem:v2+s31+$0x0] =	vst.idx.add.f32.msk $0xffff, v14  }
0x4f9: {  	[tilespmem:v2+s0+$0x0] =	vst.idx.add.f32.msk $0xffff, v17  }
0x4fa: {  	[tilespmem:v3+s31+$0x0] =	vst.idx.add.f32.msk $0xffff, v18  }
.Ltmp22:
0x4fb: {  	v14 =	vunpack.i.l.bf16.f32 v15;
	[tilespmem:v3+s0+$0x0] =	vst.idx.add.f32.msk $0xffff, v11;
	(pc) =	sbr.rel @p0 .LBB2_44-.Ltmp22, $4  }
0x4fc: {  	v15 =	vunpack.i.u.bf16.f32 v15;
	v14 =	vmul.f32 v14, v16;
	v11 =	vld.idx.msk [tilespmem:v10+s2+$0x0], $0xffff  }
0x4fd: {  	v10 =	vld.idx.msk [tilespmem:v13+s2+$0x0], $0xffff;
	v13 =	vmul.f32 v15, v16  }
0x4fe: {  	[tilespmem:v12+s23+$0x0] =	vst.idx.add.f32.msk $0xffff, v14  }
0x4ff: {  	s9 =	simm.s32 $0x0;
	s8 =	sadd.s32 $0x40, s8;
	[tilespmem:v12+s20+$0x0] =	vst.idx.add.f32.msk $0xffff, v13  }
0x500: {  	_ =	sdelay $0x3  }
0x501: {  	v4 =	vld.idx.msk [tilespmem:v4+s2+$0x0], $0xffff  }
0x502: {  	v12 =	vunpack.i.l.bf16.f32 v11  }
0x503: {  	v12 =	vmul.f32 v12, v8;
	v13 =	vunpack.i.l.bf16.f32 v10  }
0x504: {  	[tilespmem:v1+s20+$0x0] =	vst.idx.add.f32.msk $0xffff, v9;
	v59 =	vunpack.i.u.bf16.f32 v10;
	v60 =	vmul.f32 v13, v7  }
0x505: {  	v57 =	vunpack.i.u.bf16.f32 v11;
	v61 =	vmul.f32 v59, v7;
	[tilespmem:v5+s23+$0x0] =	vst.idx.add.f32.msk $0xffff, v12  }
0x506: {  	v58 =	vmul.f32 v57, v8;
	[tilespmem:v2+s23+$0x0] =	vst.idx.add.f32.msk $0xffff, v60;
	v62 =	vunpack.i.l.bf16.f32 v4  }
0x507: {  	[tilespmem:v2+s20+$0x0] =	vst.idx.add.f32.msk $0xffff, v61;
	v2 =	vunpack.i.u.bf16.f32 v4;
	v63 =	vmul.f32 v62, v6  }
0x508: {  	[tilespmem:v5+s20+$0x0] =	vst.idx.add.f32.msk $0xffff, v58;
	v1 =	vmul.f32 v2, v6  }
0x509: {  	[tilespmem:v3+s23+$0x0] =	vst.idx.add.f32.msk $0xffff, v63  }
0x50a: {  	[tilespmem:v3+s20+$0x0] =	vst.idx.add.f32.msk $0xffff, v1  }
.LBB2_46:
0x50b: {  	s6 =	sshra.s32 s9, $0x2  }
0x50c: {  	v1 =	vld [tilespmem:s6+$0x19F80];
	_ =	sdelay $0x4  }
0x50d: {  	v2 =	vand.u32 $0xFFFF, v1;
	_ =	sdelay $0x4  }
0x50e: {  	v3 =	vld.idx.msk [tilespmem:v2+s30+$0x0], $0xffff  }
0x50f: {  	v4 =	vld [tilespmem:s6+$0x1BF80];
	_ =	sdelay $0x1  }
0x510: {  	v1 =	vshrl.u32 v1, $0x10;
	_ =	sdelay $0x1  }
0x511: {  	v5 =	vunpack.i.l.bf16.f32 v3  }
0x512: {  	v3 =	vunpack.i.u.bf16.f32 v3;
	v5 =	vmul.f32 v5, v4  }
0x513: {  	v3 =	vmul.f32 v3, v4  }
0x514: {  	[tilespmem:v1+s31+$0x0] =	vst.idx.add.f32.msk $0xffff, v5  }
0x515: {  	[tilespmem:v1+s0+$0x0] =	vst.idx.add.f32.msk $0xffff, v3  }
0x516: {  	v2 =	vld.idx.msk [tilespmem:v2+s2+$0x0], $0xffff;
	_ =	sdelay $0x3  }
0x517: {  	p0 =	sne.s32 s9, $0x40  }
.Ltmp23:
0x518: {  	v3 =	vunpack.i.l.bf16.f32 v2;
	(pc) =	sbr.rel @p0 .LBB2_46-.Ltmp23, $4  }
0x519: {  	v2 =	vunpack.i.u.bf16.f32 v2;
	v3 =	vmul.f32 v3, v4  }
0x51a: {  	v2 =	vmul.f32 v2, v4  }
0x51b: {  	[tilespmem:v1+s23+$0x0] =	vst.idx.add.f32.msk $0xffff, v3  }
0x51c: {  	s9 =	sadd.s32 $0x40, s9;
	[tilespmem:v1+s20+$0x0] =	vst.idx.add.f32.msk $0xffff, v2  }
0x51d: {  	p0 =	seq.s32 s5, $0x27  }
0x51e: {  	s6 =	smul.u32 @!p0 $0x1F40, s5;
	_ =	sdelay $0x1  }
0x51f: {  	s6 =	sshrl.u32 @!p0 s6, $0x3  }
0x520: {  	s6 =	sadd.s32 @!p0 $0x3E8, s6  }
0x521: {  	s8 =	simm.s32 @!p0 $0x0;
	s9 =	simm.s32 @!p0 $0x19000;
	s7 =	sadd.s32 @!p0 s1, s6  }
0x522: {  	[tilespmem:s9], [sflag:$0x1] =	stream.linear.gather @!p0 [hbm4b:s7+s8], $0xFA0, $0x38;
	[tilespmem:$0x1D080] =	vst v63  }
0x523: {  	s6 =	sadd.s32 @!p0 s3, s6;
	s7 =	simm.s32 @!p0 $0x1B000  }
0x524: {  	[tilespmem:s7], [sflag:$0x1] =	stream.linear.gather @!p0 [hbm4b:s6+s8], $0xFA0, $0x38;
	[tilespmem:$0x1D080] =	vst v63  }
0x525: {  	_ =	swait.ge [sflag:s21], $0xFA0  }
0x526: {  	[sflag:s21] =	ssyncset.done $0x0  }
0x527: {  	[sflag:s21] =	ssyncadd.s32 $0xFFFFF060  }
0x528: {  	_ =	swait.ge [sflag:s21], $0xFA0  }
0x529: {  	[sflag:s21] =	ssyncset.done $0x0  }
0x52a: {  	s8 =	simm.s32 $0x1A020;
	[sflag:s21] =	ssyncadd.s32 $0xFFFFF060  }
0x52b: {  	v1 =	vld [tilespmem:s8+$0x10]  }
0x52c: {  	v3 =	vld [tilespmem:s8+$0xFFFFFFE0];
	_ =	sdelay $0x3  }
0x52d: {  	v2 =	vld [tilespmem:s8+$0xFFFFFFF0];
	v5 =	vand.u32 $0xFFFF, v1  }
0x52e: {  	v7 =	vand.u32 $0xFFFF, v3  }
0x52f: {  	v4 =	vld [tilespmem:s8+$0x0]  }
0x530: {  	s9 =	simm.s32 $0x1C020  }
0x531: {  	v10 =	vld [tilespmem:s9+$0x10]  }
0x532: {  	v6 =	vand.u32 $0xFFFF, v2;
	v9 =	vld.idx.msk [tilespmem:v5+s30+$0x0], $0xffff  }
0x533: {  	v12 =	vld.idx.msk [tilespmem:v7+s30+$0x0], $0xffff  }
0x534: {  	v14 =	vld [tilespmem:s9+$0xFFFFFFE0];
	v8 =	vand.u32 $0xFFFF, v4  }
0x535: {  	v16 =	vld [tilespmem:s9+$0xFFFFFFF0];
	v13 =	vshrl.u32 v1, $0x10  }
0x536: {  	v17 =	vld [tilespmem:s9+$0x0];
	v3 =	vshrl.u32 v3, $0x10  }
0x537: {  	s6 =	simm.s32 $0x1C060;
	v11 =	vld.idx.msk [tilespmem:v6+s30+$0x0], $0xffff;
	v1 =	vunpack.i.l.bf16.f32 v9  }
0x538: {  	v61 =	vld [tilespmem:s6+$0x10];
	v18 =	vunpack.i.l.bf16.f32 v12;
	v1 =	vmul.f32 v1, v10  }
0x539: {  	v15 =	vld.idx.msk [tilespmem:v8+s30+$0x0], $0xffff;
	v9 =	vunpack.i.u.bf16.f32 v9;
	v18 =	vmul.f32 v18, v14  }
0x53a: {  	v2 =	vshrl.u32 v2, $0x10;
	v9 =	vmul.f32 v9, v10;
	[tilespmem:v13+s31+$0x0] =	vst.idx.add.f32.msk $0xffff, v1  }
0x53b: {  	v12 =	vunpack.i.u.bf16.f32 v12;
	[tilespmem:v3+s31+$0x0] =	vst.idx.add.f32.msk $0xffff, v18  }
0x53c: {  	v1 =	vshrl.u32 v4, $0x10;
	v4 =	vunpack.i.l.bf16.f32 v11;
	[tilespmem:v13+s0+$0x0] =	vst.idx.add.f32.msk $0xffff, v9;
	v9 =	vmul.f32 v12, v14  }
0x53d: {  	v11 =	vunpack.i.u.bf16.f32 v11;
	v4 =	vmul.f32 v4, v16;
	v5 =	vld.idx.msk [tilespmem:v5+s2+$0x0], $0xffff  }
0x53e: {  	v54 =	vunpack.i.l.bf16.f32 v15;
	v11 =	vmul.f32 v11, v16;
	[tilespmem:v3+s0+$0x0] =	vst.idx.add.f32.msk $0xffff, v9  }
0x53f: {  	v12 =	vmul.f32 v54, v17;
	v9 =	vunpack.i.u.bf16.f32 v15;
	[tilespmem:v2+s31+$0x0] =	vst.idx.add.f32.msk $0xffff, v4  }
0x540: {  	v4 =	vmul.f32 v9, v17;
	[tilespmem:v2+s0+$0x0] =	vst.idx.add.f32.msk $0xffff, v11  }
0x541: {  	[tilespmem:v1+s31+$0x0] =	vst.idx.add.f32.msk $0xffff, v12  }
0x542: {  	[tilespmem:v1+s0+$0x0] =	vst.idx.add.f32.msk $0xffff, v4;
	v4 =	vunpack.i.l.bf16.f32 v5  }
0x543: {  	v7 =	vld.idx.msk [tilespmem:v7+s2+$0x0], $0xffff;
	v4 =	vmul.f32 v4, v10  }
0x544: {  	v6 =	vld.idx.msk [tilespmem:v6+s2+$0x0], $0xffff  }
0x545: {  	s12 =	simm.s32 $0x1A060;
	v5 =	vunpack.i.u.bf16.f32 v5;
	[tilespmem:v13+s23+$0x0] =	vst.idx.add.f32.msk $0xffff, v4  }
0x546: {  	v4 =	vmul.f32 v5, v10;
	v5 =	vld [tilespmem:s12+$0x10]  }
0x547: {  	v9 =	vld [tilespmem:s12+$0xFFFFFFF0]  }
0x548: {  	v10 =	vld [tilespmem:s12+$0xFFFFFFE0]  }
0x549: {  	v11 =	vld [tilespmem:s12+$0x0];
	v55 =	vunpack.i.l.bf16.f32 v6  }
0x54a: {  	v56 =	vld.idx.msk [tilespmem:v8+s2+$0x0], $0xffff;
	v8 =	vmul.f32 v55, v16  }
0x54b: {  	v6 =	vunpack.i.u.bf16.f32 v6;
	[tilespmem:v13+s20+$0x0] =	vst.idx.add.f32.msk $0xffff, v4;
	v57 =	vand.u32 $0xFFFF, v5  }
0x54c: {  	v6 =	vmul.f32 v6, v16;
	v4 =	vunpack.i.l.bf16.f32 v7;
	[tilespmem:v2+s23+$0x0] =	vst.idx.add.f32.msk $0xffff, v8  }
0x54d: {  	v4 =	vmul.f32 v4, v14;
	v8 =	vld [tilespmem:s6+$0xFFFFFFE0];
	v59 =	vand.u32 $0xFFFF, v10  }
0x54e: {  	v58 =	vand.u32 $0xFFFF, v9;
	v7 =	vunpack.i.u.bf16.f32 v7;
	[tilespmem:v2+s20+$0x0] =	vst.idx.add.f32.msk $0xffff, v6  }
0x54f: {  	v7 =	vmul.f32 v7, v14;
	[tilespmem:v3+s23+$0x0] =	vst.idx.add.f32.msk $0xffff, v4  }
0x550: {  	v2 =	vld.idx.msk [tilespmem:v57+s30+$0x0], $0xffff  }
0x551: {  	[tilespmem:v3+s20+$0x0] =	vst.idx.add.f32.msk $0xffff, v7  }
0x552: {  	v4 =	vand.u32 $0xFFFF, v11;
	v3 =	vld.idx.msk [tilespmem:v59+s30+$0x0], $0xffff  }
0x553: {  	v60 =	vld.idx.msk [tilespmem:v58+s30+$0x0], $0xffff;
	v20 =	vshrl.u32 v5, $0x10;
	v5 =	vunpack.i.l.bf16.f32 v56  }
0x554: {  	v6 =	vld [tilespmem:s6+$0x0];
	v21 =	vmul.f32 v5, v17  }
0x555: {  	v7 =	vld [tilespmem:s6+$0xFFFFFFF0];
	v5 =	vshrl.u32 v10, $0x10;
	v22 =	vunpack.i.l.bf16.f32 v2  }
0x556: {  	[tilespmem:v1+s23+$0x0] =	vst.idx.add.f32.msk $0xffff, v21;
	v2 =	vunpack.i.u.bf16.f32 v2;
	v10 =	vmul.f32 v22, v61  }
0x557: {  	v19 =	vld.idx.msk [tilespmem:v4+s30+$0x0], $0xffff;
	v62 =	vmul.f32 v2, v61;
	v2 =	vshrl.u32 v9, $0x10;
	v9 =	vunpack.i.l.bf16.f32 v3  }
0x558: {  	v9 =	vmul.f32 v9, v8;
	[tilespmem:v20+s31+$0x0] =	vst.idx.add.f32.msk $0xffff, v10  }
0x559: {  	v10 =	vunpack.i.u.bf16.f32 v3;
	[tilespmem:v20+s0+$0x0] =	vst.idx.add.f32.msk $0xffff, v62  }
0x55a: {  	v3 =	vshrl.u32 v11, $0x10;
	v11 =	vunpack.i.l.bf16.f32 v60;
	v10 =	vmul.f32 v10, v8;
	[tilespmem:v5+s31+$0x0] =	vst.idx.add.f32.msk $0xffff, v9  }
0x55b: {  	v16 =	vunpack.i.u.bf16.f32 v60;
	v11 =	vmul.f32 v11, v7;
	v14 =	vld.idx.msk [tilespmem:v57+s2+$0x0], $0xffff  }
0x55c: {  	v16 =	vmul.f32 v16, v7;
	[tilespmem:v5+s0+$0x0] =	vst.idx.add.f32.msk $0xffff, v10  }
0x55d: {  	v9 =	vunpack.i.l.bf16.f32 v19;
	[tilespmem:v2+s31+$0x0] =	vst.idx.add.f32.msk $0xffff, v11  }
0x55e: {  	v9 =	vmul.f32 v9, v6;
	v10 =	vunpack.i.u.bf16.f32 v19;
	[tilespmem:v2+s0+$0x0] =	vst.idx.add.f32.msk $0xffff, v16  }
0x55f: {  	v10 =	vmul.f32 v10, v6;
	v11 =	vld.idx.msk [tilespmem:v59+s2+$0x0], $0xffff  }
0x560: {  	[tilespmem:v3+s31+$0x0] =	vst.idx.add.f32.msk $0xffff, v9;
	v9 =	vunpack.i.l.bf16.f32 v14  }
0x561: {  	[tilespmem:v3+s0+$0x0] =	vst.idx.add.f32.msk $0xffff, v10;
	v14 =	vunpack.i.u.bf16.f32 v14;
	v9 =	vmul.f32 v9, v61  }
0x562: {  	v10 =	vld.idx.msk [tilespmem:v58+s2+$0x0], $0xffff;
	v63 =	vmul.f32 v14, v61  }
0x563: {  	v13 =	vunpack.i.u.bf16.f32 v56;
	[tilespmem:v20+s23+$0x0] =	vst.idx.add.f32.msk $0xffff, v9  }
0x564: {  	s7 =	simm.s32 $0x4;
	s8 =	simm.s32 $0x1A0A0;
	v9 =	vmul.f32 v13, v17;
	[tilespmem:v20+s20+$0x0] =	vst.idx.add.f32.msk $0xffff, v63  }
.LBB2_48:
0x565: {  	v12 =	vld [tilespmem:s8+$0x10]  }
0x566: {  	v13 =	vld [tilespmem:s8+$0xFFFFFFF0]  }
0x567: {  	s7 =	sadd.s32 $0x4, s7;
	v15 =	vunpack.i.u.bf16.f32 v11;
	v11 =	vunpack.i.l.bf16.f32 v11;
	v14 =	vld [tilespmem:s8+$0x0]  }
0x568: {  	p1 =	slt.u32 s7, $0xF4;
	v11 =	vmul.f32 v11, v8;
	v17 =	vunpack.i.u.bf16.f32 v10;
	v10 =	vunpack.i.l.bf16.f32 v10;
	v16 =	vld [tilespmem:s8+$0xFFFFFFE0]  }
0x569: {  	v8 =	vmul.f32 v15, v8;
	v10 =	vmul.f32 v10, v7;
	v15 =	vld.idx.msk [tilespmem:v4+s2+$0x0], $0xffff  }
0x56a: {  	v7 =	vmul.f32 v17, v7;
	v18 =	vand.u32 $0xFFFF, v12;
	[tilespmem:v5+s23+$0x0] =	vst.idx.add.f32.msk $0xffff, v11  }
0x56b: {  	v11 =	vshrl.u32 v13, $0x10;
	v13 =	vand.u32 $0xFFFF, v13;
	[tilespmem:v5+s20+$0x0] =	vst.idx.add.f32.msk $0xffff, v8  }
0x56c: {  	v8 =	vshrl.u32 v14, $0x10;
	v4 =	vand.u32 $0xFFFF, v14;
	[tilespmem:v2+s23+$0x0] =	vst.idx.add.f32.msk $0xffff, v10  }
0x56d: {  	v5 =	vshrl.u32 v16, $0x10;
	v10 =	vand.u32 $0xFFFF, v16;
	[tilespmem:v2+s20+$0x0] =	vst.idx.add.f32.msk $0xffff, v7;
	v2 =	vmov v11  }
0x56e: {  	[tilespmem:v1+s20+$0x0] =	vst.idx.add.f32.msk $0xffff, v9;
	v1 =	vmov v3;
	v3 =	vmov v8  }
0x56f: {  	v7 =	vunpack.i.u.bf16.f32 v15;
	v8 =	vunpack.i.l.bf16.f32 v15;
	v11 =	vld.idx.msk [tilespmem:v18+s30+$0x0], $0xffff  }
0x570: {  	s6 =	sadd.s32 $0x40, s6;
	v15 =	vmul.f32 v8, v6;
	v9 =	vmul.f32 v7, v6;
	v14 =	vld.idx.msk [tilespmem:v13+s30+$0x0], $0xffff  }
0x571: {  	v16 =	vld [tilespmem:s6+$0x10]  }
0x572: {  	v17 =	vld.idx.msk [tilespmem:v10+s30+$0x0], $0xffff  }
0x573: {  	v12 =	vshrl.u32 v12, $0x10;
	v19 =	vld.idx.msk [tilespmem:v4+s30+$0x0], $0xffff  }
0x574: {  	v8 =	vld [tilespmem:s6+$0xFFFFFFE0]  }
0x575: {  	v20 =	vunpack.i.l.bf16.f32 v11;
	v7 =	vld [tilespmem:s6+$0xFFFFFFF0]  }
0x576: {  	v11 =	vunpack.i.u.bf16.f32 v11;
	v21 =	vunpack.i.u.bf16.f32 v14;
	v6 =	vld [tilespmem:s6+$0x0];
	v20 =	vmul.f32 v20, v16  }
0x577: {  	v14 =	vunpack.i.l.bf16.f32 v14;
	v11 =	vmul.f32 v11, v16;
	[tilespmem:v1+s23+$0x0] =	vst.idx.add.f32.msk $0xffff, v15  }
0x578: {  	v15 =	vunpack.i.u.bf16.f32 v17;
	v17 =	vunpack.i.l.bf16.f32 v17;
	[tilespmem:v12+s31+$0x0] =	vst.idx.add.f32.msk $0xffff, v20  }
0x579: {  	v20 =	vunpack.i.u.bf16.f32 v19;
	v19 =	vunpack.i.l.bf16.f32 v19;
	v17 =	vmul.f32 v17, v8;
	[tilespmem:v12+s0+$0x0] =	vst.idx.add.f32.msk $0xffff, v11  }
0x57a: {  	v11 =	vmul.f32 v15, v8;
	v14 =	vmul.f32 v14, v7;
	v15 =	vld.idx.msk [tilespmem:v18+s2+$0x0], $0xffff  }
0x57b: {  	[tilespmem:v5+s31+$0x0] =	vst.idx.add.f32.msk $0xffff, v17;
	v17 =	vmul.f32 v21, v7;
	v18 =	vmul.f32 v19, v6  }
0x57c: {  	[tilespmem:v5+s0+$0x0] =	vst.idx.add.f32.msk $0xffff, v11;
	v11 =	vmul.f32 v20, v6  }
0x57d: {  	[tilespmem:v2+s31+$0x0] =	vst.idx.add.f32.msk $0xffff, v14  }
0x57e: {  	[tilespmem:v2+s0+$0x0] =	vst.idx.add.f32.msk $0xffff, v17  }
0x57f: {  	[tilespmem:v3+s31+$0x0] =	vst.idx.add.f32.msk $0xffff, v18  }
.Ltmp24:
0x580: {  	v14 =	vunpack.i.l.bf16.f32 v15;
	[tilespmem:v3+s0+$0x0] =	vst.idx.add.f32.msk $0xffff, v11;
	(pc) =	sbr.rel @p1 .LBB2_48-.Ltmp24, $4  }
0x581: {  	v15 =	vunpack.i.u.bf16.f32 v15;
	v14 =	vmul.f32 v14, v16;
	v11 =	vld.idx.msk [tilespmem:v10+s2+$0x0], $0xffff  }
0x582: {  	v10 =	vld.idx.msk [tilespmem:v13+s2+$0x0], $0xffff;
	v13 =	vmul.f32 v15, v16  }
0x583: {  	[tilespmem:v12+s23+$0x0] =	vst.idx.add.f32.msk $0xffff, v14  }
0x584: {  	s9 =	simm.s32 $0x0;
	s8 =	sadd.s32 $0x40, s8;
	[tilespmem:v12+s20+$0x0] =	vst.idx.add.f32.msk $0xffff, v13  }
0x585: {  	_ =	sdelay $0x3  }
0x586: {  	v4 =	vld.idx.msk [tilespmem:v4+s2+$0x0], $0xffff  }
0x587: {  	v12 =	vunpack.i.l.bf16.f32 v11  }
0x588: {  	v12 =	vmul.f32 v12, v8;
	v13 =	vunpack.i.l.bf16.f32 v10  }
0x589: {  	[tilespmem:v1+s20+$0x0] =	vst.idx.add.f32.msk $0xffff, v9;
	v59 =	vunpack.i.u.bf16.f32 v10;
	v60 =	vmul.f32 v13, v7  }
0x58a: {  	v57 =	vunpack.i.u.bf16.f32 v11;
	v61 =	vmul.f32 v59, v7;
	[tilespmem:v5+s23+$0x0] =	vst.idx.add.f32.msk $0xffff, v12  }
0x58b: {  	v58 =	vmul.f32 v57, v8;
	[tilespmem:v2+s23+$0x0] =	vst.idx.add.f32.msk $0xffff, v60;
	v62 =	vunpack.i.l.bf16.f32 v4  }
0x58c: {  	[tilespmem:v2+s20+$0x0] =	vst.idx.add.f32.msk $0xffff, v61;
	v2 =	vunpack.i.u.bf16.f32 v4;
	v63 =	vmul.f32 v62, v6  }
0x58d: {  	[tilespmem:v5+s20+$0x0] =	vst.idx.add.f32.msk $0xffff, v58;
	v1 =	vmul.f32 v2, v6  }
0x58e: {  	[tilespmem:v3+s23+$0x0] =	vst.idx.add.f32.msk $0xffff, v63  }
0x58f: {  	[tilespmem:v3+s20+$0x0] =	vst.idx.add.f32.msk $0xffff, v1  }
.LBB2_50:
0x590: {  	s6 =	sshra.s32 s9, $0x2  }
0x591: {  	v1 =	vld [tilespmem:s6+$0x1AF80];
	_ =	sdelay $0x4  }
0x592: {  	v2 =	vand.u32 $0xFFFF, v1;
	_ =	sdelay $0x4  }
0x593: {  	v3 =	vld.idx.msk [tilespmem:v2+s30+$0x0], $0xffff  }
0x594: {  	v4 =	vld [tilespmem:s6+$0x1CF80];
	_ =	sdelay $0x1  }
0x595: {  	v1 =	vshrl.u32 v1, $0x10;
	_ =	sdelay $0x1  }
0x596: {  	v5 =	vunpack.i.l.bf16.f32 v3  }
0x597: {  	v3 =	vunpack.i.u.bf16.f32 v3;
	v5 =	vmul.f32 v5, v4  }
0x598: {  	v3 =	vmul.f32 v3, v4  }
0x599: {  	[tilespmem:v1+s31+$0x0] =	vst.idx.add.f32.msk $0xffff, v5  }
0x59a: {  	[tilespmem:v1+s0+$0x0] =	vst.idx.add.f32.msk $0xffff, v3  }
0x59b: {  	v2 =	vld.idx.msk [tilespmem:v2+s2+$0x0], $0xffff;
	_ =	sdelay $0x3  }
0x59c: {  	p1 =	sne.s32 s9, $0x40  }
.Ltmp25:
0x59d: {  	v3 =	vunpack.i.l.bf16.f32 v2;
	(pc) =	sbr.rel @p1 .LBB2_50-.Ltmp25, $4  }
0x59e: {  	v2 =	vunpack.i.u.bf16.f32 v2;
	v3 =	vmul.f32 v3, v4  }
0x59f: {  	v2 =	vmul.f32 v2, v4  }
0x5a0: {  	[tilespmem:v1+s23+$0x0] =	vst.idx.add.f32.msk $0xffff, v3  }
0x5a1: {  	s9 =	sadd.s32 $0x40, s9;
	[tilespmem:v1+s20+$0x0] =	vst.idx.add.f32.msk $0xffff, v2  }
.Ltmp26:
0x5a2: {  	(pc) =	sbr.rel @p0 .LBB2_53-.Ltmp26, $1  }
0x5a3: {  	_ =	sdelay $0x3  }
0x5a4: {  	s6 =	smul.u32 $0x1F40, s5;
	_ =	sdelay $0x1  }
0x5a5: {  	s6 =	sshrl.u32 s6, $0x3  }
.Ltmp27:
0x5a6: {  	s6 =	sadd.s32 $0x5DC, s6;
	(pc) =	sbr.rel .LBB2_43-.Ltmp27, $4  }
0x5a7: {  	s7 =	sadd.s32 s1, s6  }
0x5a8: {  	[tilespmem:s26], [sflag:$0x2] =	stream.linear.gather [hbm4b:s7+s4], $0xFA0, $0x38;
	[tilespmem:$0x1D080] =	vst v63  }
0x5a9: {  	s5 =	sadd.s32 $0x1, s5;
	s6 =	sadd.s32 s3, s6  }
0x5aa: {  	[tilespmem:s28], [sflag:$0x2] =	stream.linear.gather [hbm4b:s6+s4], $0xFA0, $0x38;
	[tilespmem:$0x1D080] =	vst v63  }
.LBB2_53:
0x5ab: {  	v1 =	vld [tilespmem:$0x1D030];
	s5 =	simm.s32 $0x0  }
0x5ac: {  	v2 =	vld [tilespmem:s5+$0xA000]  }
0x5ad: {  	v3 =	vld [tilespmem:s5+$0xA010]  }
0x5ae: {  	v4 =	vld [tilespmem:s5+$0xC810]  }
0x5af: {  	v5 =	vld [tilespmem:s5+$0x0]  }
0x5b0: {  	v6 =	vld [tilespmem:s5+$0xF010]  }
0x5b1: {  	v7 =	vld [tilespmem:s5+$0x11810];
	v2 =	vmax.f32 v2, $0.0e+00  }
0x5b2: {  	v8 =	vld [tilespmem:s5+$0xA020];
	v2 =	vmul.f32 v2, v1  }
0x5b3: {  	v9 =	vld [tilespmem:s5+$0xC820];
	[tilespmem:s5+$0xA010] =	vst v0  }
0x5b4: {  	[tilespmem:s5+$0xA000] =	vst v0;
	v10 =	vld [tilespmem:s5+$0x11820];
	v5 =	vadd.f32 v2, v5  }
0x5b5: {  	s6 =	simm.s32 $0x0;
	v11 =	vld [tilespmem:s5+$0xA030];
	[tilespmem:s5+$0xC810] =	vst v0  }
0x5b6: {  	s7 =	sand.u32 $0x3FC0, s6;
	v14 =	vld [tilespmem:s5+$0xC830];
	[tilespmem:s5+$0x0] =	vst v5  }
0x5b7: {  	[tilespmem:s5+$0xF010] =	vst v0;
	v12 =	vld [tilespmem:s7+$0xC800]  }
0x5b8: {  	[tilespmem:s5+$0x11810] =	vst v0;
	v13 =	vld [tilespmem:s7+$0xF000]  }
0x5b9: {  	[tilespmem:s5+$0xA020] =	vst v0;
	v17 =	vld [tilespmem:s5+$0xF030]  }
0x5ba: {  	[tilespmem:s5+$0xC820] =	vst v0;
	v15 =	vld [tilespmem:s7+$0x2800]  }
0x5bb: {  	[tilespmem:s5+$0xA030] =	vst v0;
	v16 =	vld [tilespmem:s7+$0x5000]  }
0x5bc: {  	[tilespmem:s5+$0x11820] =	vst v0;
	v18 =	vld [tilespmem:s5+$0x11830];
	v12 =	vmax.f32 v12, $0.0e+00  }
0x5bd: {  	v19 =	vld [tilespmem:s5+$0x10];
	[tilespmem:s5+$0xC830] =	vst v0;
	v13 =	vmax.f32 v13, $0.0e+00;
	v12 =	vmul.f32 v12, v1  }
0x5be: {  	v53 =	vld [tilespmem:s5+$0x2810];
	[tilespmem:s5+$0xF030] =	vst v0;
	v13 =	vmul.f32 v13, v1  }
0x5bf: {  	v54 =	vld [tilespmem:s5+$0x5010];
	[tilespmem:s7+$0xC800] =	vst v0;
	v12 =	vadd.f32 v12, v15  }
0x5c0: {  	v20 =	vld [tilespmem:s5+$0x7810];
	v3 =	vmax.f32 v3, $0.0e+00;
	[tilespmem:s7+$0xF000] =	vst v0;
	v13 =	vadd.f32 v13, v16  }
0x5c1: {  	v21 =	vld [tilespmem:s5+$0x20];
	v4 =	vmax.f32 v4, $0.0e+00;
	v3 =	vmul.f32 v3, v1;
	[tilespmem:s7+$0x2800] =	vst v12  }
0x5c2: {  	s8 =	sadd.s32 $0x7800, s7;
	v6 =	vmax.f32 v6, $0.0e+00;
	v7 =	vmax.f32 v7, $0.0e+00;
	v4 =	vmul.f32 v4, v1;
	v2 =	vld [tilespmem:s5+$0xF020];
	[tilespmem:s7+$0x5000] =	vst v13  }
0x5c3: {  	[tilespmem:s5+$0x11830] =	vst v0;
	v8 =	vmax.f32 v8, $0.0e+00;
	v6 =	vmul.f32 v6, v1;
	v3 =	vadd.f32 v3, v19;
	v22 =	vld [tilespmem:s8+$0xA000]  }
0x5c4: {  	v55 =	vld [tilespmem:s5+$0x2820];
	v7 =	vmul.f32 v7, v1;
	v8 =	vmul.f32 v8, v1;
	[tilespmem:s5+$0xF020] =	vst v0;
	v4 =	vadd.f32 v4, v53  }
0x5c5: {  	v56 =	vld [tilespmem:s5+$0x5020];
	v9 =	vmax.f32 v9, $0.0e+00;
	v6 =	vadd.f32 v6, v54;
	[tilespmem:s5+$0x10] =	vst v3  }
0x5c6: {  	v10 =	vmax.f32 v10, $0.0e+00;
	v7 =	vadd.f32 v7, v20;
	v8 =	vadd.f32 v8, v21;
	[tilespmem:s5+$0x2810] =	vst v4;
	v57 =	vld [tilespmem:s7+$0x7800]  }
0x5c7: {  	v58 =	vld [tilespmem:s5+$0x7820];
	v3 =	vpack.i.f32.bf16 v4, v3;
	v4 =	vmul.f32 v9, v1;
	[tilespmem:s5+$0x5010] =	vst v6;
	v2 =	vmax.f32 v2, $0.0e+00  }
0x5c8: {  	v61 =	vld [tilespmem:s5+$0x7830];
	v6 =	vpack.i.f32.bf16 v7, v6;
	[tilespmem:s5+$0x7810] =	vst v7;
	v9 =	vmul.f32 v2, v1;
	v2 =	vmax.f32 v22, $0.0e+00  }
0x5c9: {  	[tilespmem:s5+$0x14010] =	vst v3;
	v3 =	vmax.f32 v11, $0.0e+00;
	v11 =	vld [tilespmem:s5+$0x30];
	v59 =	vmul.f32 v2, v1;
	v2 =	vadd.f32 v4, v55  }
0x5ca: {  	[tilespmem:s5+$0x16810] =	vst v6;
	v6 =	vld [tilespmem:s5+$0x2830];
	v4 =	vmul.f32 v10, v1;
	v10 =	vmul.f32 v3, v1  }
0x5cb: {  	v7 =	vld [tilespmem:s5+$0x5030];
	[tilespmem:s5+$0x20] =	vst v8;
	v3 =	vmax.f32 v14, $0.0e+00;
	v60 =	vadd.f32 v59, v57;
	v8 =	vpack.i.f32.bf16 v2, v8  }
0x5cc: {  	v63 =	vmax.f32 v18, $0.0e+00;
	v62 =	vmul.f32 v3, v1;
	v3 =	vmax.f32 v17, $0.0e+00;
	[tilespmem:s5+$0x14020] =	vst v8  }
0x5cd: {  	v4 =	vadd.f32 v4, v58;
	v8 =	vmul.f32 v3, v1;
	v3 =	vadd.f32 v9, v56;
	[tilespmem:s7+$0x7800] =	vst v60  }
0x5ce: {  	v17 =	vmul.f32 v63, v1;
	v9 =	vpack.i.f32.bf16 v12, v5;
	[tilespmem:s8+$0xA000] =	vst v0  }
0x5cf: {  	v5 =	vadd.f32 v10, v11;
	v6 =	vadd.f32 v62, v6;
	v10 =	vpack.i.f32.bf16 v4, v3;
	[tilespmem:s5+$0x14000] =	vst v9  }
0x5d0: {  	v8 =	vadd.f32 v8, v7;
	v7 =	vadd.f32 v17, v61;
	v9 =	vpack.i.f32.bf16 v60, v13;
	[tilespmem:s5+$0x16820] =	vst v10  }
0x5d1: {  	[tilespmem:s7+$0x16800] =	vst v9;
	v9 =	vpack.i.f32.bf16 v6, v5  }
0x5d2: {  	s8 =	simm.s32 $0x100;
	s7 =	simm.s32 $0x0;
	[tilespmem:s5+$0x14030] =	vst v9;
	v9 =	vpack.i.f32.bf16 v7, v8  }
.LBB2_54:
0x5d3: {  	s9 =	sshra.s32 s8, $0x2;
	[tilespmem:s5+$0x16830] =	vst v9  }
0x5d4: {  	v9 =	vld [tilespmem:s9+$0xA000];
	[tilespmem:s5+$0x2820] =	vst v2  }
0x5d5: {  	v2 =	vld [tilespmem:s9+$0xA010];
	[tilespmem:s5+$0x5020] =	vst v3  }
0x5d6: {  	s7 =	sadd.s32 $0x4, s7;
	v3 =	vld [tilespmem:s9+$0xC810];
	[tilespmem:s5+$0x7820] =	vst v4  }
0x5d7: {  	p0 =	slt.u32 s7, $0x27C;
	v4 =	vld [tilespmem:s9+$0x0];
	[tilespmem:s5+$0x30] =	vst v5  }
0x5d8: {  	v5 =	vld [tilespmem:s9+$0xF010];
	[tilespmem:s5+$0x2830] =	vst v6  }
0x5d9: {  	v6 =	vmax.f32 v9, $0.0e+00;
	v9 =	vld [tilespmem:s9+$0x11810];
	[tilespmem:s5+$0x5030] =	vst v8  }
0x5da: {  	v6 =	vmul.f32 v6, v1;
	v2 =	vmax.f32 v2, $0.0e+00;
	v8 =	vld [tilespmem:s9+$0xA020];
	[tilespmem:s5+$0x7830] =	vst v7;
	s5 =	smov.u32 s9  }
0x5db: {  	v2 =	vmul.f32 v2, v1;
	[tilespmem:s5+$0xA010] =	vst v0;
	v3 =	vmax.f32 v3, $0.0e+00;
	v7 =	vld [tilespmem:s5+$0xC820]  }
0x5dc: {  	v6 =	vadd.f32 v6, v4;
	v3 =	vmul.f32 v3, v1;
	[tilespmem:s5+$0xC810] =	vst v0;
	v4 =	vld [tilespmem:s5+$0xF020]  }
0x5dd: {  	s6 =	sadd.s32 $0x40, s6;
	[tilespmem:s5+$0xA000] =	vst v0;
	v5 =	vmax.f32 v5, $0.0e+00;
	v10 =	vld [tilespmem:s5+$0x11820]  }
0x5de: {  	s9 =	sand.u32 $0x3FC0, s6;
	[tilespmem:s5+$0x0] =	vst v6;
	v5 =	vmul.f32 v5, v1;
	v9 =	vmax.f32 v9, $0.0e+00;
	v11 =	vld [tilespmem:s5+$0xA030]  }
0x5df: {  	v12 =	vld [tilespmem:s9+$0xC800];
	[tilespmem:s5+$0xF010] =	vst v0;
	v9 =	vmul.f32 v9, v1;
	v8 =	vmax.f32 v8, $0.0e+00  }
0x5e0: {  	v13 =	vld [tilespmem:s9+$0xF000];
	[tilespmem:s5+$0x11810] =	vst v0;
	v8 =	vmul.f32 v8, v1;
	v7 =	vmax.f32 v7, $0.0e+00  }
0x5e1: {  	[tilespmem:s5+$0xA020] =	vst v0;
	v7 =	vmul.f32 v7, v1;
	v4 =	vmax.f32 v4, $0.0e+00;
	v14 =	vld [tilespmem:s5+$0xC830]  }
0x5e2: {  	v15 =	vld [tilespmem:s9+$0x2800];
	[tilespmem:s5+$0xC820] =	vst v0;
	v4 =	vmul.f32 v4, v1;
	v10 =	vmax.f32 v10, $0.0e+00  }
0x5e3: {  	v16 =	vld [tilespmem:s9+$0x5000];
	[tilespmem:s5+$0xF020] =	vst v0;
	v10 =	vmul.f32 v10, v1;
	v11 =	vmax.f32 v11, $0.0e+00  }
0x5e4: {  	v12 =	vmax.f32 v12, $0.0e+00;
	[tilespmem:s5+$0x11820] =	vst v0;
	v11 =	vmul.f32 v11, v1;
	v17 =	vld [tilespmem:s5+$0xF030]  }
0x5e5: {  	v12 =	vmul.f32 v12, v1;
	v13 =	vmax.f32 v13, $0.0e+00;
	[tilespmem:s5+$0xA030] =	vst v0;
	v18 =	vld [tilespmem:s5+$0x11830]  }
0x5e6: {  	v13 =	vmul.f32 v13, v1;
	v19 =	vld [tilespmem:s5+$0x10];
	v14 =	vmax.f32 v14, $0.0e+00;
	[tilespmem:s5+$0xC830] =	vst v0  }
0x5e7: {  	v12 =	vadd.f32 v12, v15;
	[tilespmem:s9+$0xC800] =	vst v0;
	v15 =	vld [tilespmem:s5+$0x2810];
	v14 =	vmul.f32 v14, v1  }
0x5e8: {  	v13 =	vadd.f32 v13, v16;
	[tilespmem:s9+$0xF000] =	vst v0;
	v16 =	vld [tilespmem:s5+$0x5010]  }
0x5e9: {  	[tilespmem:s9+$0x2800] =	vst v12;
	v20 =	vld [tilespmem:s5+$0x7810];
	v17 =	vmax.f32 v17, $0.0e+00  }
0x5ea: {  	s12 =	sadd.s32 $0x7800, s9;
	[tilespmem:s9+$0x5000] =	vst v13;
	v21 =	vld [tilespmem:s5+$0x20];
	v17 =	vmul.f32 v17, v1;
	v18 =	vmax.f32 v18, $0.0e+00  }
0x5eb: {  	v22 =	vld [tilespmem:s12+$0xA000];
	v2 =	vadd.f32 v2, v19;
	[tilespmem:s5+$0xF030] =	vst v0;
	v18 =	vmul.f32 v18, v1  }
0x5ec: {  	v3 =	vadd.f32 v3, v15;
	v15 =	vld [tilespmem:s5+$0x2820];
	[tilespmem:s5+$0x11830] =	vst v0  }
0x5ed: {  	[tilespmem:s5+$0x10] =	vst v2;
	v5 =	vadd.f32 v5, v16;
	v16 =	vld [tilespmem:s5+$0x5020]  }
0x5ee: {  	v19 =	vld [tilespmem:s9+$0x7800];
	[tilespmem:s5+$0x2810] =	vst v3;
	v9 =	vadd.f32 v9, v20;
	v2 =	vpack.i.f32.bf16 v3, v2  }
0x5ef: {  	[tilespmem:s5+$0x14010] =	vst v2;
	v8 =	vadd.f32 v8, v21;
	v20 =	vld [tilespmem:s5+$0x7820]  }
0x5f0: {  	v2 =	vmax.f32 v22, $0.0e+00;
	[tilespmem:s5+$0x5010] =	vst v5;
	v3 =	vpack.i.f32.bf16 v9, v5;
	v5 =	vld [tilespmem:s5+$0x30]  }
0x5f1: {  	v21 =	vmul.f32 v2, v1;
	[tilespmem:s5+$0x16810] =	vst v3;
	v2 =	vadd.f32 v7, v15;
	v7 =	vld [tilespmem:s5+$0x2830]  }
0x5f2: {  	[tilespmem:s5+$0x7810] =	vst v9;
	v3 =	vadd.f32 v4, v16;
	v9 =	vld [tilespmem:s5+$0x5030]  }
0x5f3: {  	v15 =	vadd.f32 v21, v19;
	[tilespmem:s5+$0x20] =	vst v8;
	v8 =	vpack.i.f32.bf16 v2, v8;
	v16 =	vld [tilespmem:s5+$0x7830]  }
0x5f4: {  	v4 =	vadd.f32 v10, v20;
	[tilespmem:s5+$0x14020] =	vst v8  }
0x5f5: {  	[tilespmem:s9+$0x7800] =	vst v15;
	v5 =	vadd.f32 v11, v5  }
.Ltmp28:
0x5f6: {  	v8 =	vpack.i.f32.bf16 v12, v6;
	[tilespmem:s12+$0xA000] =	vst v0;
	v10 =	vpack.i.f32.bf16 v4, v3;
	v6 =	vadd.f32 v14, v7;
	(pc) =	sbr.rel @p0 .LBB2_54-.Ltmp28, $4  }
0x5f7: {  	v7 =	vpack.i.f32.bf16 v15, v13;
	[tilespmem:s5+$0x14000] =	vst v8;
	v8 =	vadd.f32 v17, v9  }
0x5f8: {  	[tilespmem:s9+$0x16800] =	vst v7;
	v7 =	vadd.f32 v18, v16;
	v9 =	vpack.i.f32.bf16 v6, v5  }
0x5f9: {  	[tilespmem:s5+$0x16820] =	vst v10  }
0x5fa: {  	s8 =	sadd.s32 $0x100, s8;
	[tilespmem:s5+$0x14030] =	vst v9;
	v9 =	vpack.i.f32.bf16 v7, v8  }
0x5fb: {  	[tilespmem:s5+$0x16830] =	vst v9  }
0x5fc: {  	[tilespmem:s5+$0x2820] =	vst v2  }
0x5fd: {  	[tilespmem:s5+$0x5020] =	vst v3  }
0x5fe: {  	[tilespmem:s5+$0x7820] =	vst v4  }
0x5ff: {  	[tilespmem:s5+$0x30] =	vst v5  }
0x600: {  	[tilespmem:s5+$0x2830] =	vst v6  }
0x601: {  	[tilespmem:s5+$0x5030] =	vst v8  }
0x602: {  	[tilespmem:s5+$0x7830] =	vst v7  }
0x603: {  	s5 =	rddreg [dreg:$0x9]  }
0x604: {  	[hbm4b:s5+s17] =	stream.strided.scatter [tilespmem:s4], [sflag:$0x3], $0x2800, s18, s17, $0x38;
	[tilespmem:$0x1D080] =	vst v63  }
0x605: {  	_ =	swait.ge [sflag:s19], $0x2800  }
0x606: {  	[sflag:s19] =	ssyncset.done $0x0  }
0x607: {  	s6 =	simm.s32 $0x2800;
	[sflag:s19] =	ssyncadd.s32 $0xFFFFD800  }
0x608: {  	[hbm4b:s13+s17] =	stream.strided.scatter [tilespmem:s6], [sflag:$0x3], $0x2800, s18, s17, $0x38;
	[tilespmem:$0x1D080] =	vst v63  }
0x609: {  	_ =	swait.ge [sflag:s19], $0x2800  }
0x60a: {  	[sflag:s19] =	ssyncset.done $0x0  }
0x60b: {  	s7 =	simm.s32 $0x5000;
	[sflag:s19] =	ssyncadd.s32 $0xFFFFD800  }
0x60c: {  	[hbm4b:s14+s17] =	stream.strided.scatter [tilespmem:s7], [sflag:$0x3], $0x2800, s18, s17, $0x38;
	[tilespmem:$0x1D080] =	vst v63  }
0x60d: {  	s22 =	sadd.s32 $0x1, s22;
	_ =	swait.ge [sflag:s19], $0x2800  }
0x60e: {  	p0 =	sne.s32 s22, s16;
	[sflag:s19] =	ssyncset.done $0x0  }
.Ltmp29:
0x60f: {  	s8 =	simm.s32 $0x7800;
	[sflag:s19] =	ssyncadd.s32 $0xFFFFD800;
	(pc) =	sbr.rel @p0 .LBB2_1-.Ltmp29, $4  }
0x610: {  	[hbm4b:s15+s17] =	stream.strided.scatter [tilespmem:s8], [sflag:$0x3], $0x2800, s18, s17, $0x38;
	[tilespmem:$0x1D080] =	vst v63  }
0x611: {  	_ =	swait.ge [sflag:s19], $0x2800  }
0x612: {  	[sflag:s19] =	ssyncset.done $0x0  }
0x613: {  	[sflag:s19] =	ssyncadd.s32 $0xFFFFD800  }
0x614: {  	_ =	sfence.sel $0x180000  }
0x615: {  	[bflag:$0x0] =	sbarrier.arrive $0xFFFF  }
0x616: {  	_ =	strace $0x90000047  }
0x617: {  	s0 =	stileid.u32;
	[bflag:$0x2] =	sbarrier.arrive $0xFFFF  }
0x618: {  	p0 =	sne.s32 s0, $0x0;
	s0 =	rddreg [dreg:$0x3]  }
0x619: {  	s0 =	sadd.s32 @!p0 $0x100000, s0  }
0x61a: {  	[sflag:s0] =	ssyncadd.tile.s32 @!p0 $0x1;
	_ =	shalt  }
.Lfunc_end2:
_tile_overlayer_lowered:
.L_overlay_start_2:
0x61b: {  	(tag) =	ssettag $0x2  }
0x61c: {  	s0 =	rddreg [dreg:$0x0];
	s2 =	stileid.u32  }
0x61d: {  	s1 =	rddreg [dreg:$0x1];
	p0 =	sne.s32 s2, $0x0  }
0x61e: {  	s3 =	rddreg [dreg:$0x2];
	[bflag:$0x3] =	sbarrier.arrive $0xFFFF;
	s2 =	simm.s32 @!p0 $0x1C03  }
0x61f: {  	[timem:s3], [sflag:s2] =	dma.local @!p0 [hbm:s0], s1  }
0x620: {  	s0 =	simm.s32 @!p0 $0x3  }
0x621: {  	_ =	swait.ge @!p0 [sflag:s0], s1  }
0x622: {  	s1 =	ssub.s32 @!p0 $0x0, s1;
	[sflag:s0] =	ssyncset.done @!p0 $0x0  }
0x623: {  	[sflag:s0] =	ssyncadd.s32 @!p0 s1  }
0x624: {  	[bflag:$0x3] =	sbarrier.arrive $0xFFFF  }
0x625: {  	_ =	shalt  }

</sc_bundles>
